<compile_context>
chip_gen: v7x
topology: tpu7x:2x2x1
jax: 0.10.2.dev20260603
libtpu: 0.0.44.dev20260713+nightly
codegen_flags: <defaults>
</compile_context>

<pallas_src>
import functools

import jax
import jax.numpy as jnp
from jax import lax
from jax.experimental import pallas as pl
from jax.experimental.pallas import tpu as pltpu
from jax.experimental.pallas import tpu_sc as plsc

_V = 1_000_000
_D = 64
_B = 32_768
_CW = 512
_CAP = 64
_NW = 32
_MAXCH = 63
_TAIL_VB = 999_936
_OUTR = _B + _NW
_IDSB = 4096


@functools.cache
def _make_kernel():
    mesh = plsc.VectorSubcoreMesh(core_axis_name="c", subcore_axis_name="s")

    @functools.partial(
        pl.kernel,
        mesh=mesh,
        compiler_params=pltpu.CompilerParams(
            use_tc_tiling_on_sc=True, needs_layout_passes=False
        ),
        out_type=jax.ShapeDtypeStruct((_OUTR, 128), jnp.float32),
        scratch_types=[
            pltpu.VMEM((_IDSB,), jnp.int32),
            pltpu.VMEM((3, _D, _CW), jnp.float32),
            pltpu.VMEM((_D, _D), jnp.float32),
            pltpu.VMEM((_MAXCH * _CAP,), jnp.int32),
            pltpu.VMEM((_MAXCH * _CAP,), jnp.int32),
            pltpu.VMEM((64,), jnp.int32),
            pltpu.VMEM((4, 16, 128), jnp.float32),
            pltpu.SemaphoreType.DMA,
            pltpu.SemaphoreType.DMA,
            pltpu.SemaphoreType.DMA,
            pltpu.SemaphoreType.DMA,
        ],
    )
    def k(idx_hbm, wt_hbm, out_hbm, ids_v, slabs, slab_t,
          bv, bt, cnt, rows, sem0, sem1, sem2, sem_sc):
        wid = lax.axis_index("s") * 2 + lax.axis_index("c")
        start = wid * 61 + jnp.minimum(wid, 1)
        nch_main = jnp.where(wid == 0, 62, 61)
        nch_tot = jnp.where((wid == 0) | (wid == 31), 62, 61)
        sems = (sem0, sem1, sem2)

        def init_cnt(i, _):
            cnt[pl.ds(i * 16, 16)] = jnp.zeros((16,), jnp.int32)
            return ()

        lax.fori_loop(0, 4, init_cnt, (), unroll=True)

        trash = jnp.broadcast_to(_B + wid, (16,)).astype(jnp.int32)

        def init_bt(i, _):
            bt[pl.ds(i * 16, 16)] = trash
            return ()

        lax.fori_loop(0, _MAXCH * _CAP // 16, init_bt, ())

        iota = lax.iota(jnp.int32, 16)
        ones = jnp.ones((16,), jnp.int32)

        def match_batch(sb, _):
            pltpu.sync_copy(idx_hbm.at[pl.ds(sb * _IDSB, _IDSB)], ids_v)

            def match(g, _):
                vec = ids_v[pl.ds(g * 16, 16)]
                lc = (vec >> 9) - start
                msk = (lc >= 0) & (lc < nch_tot)
                lcc = jnp.clip(lc, 0, _MAXCH - 1)
                base = plsc.load_gather(cnt, [lcc], mask=msk)
                run, _flag = plsc.scan_count(lcc, mask=msk)
                pos = jnp.clip(base + run - 1, 0, _CAP - 1)
                slot = (lcc << 6) + pos
                plsc.store_scatter(bv, [slot], vec, mask=msk)
                plsc.store_scatter(bt, [slot], sb * _IDSB + g * 16 + iota,
                                   mask=msk)
                plsc.addupdate_scatter(cnt, [lcc], ones, mask=msk)
                return ()

            lax.fori_loop(0, _IDSB // 16, match, ())
            return ()

        lax.fori_loop(0, _B // _IDSB, match_batch, ())

        def group(lc, vb_eff, cw_eff, slab, pg, n=None):
            sl = (lc << 6) + pg * 16
            mv = bv[pl.ds(sl, 16)]
            mt = bt[pl.ds(sl, 16)]
            l = jnp.clip(mv - vb_eff, 0, cw_eff - 1)
            r = rows.at[pg]

            def extract():
                @plsc.parallel_loop(0, _D, unroll=16)
                def feat(d):
                    dsp = jnp.broadcast_to(d, (16,))
                    vals = plsc.load_gather(slab, [dsp, l])
                    plsc.store_scatter(r, [iota, dsp], vals)

            if n is None:
                extract()
            else:
                pl.when(n > pg * 16)(extract)

            return pltpu.async_copy(r, out_hbm.at[mt], sem_sc)

        def process(lc, vb_eff, cw_eff, slab):
            nv = plsc.load_gather(
                cnt, [jnp.broadcast_to(lc, (16,)).astype(jnp.int32)]
            )
            n = nv[0]
            h0 = group(lc, vb_eff, cw_eff, slab, 0)
            h1 = group(lc, vb_eff, cw_eff, slab, 1, n)

            @pl.when(n > 32)
            def _():
                h2 = group(lc, vb_eff, cw_eff, slab, 2)

                @pl.when(n > 48)
                def _():
                    h3 = group(lc, vb_eff, cw_eff, slab, 3)
                    h3.wait()

                h2.wait()

            h0.wait()
            h1.wait()

        def fire(c, k2):
            return pltpu.async_copy(
                wt_hbm.at[:, pl.ds(c * _CW, _CW)], slabs.at[k2], sems[k2]
            )

        for k2 in range(3):
            fire(start + k2, k2)

        def rnd(t, _):
            for k2 in range(3):
                j = 3 * t + k2

                @pl.when(j < nch_main)
                def _(j=j, k2=k2):
                    pltpu.make_async_copy(
                        wt_hbm.at[:, pl.ds(0, _CW)], slabs.at[k2], sems[k2]
                    ).wait()
                    process(j, (start + j) * _CW, _CW, slabs.at[k2])

                    @pl.when(j + 3 < nch_main)
                    def _():
                        fire(start + j + 3, k2)

            return ()

        lax.fori_loop(0, _MAXCH // 3, rnd, ())

        @pl.when(wid == 31)
        def _tail():
            ht = pltpu.async_copy(
                wt_hbm.at[pl.ds(0, 64), pl.ds(_TAIL_VB, _D)], slab_t, sem0
            )
            ht.wait()
            process(jnp.int32(61), jnp.int32(_TAIL_VB), _D, slab_t)

    return k


@jax.jit
def kernel(token_ids, weight):
    idx = token_ids.reshape(-1).astype(jnp.int32)
    out = _make_kernel()(idx, weight.T)
    return out[:_B, :_D].reshape(token_ids.shape + (_D,))

# --- scband reference (transcript-rebuilt; emitter-appended) ---
"""Pipeline reference for scband-vocab-parallel-embedding-57234734186717 (READ-ONLY COPY).

The authoritative reference and input builder live on the scoring server;
editing this copy changes nothing except your own understanding.
"""

import jax, jax.numpy as jnp
import numpy as np

VOCAB_SIZE = 1000000
EMBED_DIM = 64


def setup_inputs(seed: int = 0) -> dict:
    key = jax.random.key(seed)
    k_ids, k_w = jax.random.split(key)
    token_ids = jax.random.randint(k_ids, (4, 8192), 0, VOCAB_SIZE, dtype=jnp.int64 if jax.config.jax_enable_x64 else jnp.int32)
    # learned parameter: full embedding table (tp_size == 1 reference)
    weight = jax.random.normal(k_w, (VOCAB_SIZE, EMBED_DIM), dtype=jnp.float32) * 0.02
    return {"token_ids": token_ids, "weight": weight}


def reference(token_ids, weight):
    # tp_size == 1 path of VocabParallelEmbedding.forward:
    #   y = F.embedding(token_ids, self.weight)
    y = jnp.take(weight, token_ids, axis=0)
    return y


if False:  # reference __main__ guard neutralized (emitter)
    inp = setup_inputs()
    out = reference(**inp)
    print(out.shape, out.dtype)

if __name__ == "__main__":
    import jax
    _d = setup_inputs()
    print(jax.jit(kernel)(*tuple(_d.values())))

</pallas_src>

<mosaic_0001>
#map = affine_map<(d0, d1) -> (0)>
#map1 = affine_map<(d0, d1) -> (0, 0)>
module attributes {stable_mosaic.version = 14 : i64} {
  func.func @k(%arg0: i32, %arg1: i32, %arg2: memref<32768xi32, #tpu.memory_space<hbm>>, %arg3: memref<64x1000000xf32, #tpu.memory_space<hbm>>, %arg4: memref<32800x128xf32, #tpu.memory_space<hbm>>, %arg5: memref<4096xi32, #tpu.memory_space<vmem>>, %arg6: memref<3x64x512xf32, #tpu.memory_space<vmem>>, %arg7: memref<64x64xf32, #tpu.memory_space<vmem>>, %arg8: memref<4032xi32, #tpu.memory_space<vmem>>, %arg9: memref<4032xi32, #tpu.memory_space<vmem>>, %arg10: memref<64xi32, #tpu.memory_space<vmem>>, %arg11: memref<4x16x128xf32, #tpu.memory_space<vmem>>, %arg12: memref<!tpu.dma_semaphore, #tpu.memory_space<semaphore_mem>>, %arg13: memref<!tpu.dma_semaphore, #tpu.memory_space<semaphore_mem>>, %arg14: memref<!tpu.dma_semaphore, #tpu.memory_space<semaphore_mem>>, %arg15: memref<!tpu.dma_semaphore, #tpu.memory_space<semaphore_mem>>) attributes {dimension_semantics = [#tpu.dimension_semantics<core_parallel>, #tpu.dimension_semantics<subcore_parallel>], iteration_bounds = array<i64: 2, 16>, scalar_prefetch = 0 : i64, scratch_operands = 11 : i64, tpu.core_type = #tpu.core_type<sc_vector_subcore>, window_params = [{transform_indices = #map}, {transform_indices = #map1}, {transform_indices = #map1}]} {
    %mul3A = arith.constant 2 : i32
    %mul3A_0 = arith.muli %arg1, %mul3A : i32
    %add3A = arith.addi %mul3A_0, %arg0 : i32
    %mul3A_1 = arith.constant 61 : i32
    %mul3A_2 = arith.muli %add3A, %mul3A_1 : i32
    %min3A = arith.constant 1 : i32
    %min3A_3 = arith.minsi %add3A, %min3A : i32
    %add3A_4 = arith.addi %mul3A_2, %min3A_3 : i32
    %eq3A = arith.constant 0 : i32
    %eq3A_5 = arith.cmpi eq, %add3A, %eq3A : i32
    %jit3A = arith.constant 62 : i32
    %jit3A_6 = arith.constant 61 : i32
    %select_n3A = arith.select %eq3A_5, %jit3A, %jit3A_6 : i32
    %eq3A_7 = arith.constant 0 : i32
    %eq3A_8 = arith.cmpi eq, %add3A, %eq3A_7 : i32
    %eq3A_9 = arith.constant 31 : i32
    %eq3A_10 = arith.cmpi eq, %add3A, %eq3A_9 : i32
    %or3A = arith.ori %eq3A_8, %eq3A_10 : i1
    %jit3A_11 = arith.constant 62 : i32
    %jit3A_12 = arith.constant 61 : i32
    %select_n3A_13 = arith.select %or3A, %jit3A_11, %jit3A_12 : i32
    %scan3A = arith.constant 0 : i32
    %broadcast_in_dim3A = arith.constant 0 : i32
    %broadcast_in_dim3A_14 = vector.broadcast %broadcast_in_dim3A : i32 to vector<16xi32>
    %mul3A_15 = arith.constant 16 : i32
    %mul3A_16 = arith.muli %scan3A, %mul3A_15 : i32
    %swap3A = arith.index_cast %mul3A_16 : i32 to index
    %swap3A_17 = tpu.vector_load %arg10[%swap3A] {strides = array<i32>} : memref<64xi32, #tpu.memory_space<vmem>>, vector<16xi32>,
    tpu.vector_store %arg10[%swap3A], %broadcast_in_dim3A_14 {strides = array<i32>} : memref<64xi32, #tpu.memory_space<vmem>>, vector<16xi32>,
    %scan3A_18 = arith.constant 1 : i32
    %broadcast_in_dim3A_19 = arith.constant 0 : i32
    %broadcast_in_dim3A_20 = vector.broadcast %broadcast_in_dim3A_19 : i32 to vector<16xi32>
    %mul3A_21 = arith.constant 16 : i32
    %mul3A_22 = arith.muli %scan3A_18, %mul3A_21 : i32
    %swap3A_23 = arith.index_cast %mul3A_22 : i32 to index
    %swap3A_24 = tpu.vector_load %arg10[%swap3A_23] {strides = array<i32>} : memref<64xi32, #tpu.memory_space<vmem>>, vector<16xi32>,
    tpu.vector_store %arg10[%swap3A_23], %broadcast_in_dim3A_20 {strides = array<i32>} : memref<64xi32, #tpu.memory_space<vmem>>, vector<16xi32>,
    %scan3A_25 = arith.constant 2 : i32
    %broadcast_in_dim3A_26 = arith.constant 0 : i32
    %broadcast_in_dim3A_27 = vector.broadcast %broadcast_in_dim3A_26 : i32 to vector<16xi32>
    %mul3A_28 = arith.constant 16 : i32
    %mul3A_29 = arith.muli %scan3A_25, %mul3A_28 : i32
    %swap3A_30 = arith.index_cast %mul3A_29 : i32 to index
    %swap3A_31 = tpu.vector_load %arg10[%swap3A_30] {strides = array<i32>} : memref<64xi32, #tpu.memory_space<vmem>>, vector<16xi32>,
    tpu.vector_store %arg10[%swap3A_30], %broadcast_in_dim3A_27 {strides = array<i32>} : memref<64xi32, #tpu.memory_space<vmem>>, vector<16xi32>,
    %scan3A_32 = arith.constant 3 : i32
    %broadcast_in_dim3A_33 = arith.constant 0 : i32
    %broadcast_in_dim3A_34 = vector.broadcast %broadcast_in_dim3A_33 : i32 to vector<16xi32>
    %mul3A_35 = arith.constant 16 : i32
    %mul3A_36 = arith.muli %scan3A_32, %mul3A_35 : i32
    %swap3A_37 = arith.index_cast %mul3A_36 : i32 to index
    %swap3A_38 = tpu.vector_load %arg10[%swap3A_37] {strides = array<i32>} : memref<64xi32, #tpu.memory_space<vmem>>, vector<16xi32>,
    tpu.vector_store %arg10[%swap3A_37], %broadcast_in_dim3A_34 {strides = array<i32>} : memref<64xi32, #tpu.memory_space<vmem>>, vector<16xi32>,
    %scan3A_39 = arith.constant 4 : i32
    %add3A_40 = arith.constant 32768 : i32
    %add3A_41 = arith.addi %add3A_40, %add3A : i32
    %broadcast_in_dim3A_42 = vector.broadcast %add3A_41 : i32 to vector<16xi32>
    %scan3A_43 = arith.constant 0 : i32
    %scan3A_44 = arith.constant 252 : i32
    %scan3A_45 = arith.addi %scan3A_43, %scan3A_44 : i32
    %scan3A_46 = arith.constant 1 : i32
    scf.for %scan3A_113 = %scan3A_43 to %scan3A_45 step %scan3A_46  : i32 {
      %mul3A_114 = arith.constant 16 : i32
      %mul3A_115 = arith.muli %scan3A_113, %mul3A_114 : i32
      %swap3A_116 = arith.index_cast %mul3A_115 : i32 to index
      %swap3A_117 = tpu.vector_load %arg9[%swap3A_116] {strides = array<i32>} : memref<4032xi32, #tpu.memory_space<vmem>>, vector<16xi32>,
      tpu.vector_store %arg9[%swap3A_116], %broadcast_in_dim3A_42 {strides = array<i32>} : memref<4032xi32, #tpu.memory_space<vmem>>, vector<16xi32>,
    }
    %scan3A_47 = arith.constant 252 : i32
    %iota3A = tpu.iota {dimensions = array<i32: 0>} : vector<16xi32>
    %broadcast_in_dim3A_48 = arith.constant 1 : i32
    %broadcast_in_dim3A_49 = vector.broadcast %broadcast_in_dim3A_48 : i32 to vector<16xi32>
    %scan3A_50 = arith.constant 0 : i32
    %scan3A_51 = arith.constant 8 : i32
    %scan3A_52 = arith.addi %scan3A_50, %scan3A_51 : i32
    %scan3A_53 = arith.constant 1 : i32
    scf.for %scan3A_113 = %scan3A_50 to %scan3A_52 step %scan3A_53  : i32 {
      %mul3A_114 = arith.constant 4096 : i32
      %mul3A_115 = arith.muli %scan3A_113, %mul3A_114 : i32
      "tpu.region"() ({
        %run_scoped3A = tpu.sem_alloc : memref<!tpu.dma_semaphore, #tpu.memory_space<semaphore_mem>>
        %dma_start3A_121 = tpu.memref_slice %arg2[%mul3A_115] : memref<32768xi32, #tpu.memory_space<hbm>> -> memref<4096xi32, #tpu.memory_space<hbm>>
        %dma_start3A_122 = tpu.memref_slice %arg2[%mul3A_115] : memref<32768xi32, #tpu.memory_space<hbm>> -> memref<4096xi32, #tpu.memory_space<hbm>>
        tpu.enqueue_dma source(%dma_start3A_122 : memref<4096xi32, #tpu.memory_space<hbm>>) target(%arg5 : memref<4096xi32, #tpu.memory_space<vmem>>) target_semaphore(%run_scoped3A : memref<!tpu.dma_semaphore, #tpu.memory_space<semaphore_mem>>)
        %dma_wait3A = tpu.memref_slice %arg2[%mul3A_115] : memref<32768xi32, #tpu.memory_space<hbm>> -> memref<4096xi32, #tpu.memory_space<hbm>>
        %dma_wait3A_123 = tpu.memref_slice %arg2[%mul3A_115] : memref<32768xi32, #tpu.memory_space<hbm>> -> memref<4096xi32, #tpu.memory_space<hbm>>
        tpu.wait_dma2 semaphore(%run_scoped3A : memref<!tpu.dma_semaphore, #tpu.memory_space<semaphore_mem>>) src(%dma_wait3A_123 : memref<4096xi32, #tpu.memory_space<hbm>>) dst(%arg5 : memref<4096xi32, #tpu.memory_space<vmem>>)
        tpu.yield
      }) : () -> ()
      %scan3A_116 = arith.constant 0 : i32
      %scan3A_117 = arith.constant 256 : i32
      %scan3A_118 = arith.addi %scan3A_116, %scan3A_117 : i32
      %scan3A_119 = arith.constant 1 : i32
      scf.for %scan3A_121 = %scan3A_116 to %scan3A_118 step %scan3A_119  : i32 {
        %mul3A_122 = arith.constant 16 : i32
        %mul3A_123 = arith.muli %scan3A_121, %mul3A_122 : i32
        %get3A = arith.index_cast %mul3A_123 : i32 to index
        %get3A_124 = tpu.vector_load %arg5[%get3A] {strides = array<i32>} : memref<4096xi32, #tpu.memory_space<vmem>>, vector<16xi32>,
        %shift_right_arithmetic3A = arith.constant 9 : i32
        %shift_right_arithmetic3A_125 = vector.broadcast %shift_right_arithmetic3A : i32 to vector<16xi32>
        %shift_right_arithmetic3A_126 = arith.shrsi %get3A_124, %shift_right_arithmetic3A_125 : vector<16xi32>
        %sub3A = vector.broadcast %add3A_4 : i32 to vector<16xi32>
        %sub3A_127 = arith.subi %shift_right_arithmetic3A_126, %sub3A : vector<16xi32>
        %ge3A = arith.constant 0 : i32
        %ge3A_128 = vector.broadcast %ge3A : i32 to vector<16xi32>
        %ge3A_129 = arith.cmpi sge, %sub3A_127, %ge3A_128 : vector<16xi32>
        %lt3A = vector.broadcast %select_n3A_13 : i32 to vector<16xi32>
        %lt3A_130 = arith.cmpi slt, %sub3A_127, %lt3A : vector<16xi32>
        %and3A = arith.andi %ge3A_129, %lt3A_130 : vector<16xi1>
        %jit3A_131 = arith.constant 0 : i32
        %jit3A_132 = arith.constant 62 : i32
        %max3A = vector.broadcast %jit3A_131 : i32 to vector<16xi32>
        %max3A_133 = arith.maxsi %max3A, %sub3A_127 : vector<16xi32>
        %min3A_134 = vector.broadcast %jit3A_132 : i32 to vector<16xi32>
        %min3A_135 = arith.minsi %min3A_134, %max3A_133 : vector<16xi32>
        %gather3A = tpu.vector_load_idx %arg10[%min3A_135] masked %and3A : memref<64xi32, #tpu.memory_space<vmem>>[vector<16xi32>], vector<16xi32>, vector<16xi1>
        %unique3A, %unique3A_136 = tpu.scan_count mask(%and3A : vector<16xi1>) value(%min3A_135 : vector<16xi32>) : vector<16xi1>, vector<16xi32>
        %add3A_137 = arith.addi %gather3A, %unique3A_136 : vector<16xi32>
        %sub3A_138 = arith.constant 1 : i32
        %sub3A_139 = vector.broadcast %sub3A_138 : i32 to vector<16xi32>
        %sub3A_140 = arith.subi %add3A_137, %sub3A_139 : vector<16xi32>
        %jit3A_141 = arith.constant 0 : i32
        %jit3A_142 = arith.constant 63 : i32
        %max3A_143 = vector.broadcast %jit3A_141 : i32 to vector<16xi32>
        %max3A_144 = arith.maxsi %max3A_143, %sub3A_140 : vector<16xi32>
        %min3A_145 = vector.broadcast %jit3A_142 : i32 to vector<16xi32>
        %min3A_146 = arith.minsi %min3A_145, %max3A_144 : vector<16xi32>
        %shift_left3A = arith.constant 6 : i32
        %shift_left3A_147 = vector.broadcast %shift_left3A : i32 to vector<16xi32>
        %shift_left3A_148 = arith.shli %min3A_135, %shift_left3A_147 : vector<16xi32>
        %add3A_149 = arith.addi %shift_left3A_148, %min3A_146 : vector<16xi32>
        tpu.vector_store_idx %arg8[%add3A_149], %get3A_124 masked %and3A : memref<4032xi32, #tpu.memory_space<vmem>>[vector<16xi32>], vector<16xi32>, vector<16xi1>
        %mul3A_150 = arith.constant 4096 : i32
        %mul3A_151 = arith.muli %scan3A_113, %mul3A_150 : i32
        %mul3A_152 = arith.constant 16 : i32
        %mul3A_153 = arith.muli %scan3A_121, %mul3A_152 : i32
        %add3A_154 = arith.addi %mul3A_151, %mul3A_153 : i32
        %add3A_155 = vector.broadcast %add3A_154 : i32 to vector<16xi32>
        %add3A_156 = arith.addi %add3A_155, %iota3A : vector<16xi32>
        tpu.vector_store_idx %arg9[%add3A_149], %add3A_156 masked %and3A : memref<4032xi32, #tpu.memory_space<vmem>>[vector<16xi32>], vector<16xi32>, vector<16xi1>
        tpu.vector_store_idx %arg10[%min3A_135], %broadcast_in_dim3A_49 masked %and3A {add = true} : memref<64xi32, #tpu.memory_space<vmem>>[vector<16xi32>], vector<16xi32>, vector<16xi1>
      }
      %scan3A_120 = arith.constant 256 : i32
    }
    %scan3A_54 = arith.constant 8 : i32
    %add3A_55 = arith.constant 0 : i32
    %add3A_56 = arith.addi %add3A_4, %add3A_55 : i32
    %mul3A_57 = arith.constant 512 : i32
    %mul3A_58 = arith.muli %add3A_56, %mul3A_57 : i32
    %dma_start3A = arith.constant 0 : i32
    %dma_start3A_59 = arith.constant 0 : i32
    %dma_start3A_60 = arith.constant 0 : i32
    %dma_start3A_61 = tpu.memref_slice %arg6[%dma_start3A, %dma_start3A_59, %dma_start3A_60] : memref<3x64x512xf32, #tpu.memory_space<vmem>> -> memref<1x64x512xf32, #tpu.memory_space<vmem>>
    %dma_start3A_62 = tpu.memref_squeeze %dma_start3A_61 : memref<1x64x512xf32, #tpu.memory_space<vmem>> -> memref<64x512xf32, #tpu.memory_space<vmem>>
    %dma_start3A_63 = arith.constant 0 : i32
    %dma_start3A_64 = tpu.memref_slice %arg3[%dma_start3A_63, %mul3A_58] : memref<64x1000000xf32, #tpu.memory_space<hbm>> -> memref<64x512xf32, #tpu.memory_space<hbm>>
    %dma_start3A_65 = arith.constant 0 : i32
    %dma_start3A_66 = arith.constant 0 : i32
    %dma_start3A_67 = tpu.memref_slice %arg6[%dma_start3A, %dma_start3A_65, %dma_start3A_66] : memref<3x64x512xf32, #tpu.memory_space<vmem>> -> memref<1x64x512xf32, #tpu.memory_space<vmem>>
    %dma_start3A_68 = tpu.memref_squeeze %dma_start3A_67 : memref<1x64x512xf32, #tpu.memory_space<vmem>> -> memref<64x512xf32, #tpu.memory_space<vmem>>
    %dma_start3A_69 = arith.constant 0 : i32
    %dma_start3A_70 = tpu.memref_slice %arg3[%dma_start3A_69, %mul3A_58] : memref<64x1000000xf32, #tpu.memory_space<hbm>> -> memref<64x512xf32, #tpu.memory_space<hbm>>
    tpu.enqueue_dma source(%dma_start3A_70 : memref<64x512xf32, #tpu.memory_space<hbm>>) target(%dma_start3A_68 : memref<64x512xf32, #tpu.memory_space<vmem>>) target_semaphore(%arg12 : memref<!tpu.dma_semaphore, #tpu.memory_space<semaphore_mem>>)
    %add3A_71 = arith.constant 1 : i32
    %add3A_72 = arith.addi %add3A_4, %add3A_71 : i32
    %mul3A_73 = arith.constant 512 : i32
    %mul3A_74 = arith.muli %add3A_72, %mul3A_73 : i32
    %dma_start3A_75 = arith.constant 1 : i32
    %dma_start3A_76 = arith.constant 0 : i32
    %dma_start3A_77 = arith.constant 0 : i32
    %dma_start3A_78 = tpu.memref_slice %arg6[%dma_start3A_75, %dma_start3A_76, %dma_start3A_77] : memref<3x64x512xf32, #tpu.memory_space<vmem>> -> memref<1x64x512xf32, #tpu.memory_space<vmem>>
    %dma_start3A_79 = tpu.memref_squeeze %dma_start3A_78 : memref<1x64x512xf32, #tpu.memory_space<vmem>> -> memref<64x512xf32, #tpu.memory_space<vmem>>
    %dma_start3A_80 = arith.constant 0 : i32
    %dma_start3A_81 = tpu.memref_slice %arg3[%dma_start3A_80, %mul3A_74] : memref<64x1000000xf32, #tpu.memory_space<hbm>> -> memref<64x512xf32, #tpu.memory_space<hbm>>
    %dma_start3A_82 = arith.constant 0 : i32
    %dma_start3A_83 = arith.constant 0 : i32
    %dma_start3A_84 = tpu.memref_slice %arg6[%dma_start3A_75, %dma_start3A_82, %dma_start3A_83] : memref<3x64x512xf32, #tpu.memory_space<vmem>> -> memref<1x64x512xf32, #tpu.memory_space<vmem>>
    %dma_start3A_85 = tpu.memref_squeeze %dma_start3A_84 : memref<1x64x512xf32, #tpu.memory_space<vmem>> -> memref<64x512xf32, #tpu.memory_space<vmem>>
    %dma_start3A_86 = arith.constant 0 : i32
    %dma_start3A_87 = tpu.memref_slice %arg3[%dma_start3A_86, %mul3A_74] : memref<64x1000000xf32, #tpu.memory_space<hbm>> -> memref<64x512xf32, #tpu.memory_space<hbm>>
    tpu.enqueue_dma source(%dma_start3A_87 : memref<64x512xf32, #tpu.memory_space<hbm>>) target(%dma_start3A_85 : memref<64x512xf32, #tpu.memory_space<vmem>>) target_semaphore(%arg13 : memref<!tpu.dma_semaphore, #tpu.memory_space<semaphore_mem>>)
    %add3A_88 = arith.constant 2 : i32
    %add3A_89 = arith.addi %add3A_4, %add3A_88 : i32
    %mul3A_90 = arith.constant 512 : i32
    %mul3A_91 = arith.muli %add3A_89, %mul3A_90 : i32
    %dma_start3A_92 = arith.constant 2 : i32
    %dma_start3A_93 = arith.constant 0 : i32
    %dma_start3A_94 = arith.constant 0 : i32
    %dma_start3A_95 = tpu.memref_slice %arg6[%dma_start3A_92, %dma_start3A_93, %dma_start3A_94] : memref<3x64x512xf32, #tpu.memory_space<vmem>> -> memref<1x64x512xf32, #tpu.memory_space<vmem>>
    %dma_start3A_96 = tpu.memref_squeeze %dma_start3A_95 : memref<1x64x512xf32, #tpu.memory_space<vmem>> -> memref<64x512xf32, #tpu.memory_space<vmem>>
    %dma_start3A_97 = arith.constant 0 : i32
    %dma_start3A_98 = tpu.memref_slice %arg3[%dma_start3A_97, %mul3A_91] : memref<64x1000000xf32, #tpu.memory_space<hbm>> -> memref<64x512xf32, #tpu.memory_space<hbm>>
    %dma_start3A_99 = arith.constant 0 : i32
    %dma_start3A_100 = arith.constant 0 : i32
    %dma_start3A_101 = tpu.memref_slice %arg6[%dma_start3A_92, %dma_start3A_99, %dma_start3A_100] : memref<3x64x512xf32, #tpu.memory_space<vmem>> -> memref<1x64x512xf32, #tpu.memory_space<vmem>>
    %dma_start3A_102 = tpu.memref_squeeze %dma_start3A_101 : memref<1x64x512xf32, #tpu.memory_space<vmem>> -> memref<64x512xf32, #tpu.memory_space<vmem>>
    %dma_start3A_103 = arith.constant 0 : i32
    %dma_start3A_104 = tpu.memref_slice %arg3[%dma_start3A_103, %mul3A_91] : memref<64x1000000xf32, #tpu.memory_space<hbm>> -> memref<64x512xf32, #tpu.memory_space<hbm>>
    tpu.enqueue_dma source(%dma_start3A_104 : memref<64x512xf32, #tpu.memory_space<hbm>>) target(%dma_start3A_102 : memref<64x512xf32, #tpu.memory_space<vmem>>) target_semaphore(%arg14 : memref<!tpu.dma_semaphore, #tpu.memory_space<semaphore_mem>>)
    %scan3A_105 = arith.constant 0 : i32
    %scan3A_106 = arith.constant 21 : i32
    %scan3A_107 = arith.addi %scan3A_105, %scan3A_106 : i32
    %scan3A_108 = arith.constant 1 : i32
    scf.for %scan3A_113 = %scan3A_105 to %scan3A_107 step %scan3A_108  : i32 {
      %mul3A_114 = arith.constant 3 : i32
      %mul3A_115 = arith.muli %mul3A_114, %scan3A_113 : i32
      %add3A_116 = arith.constant 0 : i32
      %add3A_117 = arith.addi %mul3A_115, %add3A_116 : i32
      %lt3A = arith.cmpi slt, %add3A_117, %select_n3A : i32
      %convert_element_type3A_118 = arith.extui %lt3A : i1 to i32
      %cond3A_119 = arith.constant 0 : i32
      %cond3A_120 = arith.cmpi ne, %convert_element_type3A_118, %cond3A_119 : i32
      scf.if %cond3A_120 {
        %dma_wait3A = arith.constant 0 : i32
        %dma_wait3A_137 = arith.constant 0 : i32
        %dma_wait3A_138 = arith.constant 0 : i32
        %dma_wait3A_139 = tpu.memref_slice %arg6[%dma_wait3A, %dma_wait3A_137, %dma_wait3A_138] : memref<3x64x512xf32, #tpu.memory_space<vmem>> -> memref<1x64x512xf32, #tpu.memory_space<vmem>>
        %dma_wait3A_140 = tpu.memref_squeeze %dma_wait3A_139 : memref<1x64x512xf32, #tpu.memory_space<vmem>> -> memref<64x512xf32, #tpu.memory_space<vmem>>
        %dma_wait3A_141 = arith.constant 0 : i32
        %dma_wait3A_142 = arith.constant 0 : i32
        %dma_wait3A_143 = tpu.memref_slice %arg3[%dma_wait3A_141, %dma_wait3A_142] : memref<64x1000000xf32, #tpu.memory_space<hbm>> -> memref<64x512xf32, #tpu.memory_space<hbm>>
        %dma_wait3A_144 = arith.constant 0 : i32
        %dma_wait3A_145 = arith.constant 0 : i32
        %dma_wait3A_146 = tpu.memref_slice %arg6[%dma_wait3A, %dma_wait3A_144, %dma_wait3A_145] : memref<3x64x512xf32, #tpu.memory_space<vmem>> -> memref<1x64x512xf32, #tpu.memory_space<vmem>>
        %dma_wait3A_147 = tpu.memref_squeeze %dma_wait3A_146 : memref<1x64x512xf32, #tpu.memory_space<vmem>> -> memref<64x512xf32, #tpu.memory_space<vmem>>
        %dma_wait3A_148 = arith.constant 0 : i32
        %dma_wait3A_149 = arith.constant 0 : i32
        %dma_wait3A_150 = tpu.memref_slice %arg3[%dma_wait3A_148, %dma_wait3A_149] : memref<64x1000000xf32, #tpu.memory_space<hbm>> -> memref<64x512xf32, #tpu.memory_space<hbm>>
        tpu.wait_dma2 semaphore(%arg12 : memref<!tpu.dma_semaphore, #tpu.memory_space<semaphore_mem>>) src(%dma_wait3A_150 : memref<64x512xf32, #tpu.memory_space<hbm>>) dst(%dma_wait3A_147 : memref<64x512xf32, #tpu.memory_space<vmem>>)
        %add3A_151 = arith.addi %add3A_4, %add3A_117 : i32
        %mul3A_152 = arith.constant 512 : i32
        %mul3A_153 = arith.muli %add3A_151, %mul3A_152 : i32
        %broadcast_in_dim3A_154 = vector.broadcast %add3A_117 : i32 to vector<16xi32>
        %gather3A = tpu.vector_load_idx %arg10[%broadcast_in_dim3A_154] : memref<64xi32, #tpu.memory_space<vmem>>[vector<16xi32>], vector<16xi32>,
        %slice3A = vector.extract_strided_slice %gather3A {offsets = [0], sizes = [1], strides = [1]} : vector<16xi32> to vector<1xi32>
        %squeeze3A = vector.extract %slice3A[0] : i32 from vector<1xi32>
        %shift_left3A = arith.constant 6 : i32
        %shift_left3A_155 = arith.shli %add3A_117, %shift_left3A : i32
        %add3A_156 = arith.constant 0 : i32
        %add3A_157 = arith.addi %shift_left3A_155, %add3A_156 : i32
        %get3A = arith.index_cast %add3A_157 : i32 to index
        %get3A_158 = tpu.vector_load %arg8[%get3A] {strides = array<i32>} : memref<4032xi32, #tpu.memory_space<vmem>>, vector<16xi32>,
        %get3A_159 = arith.index_cast %add3A_157 : i32 to index
        %get3A_160 = tpu.vector_load %arg9[%get3A_159] {strides = array<i32>} : memref<4032xi32, #tpu.memory_space<vmem>>, vector<16xi32>,
        %sub3A = vector.broadcast %mul3A_153 : i32 to vector<16xi32>
        %sub3A_161 = arith.subi %get3A_158, %sub3A : vector<16xi32>
        %jit3A_162 = arith.constant 0 : i32
        %jit3A_163 = arith.constant 511 : i32
        %max3A = vector.broadcast %jit3A_162 : i32 to vector<16xi32>
        %max3A_164 = arith.maxsi %max3A, %sub3A_161 : vector<16xi32>
        %min3A_165 = vector.broadcast %jit3A_163 : i32 to vector<16xi32>
        %min3A_166 = arith.minsi %min3A_165, %max3A_164 : vector<16xi32>
        %parallel_loop3A = arith.constant 0 : i32
        %parallel_loop3A_167 = arith.constant 64 : i32
        %parallel_loop3A_168 = arith.constant 1 : i32
        %parallel_loop3A_169 = arith.constant 0 : i32
        %parallel_loop3A_170 = arith.constant 0 : i32
        scf.for %parallel_loop3A_237 = %parallel_loop3A to %parallel_loop3A_167 step %parallel_loop3A_168  : i32 {
          %parallel_loop3A_238 = vector.broadcast %parallel_loop3A_237 : i32 to vector<16xi32>
          %parallel_loop3A_239 = arith.constant 0 : i32
          %parallel_loop3A_240 = arith.constant 0 : i32
          %parallel_loop3A_241 = tpu.memref_slice %arg6[%parallel_loop3A_169, %parallel_loop3A_239, %parallel_loop3A_240] : memref<3x64x512xf32, #tpu.memory_space<vmem>> -> memref<1x64x512xf32, #tpu.memory_space<vmem>>
          %parallel_loop3A_242 = tpu.memref_squeeze %parallel_loop3A_241 : memref<1x64x512xf32, #tpu.memory_space<vmem>> -> memref<64x512xf32, #tpu.memory_space<vmem>>
          %parallel_loop3A_243 = tpu.vector_load_idx %parallel_loop3A_242[%parallel_loop3A_238, %min3A_166] : memref<64x512xf32, #tpu.memory_space<vmem>>[vector<16xi32>, vector<16xi32>], vector<16xf32>,
          %parallel_loop3A_244 = arith.constant 0 : i32
          %parallel_loop3A_245 = arith.constant 0 : i32
          %parallel_loop3A_246 = tpu.memref_slice %arg11[%parallel_loop3A_170, %parallel_loop3A_244, %parallel_loop3A_245] : memref<4x16x128xf32, #tpu.memory_space<vmem>> -> memref<1x16x128xf32, #tpu.memory_space<vmem>>
          %parallel_loop3A_247 = tpu.memref_squeeze %parallel_loop3A_246 : memref<1x16x128xf32, #tpu.memory_space<vmem>> -> memref<16x128xf32, #tpu.memory_space<vmem>>
          tpu.vector_store_idx %parallel_loop3A_247[%iota3A, %parallel_loop3A_238], %parallel_loop3A_243 : memref<16x128xf32, #tpu.memory_space<vmem>>[vector<16xi32>, vector<16xi32>], vector<16xf32>,
        } {sc.loop_unroll_factor = 16 : i64, sc.parallel_access}
        %dma_start3A_171 = arith.constant 0 : i32
        %dma_start3A_172 = arith.constant 0 : i32
        %dma_start3A_173 = arith.constant 0 : i32
        %dma_start3A_174 = tpu.memref_slice %arg11[%dma_start3A_171, %dma_start3A_172, %dma_start3A_173] : memref<4x16x128xf32, #tpu.memory_space<vmem>> -> memref<1x16x128xf32, #tpu.memory_space<vmem>>
        %dma_start3A_175 = tpu.memref_squeeze %dma_start3A_174 : memref<1x16x128xf32, #tpu.memory_space<vmem>> -> memref<16x128xf32, #tpu.memory_space<vmem>>
        %dma_start3A_176 = arith.constant 0 : i32
        %dma_start3A_177 = arith.constant 0 : i32
        %dma_start3A_178 = tpu.memref_slice %arg4[%dma_start3A_176, %dma_start3A_177] : memref<32800x128xf32, #tpu.memory_space<hbm>> -> memref<32800x128xf32, #tpu.memory_space<hbm>>
        tpu.enqueue_indirect_dma source(%dma_start3A_175 : memref<16x128xf32, #tpu.memory_space<vmem>>) target(%dma_start3A_178 : memref<32800x128xf32, #tpu.memory_space<hbm>>) offsets(%get3A_160 : vector<16xi32>) semaphore(%arg15 : memref<!tpu.dma_semaphore, #tpu.memory_space<semaphore_mem>>)
        %shift_left3A_179 = arith.constant 6 : i32
        %shift_left3A_180 = arith.shli %add3A_117, %shift_left3A_179 : i32
        %add3A_181 = arith.constant 16 : i32
        %add3A_182 = arith.addi %shift_left3A_180, %add3A_181 : i32
        %get3A_183 = arith.index_cast %add3A_182 : i32 to index
        %get3A_184 = tpu.vector_load %arg8[%get3A_183] {strides = array<i32>} : memref<4032xi32, #tpu.memory_space<vmem>>, vector<16xi32>,
        %get3A_185 = arith.index_cast %add3A_182 : i32 to index
        %get3A_186 = tpu.vector_load %arg9[%get3A_185] {strides = array<i32>} : memref<4032xi32, #tpu.memory_space<vmem>>, vector<16xi32>,
        %sub3A_187 = vector.broadcast %mul3A_153 : i32 to vector<16xi32>
        %sub3A_188 = arith.subi %get3A_184, %sub3A_187 : vector<16xi32>
        %jit3A_189 = arith.constant 0 : i32
        %jit3A_190 = arith.constant 511 : i32
        %max3A_191 = vector.broadcast %jit3A_189 : i32 to vector<16xi32>
        %max3A_192 = arith.maxsi %max3A_191, %sub3A_188 : vector<16xi32>
        %min3A_193 = vector.broadcast %jit3A_190 : i32 to vector<16xi32>
        %min3A_194 = arith.minsi %min3A_193, %max3A_192 : vector<16xi32>
        %gt3A = arith.constant 16 : i32
        %gt3A_195 = arith.cmpi sgt, %squeeze3A, %gt3A : i32
        %convert_element_type3A_196 = arith.extui %gt3A_195 : i1 to i32
        %cond3A_197 = arith.constant 0 : i32
        %cond3A_198 = arith.constant 1 : i32
        %cond3A_199 = arith.constant 0 : i32
        %cond3A_200 = arith.cmpi ne, %convert_element_type3A_196, %cond3A_199 : i32
        scf.if %cond3A_200 {
          %parallel_loop3A_237 = arith.constant 0 : i32
          %parallel_loop3A_238 = arith.constant 64 : i32
          %parallel_loop3A_239 = arith.constant 1 : i32
          scf.for %parallel_loop3A_240 = %parallel_loop3A_237 to %parallel_loop3A_238 step %parallel_loop3A_239  : i32 {
            %parallel_loop3A_241 = vector.broadcast %parallel_loop3A_240 : i32 to vector<16xi32>
            %parallel_loop3A_242 = arith.constant 0 : i32
            %parallel_loop3A_243 = arith.constant 0 : i32
            %parallel_loop3A_244 = tpu.memref_slice %arg6[%cond3A_197, %parallel_loop3A_242, %parallel_loop3A_243] : memref<3x64x512xf32, #tpu.memory_space<vmem>> -> memref<1x64x512xf32, #tpu.memory_space<vmem>>
            %parallel_loop3A_245 = tpu.memref_squeeze %parallel_loop3A_244 : memref<1x64x512xf32, #tpu.memory_space<vmem>> -> memref<64x512xf32, #tpu.memory_space<vmem>>
            %parallel_loop3A_246 = tpu.vector_load_idx %parallel_loop3A_245[%parallel_loop3A_241, %min3A_194] : memref<64x512xf32, #tpu.memory_space<vmem>>[vector<16xi32>, vector<16xi32>], vector<16xf32>,
            %parallel_loop3A_247 = arith.constant 0 : i32
            %parallel_loop3A_248 = arith.constant 0 : i32
            %parallel_loop3A_249 = tpu.memref_slice %arg11[%cond3A_198, %parallel_loop3A_247, %parallel_loop3A_248] : memref<4x16x128xf32, #tpu.memory_space<vmem>> -> memref<1x16x128xf32, #tpu.memory_space<vmem>>
            %parallel_loop3A_250 = tpu.memref_squeeze %parallel_loop3A_249 : memref<1x16x128xf32, #tpu.memory_space<vmem>> -> memref<16x128xf32, #tpu.memory_space<vmem>>
            tpu.vector_store_idx %parallel_loop3A_250[%iota3A, %parallel_loop3A_241], %parallel_loop3A_246 : memref<16x128xf32, #tpu.memory_space<vmem>>[vector<16xi32>, vector<16xi32>], vector<16xf32>,
          } {sc.loop_unroll_factor = 16 : i64, sc.parallel_access}
        } else {
        }
        %dma_start3A_201 = arith.constant 1 : i32
        %dma_start3A_202 = arith.constant 0 : i32
        %dma_start3A_203 = arith.constant 0 : i32
        %dma_start3A_204 = tpu.memref_slice %arg11[%dma_start3A_201, %dma_start3A_202, %dma_start3A_203] : memref<4x16x128xf32, #tpu.memory_space<vmem>> -> memref<1x16x128xf32, #tpu.memory_space<vmem>>
        %dma_start3A_205 = tpu.memref_squeeze %dma_start3A_204 : memref<1x16x128xf32, #tpu.memory_space<vmem>> -> memref<16x128xf32, #tpu.memory_space<vmem>>
        %dma_start3A_206 = arith.constant 0 : i32
        %dma_start3A_207 = arith.constant 0 : i32
        %dma_start3A_208 = tpu.memref_slice %arg4[%dma_start3A_206, %dma_start3A_207] : memref<32800x128xf32, #tpu.memory_space<hbm>> -> memref<32800x128xf32, #tpu.memory_space<hbm>>
        tpu.enqueue_indirect_dma source(%dma_start3A_205 : memref<16x128xf32, #tpu.memory_space<vmem>>) target(%dma_start3A_208 : memref<32800x128xf32, #tpu.memory_space<hbm>>) offsets(%get3A_186 : vector<16xi32>) semaphore(%arg15 : memref<!tpu.dma_semaphore, #tpu.memory_space<semaphore_mem>>)
        %gt3A_209 = arith.constant 32 : i32
        %gt3A_210 = arith.cmpi sgt, %squeeze3A, %gt3A_209 : i32
        %convert_element_type3A_211 = arith.extui %gt3A_210 : i1 to i32
        %cond3A_212 = arith.constant 0 : i32
        %cond3A_213 = arith.constant 0 : i32
        %cond3A_214 = arith.cmpi ne, %convert_element_type3A_211, %cond3A_213 : i32
        scf.if %cond3A_214 {
          %shift_left3A_237 = arith.constant 6 : i32
          %shift_left3A_238 = arith.shli %add3A_117, %shift_left3A_237 : i32
          %add3A_239 = arith.constant 32 : i32
          %add3A_240 = arith.addi %shift_left3A_238, %add3A_239 : i32
          %get3A_241 = arith.index_cast %add3A_240 : i32 to index
          %get3A_242 = tpu.vector_load %arg8[%get3A_241] {strides = array<i32>} : memref<4032xi32, #tpu.memory_space<vmem>>, vector<16xi32>,
          %get3A_243 = arith.index_cast %add3A_240 : i32 to index
          %get3A_244 = tpu.vector_load %arg9[%get3A_243] {strides = array<i32>} : memref<4032xi32, #tpu.memory_space<vmem>>, vector<16xi32>,
          %sub3A_245 = vector.broadcast %mul3A_153 : i32 to vector<16xi32>
          %sub3A_246 = arith.subi %get3A_242, %sub3A_245 : vector<16xi32>
          %jit3A_247 = arith.constant 0 : i32
          %jit3A_248 = arith.constant 511 : i32
          %max3A_249 = vector.broadcast %jit3A_247 : i32 to vector<16xi32>
          %max3A_250 = arith.maxsi %max3A_249, %sub3A_246 : vector<16xi32>
          %min3A_251 = vector.broadcast %jit3A_248 : i32 to vector<16xi32>
          %min3A_252 = arith.minsi %min3A_251, %max3A_250 : vector<16xi32>
          %parallel_loop3A_253 = arith.constant 0 : i32
          %parallel_loop3A_254 = arith.constant 64 : i32
          %parallel_loop3A_255 = arith.constant 1 : i32
          %parallel_loop3A_256 = arith.constant 2 : i32
          scf.for %parallel_loop3A_278 = %parallel_loop3A_253 to %parallel_loop3A_254 step %parallel_loop3A_255  : i32 {
            %parallel_loop3A_279 = vector.broadcast %parallel_loop3A_278 : i32 to vector<16xi32>
            %parallel_loop3A_280 = arith.constant 0 : i32
            %parallel_loop3A_281 = arith.constant 0 : i32
            %parallel_loop3A_282 = tpu.memref_slice %arg6[%cond3A_212, %parallel_loop3A_280, %parallel_loop3A_281] : memref<3x64x512xf32, #tpu.memory_space<vmem>> -> memref<1x64x512xf32, #tpu.memory_space<vmem>>
            %parallel_loop3A_283 = tpu.memref_squeeze %parallel_loop3A_282 : memref<1x64x512xf32, #tpu.memory_space<vmem>> -> memref<64x512xf32, #tpu.memory_space<vmem>>
            %parallel_loop3A_284 = tpu.vector_load_idx %parallel_loop3A_283[%parallel_loop3A_279, %min3A_252] : memref<64x512xf32, #tpu.memory_space<vmem>>[vector<16xi32>, vector<16xi32>], vector<16xf32>,
            %parallel_loop3A_285 = arith.constant 0 : i32
            %parallel_loop3A_286 = arith.constant 0 : i32
            %parallel_loop3A_287 = tpu.memref_slice %arg11[%parallel_loop3A_256, %parallel_loop3A_285, %parallel_loop3A_286] : memref<4x16x128xf32, #tpu.memory_space<vmem>> -> memref<1x16x128xf32, #tpu.memory_space<vmem>>
            %parallel_loop3A_288 = tpu.memref_squeeze %parallel_loop3A_287 : memref<1x16x128xf32, #tpu.memory_space<vmem>> -> memref<16x128xf32, #tpu.memory_space<vmem>>
            tpu.vector_store_idx %parallel_loop3A_288[%iota3A, %parallel_loop3A_279], %parallel_loop3A_284 : memref<16x128xf32, #tpu.memory_space<vmem>>[vector<16xi32>, vector<16xi32>], vector<16xf32>,
          } {sc.loop_unroll_factor = 16 : i64, sc.parallel_access}
          %dma_start3A_257 = arith.constant 2 : i32
          %dma_start3A_258 = arith.constant 0 : i32
          %dma_start3A_259 = arith.constant 0 : i32
          %dma_start3A_260 = tpu.memref_slice %arg11[%dma_start3A_257, %dma_start3A_258, %dma_start3A_259] : memref<4x16x128xf32, #tpu.memory_space<vmem>> -> memref<1x16x128xf32, #tpu.memory_space<vmem>>
          %dma_start3A_261 = tpu.memref_squeeze %dma_start3A_260 : memref<1x16x128xf32, #tpu.memory_space<vmem>> -> memref<16x128xf32, #tpu.memory_space<vmem>>
          %dma_start3A_262 = arith.constant 0 : i32
          %dma_start3A_263 = arith.constant 0 : i32
          %dma_start3A_264 = tpu.memref_slice %arg4[%dma_start3A_262, %dma_start3A_263] : memref<32800x128xf32, #tpu.memory_space<hbm>> -> memref<32800x128xf32, #tpu.memory_space<hbm>>
          tpu.enqueue_indirect_dma source(%dma_start3A_261 : memref<16x128xf32, #tpu.memory_space<vmem>>) target(%dma_start3A_264 : memref<32800x128xf32, #tpu.memory_space<hbm>>) offsets(%get3A_244 : vector<16xi32>) semaphore(%arg15 : memref<!tpu.dma_semaphore, #tpu.memory_space<semaphore_mem>>)
          %gt3A_265 = arith.constant 48 : i32
          %gt3A_266 = arith.cmpi sgt, %squeeze3A, %gt3A_265 : i32
          %convert_element_type3A_267 = arith.extui %gt3A_266 : i1 to i32
          %cond3A_268 = arith.constant 0 : i32
          %cond3A_269 = arith.cmpi ne, %convert_element_type3A_267, %cond3A_268 : i32
          scf.if %cond3A_269 {
            %shift_left3A_278 = arith.constant 6 : i32
            %shift_left3A_279 = arith.shli %add3A_117, %shift_left3A_278 : i32
            %add3A_280 = arith.constant 48 : i32
            %add3A_281 = arith.addi %shift_left3A_279, %add3A_280 : i32
            %get3A_282 = arith.index_cast %add3A_281 : i32 to index
            %get3A_283 = tpu.vector_load %arg8[%get3A_282] {strides = array<i32>} : memref<4032xi32, #tpu.memory_space<vmem>>, vector<16xi32>,
            %get3A_284 = arith.index_cast %add3A_281 : i32 to index
            %get3A_285 = tpu.vector_load %arg9[%get3A_284] {strides = array<i32>} : memref<4032xi32, #tpu.memory_space<vmem>>, vector<16xi32>,
            %sub3A_286 = vector.broadcast %mul3A_153 : i32 to vector<16xi32>
            %sub3A_287 = arith.subi %get3A_283, %sub3A_286 : vector<16xi32>
            %jit3A_288 = arith.constant 0 : i32
            %jit3A_289 = arith.constant 511 : i32
            %max3A_290 = vector.broadcast %jit3A_288 : i32 to vector<16xi32>
            %max3A_291 = arith.maxsi %max3A_290, %sub3A_287 : vector<16xi32>
            %min3A_292 = vector.broadcast %jit3A_289 : i32 to vector<16xi32>
            %min3A_293 = arith.minsi %min3A_292, %max3A_291 : vector<16xi32>
            %parallel_loop3A_294 = arith.constant 0 : i32
            %parallel_loop3A_295 = arith.constant 64 : i32
            %parallel_loop3A_296 = arith.constant 1 : i32
            %parallel_loop3A_297 = arith.constant 3 : i32
            scf.for %parallel_loop3A_314 = %parallel_loop3A_294 to %parallel_loop3A_295 step %parallel_loop3A_296  : i32 {
              %parallel_loop3A_315 = vector.broadcast %parallel_loop3A_314 : i32 to vector<16xi32>
              %parallel_loop3A_316 = arith.constant 0 : i32
              %parallel_loop3A_317 = arith.constant 0 : i32
              %parallel_loop3A_318 = tpu.memref_slice %arg6[%cond3A_212, %parallel_loop3A_316, %parallel_loop3A_317] : memref<3x64x512xf32, #tpu.memory_space<vmem>> -> memref<1x64x512xf32, #tpu.memory_space<vmem>>
              %parallel_loop3A_319 = tpu.memref_squeeze %parallel_loop3A_318 : memref<1x64x512xf32, #tpu.memory_space<vmem>> -> memref<64x512xf32, #tpu.memory_space<vmem>>
              %parallel_loop3A_320 = tpu.vector_load_idx %parallel_loop3A_319[%parallel_loop3A_315, %min3A_293] : memref<64x512xf32, #tpu.memory_space<vmem>>[vector<16xi32>, vector<16xi32>], vector<16xf32>,
              %parallel_loop3A_321 = arith.constant 0 : i32
              %parallel_loop3A_322 = arith.constant 0 : i32
              %parallel_loop3A_323 = tpu.memref_slice %arg11[%parallel_loop3A_297, %parallel_loop3A_321, %parallel_loop3A_322] : memref<4x16x128xf32, #tpu.memory_space<vmem>> -> memref<1x16x128xf32, #tpu.memory_space<vmem>>
              %parallel_loop3A_324 = tpu.memref_squeeze %parallel_loop3A_323 : memref<1x16x128xf32, #tpu.memory_space<vmem>> -> memref<16x128xf32, #tpu.memory_space<vmem>>
              tpu.vector_store_idx %parallel_loop3A_324[%iota3A, %parallel_loop3A_315], %parallel_loop3A_320 : memref<16x128xf32, #tpu.memory_space<vmem>>[vector<16xi32>, vector<16xi32>], vector<16xf32>,
            } {sc.loop_unroll_factor = 16 : i64, sc.parallel_access}
            %dma_start3A_298 = arith.constant 3 : i32
            %dma_start3A_299 = arith.constant 0 : i32
            %dma_start3A_300 = arith.constant 0 : i32
            %dma_start3A_301 = tpu.memref_slice %arg11[%dma_start3A_298, %dma_start3A_299, %dma_start3A_300] : memref<4x16x128xf32, #tpu.memory_space<vmem>> -> memref<1x16x128xf32, #tpu.memory_space<vmem>>
            %dma_start3A_302 = tpu.memref_squeeze %dma_start3A_301 : memref<1x16x128xf32, #tpu.memory_space<vmem>> -> memref<16x128xf32, #tpu.memory_space<vmem>>
            %dma_start3A_303 = arith.constant 0 : i32
            %dma_start3A_304 = arith.constant 0 : i32
            %dma_start3A_305 = tpu.memref_slice %arg4[%dma_start3A_303, %dma_start3A_304] : memref<32800x128xf32, #tpu.memory_space<hbm>> -> memref<32800x128xf32, #tpu.memory_space<hbm>>
            tpu.enqueue_indirect_dma source(%dma_start3A_302 : memref<16x128xf32, #tpu.memory_space<vmem>>) target(%dma_start3A_305 : memref<32800x128xf32, #tpu.memory_space<hbm>>) offsets(%get3A_285 : vector<16xi32>) semaphore(%arg15 : memref<!tpu.dma_semaphore, #tpu.memory_space<semaphore_mem>>)
            %dma_wait3A_306 = arith.constant 3 : i32
            %dma_wait3A_307 = arith.constant 0 : i32
            %dma_wait3A_308 = arith.constant 0 : i32
            %dma_wait3A_309 = tpu.memref_slice %arg11[%dma_wait3A_306, %dma_wait3A_307, %dma_wait3A_308] : memref<4x16x128xf32, #tpu.memory_space<vmem>> -> memref<1x16x128xf32, #tpu.memory_space<vmem>>
            %dma_wait3A_310 = tpu.memref_squeeze %dma_wait3A_309 : memref<1x16x128xf32, #tpu.memory_space<vmem>> -> memref<16x128xf32, #tpu.memory_space<vmem>>
            %dma_wait3A_311 = arith.constant 0 : i32
            %dma_wait3A_312 = arith.constant 0 : i32
            %dma_wait3A_313 = tpu.memref_slice %arg4[%dma_wait3A_311, %dma_wait3A_312] : memref<32800x128xf32, #tpu.memory_space<hbm>> -> memref<32800x128xf32, #tpu.memory_space<hbm>>
            tpu.wait_indirect_dma semaphore(%arg15 : memref<!tpu.dma_semaphore, #tpu.memory_space<semaphore_mem>>) src(%dma_wait3A_310 : memref<16x128xf32, #tpu.memory_space<vmem>>) dst(%dma_wait3A_313 : memref<32800x128xf32, #tpu.memory_space<hbm>>)
          } else {
          }
          %dma_wait3A_270 = arith.constant 2 : i32
          %dma_wait3A_271 = arith.constant 0 : i32
          %dma_wait3A_272 = arith.constant 0 : i32
          %dma_wait3A_273 = tpu.memref_slice %arg11[%dma_wait3A_270, %dma_wait3A_271, %dma_wait3A_272] : memref<4x16x128xf32, #tpu.memory_space<vmem>> -> memref<1x16x128xf32, #tpu.memory_space<vmem>>
          %dma_wait3A_274 = tpu.memref_squeeze %dma_wait3A_273 : memref<1x16x128xf32, #tpu.memory_space<vmem>> -> memref<16x128xf32, #tpu.memory_space<vmem>>
          %dma_wait3A_275 = arith.constant 0 : i32
          %dma_wait3A_276 = arith.constant 0 : i32
          %dma_wait3A_277 = tpu.memref_slice %arg4[%dma_wait3A_275, %dma_wait3A_276] : memref<32800x128xf32, #tpu.memory_space<hbm>> -> memref<32800x128xf32, #tpu.memory_space<hbm>>
          tpu.wait_indirect_dma semaphore(%arg15 : memref<!tpu.dma_semaphore, #tpu.memory_space<semaphore_mem>>) src(%dma_wait3A_274 : memref<16x128xf32, #tpu.memory_space<vmem>>) dst(%dma_wait3A_277 : memref<32800x128xf32, #tpu.memory_space<hbm>>)
        } else {
        }
        %dma_wait3A_215 = arith.constant 0 : i32
        %dma_wait3A_216 = arith.constant 0 : i32
        %dma_wait3A_217 = arith.constant 0 : i32
        %dma_wait3A_218 = tpu.memref_slice %arg11[%dma_wait3A_215, %dma_wait3A_216, %dma_wait3A_217] : memref<4x16x128xf32, #tpu.memory_space<vmem>> -> memref<1x16x128xf32, #tpu.memory_space<vmem>>
        %dma_wait3A_219 = tpu.memref_squeeze %dma_wait3A_218 : memref<1x16x128xf32, #tpu.memory_space<vmem>> -> memref<16x128xf32, #tpu.memory_space<vmem>>
        %dma_wait3A_220 = arith.constant 0 : i32
        %dma_wait3A_221 = arith.constant 0 : i32
        %dma_wait3A_222 = tpu.memref_slice %arg4[%dma_wait3A_220, %dma_wait3A_221] : memref<32800x128xf32, #tpu.memory_space<hbm>> -> memref<32800x128xf32, #tpu.memory_space<hbm>>
        tpu.wait_indirect_dma semaphore(%arg15 : memref<!tpu.dma_semaphore, #tpu.memory_space<semaphore_mem>>) src(%dma_wait3A_219 : memref<16x128xf32, #tpu.memory_space<vmem>>) dst(%dma_wait3A_222 : memref<32800x128xf32, #tpu.memory_space<hbm>>)
        %dma_wait3A_223 = arith.constant 1 : i32
        %dma_wait3A_224 = arith.constant 0 : i32
        %dma_wait3A_225 = arith.constant 0 : i32
        %dma_wait3A_226 = tpu.memref_slice %arg11[%dma_wait3A_223, %dma_wait3A_224, %dma_wait3A_225] : memref<4x16x128xf32, #tpu.memory_space<vmem>> -> memref<1x16x128xf32, #tpu.memory_space<vmem>>
        %dma_wait3A_227 = tpu.memref_squeeze %dma_wait3A_226 : memref<1x16x128xf32, #tpu.memory_space<vmem>> -> memref<16x128xf32, #tpu.memory_space<vmem>>
        %dma_wait3A_228 = arith.constant 0 : i32
        %dma_wait3A_229 = arith.constant 0 : i32
        %dma_wait3A_230 = tpu.memref_slice %arg4[%dma_wait3A_228, %dma_wait3A_229] : memref<32800x128xf32, #tpu.memory_space<hbm>> -> memref<32800x128xf32, #tpu.memory_space<hbm>>
        tpu.wait_indirect_dma semaphore(%arg15 : memref<!tpu.dma_semaphore, #tpu.memory_space<semaphore_mem>>) src(%dma_wait3A_227 : memref<16x128xf32, #tpu.memory_space<vmem>>) dst(%dma_wait3A_230 : memref<32800x128xf32, #tpu.memory_space<hbm>>)
        %add3A_231 = arith.constant 3 : i32
        %add3A_232 = arith.addi %add3A_117, %add3A_231 : i32
        %lt3A_233 = arith.cmpi slt, %add3A_232, %select_n3A : i32
        %convert_element_type3A_234 = arith.extui %lt3A_233 : i1 to i32
        %cond3A_235 = arith.constant 0 : i32
        %cond3A_236 = arith.cmpi ne, %convert_element_type3A_234, %cond3A_235 : i32
        scf.if %cond3A_236 {
          %add3A_237 = arith.addi %add3A_4, %add3A_117 : i32
          %add3A_238 = arith.constant 3 : i32
          %add3A_239 = arith.addi %add3A_237, %add3A_238 : i32
          %mul3A_240 = arith.constant 512 : i32
          %mul3A_241 = arith.muli %add3A_239, %mul3A_240 : i32
          %dma_start3A_242 = arith.constant 0 : i32
          %dma_start3A_243 = arith.constant 0 : i32
          %dma_start3A_244 = arith.constant 0 : i32
          %dma_start3A_245 = tpu.memref_slice %arg6[%dma_start3A_242, %dma_start3A_243, %dma_start3A_244] : memref<3x64x512xf32, #tpu.memory_space<vmem>> -> memref<1x64x512xf32, #tpu.memory_space<vmem>>
          %dma_start3A_246 = tpu.memref_squeeze %dma_start3A_245 : memref<1x64x512xf32, #tpu.memory_space<vmem>> -> memref<64x512xf32, #tpu.memory_space<vmem>>
          %dma_start3A_247 = arith.constant 0 : i32
          %dma_start3A_248 = tpu.memref_slice %arg3[%dma_start3A_247, %mul3A_241] : memref<64x1000000xf32, #tpu.memory_space<hbm>> -> memref<64x512xf32, #tpu.memory_space<hbm>>
          %dma_start3A_249 = arith.constant 0 : i32
          %dma_start3A_250 = arith.constant 0 : i32
          %dma_start3A_251 = tpu.memref_slice %arg6[%dma_start3A_242, %dma_start3A_249, %dma_start3A_250] : memref<3x64x512xf32, #tpu.memory_space<vmem>> -> memref<1x64x512xf32, #tpu.memory_space<vmem>>
          %dma_start3A_252 = tpu.memref_squeeze %dma_start3A_251 : memref<1x64x512xf32, #tpu.memory_space<vmem>> -> memref<64x512xf32, #tpu.memory_space<vmem>>
          %dma_start3A_253 = arith.constant 0 : i32
          %dma_start3A_254 = tpu.memref_slice %arg3[%dma_start3A_253, %mul3A_241] : memref<64x1000000xf32, #tpu.memory_space<hbm>> -> memref<64x512xf32, #tpu.memory_space<hbm>>
          tpu.enqueue_dma source(%dma_start3A_254 : memref<64x512xf32, #tpu.memory_space<hbm>>) target(%dma_start3A_252 : memref<64x512xf32, #tpu.memory_space<vmem>>) target_semaphore(%arg12 : memref<!tpu.dma_semaphore, #tpu.memory_space<semaphore_mem>>)
        } else {
        }
      } else {
      }
      %mul3A_121 = arith.constant 3 : i32
      %mul3A_122 = arith.muli %mul3A_121, %scan3A_113 : i32
      %add3A_123 = arith.constant 1 : i32
      %add3A_124 = arith.addi %mul3A_122, %add3A_123 : i32
      %lt3A_125 = arith.cmpi slt, %add3A_124, %select_n3A : i32
      %convert_element_type3A_126 = arith.extui %lt3A_125 : i1 to i32
      %cond3A_127 = arith.constant 0 : i32
      %cond3A_128 = arith.cmpi ne, %convert_element_type3A_126, %cond3A_127 : i32
      scf.if %cond3A_128 {
        %dma_wait3A = arith.constant 1 : i32
        %dma_wait3A_137 = arith.constant 0 : i32
        %dma_wait3A_138 = arith.constant 0 : i32
        %dma_wait3A_139 = tpu.memref_slice %arg6[%dma_wait3A, %dma_wait3A_137, %dma_wait3A_138] : memref<3x64x512xf32, #tpu.memory_space<vmem>> -> memref<1x64x512xf32, #tpu.memory_space<vmem>>
        %dma_wait3A_140 = tpu.memref_squeeze %dma_wait3A_139 : memref<1x64x512xf32, #tpu.memory_space<vmem>> -> memref<64x512xf32, #tpu.memory_space<vmem>>
        %dma_wait3A_141 = arith.constant 0 : i32
        %dma_wait3A_142 = arith.constant 0 : i32
        %dma_wait3A_143 = tpu.memref_slice %arg3[%dma_wait3A_141, %dma_wait3A_142] : memref<64x1000000xf32, #tpu.memory_space<hbm>> -> memref<64x512xf32, #tpu.memory_space<hbm>>
        %dma_wait3A_144 = arith.constant 0 : i32
        %dma_wait3A_145 = arith.constant 0 : i32
        %dma_wait3A_146 = tpu.memref_slice %arg6[%dma_wait3A, %dma_wait3A_144, %dma_wait3A_145] : memref<3x64x512xf32, #tpu.memory_space<vmem>> -> memref<1x64x512xf32, #tpu.memory_space<vmem>>
        %dma_wait3A_147 = tpu.memref_squeeze %dma_wait3A_146 : memref<1x64x512xf32, #tpu.memory_space<vmem>> -> memref<64x512xf32, #tpu.memory_space<vmem>>
        %dma_wait3A_148 = arith.constant 0 : i32
        %dma_wait3A_149 = arith.constant 0 : i32
        %dma_wait3A_150 = tpu.memref_slice %arg3[%dma_wait3A_148, %dma_wait3A_149] : memref<64x1000000xf32, #tpu.memory_space<hbm>> -> memref<64x512xf32, #tpu.memory_space<hbm>>
        tpu.wait_dma2 semaphore(%arg13 : memref<!tpu.dma_semaphore, #tpu.memory_space<semaphore_mem>>) src(%dma_wait3A_150 : memref<64x512xf32, #tpu.memory_space<hbm>>) dst(%dma_wait3A_147 : memref<64x512xf32, #tpu.memory_space<vmem>>)
        %add3A_151 = arith.addi %add3A_4, %add3A_124 : i32
        %mul3A_152 = arith.constant 512 : i32
        %mul3A_153 = arith.muli %add3A_151, %mul3A_152 : i32
        %broadcast_in_dim3A_154 = vector.broadcast %add3A_124 : i32 to vector<16xi32>
        %gather3A = tpu.vector_load_idx %arg10[%broadcast_in_dim3A_154] : memref<64xi32, #tpu.memory_space<vmem>>[vector<16xi32>], vector<16xi32>,
        %slice3A = vector.extract_strided_slice %gather3A {offsets = [0], sizes = [1], strides = [1]} : vector<16xi32> to vector<1xi32>
        %squeeze3A = vector.extract %slice3A[0] : i32 from vector<1xi32>
        %shift_left3A = arith.constant 6 : i32
        %shift_left3A_155 = arith.shli %add3A_124, %shift_left3A : i32
        %add3A_156 = arith.constant 0 : i32
        %add3A_157 = arith.addi %shift_left3A_155, %add3A_156 : i32
        %get3A = arith.index_cast %add3A_157 : i32 to index
        %get3A_158 = tpu.vector_load %arg8[%get3A] {strides = array<i32>} : memref<4032xi32, #tpu.memory_space<vmem>>, vector<16xi32>,
        %get3A_159 = arith.index_cast %add3A_157 : i32 to index
        %get3A_160 = tpu.vector_load %arg9[%get3A_159] {strides = array<i32>} : memref<4032xi32, #tpu.memory_space<vmem>>, vector<16xi32>,
        %sub3A = vector.broadcast %mul3A_153 : i32 to vector<16xi32>
        %sub3A_161 = arith.subi %get3A_158, %sub3A : vector<16xi32>
        %jit3A_162 = arith.constant 0 : i32
        %jit3A_163 = arith.constant 511 : i32
        %max3A = vector.broadcast %jit3A_162 : i32 to vector<16xi32>
        %max3A_164 = arith.maxsi %max3A, %sub3A_161 : vector<16xi32>
        %min3A_165 = vector.broadcast %jit3A_163 : i32 to vector<16xi32>
        %min3A_166 = arith.minsi %min3A_165, %max3A_164 : vector<16xi32>
        %parallel_loop3A = arith.constant 0 : i32
        %parallel_loop3A_167 = arith.constant 64 : i32
        %parallel_loop3A_168 = arith.constant 1 : i32
        %parallel_loop3A_169 = arith.constant 1 : i32
        %parallel_loop3A_170 = arith.constant 0 : i32
        scf.for %parallel_loop3A_237 = %parallel_loop3A to %parallel_loop3A_167 step %parallel_loop3A_168  : i32 {
          %parallel_loop3A_238 = vector.broadcast %parallel_loop3A_237 : i32 to vector<16xi32>
          %parallel_loop3A_239 = arith.constant 0 : i32
          %parallel_loop3A_240 = arith.constant 0 : i32
          %parallel_loop3A_241 = tpu.memref_slice %arg6[%parallel_loop3A_169, %parallel_loop3A_239, %parallel_loop3A_240] : memref<3x64x512xf32, #tpu.memory_space<vmem>> -> memref<1x64x512xf32, #tpu.memory_space<vmem>>
          %parallel_loop3A_242 = tpu.memref_squeeze %parallel_loop3A_241 : memref<1x64x512xf32, #tpu.memory_space<vmem>> -> memref<64x512xf32, #tpu.memory_space<vmem>>
          %parallel_loop3A_243 = tpu.vector_load_idx %parallel_loop3A_242[%parallel_loop3A_238, %min3A_166] : memref<64x512xf32, #tpu.memory_space<vmem>>[vector<16xi32>, vector<16xi32>], vector<16xf32>,
          %parallel_loop3A_244 = arith.constant 0 : i32
          %parallel_loop3A_245 = arith.constant 0 : i32
          %parallel_loop3A_246 = tpu.memref_slice %arg11[%parallel_loop3A_170, %parallel_loop3A_244, %parallel_loop3A_245] : memref<4x16x128xf32, #tpu.memory_space<vmem>> -> memref<1x16x128xf32, #tpu.memory_space<vmem>>
          %parallel_loop3A_247 = tpu.memref_squeeze %parallel_loop3A_246 : memref<1x16x128xf32, #tpu.memory_space<vmem>> -> memref<16x128xf32, #tpu.memory_space<vmem>>
          tpu.vector_store_idx %parallel_loop3A_247[%iota3A, %parallel_loop3A_238], %parallel_loop3A_243 : memref<16x128xf32, #tpu.memory_space<vmem>>[vector<16xi32>, vector<16xi32>], vector<16xf32>,
        } {sc.loop_unroll_factor = 16 : i64, sc.parallel_access}
        %dma_start3A_171 = arith.constant 0 : i32
        %dma_start3A_172 = arith.constant 0 : i32
        %dma_start3A_173 = arith.constant 0 : i32
        %dma_start3A_174 = tpu.memref_slice %arg11[%dma_start3A_171, %dma_start3A_172, %dma_start3A_173] : memref<4x16x128xf32, #tpu.memory_space<vmem>> -> memref<1x16x128xf32, #tpu.memory_space<vmem>>
        %dma_start3A_175 = tpu.memref_squeeze %dma_start3A_174 : memref<1x16x128xf32, #tpu.memory_space<vmem>> -> memref<16x128xf32, #tpu.memory_space<vmem>>
        %dma_start3A_176 = arith.constant 0 : i32
        %dma_start3A_177 = arith.constant 0 : i32
        %dma_start3A_178 = tpu.memref_slice %arg4[%dma_start3A_176, %dma_start3A_177] : memref<32800x128xf32, #tpu.memory_space<hbm>> -> memref<32800x128xf32, #tpu.memory_space<hbm>>
        tpu.enqueue_indirect_dma source(%dma_start3A_175 : memref<16x128xf32, #tpu.memory_space<vmem>>) target(%dma_start3A_178 : memref<32800x128xf32, #tpu.memory_space<hbm>>) offsets(%get3A_160 : vector<16xi32>) semaphore(%arg15 : memref<!tpu.dma_semaphore, #tpu.memory_space<semaphore_mem>>)
        %shift_left3A_179 = arith.constant 6 : i32
        %shift_left3A_180 = arith.shli %add3A_124, %shift_left3A_179 : i32
        %add3A_181 = arith.constant 16 : i32
        %add3A_182 = arith.addi %shift_left3A_180, %add3A_181 : i32
        %get3A_183 = arith.index_cast %add3A_182 : i32 to index
        %get3A_184 = tpu.vector_load %arg8[%get3A_183] {strides = array<i32>} : memref<4032xi32, #tpu.memory_space<vmem>>, vector<16xi32>,
        %get3A_185 = arith.index_cast %add3A_182 : i32 to index
        %get3A_186 = tpu.vector_load %arg9[%get3A_185] {strides = array<i32>} : memref<4032xi32, #tpu.memory_space<vmem>>, vector<16xi32>,
        %sub3A_187 = vector.broadcast %mul3A_153 : i32 to vector<16xi32>
        %sub3A_188 = arith.subi %get3A_184, %sub3A_187 : vector<16xi32>
        %jit3A_189 = arith.constant 0 : i32
        %jit3A_190 = arith.constant 511 : i32
        %max3A_191 = vector.broadcast %jit3A_189 : i32 to vector<16xi32>
        %max3A_192 = arith.maxsi %max3A_191, %sub3A_188 : vector<16xi32>
        %min3A_193 = vector.broadcast %jit3A_190 : i32 to vector<16xi32>
        %min3A_194 = arith.minsi %min3A_193, %max3A_192 : vector<16xi32>
        %gt3A = arith.constant 16 : i32
        %gt3A_195 = arith.cmpi sgt, %squeeze3A, %gt3A : i32
        %convert_element_type3A_196 = arith.extui %gt3A_195 : i1 to i32
        %cond3A_197 = arith.constant 1 : i32
        %cond3A_198 = arith.constant 1 : i32
        %cond3A_199 = arith.constant 0 : i32
        %cond3A_200 = arith.cmpi ne, %convert_element_type3A_196, %cond3A_199 : i32
        scf.if %cond3A_200 {
          %parallel_loop3A_237 = arith.constant 0 : i32
          %parallel_loop3A_238 = arith.constant 64 : i32
          %parallel_loop3A_239 = arith.constant 1 : i32
          scf.for %parallel_loop3A_240 = %parallel_loop3A_237 to %parallel_loop3A_238 step %parallel_loop3A_239  : i32 {
            %parallel_loop3A_241 = vector.broadcast %parallel_loop3A_240 : i32 to vector<16xi32>
            %parallel_loop3A_242 = arith.constant 0 : i32
            %parallel_loop3A_243 = arith.constant 0 : i32
            %parallel_loop3A_244 = tpu.memref_slice %arg6[%cond3A_197, %parallel_loop3A_242, %parallel_loop3A_243] : memref<3x64x512xf32, #tpu.memory_space<vmem>> -> memref<1x64x512xf32, #tpu.memory_space<vmem>>
            %parallel_loop3A_245 = tpu.memref_squeeze %parallel_loop3A_244 : memref<1x64x512xf32, #tpu.memory_space<vmem>> -> memref<64x512xf32, #tpu.memory_space<vmem>>
            %parallel_loop3A_246 = tpu.vector_load_idx %parallel_loop3A_245[%parallel_loop3A_241, %min3A_194] : memref<64x512xf32, #tpu.memory_space<vmem>>[vector<16xi32>, vector<16xi32>], vector<16xf32>,
            %parallel_loop3A_247 = arith.constant 0 : i32
            %parallel_loop3A_248 = arith.constant 0 : i32
            %parallel_loop3A_249 = tpu.memref_slice %arg11[%cond3A_198, %parallel_loop3A_247, %parallel_loop3A_248] : memref<4x16x128xf32, #tpu.memory_space<vmem>> -> memref<1x16x128xf32, #tpu.memory_space<vmem>>
            %parallel_loop3A_250 = tpu.memref_squeeze %parallel_loop3A_249 : memref<1x16x128xf32, #tpu.memory_space<vmem>> -> memref<16x128xf32, #tpu.memory_space<vmem>>
            tpu.vector_store_idx %parallel_loop3A_250[%iota3A, %parallel_loop3A_241], %parallel_loop3A_246 : memref<16x128xf32, #tpu.memory_space<vmem>>[vector<16xi32>, vector<16xi32>], vector<16xf32>,
          } {sc.loop_unroll_factor = 16 : i64, sc.parallel_access}
        } else {
        }
        %dma_start3A_201 = arith.constant 1 : i32
        %dma_start3A_202 = arith.constant 0 : i32
        %dma_start3A_203 = arith.constant 0 : i32
        %dma_start3A_204 = tpu.memref_slice %arg11[%dma_start3A_201, %dma_start3A_202, %dma_start3A_203] : memref<4x16x128xf32, #tpu.memory_space<vmem>> -> memref<1x16x128xf32, #tpu.memory_space<vmem>>
        %dma_start3A_205 = tpu.memref_squeeze %dma_start3A_204 : memref<1x16x128xf32, #tpu.memory_space<vmem>> -> memref<16x128xf32, #tpu.memory_space<vmem>>
        %dma_start3A_206 = arith.constant 0 : i32
        %dma_start3A_207 = arith.constant 0 : i32
        %dma_start3A_208 = tpu.memref_slice %arg4[%dma_start3A_206, %dma_start3A_207] : memref<32800x128xf32, #tpu.memory_space<hbm>> -> memref<32800x128xf32, #tpu.memory_space<hbm>>
        tpu.enqueue_indirect_dma source(%dma_start3A_205 : memref<16x128xf32, #tpu.memory_space<vmem>>) target(%dma_start3A_208 : memref<32800x128xf32, #tpu.memory_space<hbm>>) offsets(%get3A_186 : vector<16xi32>) semaphore(%arg15 : memref<!tpu.dma_semaphore, #tpu.memory_space<semaphore_mem>>)
        %gt3A_209 = arith.constant 32 : i32
        %gt3A_210 = arith.cmpi sgt, %squeeze3A, %gt3A_209 : i32
        %convert_element_type3A_211 = arith.extui %gt3A_210 : i1 to i32
        %cond3A_212 = arith.constant 1 : i32
        %cond3A_213 = arith.constant 0 : i32
        %cond3A_214 = arith.cmpi ne, %convert_element_type3A_211, %cond3A_213 : i32
        scf.if %cond3A_214 {
          %shift_left3A_237 = arith.constant 6 : i32
          %shift_left3A_238 = arith.shli %add3A_124, %shift_left3A_237 : i32
          %add3A_239 = arith.constant 32 : i32
          %add3A_240 = arith.addi %shift_left3A_238, %add3A_239 : i32
          %get3A_241 = arith.index_cast %add3A_240 : i32 to index
          %get3A_242 = tpu.vector_load %arg8[%get3A_241] {strides = array<i32>} : memref<4032xi32, #tpu.memory_space<vmem>>, vector<16xi32>,
          %get3A_243 = arith.index_cast %add3A_240 : i32 to index
          %get3A_244 = tpu.vector_load %arg9[%get3A_243] {strides = array<i32>} : memref<4032xi32, #tpu.memory_space<vmem>>, vector<16xi32>,
          %sub3A_245 = vector.broadcast %mul3A_153 : i32 to vector<16xi32>
          %sub3A_246 = arith.subi %get3A_242, %sub3A_245 : vector<16xi32>
          %jit3A_247 = arith.constant 0 : i32
          %jit3A_248 = arith.constant 511 : i32
          %max3A_249 = vector.broadcast %jit3A_247 : i32 to vector<16xi32>
          %max3A_250 = arith.maxsi %max3A_249, %sub3A_246 : vector<16xi32>
          %min3A_251 = vector.broadcast %jit3A_248 : i32 to vector<16xi32>
          %min3A_252 = arith.minsi %min3A_251, %max3A_250 : vector<16xi32>
          %parallel_loop3A_253 = arith.constant 0 : i32
          %parallel_loop3A_254 = arith.constant 64 : i32
          %parallel_loop3A_255 = arith.constant 1 : i32
          %parallel_loop3A_256 = arith.constant 2 : i32
          scf.for %parallel_loop3A_278 = %parallel_loop3A_253 to %parallel_loop3A_254 step %parallel_loop3A_255  : i32 {
            %parallel_loop3A_279 = vector.broadcast %parallel_loop3A_278 : i32 to vector<16xi32>
            %parallel_loop3A_280 = arith.constant 0 : i32
            %parallel_loop3A_281 = arith.constant 0 : i32
            %parallel_loop3A_282 = tpu.memref_slice %arg6[%cond3A_212, %parallel_loop3A_280, %parallel_loop3A_281] : memref<3x64x512xf32, #tpu.memory_space<vmem>> -> memref<1x64x512xf32, #tpu.memory_space<vmem>>
            %parallel_loop3A_283 = tpu.memref_squeeze %parallel_loop3A_282 : memref<1x64x512xf32, #tpu.memory_space<vmem>> -> memref<64x512xf32, #tpu.memory_space<vmem>>
            %parallel_loop3A_284 = tpu.vector_load_idx %parallel_loop3A_283[%parallel_loop3A_279, %min3A_252] : memref<64x512xf32, #tpu.memory_space<vmem>>[vector<16xi32>, vector<16xi32>], vector<16xf32>,
            %parallel_loop3A_285 = arith.constant 0 : i32
            %parallel_loop3A_286 = arith.constant 0 : i32
            %parallel_loop3A_287 = tpu.memref_slice %arg11[%parallel_loop3A_256, %parallel_loop3A_285, %parallel_loop3A_286] : memref<4x16x128xf32, #tpu.memory_space<vmem>> -> memref<1x16x128xf32, #tpu.memory_space<vmem>>
            %parallel_loop3A_288 = tpu.memref_squeeze %parallel_loop3A_287 : memref<1x16x128xf32, #tpu.memory_space<vmem>> -> memref<16x128xf32, #tpu.memory_space<vmem>>
            tpu.vector_store_idx %parallel_loop3A_288[%iota3A, %parallel_loop3A_279], %parallel_loop3A_284 : memref<16x128xf32, #tpu.memory_space<vmem>>[vector<16xi32>, vector<16xi32>], vector<16xf32>,
          } {sc.loop_unroll_factor = 16 : i64, sc.parallel_access}
          %dma_start3A_257 = arith.constant 2 : i32
          %dma_start3A_258 = arith.constant 0 : i32
          %dma_start3A_259 = arith.constant 0 : i32
          %dma_start3A_260 = tpu.memref_slice %arg11[%dma_start3A_257, %dma_start3A_258, %dma_start3A_259] : memref<4x16x128xf32, #tpu.memory_space<vmem>> -> memref<1x16x128xf32, #tpu.memory_space<vmem>>
          %dma_start3A_261 = tpu.memref_squeeze %dma_start3A_260 : memref<1x16x128xf32, #tpu.memory_space<vmem>> -> memref<16x128xf32, #tpu.memory_space<vmem>>
          %dma_start3A_262 = arith.constant 0 : i32
          %dma_start3A_263 = arith.constant 0 : i32
          %dma_start3A_264 = tpu.memref_slice %arg4[%dma_start3A_262, %dma_start3A_263] : memref<32800x128xf32, #tpu.memory_space<hbm>> -> memref<32800x128xf32, #tpu.memory_space<hbm>>
          tpu.enqueue_indirect_dma source(%dma_start3A_261 : memref<16x128xf32, #tpu.memory_space<vmem>>) target(%dma_start3A_264 : memref<32800x128xf32, #tpu.memory_space<hbm>>) offsets(%get3A_244 : vector<16xi32>) semaphore(%arg15 : memref<!tpu.dma_semaphore, #tpu.memory_space<semaphore_mem>>)
          %gt3A_265 = arith.constant 48 : i32
          %gt3A_266 = arith.cmpi sgt, %squeeze3A, %gt3A_265 : i32
          %convert_element_type3A_267 = arith.extui %gt3A_266 : i1 to i32
          %cond3A_268 = arith.constant 0 : i32
          %cond3A_269 = arith.cmpi ne, %convert_element_type3A_267, %cond3A_268 : i32
          scf.if %cond3A_269 {
            %shift_left3A_278 = arith.constant 6 : i32
            %shift_left3A_279 = arith.shli %add3A_124, %shift_left3A_278 : i32
            %add3A_280 = arith.constant 48 : i32
            %add3A_281 = arith.addi %shift_left3A_279, %add3A_280 : i32
            %get3A_282 = arith.index_cast %add3A_281 : i32 to index
            %get3A_283 = tpu.vector_load %arg8[%get3A_282] {strides = array<i32>} : memref<4032xi32, #tpu.memory_space<vmem>>, vector<16xi32>,
            %get3A_284 = arith.index_cast %add3A_281 : i32 to index
            %get3A_285 = tpu.vector_load %arg9[%get3A_284] {strides = array<i32>} : memref<4032xi32, #tpu.memory_space<vmem>>, vector<16xi32>,
            %sub3A_286 = vector.broadcast %mul3A_153 : i32 to vector<16xi32>
            %sub3A_287 = arith.subi %get3A_283, %sub3A_286 : vector<16xi32>
            %jit3A_288 = arith.constant 0 : i32
            %jit3A_289 = arith.constant 511 : i32
            %max3A_290 = vector.broadcast %jit3A_288 : i32 to vector<16xi32>
            %max3A_291 = arith.maxsi %max3A_290, %sub3A_287 : vector<16xi32>
            %min3A_292 = vector.broadcast %jit3A_289 : i32 to vector<16xi32>
            %min3A_293 = arith.minsi %min3A_292, %max3A_291 : vector<16xi32>
            %parallel_loop3A_294 = arith.constant 0 : i32
            %parallel_loop3A_295 = arith.constant 64 : i32
            %parallel_loop3A_296 = arith.constant 1 : i32
            %parallel_loop3A_297 = arith.constant 3 : i32
            scf.for %parallel_loop3A_314 = %parallel_loop3A_294 to %parallel_loop3A_295 step %parallel_loop3A_296  : i32 {
              %parallel_loop3A_315 = vector.broadcast %parallel_loop3A_314 : i32 to vector<16xi32>
              %parallel_loop3A_316 = arith.constant 0 : i32
              %parallel_loop3A_317 = arith.constant 0 : i32
              %parallel_loop3A_318 = tpu.memref_slice %arg6[%cond3A_212, %parallel_loop3A_316, %parallel_loop3A_317] : memref<3x64x512xf32, #tpu.memory_space<vmem>> -> memref<1x64x512xf32, #tpu.memory_space<vmem>>
              %parallel_loop3A_319 = tpu.memref_squeeze %parallel_loop3A_318 : memref<1x64x512xf32, #tpu.memory_space<vmem>> -> memref<64x512xf32, #tpu.memory_space<vmem>>
              %parallel_loop3A_320 = tpu.vector_load_idx %parallel_loop3A_319[%parallel_loop3A_315, %min3A_293] : memref<64x512xf32, #tpu.memory_space<vmem>>[vector<16xi32>, vector<16xi32>], vector<16xf32>,
              %parallel_loop3A_321 = arith.constant 0 : i32
              %parallel_loop3A_322 = arith.constant 0 : i32
              %parallel_loop3A_323 = tpu.memref_slice %arg11[%parallel_loop3A_297, %parallel_loop3A_321, %parallel_loop3A_322] : memref<4x16x128xf32, #tpu.memory_space<vmem>> -> memref<1x16x128xf32, #tpu.memory_space<vmem>>
              %parallel_loop3A_324 = tpu.memref_squeeze %parallel_loop3A_323 : memref<1x16x128xf32, #tpu.memory_space<vmem>> -> memref<16x128xf32, #tpu.memory_space<vmem>>
              tpu.vector_store_idx %parallel_loop3A_324[%iota3A, %parallel_loop3A_315], %parallel_loop3A_320 : memref<16x128xf32, #tpu.memory_space<vmem>>[vector<16xi32>, vector<16xi32>], vector<16xf32>,
            } {sc.loop_unroll_factor = 16 : i64, sc.parallel_access}
            %dma_start3A_298 = arith.constant 3 : i32
            %dma_start3A_299 = arith.constant 0 : i32
            %dma_start3A_300 = arith.constant 0 : i32
            %dma_start3A_301 = tpu.memref_slice %arg11[%dma_start3A_298, %dma_start3A_299, %dma_start3A_300] : memref<4x16x128xf32, #tpu.memory_space<vmem>> -> memref<1x16x128xf32, #tpu.memory_space<vmem>>
            %dma_start3A_302 = tpu.memref_squeeze %dma_start3A_301 : memref<1x16x128xf32, #tpu.memory_space<vmem>> -> memref<16x128xf32, #tpu.memory_space<vmem>>
            %dma_start3A_303 = arith.constant 0 : i32
            %dma_start3A_304 = arith.constant 0 : i32
            %dma_start3A_305 = tpu.memref_slice %arg4[%dma_start3A_303, %dma_start3A_304] : memref<32800x128xf32, #tpu.memory_space<hbm>> -> memref<32800x128xf32, #tpu.memory_space<hbm>>
            tpu.enqueue_indirect_dma source(%dma_start3A_302 : memref<16x128xf32, #tpu.memory_space<vmem>>) target(%dma_start3A_305 : memref<32800x128xf32, #tpu.memory_space<hbm>>) offsets(%get3A_285 : vector<16xi32>) semaphore(%arg15 : memref<!tpu.dma_semaphore, #tpu.memory_space<semaphore_mem>>)
            %dma_wait3A_306 = arith.constant 3 : i32
            %dma_wait3A_307 = arith.constant 0 : i32
            %dma_wait3A_308 = arith.constant 0 : i32
            %dma_wait3A_309 = tpu.memref_slice %arg11[%dma_wait3A_306, %dma_wait3A_307, %dma_wait3A_308] : memref<4x16x128xf32, #tpu.memory_space<vmem>> -> memref<1x16x128xf32, #tpu.memory_space<vmem>>
            %dma_wait3A_310 = tpu.memref_squeeze %dma_wait3A_309 : memref<1x16x128xf32, #tpu.memory_space<vmem>> -> memref<16x128xf32, #tpu.memory_space<vmem>>
            %dma_wait3A_311 = arith.constant 0 : i32
            %dma_wait3A_312 = arith.constant 0 : i32
            %dma_wait3A_313 = tpu.memref_slice %arg4[%dma_wait3A_311, %dma_wait3A_312] : memref<32800x128xf32, #tpu.memory_space<hbm>> -> memref<32800x128xf32, #tpu.memory_space<hbm>>
            tpu.wait_indirect_dma semaphore(%arg15 : memref<!tpu.dma_semaphore, #tpu.memory_space<semaphore_mem>>) src(%dma_wait3A_310 : memref<16x128xf32, #tpu.memory_space<vmem>>) dst(%dma_wait3A_313 : memref<32800x128xf32, #tpu.memory_space<hbm>>)
          } else {
          }
          %dma_wait3A_270 = arith.constant 2 : i32
          %dma_wait3A_271 = arith.constant 0 : i32
          %dma_wait3A_272 = arith.constant 0 : i32
          %dma_wait3A_273 = tpu.memref_slice %arg11[%dma_wait3A_270, %dma_wait3A_271, %dma_wait3A_272] : memref<4x16x128xf32, #tpu.memory_space<vmem>> -> memref<1x16x128xf32, #tpu.memory_space<vmem>>
          %dma_wait3A_274 = tpu.memref_squeeze %dma_wait3A_273 : memref<1x16x128xf32, #tpu.memory_space<vmem>> -> memref<16x128xf32, #tpu.memory_space<vmem>>
          %dma_wait3A_275 = arith.constant 0 : i32
          %dma_wait3A_276 = arith.constant 0 : i32
          %dma_wait3A_277 = tpu.memref_slice %arg4[%dma_wait3A_275, %dma_wait3A_276] : memref<32800x128xf32, #tpu.memory_space<hbm>> -> memref<32800x128xf32, #tpu.memory_space<hbm>>
          tpu.wait_indirect_dma semaphore(%arg15 : memref<!tpu.dma_semaphore, #tpu.memory_space<semaphore_mem>>) src(%dma_wait3A_274 : memref<16x128xf32, #tpu.memory_space<vmem>>) dst(%dma_wait3A_277 : memref<32800x128xf32, #tpu.memory_space<hbm>>)
        } else {
        }
        %dma_wait3A_215 = arith.constant 0 : i32
        %dma_wait3A_216 = arith.constant 0 : i32
        %dma_wait3A_217 = arith.constant 0 : i32
        %dma_wait3A_218 = tpu.memref_slice %arg11[%dma_wait3A_215, %dma_wait3A_216, %dma_wait3A_217] : memref<4x16x128xf32, #tpu.memory_space<vmem>> -> memref<1x16x128xf32, #tpu.memory_space<vmem>>
        %dma_wait3A_219 = tpu.memref_squeeze %dma_wait3A_218 : memref<1x16x128xf32, #tpu.memory_space<vmem>> -> memref<16x128xf32, #tpu.memory_space<vmem>>
        %dma_wait3A_220 = arith.constant 0 : i32
        %dma_wait3A_221 = arith.constant 0 : i32
        %dma_wait3A_222 = tpu.memref_slice %arg4[%dma_wait3A_220, %dma_wait3A_221] : memref<32800x128xf32, #tpu.memory_space<hbm>> -> memref<32800x128xf32, #tpu.memory_space<hbm>>
        tpu.wait_indirect_dma semaphore(%arg15 : memref<!tpu.dma_semaphore, #tpu.memory_space<semaphore_mem>>) src(%dma_wait3A_219 : memref<16x128xf32, #tpu.memory_space<vmem>>) dst(%dma_wait3A_222 : memref<32800x128xf32, #tpu.memory_space<hbm>>)
        %dma_wait3A_223 = arith.constant 1 : i32
        %dma_wait3A_224 = arith.constant 0 : i32
        %dma_wait3A_225 = arith.constant 0 : i32
        %dma_wait3A_226 = tpu.memref_slice %arg11[%dma_wait3A_223, %dma_wait3A_224, %dma_wait3A_225] : memref<4x16x128xf32, #tpu.memory_space<vmem>> -> memref<1x16x128xf32, #tpu.memory_space<vmem>>
        %dma_wait3A_227 = tpu.memref_squeeze %dma_wait3A_226 : memref<1x16x128xf32, #tpu.memory_space<vmem>> -> memref<16x128xf32, #tpu.memory_space<vmem>>
        %dma_wait3A_228 = arith.constant 0 : i32
        %dma_wait3A_229 = arith.constant 0 : i32
        %dma_wait3A_230 = tpu.memref_slice %arg4[%dma_wait3A_228, %dma_wait3A_229] : memref<32800x128xf32, #tpu.memory_space<hbm>> -> memref<32800x128xf32, #tpu.memory_space<hbm>>
        tpu.wait_indirect_dma semaphore(%arg15 : memref<!tpu.dma_semaphore, #tpu.memory_space<semaphore_mem>>) src(%dma_wait3A_227 : memref<16x128xf32, #tpu.memory_space<vmem>>) dst(%dma_wait3A_230 : memref<32800x128xf32, #tpu.memory_space<hbm>>)
        %add3A_231 = arith.constant 3 : i32
        %add3A_232 = arith.addi %add3A_124, %add3A_231 : i32
        %lt3A_233 = arith.cmpi slt, %add3A_232, %select_n3A : i32
        %convert_element_type3A_234 = arith.extui %lt3A_233 : i1 to i32
        %cond3A_235 = arith.constant 0 : i32
        %cond3A_236 = arith.cmpi ne, %convert_element_type3A_234, %cond3A_235 : i32
        scf.if %cond3A_236 {
          %add3A_237 = arith.addi %add3A_4, %add3A_124 : i32
          %add3A_238 = arith.constant 3 : i32
          %add3A_239 = arith.addi %add3A_237, %add3A_238 : i32
          %mul3A_240 = arith.constant 512 : i32
          %mul3A_241 = arith.muli %add3A_239, %mul3A_240 : i32
          %dma_start3A_242 = arith.constant 1 : i32
          %dma_start3A_243 = arith.constant 0 : i32
          %dma_start3A_244 = arith.constant 0 : i32
          %dma_start3A_245 = tpu.memref_slice %arg6[%dma_start3A_242, %dma_start3A_243, %dma_start3A_244] : memref<3x64x512xf32, #tpu.memory_space<vmem>> -> memref<1x64x512xf32, #tpu.memory_space<vmem>>
          %dma_start3A_246 = tpu.memref_squeeze %dma_start3A_245 : memref<1x64x512xf32, #tpu.memory_space<vmem>> -> memref<64x512xf32, #tpu.memory_space<vmem>>
          %dma_start3A_247 = arith.constant 0 : i32
          %dma_start3A_248 = tpu.memref_slice %arg3[%dma_start3A_247, %mul3A_241] : memref<64x1000000xf32, #tpu.memory_space<hbm>> -> memref<64x512xf32, #tpu.memory_space<hbm>>
          %dma_start3A_249 = arith.constant 0 : i32
          %dma_start3A_250 = arith.constant 0 : i32
          %dma_start3A_251 = tpu.memref_slice %arg6[%dma_start3A_242, %dma_start3A_249, %dma_start3A_250] : memref<3x64x512xf32, #tpu.memory_space<vmem>> -> memref<1x64x512xf32, #tpu.memory_space<vmem>>
          %dma_start3A_252 = tpu.memref_squeeze %dma_start3A_251 : memref<1x64x512xf32, #tpu.memory_space<vmem>> -> memref<64x512xf32, #tpu.memory_space<vmem>>
          %dma_start3A_253 = arith.constant 0 : i32
          %dma_start3A_254 = tpu.memref_slice %arg3[%dma_start3A_253, %mul3A_241] : memref<64x1000000xf32, #tpu.memory_space<hbm>> -> memref<64x512xf32, #tpu.memory_space<hbm>>
          tpu.enqueue_dma source(%dma_start3A_254 : memref<64x512xf32, #tpu.memory_space<hbm>>) target(%dma_start3A_252 : memref<64x512xf32, #tpu.memory_space<vmem>>) target_semaphore(%arg13 : memref<!tpu.dma_semaphore, #tpu.memory_space<semaphore_mem>>)
        } else {
        }
      } else {
      }
      %mul3A_129 = arith.constant 3 : i32
      %mul3A_130 = arith.muli %mul3A_129, %scan3A_113 : i32
      %add3A_131 = arith.constant 2 : i32
      %add3A_132 = arith.addi %mul3A_130, %add3A_131 : i32
      %lt3A_133 = arith.cmpi slt, %add3A_132, %select_n3A : i32
      %convert_element_type3A_134 = arith.extui %lt3A_133 : i1 to i32
      %cond3A_135 = arith.constant 0 : i32
      %cond3A_136 = arith.cmpi ne, %convert_element_type3A_134, %cond3A_135 : i32
      scf.if %cond3A_136 {
        %dma_wait3A = arith.constant 2 : i32
        %dma_wait3A_137 = arith.constant 0 : i32
        %dma_wait3A_138 = arith.constant 0 : i32
        %dma_wait3A_139 = tpu.memref_slice %arg6[%dma_wait3A, %dma_wait3A_137, %dma_wait3A_138] : memref<3x64x512xf32, #tpu.memory_space<vmem>> -> memref<1x64x512xf32, #tpu.memory_space<vmem>>
        %dma_wait3A_140 = tpu.memref_squeeze %dma_wait3A_139 : memref<1x64x512xf32, #tpu.memory_space<vmem>> -> memref<64x512xf32, #tpu.memory_space<vmem>>
        %dma_wait3A_141 = arith.constant 0 : i32
        %dma_wait3A_142 = arith.constant 0 : i32
        %dma_wait3A_143 = tpu.memref_slice %arg3[%dma_wait3A_141, %dma_wait3A_142] : memref<64x1000000xf32, #tpu.memory_space<hbm>> -> memref<64x512xf32, #tpu.memory_space<hbm>>
        %dma_wait3A_144 = arith.constant 0 : i32
        %dma_wait3A_145 = arith.constant 0 : i32
        %dma_wait3A_146 = tpu.memref_slice %arg6[%dma_wait3A, %dma_wait3A_144, %dma_wait3A_145] : memref<3x64x512xf32, #tpu.memory_space<vmem>> -> memref<1x64x512xf32, #tpu.memory_space<vmem>>
        %dma_wait3A_147 = tpu.memref_squeeze %dma_wait3A_146 : memref<1x64x512xf32, #tpu.memory_space<vmem>> -> memref<64x512xf32, #tpu.memory_space<vmem>>
        %dma_wait3A_148 = arith.constant 0 : i32
        %dma_wait3A_149 = arith.constant 0 : i32
        %dma_wait3A_150 = tpu.memref_slice %arg3[%dma_wait3A_148, %dma_wait3A_149] : memref<64x1000000xf32, #tpu.memory_space<hbm>> -> memref<64x512xf32, #tpu.memory_space<hbm>>
        tpu.wait_dma2 semaphore(%arg14 : memref<!tpu.dma_semaphore, #tpu.memory_space<semaphore_mem>>) src(%dma_wait3A_150 : memref<64x512xf32, #tpu.memory_space<hbm>>) dst(%dma_wait3A_147 : memref<64x512xf32, #tpu.memory_space<vmem>>)
        %add3A_151 = arith.addi %add3A_4, %add3A_132 : i32
        %mul3A_152 = arith.constant 512 : i32
        %mul3A_153 = arith.muli %add3A_151, %mul3A_152 : i32
        %broadcast_in_dim3A_154 = vector.broadcast %add3A_132 : i32 to vector<16xi32>
        %gather3A = tpu.vector_load_idx %arg10[%broadcast_in_dim3A_154] : memref<64xi32, #tpu.memory_space<vmem>>[vector<16xi32>], vector<16xi32>,
        %slice3A = vector.extract_strided_slice %gather3A {offsets = [0], sizes = [1], strides = [1]} : vector<16xi32> to vector<1xi32>
        %squeeze3A = vector.extract %slice3A[0] : i32 from vector<1xi32>
        %shift_left3A = arith.constant 6 : i32
        %shift_left3A_155 = arith.shli %add3A_132, %shift_left3A : i32
        %add3A_156 = arith.constant 0 : i32
        %add3A_157 = arith.addi %shift_left3A_155, %add3A_156 : i32
        %get3A = arith.index_cast %add3A_157 : i32 to index
        %get3A_158 = tpu.vector_load %arg8[%get3A] {strides = array<i32>} : memref<4032xi32, #tpu.memory_space<vmem>>, vector<16xi32>,
        %get3A_159 = arith.index_cast %add3A_157 : i32 to index
        %get3A_160 = tpu.vector_load %arg9[%get3A_159] {strides = array<i32>} : memref<4032xi32, #tpu.memory_space<vmem>>, vector<16xi32>,
        %sub3A = vector.broadcast %mul3A_153 : i32 to vector<16xi32>
        %sub3A_161 = arith.subi %get3A_158, %sub3A : vector<16xi32>
        %jit3A_162 = arith.constant 0 : i32
        %jit3A_163 = arith.constant 511 : i32
        %max3A = vector.broadcast %jit3A_162 : i32 to vector<16xi32>
        %max3A_164 = arith.maxsi %max3A, %sub3A_161 : vector<16xi32>
        %min3A_165 = vector.broadcast %jit3A_163 : i32 to vector<16xi32>
        %min3A_166 = arith.minsi %min3A_165, %max3A_164 : vector<16xi32>
        %parallel_loop3A = arith.constant 0 : i32
        %parallel_loop3A_167 = arith.constant 64 : i32
        %parallel_loop3A_168 = arith.constant 1 : i32
        %parallel_loop3A_169 = arith.constant 2 : i32
        %parallel_loop3A_170 = arith.constant 0 : i32
        scf.for %parallel_loop3A_237 = %parallel_loop3A to %parallel_loop3A_167 step %parallel_loop3A_168  : i32 {
          %parallel_loop3A_238 = vector.broadcast %parallel_loop3A_237 : i32 to vector<16xi32>
          %parallel_loop3A_239 = arith.constant 0 : i32
          %parallel_loop3A_240 = arith.constant 0 : i32
          %parallel_loop3A_241 = tpu.memref_slice %arg6[%parallel_loop3A_169, %parallel_loop3A_239, %parallel_loop3A_240] : memref<3x64x512xf32, #tpu.memory_space<vmem>> -> memref<1x64x512xf32, #tpu.memory_space<vmem>>
          %parallel_loop3A_242 = tpu.memref_squeeze %parallel_loop3A_241 : memref<1x64x512xf32, #tpu.memory_space<vmem>> -> memref<64x512xf32, #tpu.memory_space<vmem>>
          %parallel_loop3A_243 = tpu.vector_load_idx %parallel_loop3A_242[%parallel_loop3A_238, %min3A_166] : memref<64x512xf32, #tpu.memory_space<vmem>>[vector<16xi32>, vector<16xi32>], vector<16xf32>,
          %parallel_loop3A_244 = arith.constant 0 : i32
          %parallel_loop3A_245 = arith.constant 0 : i32
          %parallel_loop3A_246 = tpu.memref_slice %arg11[%parallel_loop3A_170, %parallel_loop3A_244, %parallel_loop3A_245] : memref<4x16x128xf32, #tpu.memory_space<vmem>> -> memref<1x16x128xf32, #tpu.memory_space<vmem>>
          %parallel_loop3A_247 = tpu.memref_squeeze %parallel_loop3A_246 : memref<1x16x128xf32, #tpu.memory_space<vmem>> -> memref<16x128xf32, #tpu.memory_space<vmem>>
          tpu.vector_store_idx %parallel_loop3A_247[%iota3A, %parallel_loop3A_238], %parallel_loop3A_243 : memref<16x128xf32, #tpu.memory_space<vmem>>[vector<16xi32>, vector<16xi32>], vector<16xf32>,
        } {sc.loop_unroll_factor = 16 : i64, sc.parallel_access}
        %dma_start3A_171 = arith.constant 0 : i32
        %dma_start3A_172 = arith.constant 0 : i32
        %dma_start3A_173 = arith.constant 0 : i32
        %dma_start3A_174 = tpu.memref_slice %arg11[%dma_start3A_171, %dma_start3A_172, %dma_start3A_173] : memref<4x16x128xf32, #tpu.memory_space<vmem>> -> memref<1x16x128xf32, #tpu.memory_space<vmem>>
        %dma_start3A_175 = tpu.memref_squeeze %dma_start3A_174 : memref<1x16x128xf32, #tpu.memory_space<vmem>> -> memref<16x128xf32, #tpu.memory_space<vmem>>
        %dma_start3A_176 = arith.constant 0 : i32
        %dma_start3A_177 = arith.constant 0 : i32
        %dma_start3A_178 = tpu.memref_slice %arg4[%dma_start3A_176, %dma_start3A_177] : memref<32800x128xf32, #tpu.memory_space<hbm>> -> memref<32800x128xf32, #tpu.memory_space<hbm>>
        tpu.enqueue_indirect_dma source(%dma_start3A_175 : memref<16x128xf32, #tpu.memory_space<vmem>>) target(%dma_start3A_178 : memref<32800x128xf32, #tpu.memory_space<hbm>>) offsets(%get3A_160 : vector<16xi32>) semaphore(%arg15 : memref<!tpu.dma_semaphore, #tpu.memory_space<semaphore_mem>>)
        %shift_left3A_179 = arith.constant 6 : i32
        %shift_left3A_180 = arith.shli %add3A_132, %shift_left3A_179 : i32
        %add3A_181 = arith.constant 16 : i32
        %add3A_182 = arith.addi %shift_left3A_180, %add3A_181 : i32
        %get3A_183 = arith.index_cast %add3A_182 : i32 to index
        %get3A_184 = tpu.vector_load %arg8[%get3A_183] {strides = array<i32>} : memref<4032xi32, #tpu.memory_space<vmem>>, vector<16xi32>,
        %get3A_185 = arith.index_cast %add3A_182 : i32 to index
        %get3A_186 = tpu.vector_load %arg9[%get3A_185] {strides = array<i32>} : memref<4032xi32, #tpu.memory_space<vmem>>, vector<16xi32>,
        %sub3A_187 = vector.broadcast %mul3A_153 : i32 to vector<16xi32>
        %sub3A_188 = arith.subi %get3A_184, %sub3A_187 : vector<16xi32>
        %jit3A_189 = arith.constant 0 : i32
        %jit3A_190 = arith.constant 511 : i32
        %max3A_191 = vector.broadcast %jit3A_189 : i32 to vector<16xi32>
        %max3A_192 = arith.maxsi %max3A_191, %sub3A_188 : vector<16xi32>
        %min3A_193 = vector.broadcast %jit3A_190 : i32 to vector<16xi32>
        %min3A_194 = arith.minsi %min3A_193, %max3A_192 : vector<16xi32>
        %gt3A = arith.constant 16 : i32
        %gt3A_195 = arith.cmpi sgt, %squeeze3A, %gt3A : i32
        %convert_element_type3A_196 = arith.extui %gt3A_195 : i1 to i32
        %cond3A_197 = arith.constant 2 : i32
        %cond3A_198 = arith.constant 1 : i32
        %cond3A_199 = arith.constant 0 : i32
        %cond3A_200 = arith.cmpi ne, %convert_element_type3A_196, %cond3A_199 : i32
        scf.if %cond3A_200 {
          %parallel_loop3A_237 = arith.constant 0 : i32
          %parallel_loop3A_238 = arith.constant 64 : i32
          %parallel_loop3A_239 = arith.constant 1 : i32
          scf.for %parallel_loop3A_240 = %parallel_loop3A_237 to %parallel_loop3A_238 step %parallel_loop3A_239  : i32 {
            %parallel_loop3A_241 = vector.broadcast %parallel_loop3A_240 : i32 to vector<16xi32>
            %parallel_loop3A_242 = arith.constant 0 : i32
            %parallel_loop3A_243 = arith.constant 0 : i32
            %parallel_loop3A_244 = tpu.memref_slice %arg6[%cond3A_197, %parallel_loop3A_242, %parallel_loop3A_243] : memref<3x64x512xf32, #tpu.memory_space<vmem>> -> memref<1x64x512xf32, #tpu.memory_space<vmem>>
            %parallel_loop3A_245 = tpu.memref_squeeze %parallel_loop3A_244 : memref<1x64x512xf32, #tpu.memory_space<vmem>> -> memref<64x512xf32, #tpu.memory_space<vmem>>
            %parallel_loop3A_246 = tpu.vector_load_idx %parallel_loop3A_245[%parallel_loop3A_241, %min3A_194] : memref<64x512xf32, #tpu.memory_space<vmem>>[vector<16xi32>, vector<16xi32>], vector<16xf32>,
            %parallel_loop3A_247 = arith.constant 0 : i32
            %parallel_loop3A_248 = arith.constant 0 : i32
            %parallel_loop3A_249 = tpu.memref_slice %arg11[%cond3A_198, %parallel_loop3A_247, %parallel_loop3A_248] : memref<4x16x128xf32, #tpu.memory_space<vmem>> -> memref<1x16x128xf32, #tpu.memory_space<vmem>>
            %parallel_loop3A_250 = tpu.memref_squeeze %parallel_loop3A_249 : memref<1x16x128xf32, #tpu.memory_space<vmem>> -> memref<16x128xf32, #tpu.memory_space<vmem>>
            tpu.vector_store_idx %parallel_loop3A_250[%iota3A, %parallel_loop3A_241], %parallel_loop3A_246 : memref<16x128xf32, #tpu.memory_space<vmem>>[vector<16xi32>, vector<16xi32>], vector<16xf32>,
          } {sc.loop_unroll_factor = 16 : i64, sc.parallel_access}
        } else {
        }
        %dma_start3A_201 = arith.constant 1 : i32
        %dma_start3A_202 = arith.constant 0 : i32
        %dma_start3A_203 = arith.constant 0 : i32
        %dma_start3A_204 = tpu.memref_slice %arg11[%dma_start3A_201, %dma_start3A_202, %dma_start3A_203] : memref<4x16x128xf32, #tpu.memory_space<vmem>> -> memref<1x16x128xf32, #tpu.memory_space<vmem>>
        %dma_start3A_205 = tpu.memref_squeeze %dma_start3A_204 : memref<1x16x128xf32, #tpu.memory_space<vmem>> -> memref<16x128xf32, #tpu.memory_space<vmem>>
        %dma_start3A_206 = arith.constant 0 : i32
        %dma_start3A_207 = arith.constant 0 : i32
        %dma_start3A_208 = tpu.memref_slice %arg4[%dma_start3A_206, %dma_start3A_207] : memref<32800x128xf32, #tpu.memory_space<hbm>> -> memref<32800x128xf32, #tpu.memory_space<hbm>>
        tpu.enqueue_indirect_dma source(%dma_start3A_205 : memref<16x128xf32, #tpu.memory_space<vmem>>) target(%dma_start3A_208 : memref<32800x128xf32, #tpu.memory_space<hbm>>) offsets(%get3A_186 : vector<16xi32>) semaphore(%arg15 : memref<!tpu.dma_semaphore, #tpu.memory_space<semaphore_mem>>)
        %gt3A_209 = arith.constant 32 : i32
        %gt3A_210 = arith.cmpi sgt, %squeeze3A, %gt3A_209 : i32
        %convert_element_type3A_211 = arith.extui %gt3A_210 : i1 to i32
        %cond3A_212 = arith.constant 2 : i32
        %cond3A_213 = arith.constant 0 : i32
        %cond3A_214 = arith.cmpi ne, %convert_element_type3A_211, %cond3A_213 : i32
        scf.if %cond3A_214 {
          %shift_left3A_237 = arith.constant 6 : i32
          %shift_left3A_238 = arith.shli %add3A_132, %shift_left3A_237 : i32
          %add3A_239 = arith.constant 32 : i32
          %add3A_240 = arith.addi %shift_left3A_238, %add3A_239 : i32
          %get3A_241 = arith.index_cast %add3A_240 : i32 to index
          %get3A_242 = tpu.vector_load %arg8[%get3A_241] {strides = array<i32>} : memref<4032xi32, #tpu.memory_space<vmem>>, vector<16xi32>,
          %get3A_243 = arith.index_cast %add3A_240 : i32 to index
          %get3A_244 = tpu.vector_load %arg9[%get3A_243] {strides = array<i32>} : memref<4032xi32, #tpu.memory_space<vmem>>, vector<16xi32>,
          %sub3A_245 = vector.broadcast %mul3A_153 : i32 to vector<16xi32>
          %sub3A_246 = arith.subi %get3A_242, %sub3A_245 : vector<16xi32>
          %jit3A_247 = arith.constant 0 : i32
          %jit3A_248 = arith.constant 511 : i32
          %max3A_249 = vector.broadcast %jit3A_247 : i32 to vector<16xi32>
          %max3A_250 = arith.maxsi %max3A_249, %sub3A_246 : vector<16xi32>
          %min3A_251 = vector.broadcast %jit3A_248 : i32 to vector<16xi32>
          %min3A_252 = arith.minsi %min3A_251, %max3A_250 : vector<16xi32>
          %parallel_loop3A_253 = arith.constant 0 : i32
          %parallel_loop3A_254 = arith.constant 64 : i32
          %parallel_loop3A_255 = arith.constant 1 : i32
          %parallel_loop3A_256 = arith.constant 2 : i32
          scf.for %parallel_loop3A_278 = %parallel_loop3A_253 to %parallel_loop3A_254 step %parallel_loop3A_255  : i32 {
            %parallel_loop3A_279 = vector.broadcast %parallel_loop3A_278 : i32 to vector<16xi32>
            %parallel_loop3A_280 = arith.constant 0 : i32
            %parallel_loop3A_281 = arith.constant 0 : i32
            %parallel_loop3A_282 = tpu.memref_slice %arg6[%cond3A_212, %parallel_loop3A_280, %parallel_loop3A_281] : memref<3x64x512xf32, #tpu.memory_space<vmem>> -> memref<1x64x512xf32, #tpu.memory_space<vmem>>
            %parallel_loop3A_283 = tpu.memref_squeeze %parallel_loop3A_282 : memref<1x64x512xf32, #tpu.memory_space<vmem>> -> memref<64x512xf32, #tpu.memory_space<vmem>>
            %parallel_loop3A_284 = tpu.vector_load_idx %parallel_loop3A_283[%parallel_loop3A_279, %min3A_252] : memref<64x512xf32, #tpu.memory_space<vmem>>[vector<16xi32>, vector<16xi32>], vector<16xf32>,
            %parallel_loop3A_285 = arith.constant 0 : i32
            %parallel_loop3A_286 = arith.constant 0 : i32
            %parallel_loop3A_287 = tpu.memref_slice %arg11[%parallel_loop3A_256, %parallel_loop3A_285, %parallel_loop3A_286] : memref<4x16x128xf32, #tpu.memory_space<vmem>> -> memref<1x16x128xf32, #tpu.memory_space<vmem>>
            %parallel_loop3A_288 = tpu.memref_squeeze %parallel_loop3A_287 : memref<1x16x128xf32, #tpu.memory_space<vmem>> -> memref<16x128xf32, #tpu.memory_space<vmem>>
            tpu.vector_store_idx %parallel_loop3A_288[%iota3A, %parallel_loop3A_279], %parallel_loop3A_284 : memref<16x128xf32, #tpu.memory_space<vmem>>[vector<16xi32>, vector<16xi32>], vector<16xf32>,
          } {sc.loop_unroll_factor = 16 : i64, sc.parallel_access}
          %dma_start3A_257 = arith.constant 2 : i32
          %dma_start3A_258 = arith.constant 0 : i32
          %dma_start3A_259 = arith.constant 0 : i32
          %dma_start3A_260 = tpu.memref_slice %arg11[%dma_start3A_257, %dma_start3A_258, %dma_start3A_259] : memref<4x16x128xf32, #tpu.memory_space<vmem>> -> memref<1x16x128xf32, #tpu.memory_space<vmem>>
          %dma_start3A_261 = tpu.memref_squeeze %dma_start3A_260 : memref<1x16x128xf32, #tpu.memory_space<vmem>> -> memref<16x128xf32, #tpu.memory_space<vmem>>
          %dma_start3A_262 = arith.constant 0 : i32
          %dma_start3A_263 = arith.constant 0 : i32
          %dma_start3A_264 = tpu.memref_slice %arg4[%dma_start3A_262, %dma_start3A_263] : memref<32800x128xf32, #tpu.memory_space<hbm>> -> memref<32800x128xf32, #tpu.memory_space<hbm>>
          tpu.enqueue_indirect_dma source(%dma_start3A_261 : memref<16x128xf32, #tpu.memory_space<vmem>>) target(%dma_start3A_264 : memref<32800x128xf32, #tpu.memory_space<hbm>>) offsets(%get3A_244 : vector<16xi32>) semaphore(%arg15 : memref<!tpu.dma_semaphore, #tpu.memory_space<semaphore_mem>>)
          %gt3A_265 = arith.constant 48 : i32
          %gt3A_266 = arith.cmpi sgt, %squeeze3A, %gt3A_265 : i32
          %convert_element_type3A_267 = arith.extui %gt3A_266 : i1 to i32
          %cond3A_268 = arith.constant 0 : i32
          %cond3A_269 = arith.cmpi ne, %convert_element_type3A_267, %cond3A_268 : i32
          scf.if %cond3A_269 {
            %shift_left3A_278 = arith.constant 6 : i32
            %shift_left3A_279 = arith.shli %add3A_132, %shift_left3A_278 : i32
            %add3A_280 = arith.constant 48 : i32
            %add3A_281 = arith.addi %shift_left3A_279, %add3A_280 : i32
            %get3A_282 = arith.index_cast %add3A_281 : i32 to index
            %get3A_283 = tpu.vector_load %arg8[%get3A_282] {strides = array<i32>} : memref<4032xi32, #tpu.memory_space<vmem>>, vector<16xi32>,
            %get3A_284 = arith.index_cast %add3A_281 : i32 to index
            %get3A_285 = tpu.vector_load %arg9[%get3A_284] {strides = array<i32>} : memref<4032xi32, #tpu.memory_space<vmem>>, vector<16xi32>,
            %sub3A_286 = vector.broadcast %mul3A_153 : i32 to vector<16xi32>
            %sub3A_287 = arith.subi %get3A_283, %sub3A_286 : vector<16xi32>
            %jit3A_288 = arith.constant 0 : i32
            %jit3A_289 = arith.constant 511 : i32
            %max3A_290 = vector.broadcast %jit3A_288 : i32 to vector<16xi32>
            %max3A_291 = arith.maxsi %max3A_290, %sub3A_287 : vector<16xi32>
            %min3A_292 = vector.broadcast %jit3A_289 : i32 to vector<16xi32>
            %min3A_293 = arith.minsi %min3A_292, %max3A_291 : vector<16xi32>
            %parallel_loop3A_294 = arith.constant 0 : i32
            %parallel_loop3A_295 = arith.constant 64 : i32
            %parallel_loop3A_296 = arith.constant 1 : i32
            %parallel_loop3A_297 = arith.constant 3 : i32
            scf.for %parallel_loop3A_314 = %parallel_loop3A_294 to %parallel_loop3A_295 step %parallel_loop3A_296  : i32 {
              %parallel_loop3A_315 = vector.broadcast %parallel_loop3A_314 : i32 to vector<16xi32>
              %parallel_loop3A_316 = arith.constant 0 : i32
              %parallel_loop3A_317 = arith.constant 0 : i32
              %parallel_loop3A_318 = tpu.memref_slice %arg6[%cond3A_212, %parallel_loop3A_316, %parallel_loop3A_317] : memref<3x64x512xf32, #tpu.memory_space<vmem>> -> memref<1x64x512xf32, #tpu.memory_space<vmem>>
              %parallel_loop3A_319 = tpu.memref_squeeze %parallel_loop3A_318 : memref<1x64x512xf32, #tpu.memory_space<vmem>> -> memref<64x512xf32, #tpu.memory_space<vmem>>
              %parallel_loop3A_320 = tpu.vector_load_idx %parallel_loop3A_319[%parallel_loop3A_315, %min3A_293] : memref<64x512xf32, #tpu.memory_space<vmem>>[vector<16xi32>, vector<16xi32>], vector<16xf32>,
              %parallel_loop3A_321 = arith.constant 0 : i32
              %parallel_loop3A_322 = arith.constant 0 : i32
              %parallel_loop3A_323 = tpu.memref_slice %arg11[%parallel_loop3A_297, %parallel_loop3A_321, %parallel_loop3A_322] : memref<4x16x128xf32, #tpu.memory_space<vmem>> -> memref<1x16x128xf32, #tpu.memory_space<vmem>>
              %parallel_loop3A_324 = tpu.memref_squeeze %parallel_loop3A_323 : memref<1x16x128xf32, #tpu.memory_space<vmem>> -> memref<16x128xf32, #tpu.memory_space<vmem>>
              tpu.vector_store_idx %parallel_loop3A_324[%iota3A, %parallel_loop3A_315], %parallel_loop3A_320 : memref<16x128xf32, #tpu.memory_space<vmem>>[vector<16xi32>, vector<16xi32>], vector<16xf32>,
            } {sc.loop_unroll_factor = 16 : i64, sc.parallel_access}
            %dma_start3A_298 = arith.constant 3 : i32
            %dma_start3A_299 = arith.constant 0 : i32
            %dma_start3A_300 = arith.constant 0 : i32
            %dma_start3A_301 = tpu.memref_slice %arg11[%dma_start3A_298, %dma_start3A_299, %dma_start3A_300] : memref<4x16x128xf32, #tpu.memory_space<vmem>> -> memref<1x16x128xf32, #tpu.memory_space<vmem>>
            %dma_start3A_302 = tpu.memref_squeeze %dma_start3A_301 : memref<1x16x128xf32, #tpu.memory_space<vmem>> -> memref<16x128xf32, #tpu.memory_space<vmem>>
            %dma_start3A_303 = arith.constant 0 : i32
            %dma_start3A_304 = arith.constant 0 : i32
            %dma_start3A_305 = tpu.memref_slice %arg4[%dma_start3A_303, %dma_start3A_304] : memref<32800x128xf32, #tpu.memory_space<hbm>> -> memref<32800x128xf32, #tpu.memory_space<hbm>>
            tpu.enqueue_indirect_dma source(%dma_start3A_302 : memref<16x128xf32, #tpu.memory_space<vmem>>) target(%dma_start3A_305 : memref<32800x128xf32, #tpu.memory_space<hbm>>) offsets(%get3A_285 : vector<16xi32>) semaphore(%arg15 : memref<!tpu.dma_semaphore, #tpu.memory_space<semaphore_mem>>)
            %dma_wait3A_306 = arith.constant 3 : i32
            %dma_wait3A_307 = arith.constant 0 : i32
            %dma_wait3A_308 = arith.constant 0 : i32
            %dma_wait3A_309 = tpu.memref_slice %arg11[%dma_wait3A_306, %dma_wait3A_307, %dma_wait3A_308] : memref<4x16x128xf32, #tpu.memory_space<vmem>> -> memref<1x16x128xf32, #tpu.memory_space<vmem>>
            %dma_wait3A_310 = tpu.memref_squeeze %dma_wait3A_309 : memref<1x16x128xf32, #tpu.memory_space<vmem>> -> memref<16x128xf32, #tpu.memory_space<vmem>>
            %dma_wait3A_311 = arith.constant 0 : i32
            %dma_wait3A_312 = arith.constant 0 : i32
            %dma_wait3A_313 = tpu.memref_slice %arg4[%dma_wait3A_311, %dma_wait3A_312] : memref<32800x128xf32, #tpu.memory_space<hbm>> -> memref<32800x128xf32, #tpu.memory_space<hbm>>
            tpu.wait_indirect_dma semaphore(%arg15 : memref<!tpu.dma_semaphore, #tpu.memory_space<semaphore_mem>>) src(%dma_wait3A_310 : memref<16x128xf32, #tpu.memory_space<vmem>>) dst(%dma_wait3A_313 : memref<32800x128xf32, #tpu.memory_space<hbm>>)
          } else {
          }
          %dma_wait3A_270 = arith.constant 2 : i32
          %dma_wait3A_271 = arith.constant 0 : i32
          %dma_wait3A_272 = arith.constant 0 : i32
          %dma_wait3A_273 = tpu.memref_slice %arg11[%dma_wait3A_270, %dma_wait3A_271, %dma_wait3A_272] : memref<4x16x128xf32, #tpu.memory_space<vmem>> -> memref<1x16x128xf32, #tpu.memory_space<vmem>>
          %dma_wait3A_274 = tpu.memref_squeeze %dma_wait3A_273 : memref<1x16x128xf32, #tpu.memory_space<vmem>> -> memref<16x128xf32, #tpu.memory_space<vmem>>
          %dma_wait3A_275 = arith.constant 0 : i32
          %dma_wait3A_276 = arith.constant 0 : i32
          %dma_wait3A_277 = tpu.memref_slice %arg4[%dma_wait3A_275, %dma_wait3A_276] : memref<32800x128xf32, #tpu.memory_space<hbm>> -> memref<32800x128xf32, #tpu.memory_space<hbm>>
          tpu.wait_indirect_dma semaphore(%arg15 : memref<!tpu.dma_semaphore, #tpu.memory_space<semaphore_mem>>) src(%dma_wait3A_274 : memref<16x128xf32, #tpu.memory_space<vmem>>) dst(%dma_wait3A_277 : memref<32800x128xf32, #tpu.memory_space<hbm>>)
        } else {
        }
        %dma_wait3A_215 = arith.constant 0 : i32
        %dma_wait3A_216 = arith.constant 0 : i32
        %dma_wait3A_217 = arith.constant 0 : i32
        %dma_wait3A_218 = tpu.memref_slice %arg11[%dma_wait3A_215, %dma_wait3A_216, %dma_wait3A_217] : memref<4x16x128xf32, #tpu.memory_space<vmem>> -> memref<1x16x128xf32, #tpu.memory_space<vmem>>
        %dma_wait3A_219 = tpu.memref_squeeze %dma_wait3A_218 : memref<1x16x128xf32, #tpu.memory_space<vmem>> -> memref<16x128xf32, #tpu.memory_space<vmem>>
        %dma_wait3A_220 = arith.constant 0 : i32
        %dma_wait3A_221 = arith.constant 0 : i32
        %dma_wait3A_222 = tpu.memref_slice %arg4[%dma_wait3A_220, %dma_wait3A_221] : memref<32800x128xf32, #tpu.memory_space<hbm>> -> memref<32800x128xf32, #tpu.memory_space<hbm>>
        tpu.wait_indirect_dma semaphore(%arg15 : memref<!tpu.dma_semaphore, #tpu.memory_space<semaphore_mem>>) src(%dma_wait3A_219 : memref<16x128xf32, #tpu.memory_space<vmem>>) dst(%dma_wait3A_222 : memref<32800x128xf32, #tpu.memory_space<hbm>>)
        %dma_wait3A_223 = arith.constant 1 : i32
        %dma_wait3A_224 = arith.constant 0 : i32
        %dma_wait3A_225 = arith.constant 0 : i32
        %dma_wait3A_226 = tpu.memref_slice %arg11[%dma_wait3A_223, %dma_wait3A_224, %dma_wait3A_225] : memref<4x16x128xf32, #tpu.memory_space<vmem>> -> memref<1x16x128xf32, #tpu.memory_space<vmem>>
        %dma_wait3A_227 = tpu.memref_squeeze %dma_wait3A_226 : memref<1x16x128xf32, #tpu.memory_space<vmem>> -> memref<16x128xf32, #tpu.memory_space<vmem>>
        %dma_wait3A_228 = arith.constant 0 : i32
        %dma_wait3A_229 = arith.constant 0 : i32
        %dma_wait3A_230 = tpu.memref_slice %arg4[%dma_wait3A_228, %dma_wait3A_229] : memref<32800x128xf32, #tpu.memory_space<hbm>> -> memref<32800x128xf32, #tpu.memory_space<hbm>>
        tpu.wait_indirect_dma semaphore(%arg15 : memref<!tpu.dma_semaphore, #tpu.memory_space<semaphore_mem>>) src(%dma_wait3A_227 : memref<16x128xf32, #tpu.memory_space<vmem>>) dst(%dma_wait3A_230 : memref<32800x128xf32, #tpu.memory_space<hbm>>)
        %add3A_231 = arith.constant 3 : i32
        %add3A_232 = arith.addi %add3A_132, %add3A_231 : i32
        %lt3A_233 = arith.cmpi slt, %add3A_232, %select_n3A : i32
        %convert_element_type3A_234 = arith.extui %lt3A_233 : i1 to i32
        %cond3A_235 = arith.constant 0 : i32
        %cond3A_236 = arith.cmpi ne, %convert_element_type3A_234, %cond3A_235 : i32
        scf.if %cond3A_236 {
          %add3A_237 = arith.addi %add3A_4, %add3A_132 : i32
          %add3A_238 = arith.constant 3 : i32
          %add3A_239 = arith.addi %add3A_237, %add3A_238 : i32
          %mul3A_240 = arith.constant 512 : i32
          %mul3A_241 = arith.muli %add3A_239, %mul3A_240 : i32
          %dma_start3A_242 = arith.constant 2 : i32
          %dma_start3A_243 = arith.constant 0 : i32
          %dma_start3A_244 = arith.constant 0 : i32
          %dma_start3A_245 = tpu.memref_slice %arg6[%dma_start3A_242, %dma_start3A_243, %dma_start3A_244] : memref<3x64x512xf32, #tpu.memory_space<vmem>> -> memref<1x64x512xf32, #tpu.memory_space<vmem>>
          %dma_start3A_246 = tpu.memref_squeeze %dma_start3A_245 : memref<1x64x512xf32, #tpu.memory_space<vmem>> -> memref<64x512xf32, #tpu.memory_space<vmem>>
          %dma_start3A_247 = arith.constant 0 : i32
          %dma_start3A_248 = tpu.memref_slice %arg3[%dma_start3A_247, %mul3A_241] : memref<64x1000000xf32, #tpu.memory_space<hbm>> -> memref<64x512xf32, #tpu.memory_space<hbm>>
          %dma_start3A_249 = arith.constant 0 : i32
          %dma_start3A_250 = arith.constant 0 : i32
          %dma_start3A_251 = tpu.memref_slice %arg6[%dma_start3A_242, %dma_start3A_249, %dma_start3A_250] : memref<3x64x512xf32, #tpu.memory_space<vmem>> -> memref<1x64x512xf32, #tpu.memory_space<vmem>>
          %dma_start3A_252 = tpu.memref_squeeze %dma_start3A_251 : memref<1x64x512xf32, #tpu.memory_space<vmem>> -> memref<64x512xf32, #tpu.memory_space<vmem>>
          %dma_start3A_253 = arith.constant 0 : i32
          %dma_start3A_254 = tpu.memref_slice %arg3[%dma_start3A_253, %mul3A_241] : memref<64x1000000xf32, #tpu.memory_space<hbm>> -> memref<64x512xf32, #tpu.memory_space<hbm>>
          tpu.enqueue_dma source(%dma_start3A_254 : memref<64x512xf32, #tpu.memory_space<hbm>>) target(%dma_start3A_252 : memref<64x512xf32, #tpu.memory_space<vmem>>) target_semaphore(%arg14 : memref<!tpu.dma_semaphore, #tpu.memory_space<semaphore_mem>>)
        } else {
        }
      } else {
      }
    }
    %scan3A_109 = arith.constant 21 : i32
    %eq3A_110 = arith.constant 31 : i32
    %eq3A_111 = arith.cmpi eq, %add3A, %eq3A_110 : i32
    %convert_element_type3A = arith.extui %eq3A_111 : i1 to i32
    %cond3A = arith.constant 0 : i32
    %cond3A_112 = arith.cmpi ne, %convert_element_type3A, %cond3A : i32
    scf.if %cond3A_112 {
      %dma_start3A_113 = arith.constant 0 : i32
      %dma_start3A_114 = arith.constant 999936 : i32
      %dma_start3A_115 = tpu.memref_slice %arg3[%dma_start3A_113, %dma_start3A_114] : memref<64x1000000xf32, #tpu.memory_space<hbm>> -> memref<64x64xf32, #tpu.memory_space<hbm>>
      %dma_start3A_116 = arith.constant 0 : i32
      %dma_start3A_117 = arith.constant 999936 : i32
      %dma_start3A_118 = tpu.memref_slice %arg3[%dma_start3A_116, %dma_start3A_117] : memref<64x1000000xf32, #tpu.memory_space<hbm>> -> memref<64x64xf32, #tpu.memory_space<hbm>>
      tpu.enqueue_dma source(%dma_start3A_118 : memref<64x64xf32, #tpu.memory_space<hbm>>) target(%arg7 : memref<64x64xf32, #tpu.memory_space<vmem>>) target_semaphore(%arg12 : memref<!tpu.dma_semaphore, #tpu.memory_space<semaphore_mem>>)
      %dma_wait3A = arith.constant 0 : i32
      %dma_wait3A_119 = arith.constant 999936 : i32
      %dma_wait3A_120 = tpu.memref_slice %arg3[%dma_wait3A, %dma_wait3A_119] : memref<64x1000000xf32, #tpu.memory_space<hbm>> -> memref<64x64xf32, #tpu.memory_space<hbm>>
      %dma_wait3A_121 = arith.constant 0 : i32
      %dma_wait3A_122 = arith.constant 999936 : i32
      %dma_wait3A_123 = tpu.memref_slice %arg3[%dma_wait3A_121, %dma_wait3A_122] : memref<64x1000000xf32, #tpu.memory_space<hbm>> -> memref<64x64xf32, #tpu.memory_space<hbm>>
      tpu.wait_dma2 semaphore(%arg12 : memref<!tpu.dma_semaphore, #tpu.memory_space<semaphore_mem>>) src(%dma_wait3A_123 : memref<64x64xf32, #tpu.memory_space<hbm>>) dst(%arg7 : memref<64x64xf32, #tpu.memory_space<vmem>>)
      %broadcast_in_dim3A_124 = arith.constant 61 : i32
      %broadcast_in_dim3A_125 = vector.broadcast %broadcast_in_dim3A_124 : i32 to vector<16xi32>
      %gather3A = tpu.vector_load_idx %arg10[%broadcast_in_dim3A_125] : memref<64xi32, #tpu.memory_space<vmem>>[vector<16xi32>], vector<16xi32>,
      %slice3A = vector.extract_strided_slice %gather3A {offsets = [0], sizes = [1], strides = [1]} : vector<16xi32> to vector<1xi32>
      %squeeze3A = vector.extract %slice3A[0] : i32 from vector<1xi32>
      %shift_left3A = arith.constant 61 : i32
      %shift_left3A_126 = arith.constant 6 : i32
      %shift_left3A_127 = arith.shli %shift_left3A, %shift_left3A_126 : i32
      %add3A_128 = arith.constant 0 : i32
      %add3A_129 = arith.addi %shift_left3A_127, %add3A_128 : i32
      %get3A = arith.index_cast %add3A_129 : i32 to index
      %get3A_130 = tpu.vector_load %arg8[%get3A] {strides = array<i32>} : memref<4032xi32, #tpu.memory_space<vmem>>, vector<16xi32>,
      %get3A_131 = arith.index_cast %add3A_129 : i32 to index
      %get3A_132 = tpu.vector_load %arg9[%get3A_131] {strides = array<i32>} : memref<4032xi32, #tpu.memory_space<vmem>>, vector<16xi32>,
      %sub3A = arith.constant 999936 : i32
      %sub3A_133 = vector.broadcast %sub3A : i32 to vector<16xi32>
      %sub3A_134 = arith.subi %get3A_130, %sub3A_133 : vector<16xi32>
      %jit3A_135 = arith.constant 0 : i32
      %jit3A_136 = arith.constant 63 : i32
      %max3A = vector.broadcast %jit3A_135 : i32 to vector<16xi32>
      %max3A_137 = arith.maxsi %max3A, %sub3A_134 : vector<16xi32>
      %min3A_138 = vector.broadcast %jit3A_136 : i32 to vector<16xi32>
      %min3A_139 = arith.minsi %min3A_138, %max3A_137 : vector<16xi32>
      %parallel_loop3A = arith.constant 0 : i32
      %parallel_loop3A_140 = arith.constant 64 : i32
      %parallel_loop3A_141 = arith.constant 1 : i32
      %parallel_loop3A_142 = arith.constant 0 : i32
      scf.for %parallel_loop3A_205 = %parallel_loop3A to %parallel_loop3A_140 step %parallel_loop3A_141  : i32 {
        %parallel_loop3A_206 = vector.broadcast %parallel_loop3A_205 : i32 to vector<16xi32>
        %parallel_loop3A_207 = tpu.vector_load_idx %arg7[%parallel_loop3A_206, %min3A_139] : memref<64x64xf32, #tpu.memory_space<vmem>>[vector<16xi32>, vector<16xi32>], vector<16xf32>,
        %parallel_loop3A_208 = arith.constant 0 : i32
        %parallel_loop3A_209 = arith.constant 0 : i32
        %parallel_loop3A_210 = tpu.memref_slice %arg11[%parallel_loop3A_142, %parallel_loop3A_208, %parallel_loop3A_209] : memref<4x16x128xf32, #tpu.memory_space<vmem>> -> memref<1x16x128xf32, #tpu.memory_space<vmem>>
        %parallel_loop3A_211 = tpu.memref_squeeze %parallel_loop3A_210 : memref<1x16x128xf32, #tpu.memory_space<vmem>> -> memref<16x128xf32, #tpu.memory_space<vmem>>
        tpu.vector_store_idx %parallel_loop3A_211[%iota3A, %parallel_loop3A_206], %parallel_loop3A_207 : memref<16x128xf32, #tpu.memory_space<vmem>>[vector<16xi32>, vector<16xi32>], vector<16xf32>,
      } {sc.loop_unroll_factor = 16 : i64, sc.parallel_access}
      %dma_start3A_143 = arith.constant 0 : i32
      %dma_start3A_144 = arith.constant 0 : i32
      %dma_start3A_145 = arith.constant 0 : i32
      %dma_start3A_146 = tpu.memref_slice %arg11[%dma_start3A_143, %dma_start3A_144, %dma_start3A_145] : memref<4x16x128xf32, #tpu.memory_space<vmem>> -> memref<1x16x128xf32, #tpu.memory_space<vmem>>
      %dma_start3A_147 = tpu.memref_squeeze %dma_start3A_146 : memref<1x16x128xf32, #tpu.memory_space<vmem>> -> memref<16x128xf32, #tpu.memory_space<vmem>>
      %dma_start3A_148 = arith.constant 0 : i32
      %dma_start3A_149 = arith.constant 0 : i32
      %dma_start3A_150 = tpu.memref_slice %arg4[%dma_start3A_148, %dma_start3A_149] : memref<32800x128xf32, #tpu.memory_space<hbm>> -> memref<32800x128xf32, #tpu.memory_space<hbm>>
      tpu.enqueue_indirect_dma source(%dma_start3A_147 : memref<16x128xf32, #tpu.memory_space<vmem>>) target(%dma_start3A_150 : memref<32800x128xf32, #tpu.memory_space<hbm>>) offsets(%get3A_132 : vector<16xi32>) semaphore(%arg15 : memref<!tpu.dma_semaphore, #tpu.memory_space<semaphore_mem>>)
      %shift_left3A_151 = arith.constant 61 : i32
      %shift_left3A_152 = arith.constant 6 : i32
      %shift_left3A_153 = arith.shli %shift_left3A_151, %shift_left3A_152 : i32
      %add3A_154 = arith.constant 16 : i32
      %add3A_155 = arith.addi %shift_left3A_153, %add3A_154 : i32
      %get3A_156 = arith.index_cast %add3A_155 : i32 to index
      %get3A_157 = tpu.vector_load %arg8[%get3A_156] {strides = array<i32>} : memref<4032xi32, #tpu.memory_space<vmem>>, vector<16xi32>,
      %get3A_158 = arith.index_cast %add3A_155 : i32 to index
      %get3A_159 = tpu.vector_load %arg9[%get3A_158] {strides = array<i32>} : memref<4032xi32, #tpu.memory_space<vmem>>, vector<16xi32>,
      %sub3A_160 = arith.constant 999936 : i32
      %sub3A_161 = vector.broadcast %sub3A_160 : i32 to vector<16xi32>
      %sub3A_162 = arith.subi %get3A_157, %sub3A_161 : vector<16xi32>
      %jit3A_163 = arith.constant 0 : i32
      %jit3A_164 = arith.constant 63 : i32
      %max3A_165 = vector.broadcast %jit3A_163 : i32 to vector<16xi32>
      %max3A_166 = arith.maxsi %max3A_165, %sub3A_162 : vector<16xi32>
      %min3A_167 = vector.broadcast %jit3A_164 : i32 to vector<16xi32>
      %min3A_168 = arith.minsi %min3A_167, %max3A_166 : vector<16xi32>
      %gt3A = arith.constant 16 : i32
      %gt3A_169 = arith.cmpi sgt, %squeeze3A, %gt3A : i32
      %convert_element_type3A_170 = arith.extui %gt3A_169 : i1 to i32
      %cond3A_171 = arith.constant 1 : i32
      %cond3A_172 = arith.constant 0 : i32
      %cond3A_173 = arith.cmpi ne, %convert_element_type3A_170, %cond3A_172 : i32
      scf.if %cond3A_173 {
        %parallel_loop3A_205 = arith.constant 0 : i32
        %parallel_loop3A_206 = arith.constant 64 : i32
        %parallel_loop3A_207 = arith.constant 1 : i32
        scf.for %parallel_loop3A_208 = %parallel_loop3A_205 to %parallel_loop3A_206 step %parallel_loop3A_207  : i32 {
          %parallel_loop3A_209 = vector.broadcast %parallel_loop3A_208 : i32 to vector<16xi32>
          %parallel_loop3A_210 = tpu.vector_load_idx %arg7[%parallel_loop3A_209, %min3A_168] : memref<64x64xf32, #tpu.memory_space<vmem>>[vector<16xi32>, vector<16xi32>], vector<16xf32>,
          %parallel_loop3A_211 = arith.constant 0 : i32
          %parallel_loop3A_212 = arith.constant 0 : i32
          %parallel_loop3A_213 = tpu.memref_slice %arg11[%cond3A_171, %parallel_loop3A_211, %parallel_loop3A_212] : memref<4x16x128xf32, #tpu.memory_space<vmem>> -> memref<1x16x128xf32, #tpu.memory_space<vmem>>
          %parallel_loop3A_214 = tpu.memref_squeeze %parallel_loop3A_213 : memref<1x16x128xf32, #tpu.memory_space<vmem>> -> memref<16x128xf32, #tpu.memory_space<vmem>>
          tpu.vector_store_idx %parallel_loop3A_214[%iota3A, %parallel_loop3A_209], %parallel_loop3A_210 : memref<16x128xf32, #tpu.memory_space<vmem>>[vector<16xi32>, vector<16xi32>], vector<16xf32>,
        } {sc.loop_unroll_factor = 16 : i64, sc.parallel_access}
      } else {
      }
      %dma_start3A_174 = arith.constant 1 : i32
      %dma_start3A_175 = arith.constant 0 : i32
      %dma_start3A_176 = arith.constant 0 : i32
      %dma_start3A_177 = tpu.memref_slice %arg11[%dma_start3A_174, %dma_start3A_175, %dma_start3A_176] : memref<4x16x128xf32, #tpu.memory_space<vmem>> -> memref<1x16x128xf32, #tpu.memory_space<vmem>>
      %dma_start3A_178 = tpu.memref_squeeze %dma_start3A_177 : memref<1x16x128xf32, #tpu.memory_space<vmem>> -> memref<16x128xf32, #tpu.memory_space<vmem>>
      %dma_start3A_179 = arith.constant 0 : i32
      %dma_start3A_180 = arith.constant 0 : i32
      %dma_start3A_181 = tpu.memref_slice %arg4[%dma_start3A_179, %dma_start3A_180] : memref<32800x128xf32, #tpu.memory_space<hbm>> -> memref<32800x128xf32, #tpu.memory_space<hbm>>
      tpu.enqueue_indirect_dma source(%dma_start3A_178 : memref<16x128xf32, #tpu.memory_space<vmem>>) target(%dma_start3A_181 : memref<32800x128xf32, #tpu.memory_space<hbm>>) offsets(%get3A_159 : vector<16xi32>) semaphore(%arg15 : memref<!tpu.dma_semaphore, #tpu.memory_space<semaphore_mem>>)
      %gt3A_182 = arith.constant 32 : i32
      %gt3A_183 = arith.cmpi sgt, %squeeze3A, %gt3A_182 : i32
      %convert_element_type3A_184 = arith.extui %gt3A_183 : i1 to i32
      %cond3A_185 = arith.constant 61 : i32
      %cond3A_186 = arith.constant 999936 : i32
      %cond3A_187 = arith.constant 0 : i32
      %cond3A_188 = arith.cmpi ne, %convert_element_type3A_184, %cond3A_187 : i32
      scf.if %cond3A_188 {
        %shift_left3A_205 = arith.constant 6 : i32
        %shift_left3A_206 = arith.shli %cond3A_185, %shift_left3A_205 : i32
        %add3A_207 = arith.constant 32 : i32
        %add3A_208 = arith.addi %shift_left3A_206, %add3A_207 : i32
        %get3A_209 = arith.index_cast %add3A_208 : i32 to index
        %get3A_210 = tpu.vector_load %arg8[%get3A_209] {strides = array<i32>} : memref<4032xi32, #tpu.memory_space<vmem>>, vector<16xi32>,
        %get3A_211 = arith.index_cast %add3A_208 : i32 to index
        %get3A_212 = tpu.vector_load %arg9[%get3A_211] {strides = array<i32>} : memref<4032xi32, #tpu.memory_space<vmem>>, vector<16xi32>,
        %sub3A_213 = vector.broadcast %cond3A_186 : i32 to vector<16xi32>
        %sub3A_214 = arith.subi %get3A_210, %sub3A_213 : vector<16xi32>
        %jit3A_215 = arith.constant 0 : i32
        %jit3A_216 = arith.constant 63 : i32
        %max3A_217 = vector.broadcast %jit3A_215 : i32 to vector<16xi32>
        %max3A_218 = arith.maxsi %max3A_217, %sub3A_214 : vector<16xi32>
        %min3A_219 = vector.broadcast %jit3A_216 : i32 to vector<16xi32>
        %min3A_220 = arith.minsi %min3A_219, %max3A_218 : vector<16xi32>
        %parallel_loop3A_221 = arith.constant 0 : i32
        %parallel_loop3A_222 = arith.constant 64 : i32
        %parallel_loop3A_223 = arith.constant 1 : i32
        %parallel_loop3A_224 = arith.constant 2 : i32
        scf.for %parallel_loop3A_246 = %parallel_loop3A_221 to %parallel_loop3A_222 step %parallel_loop3A_223  : i32 {
          %parallel_loop3A_247 = vector.broadcast %parallel_loop3A_246 : i32 to vector<16xi32>
          %parallel_loop3A_248 = tpu.vector_load_idx %arg7[%parallel_loop3A_247, %min3A_220] : memref<64x64xf32, #tpu.memory_space<vmem>>[vector<16xi32>, vector<16xi32>], vector<16xf32>,
          %parallel_loop3A_249 = arith.constant 0 : i32
          %parallel_loop3A_250 = arith.constant 0 : i32
          %parallel_loop3A_251 = tpu.memref_slice %arg11[%parallel_loop3A_224, %parallel_loop3A_249, %parallel_loop3A_250] : memref<4x16x128xf32, #tpu.memory_space<vmem>> -> memref<1x16x128xf32, #tpu.memory_space<vmem>>
          %parallel_loop3A_252 = tpu.memref_squeeze %parallel_loop3A_251 : memref<1x16x128xf32, #tpu.memory_space<vmem>> -> memref<16x128xf32, #tpu.memory_space<vmem>>
          tpu.vector_store_idx %parallel_loop3A_252[%iota3A, %parallel_loop3A_247], %parallel_loop3A_248 : memref<16x128xf32, #tpu.memory_space<vmem>>[vector<16xi32>, vector<16xi32>], vector<16xf32>,
        } {sc.loop_unroll_factor = 16 : i64, sc.parallel_access}
        %dma_start3A_225 = arith.constant 2 : i32
        %dma_start3A_226 = arith.constant 0 : i32
        %dma_start3A_227 = arith.constant 0 : i32
        %dma_start3A_228 = tpu.memref_slice %arg11[%dma_start3A_225, %dma_start3A_226, %dma_start3A_227] : memref<4x16x128xf32, #tpu.memory_space<vmem>> -> memref<1x16x128xf32, #tpu.memory_space<vmem>>
        %dma_start3A_229 = tpu.memref_squeeze %dma_start3A_228 : memref<1x16x128xf32, #tpu.memory_space<vmem>> -> memref<16x128xf32, #tpu.memory_space<vmem>>
        %dma_start3A_230 = arith.constant 0 : i32
        %dma_start3A_231 = arith.constant 0 : i32
        %dma_start3A_232 = tpu.memref_slice %arg4[%dma_start3A_230, %dma_start3A_231] : memref<32800x128xf32, #tpu.memory_space<hbm>> -> memref<32800x128xf32, #tpu.memory_space<hbm>>
        tpu.enqueue_indirect_dma source(%dma_start3A_229 : memref<16x128xf32, #tpu.memory_space<vmem>>) target(%dma_start3A_232 : memref<32800x128xf32, #tpu.memory_space<hbm>>) offsets(%get3A_212 : vector<16xi32>) semaphore(%arg15 : memref<!tpu.dma_semaphore, #tpu.memory_space<semaphore_mem>>)
        %gt3A_233 = arith.constant 48 : i32
        %gt3A_234 = arith.cmpi sgt, %squeeze3A, %gt3A_233 : i32
        %convert_element_type3A_235 = arith.extui %gt3A_234 : i1 to i32
        %cond3A_236 = arith.constant 0 : i32
        %cond3A_237 = arith.cmpi ne, %convert_element_type3A_235, %cond3A_236 : i32
        scf.if %cond3A_237 {
          %shift_left3A_246 = arith.constant 6 : i32
          %shift_left3A_247 = arith.shli %cond3A_185, %shift_left3A_246 : i32
          %add3A_248 = arith.constant 48 : i32
          %add3A_249 = arith.addi %shift_left3A_247, %add3A_248 : i32
          %get3A_250 = arith.index_cast %add3A_249 : i32 to index
          %get3A_251 = tpu.vector_load %arg8[%get3A_250] {strides = array<i32>} : memref<4032xi32, #tpu.memory_space<vmem>>, vector<16xi32>,
          %get3A_252 = arith.index_cast %add3A_249 : i32 to index
          %get3A_253 = tpu.vector_load %arg9[%get3A_252] {strides = array<i32>} : memref<4032xi32, #tpu.memory_space<vmem>>, vector<16xi32>,
          %sub3A_254 = vector.broadcast %cond3A_186 : i32 to vector<16xi32>
          %sub3A_255 = arith.subi %get3A_251, %sub3A_254 : vector<16xi32>
          %jit3A_256 = arith.constant 0 : i32
          %jit3A_257 = arith.constant 63 : i32
          %max3A_258 = vector.broadcast %jit3A_256 : i32 to vector<16xi32>
          %max3A_259 = arith.maxsi %max3A_258, %sub3A_255 : vector<16xi32>
          %min3A_260 = vector.broadcast %jit3A_257 : i32 to vector<16xi32>
          %min3A_261 = arith.minsi %min3A_260, %max3A_259 : vector<16xi32>
          %parallel_loop3A_262 = arith.constant 0 : i32
          %parallel_loop3A_263 = arith.constant 64 : i32
          %parallel_loop3A_264 = arith.constant 1 : i32
          %parallel_loop3A_265 = arith.constant 3 : i32
          scf.for %parallel_loop3A_282 = %parallel_loop3A_262 to %parallel_loop3A_263 step %parallel_loop3A_264  : i32 {
            %parallel_loop3A_283 = vector.broadcast %parallel_loop3A_282 : i32 to vector<16xi32>
            %parallel_loop3A_284 = tpu.vector_load_idx %arg7[%parallel_loop3A_283, %min3A_261] : memref<64x64xf32, #tpu.memory_space<vmem>>[vector<16xi32>, vector<16xi32>], vector<16xf32>,
            %parallel_loop3A_285 = arith.constant 0 : i32
            %parallel_loop3A_286 = arith.constant 0 : i32
            %parallel_loop3A_287 = tpu.memref_slice %arg11[%parallel_loop3A_265, %parallel_loop3A_285, %parallel_loop3A_286] : memref<4x16x128xf32, #tpu.memory_space<vmem>> -> memref<1x16x128xf32, #tpu.memory_space<vmem>>
            %parallel_loop3A_288 = tpu.memref_squeeze %parallel_loop3A_287 : memref<1x16x128xf32, #tpu.memory_space<vmem>> -> memref<16x128xf32, #tpu.memory_space<vmem>>
            tpu.vector_store_idx %parallel_loop3A_288[%iota3A, %parallel_loop3A_283], %parallel_loop3A_284 : memref<16x128xf32, #tpu.memory_space<vmem>>[vector<16xi32>, vector<16xi32>], vector<16xf32>,
          } {sc.loop_unroll_factor = 16 : i64, sc.parallel_access}
          %dma_start3A_266 = arith.constant 3 : i32
          %dma_start3A_267 = arith.constant 0 : i32
          %dma_start3A_268 = arith.constant 0 : i32
          %dma_start3A_269 = tpu.memref_slice %arg11[%dma_start3A_266, %dma_start3A_267, %dma_start3A_268] : memref<4x16x128xf32, #tpu.memory_space<vmem>> -> memref<1x16x128xf32, #tpu.memory_space<vmem>>
          %dma_start3A_270 = tpu.memref_squeeze %dma_start3A_269 : memref<1x16x128xf32, #tpu.memory_space<vmem>> -> memref<16x128xf32, #tpu.memory_space<vmem>>
          %dma_start3A_271 = arith.constant 0 : i32
          %dma_start3A_272 = arith.constant 0 : i32
          %dma_start3A_273 = tpu.memref_slice %arg4[%dma_start3A_271, %dma_start3A_272] : memref<32800x128xf32, #tpu.memory_space<hbm>> -> memref<32800x128xf32, #tpu.memory_space<hbm>>
          tpu.enqueue_indirect_dma source(%dma_start3A_270 : memref<16x128xf32, #tpu.memory_space<vmem>>) target(%dma_start3A_273 : memref<32800x128xf32, #tpu.memory_space<hbm>>) offsets(%get3A_253 : vector<16xi32>) semaphore(%arg15 : memref<!tpu.dma_semaphore, #tpu.memory_space<semaphore_mem>>)
          %dma_wait3A_274 = arith.constant 3 : i32
          %dma_wait3A_275 = arith.constant 0 : i32
          %dma_wait3A_276 = arith.constant 0 : i32
          %dma_wait3A_277 = tpu.memref_slice %arg11[%dma_wait3A_274, %dma_wait3A_275, %dma_wait3A_276] : memref<4x16x128xf32, #tpu.memory_space<vmem>> -> memref<1x16x128xf32, #tpu.memory_space<vmem>>
          %dma_wait3A_278 = tpu.memref_squeeze %dma_wait3A_277 : memref<1x16x128xf32, #tpu.memory_space<vmem>> -> memref<16x128xf32, #tpu.memory_space<vmem>>
          %dma_wait3A_279 = arith.constant 0 : i32
          %dma_wait3A_280 = arith.constant 0 : i32
          %dma_wait3A_281 = tpu.memref_slice %arg4[%dma_wait3A_279, %dma_wait3A_280] : memref<32800x128xf32, #tpu.memory_space<hbm>> -> memref<32800x128xf32, #tpu.memory_space<hbm>>
          tpu.wait_indirect_dma semaphore(%arg15 : memref<!tpu.dma_semaphore, #tpu.memory_space<semaphore_mem>>) src(%dma_wait3A_278 : memref<16x128xf32, #tpu.memory_space<vmem>>) dst(%dma_wait3A_281 : memref<32800x128xf32, #tpu.memory_space<hbm>>)
        } else {
        }
        %dma_wait3A_238 = arith.constant 2 : i32
        %dma_wait3A_239 = arith.constant 0 : i32
        %dma_wait3A_240 = arith.constant 0 : i32
        %dma_wait3A_241 = tpu.memref_slice %arg11[%dma_wait3A_238, %dma_wait3A_239, %dma_wait3A_240] : memref<4x16x128xf32, #tpu.memory_space<vmem>> -> memref<1x16x128xf32, #tpu.memory_space<vmem>>
        %dma_wait3A_242 = tpu.memref_squeeze %dma_wait3A_241 : memref<1x16x128xf32, #tpu.memory_space<vmem>> -> memref<16x128xf32, #tpu.memory_space<vmem>>
        %dma_wait3A_243 = arith.constant 0 : i32
        %dma_wait3A_244 = arith.constant 0 : i32
        %dma_wait3A_245 = tpu.memref_slice %arg4[%dma_wait3A_243, %dma_wait3A_244] : memref<32800x128xf32, #tpu.memory_space<hbm>> -> memref<32800x128xf32, #tpu.memory_space<hbm>>
        tpu.wait_indirect_dma semaphore(%arg15 : memref<!tpu.dma_semaphore, #tpu.memory_space<semaphore_mem>>) src(%dma_wait3A_242 : memref<16x128xf32, #tpu.memory_space<vmem>>) dst(%dma_wait3A_245 : memref<32800x128xf32, #tpu.memory_space<hbm>>)
      } else {
      }
      %dma_wait3A_189 = arith.constant 0 : i32
      %dma_wait3A_190 = arith.constant 0 : i32
      %dma_wait3A_191 = arith.constant 0 : i32
      %dma_wait3A_192 = tpu.memref_slice %arg11[%dma_wait3A_189, %dma_wait3A_190, %dma_wait3A_191] : memref<4x16x128xf32, #tpu.memory_space<vmem>> -> memref<1x16x128xf32, #tpu.memory_space<vmem>>
      %dma_wait3A_193 = tpu.memref_squeeze %dma_wait3A_192 : memref<1x16x128xf32, #tpu.memory_space<vmem>> -> memref<16x128xf32, #tpu.memory_space<vmem>>
      %dma_wait3A_194 = arith.constant 0 : i32
      %dma_wait3A_195 = arith.constant 0 : i32
      %dma_wait3A_196 = tpu.memref_slice %arg4[%dma_wait3A_194, %dma_wait3A_195] : memref<32800x128xf32, #tpu.memory_space<hbm>> -> memref<32800x128xf32, #tpu.memory_space<hbm>>
      tpu.wait_indirect_dma semaphore(%arg15 : memref<!tpu.dma_semaphore, #tpu.memory_space<semaphore_mem>>) src(%dma_wait3A_193 : memref<16x128xf32, #tpu.memory_space<vmem>>) dst(%dma_wait3A_196 : memref<32800x128xf32, #tpu.memory_space<hbm>>)
      %dma_wait3A_197 = arith.constant 1 : i32
      %dma_wait3A_198 = arith.constant 0 : i32
      %dma_wait3A_199 = arith.constant 0 : i32
      %dma_wait3A_200 = tpu.memref_slice %arg11[%dma_wait3A_197, %dma_wait3A_198, %dma_wait3A_199] : memref<4x16x128xf32, #tpu.memory_space<vmem>> -> memref<1x16x128xf32, #tpu.memory_space<vmem>>
      %dma_wait3A_201 = tpu.memref_squeeze %dma_wait3A_200 : memref<1x16x128xf32, #tpu.memory_space<vmem>> -> memref<16x128xf32, #tpu.memory_space<vmem>>
      %dma_wait3A_202 = arith.constant 0 : i32
      %dma_wait3A_203 = arith.constant 0 : i32
      %dma_wait3A_204 = tpu.memref_slice %arg4[%dma_wait3A_202, %dma_wait3A_203] : memref<32800x128xf32, #tpu.memory_space<hbm>> -> memref<32800x128xf32, #tpu.memory_space<hbm>>
      tpu.wait_indirect_dma semaphore(%arg15 : memref<!tpu.dma_semaphore, #tpu.memory_space<semaphore_mem>>) src(%dma_wait3A_201 : memref<16x128xf32, #tpu.memory_space<vmem>>) dst(%dma_wait3A_204 : memref<32800x128xf32, #tpu.memory_space<hbm>>)
    } else {
    }
    return
  }
}

</mosaic_0001>

<sc_bundles>
// kernel: kernel.3.cloned.1.call-start
scs
__scs_entry_jumppad:
0x0: {  	(pc) =	sbr.rel $0x88, $3  }
0x1: {  	(tag) =	ssettag $0x0;
	lr =	simm.s32 $0x1  }
0x2: {  	[smem:$0x3F9F] =	sst lr;
	_ =	strace $0xD0000000  }
0x3: {  	_ = 	snop  }
0x4: {  	_ = 	snop  }
0x5: {  	_ = 	snop  }
0x6: {  	_ = 	snop  }
0x7: {  	_ = 	snop  }
__scs_overlays_trampoline_lowered:
0x8: {  	[smem:$0x3FAE] =	sst s0  }
0x9: {  	[smem:$0x3FAF] =	sst s1  }
0xa: {  	[smem:$0x3FB0] =	sst s2  }
0xb: {  	[smem:$0x3FB1] =	sst s3  }
0xc: {  	[smem:$0x3FB2] =	sst s4  }
0xd: {  	[smem:$0x3FB3] =	sst s5  }
0xe: {  	[smem:$0x3FB4] =	sst s6  }
0xf: {  	[smem:$0x3FB5] =	sst s7  }
0x10: {  	[smem:$0x3FB6] =	sst s8  }
0x11: {  	[smem:$0x3FB7] =	sst s9;
	s0 =	simm.s32 @!p0 $0x0  }
0x12: {  	s1 =	sld [smem:$0x3F9D];
	s0 =	simm.s32 @p0 $0x1  }
0x13: {  	[smem:$0x3FB8] =	sst s0;
	s0 =	simm.s32 @!p1 $0x0  }
0x14: {  	s2 =	sld [smem:$0x3F9C];
	s0 =	simm.s32 @p1 $0x1  }
0x15: {  	[smem:$0x3FB9] =	sst s0;
	s0 =	simm.s32 @!p2 $0x0  }
0x16: {  	s3 =	sld [smem:$0x3FDB];
	s0 =	simm.s32 @p2 $0x1  }
0x17: {  	s4 =	simm.s32 $0x1BF5;
	[smem:$0x3FBB] =	sst s0  }
0x18: {  	s0 =	sld [smem:$0x3F9E];
	_ =	swait.ge [sflag:s4], $0x0  }
0x19: {  	s7 =	sld [smem:$0x3F9F]  }
0x1a: {  	s8 =	sadd.s32 $0xFFFFE003, lr  }
0x1b: {  	s9 =	sadd.s32 $0xFFFFFEF7, lr;
	s5 =	simm.s32 $0xFFFFFFFF;
	p2 =	slt.u32 s8, $0xFFFFF086  }
0x1c: {  	p1 =	slt.u32 s9, $0xF7A;
	s5 =	simm.s32 @!p2 $0x0  }
0x1d: {  	s5 =	simm.s32 @p1 $0x1;
	p0 =	seq.s32 s7, s2  }
0x1e: {  	s7 =	smul.u32 @!p0 $0xF7A, s2;
	p2 =	seq.s32 @!p0 s5, $0x0  }
0x1f: {  	s9 =	smul.u32 $0xF7A, s1;
	s8 =	simm.s32 @!p0 $0x1BF5;
	p2 =	por !p2, p0  }
0x20: {  	[sflag:s8] =	ssyncset.s32 @!p0 $0xFFFFF086;
	s6 =	sadd.s32 @!p0 s3, s7;
	s7 =	simm.s32 @!p0 $0x108  }
0x21: {  	s3 =	sadd.s32 s3, s9;
	s6 =	sadd.s32 @!p0 $0x88, s6;
	s7 =	simm.s32 @p2 $0x1082  }
0x22: {  	[simem:s7], [sflag:s8] =	dma.local @!p0 [hbm:s6], $0xF7A  }
0x23: {  	s9 =	sor.u32 $0xD0000000, s2;
	s6 =	simm.s32 $0x108;
	_ =	swait.ge @!p0 [sflag:s8], $0x0  }
0x24: {  	s3 =	sadd.s32 $0x88, s3;
	s6 =	simm.s32 @!p1 $0x1082;
	[sflag:s4] =	ssyncset.s32 $0xFFFFF086  }
0x25: {  	[simem:s6], [sflag:s4] =	dma.local [hbm:s3], $0xF7A  }
0x26: {  	[smem:$0x3F9F] =	sst s1;
	(tag) =	ssettag s2;
	_ =	strace s9  }
0x27: {  	s1 =	sld [smem:$0x3FAF]  }
0x28: {  	s2 =	sld [smem:$0x3FB0]  }
0x29: {  	s4 =	sld [smem:$0x3FB2]  }
0x2a: {  	p0 =	seq.s32 s5, $0x0;
	s5 =	sld [smem:$0x3FB3]  }
0x2b: {  	s6 =	sld [smem:$0x3FB4]  }
0x2c: {  	s7 =	sld [smem:$0x3FB5]  }
0x2d: {  	s3 =	simm.s32 $0x108;
	s8 =	sld [smem:$0x3FB6]  }
0x2e: {  	s3 =	simm.s32 @!p0 $0x1082;
	s9 =	sld [smem:$0x3FB7]  }
0x2f: {  	lr =	sadd.s32 s0, s3;
	s0 =	sld [smem:$0x3FAE]  }
0x30: {  	s3 =	sld [smem:$0x3FB1]  }
0x31: {  	[smem:$0x3FBA] =	sst s10  }
0x32: {  	s10 =	sld [smem:$0x3FB8];
	_ =	sdelay $0x3  }
0x33: {  	p0 =	seq.s32 s10, $0x1;
	s10 =	sld [smem:$0x3FBA];
	_ =	sdelay $0x3  }
0x34: {  	[smem:$0x3FBA] =	sst s10  }
0x35: {  	s10 =	sld [smem:$0x3FB9];
	_ =	sdelay $0x3  }
0x36: {  	p1 =	seq.s32 s10, $0x1;
	s10 =	sld [smem:$0x3FBA];
	_ =	sdelay $0x3  }
0x37: {  	[smem:$0x3FBA] =	sst s10  }
0x38: {  	s10 =	sld [smem:$0x3FBB]  }
0x39: {  	_ = 	snop;
	(pc) =	sbr.ind lr, $3  }
0x3a: {  	_ = 	snop  }
0x3b: {  	_ = 	snop  }
0x3c: {  	p2 =	seq.s32 s10, $0x1;
	s10 =	sld [smem:$0x3FBA]  }
0x3d: {  	_ =	shalt  }
0x3e: {  	_ =	shalt  }
0x3f: {  	_ =	shalt  }
0x40: {  	_ =	shalt  }
0x41: {  	_ =	shalt  }
0x42: {  	_ =	shalt  }
0x43: {  	_ =	shalt  }
0x44: {  	_ =	shalt  }
0x45: {  	_ =	shalt  }
0x46: {  	_ =	shalt  }
0x47: {  	_ =	shalt  }
0x48: {  	_ =	shalt  }
0x49: {  	_ =	shalt  }
0x4a: {  	_ =	shalt  }
0x4b: {  	_ =	shalt  }
0x4c: {  	_ =	shalt  }
0x4d: {  	_ =	shalt  }
0x4e: {  	_ =	shalt  }
0x4f: {  	_ =	shalt  }
0x50: {  	_ =	shalt  }
0x51: {  	_ =	shalt  }
0x52: {  	_ =	shalt  }
0x53: {  	_ =	shalt  }
0x54: {  	_ =	shalt  }
0x55: {  	_ =	shalt  }
0x56: {  	_ =	shalt  }
0x57: {  	_ =	shalt  }
0x58: {  	_ =	shalt  }
0x59: {  	_ =	shalt  }
0x5a: {  	_ =	shalt  }
0x5b: {  	_ =	shalt  }
0x5c: {  	_ =	shalt  }
0x5d: {  	_ =	shalt  }
0x5e: {  	_ =	shalt  }
0x5f: {  	_ =	shalt  }
0x60: {  	_ =	shalt  }
0x61: {  	_ =	shalt  }
0x62: {  	_ =	shalt  }
0x63: {  	_ =	shalt  }
0x64: {  	_ =	shalt  }
0x65: {  	_ =	shalt  }
0x66: {  	_ =	shalt  }
0x67: {  	_ =	shalt  }
0x68: {  	_ =	shalt  }
0x69: {  	_ =	shalt  }
0x6a: {  	_ =	shalt  }
0x6b: {  	_ =	shalt  }
0x6c: {  	_ =	shalt  }
0x6d: {  	_ =	shalt  }
0x6e: {  	_ =	shalt  }
0x6f: {  	_ =	shalt  }
0x70: {  	_ =	shalt  }
0x71: {  	_ =	shalt  }
0x72: {  	_ =	shalt  }
0x73: {  	_ =	shalt  }
0x74: {  	_ =	shalt  }
0x75: {  	_ =	shalt  }
0x76: {  	_ =	shalt  }
0x77: {  	_ =	shalt  }
0x78: {  	_ =	shalt  }
0x79: {  	_ =	shalt  }
0x7a: {  	_ =	shalt  }
0x7b: {  	_ =	shalt  }
0x7c: {  	_ =	shalt  }
0x7d: {  	_ =	shalt  }
0x7e: {  	_ =	shalt  }
0x7f: {  	_ =	shalt  }
0x80: {  	_ =	shalt  }
0x81: {  	_ =	shalt  }
0x82: {  	_ =	shalt  }
0x83: {  	_ =	shalt  }
0x84: {  	_ =	shalt  }
0x85: {  	_ =	shalt  }
0x86: {  	_ =	shalt  }
0x87: {  	_ =	shalt  }
.Lfunc_end0:
.L_simem_size_0:
called_computation_lowered:
.L_overlay_start_0:
0x88: {  	s2 =	sld [smem:$0x3FD9]  }
0x89: {  	s3 =	sld [smem:$0x3FFE];
	_ =	sdelay $0x1  }
0x8a: {  	s1 =	srdreg.scid  }
0x8b: {  	s0 =	sand.u32 $0x1, s1  }
0x8c: {  	s17 =	sshll.u32 s0, $0xA;
	s2 =	sadd.s32 s3, s2  }
0x8d: {  	s2 =	sadd.s32 s2, s17  }
0x8e: {  	[smem:$0x3FC6] =	sst s2  }
0x8f: {  	_ = 	snop  }
0x90: {  	s2 =	sld [smem:$0x3FC8]  }
0x91: {  	s18 =	sld [smem:$0x3FD0];
	(tm) =	ssettm $0x1  }
0x92: {  	s4 =	sld [smem:$0x3FFB];
	_ =	sdelay $0x3  }
0x93: {  	_ =	strace s4  }
0x94: {  	s4 =	sld [smem:$0x3FFC];
	_ =	sdelay $0x3  }
0x95: {  	_ =	strace s4  }
0x96: {  	s4 =	sld [smem:$0x3FFD];
	_ =	sdelay $0x3  }
0x97: {  	_ =	strace s4  }
0x98: {  	_ =	strace $0x8FFFFFFF  }
0x99: {  	s19 =	sld [smem:$0x3FDB];
	_ =	sdelay $0x1  }
0x9a: {  	s5 =	simm.s32 $_scs_section_size  }
0x9b: {  	s6 =	simm.s32 $_size__tile_overlayer_lowered;
	s7 =	simm.s32 $_tile_overlayer_lowered  }
0x9c: {  	s22 =	simm.s32 $0x1BFF;
	s21 =	sshll.u32 s7, $0x1;
	s4 =	sadd.s32 s5, s19  }
0x9d: {  	s8 =	simm.s32 $0x0;
	s20 =	sshll.u32 s6, $0x1;
	s6 =	sadd.s32 s21, s4  }
0x9e: {  	[timem:s8], [sflag:s22] =	dma.local [hbm:s6], s20  }
0x9f: {  	_ =	swait.ge [sflag:s22], s20  }
0xa0: {  	s5 =	ssub.s32 $0x0, s20;
	[sflag:s22] =	ssyncset.done $0x0  }
0xa1: {  	[sflag:s22] =	ssyncadd.s32 s5;
	_ =	sdelay $0x1  }
0xa2: {  	s23 =	simm.s32 $0x1B8B  }
0xa3: {  	_ =	swait.ge [sflag:s23], $0x1  }
0xa4: {  	[sflag:s23] =	ssyncset.done $0x0  }
0xa5: {  	s25 =	simm.s32 $0x1B8E;
	s24 =	sld [smem:$0x3FFE];
	[sflag:s23] =	ssyncadd.s32 $0xFFFFFFFF  }
0xa6: {  	s26 =	simm.s32 $execute0_lowered;
	[smem:$0x3FD2] =	sst s25  }
0xa7: {  	s6 =	sshll.u32 s26, $0x1;
	_ =	strace $0x80000046;
	[dreg:$0x1] =	wrdreg $0xFFFFFFFF  }
0xa8: {  	s28 =	simm.s32 $_size_execute0_lowered;
	s4 =	sadd.s32 s4, s6;
	[dreg:$0x0] =	wrdreg $0x0  }
0xa9: {  	s6 =	sshll.u32 s28, $0x1;
	[dreg:$0x2] =	wrdreg s4  }
0xaa: {  	[dreg:$0x3] =	wrdreg s6  }
0xab: {  	[dreg:$0x4] =	wrdreg $0xC0  }
0xac: {  	_ =	task [dreg:s8], $0x5FFFF  }
0xad: {  	[dreg:$0x1] =	wrdreg $0xFFFFFFFF  }
0xae: {  	[dreg:$0x0] =	wrdreg $0x60  }
0xaf: {  	[dreg:$0x2] =	wrdreg s18  }
0xb0: {  	[dreg:$0x3] =	wrdreg s2  }
0xb1: {  	[dreg:$0x4] =	wrdreg s24  }
0xb2: {  	[dreg:$0x5] =	wrdreg $0x9  }
0xb3: {  	_ =	task.clear_ibuf [dreg:s8], $0x6FFFF;
	_ =	strace $0x90000046  }
0xb4: {  	s29 =	simm.s32 $0x9;
	_ =	strace $0x80000048  }
0xb5: {  	_ =	swait.ge [sflag:s29], $0x1  }
0xb6: {  	[sflag:s29] =	ssyncadd.s32 $0xFFFFFFFF  }
0xb7: {  	_ =	strace $0x90000048  }
0xb8: {  	_ =	sfence  }
0xb9: {  	s30 =	sld [smem:$0x0];
	_ =	sdelay $0x2  }
0xba: {  	s31 =	sshll.u32 s1, $0xD;
	s1 =	sshrl.u32 s1, $0x2  }
0xbb: {  	s3 =	sand.u32 $0x4000, s31;
	s1 =	sadd.s32 s1, s30  }
0xbc: {  	s0 =	sor.u32 s3, s0;
	s1 =	sshll.u32 s1, $0x11  }
0xbd: {  	s0 =	sor.u32 s1, s0  }
0xbe: {  	s0 =	sadd.s32 $0x8F2B, s0  }
0xbf: {  	[sflag:s0] =	ssyncadd.remote.s32 $0x1  }
0xc0: {  	_ =	sfence.sel $0xFFFF  }
0xc1: {  	[dreg:$0x0] =	wrdreg $0xFFFFFFFF;
	(pc) =	sbr.abs _section_cstart, $3  }
0xc2: {  	[dreg:$0x1] =	wrdreg $0xFFFFFFFF  }
0xc3: {  	_ =	task.clear_ibuf [dreg:s8], $0x2FFFF;
	_ =	strace $0x9FFFFFFF  }
0xc4: {  	(tm) =	ssettm $0x7FFFFFFF  }
0xc5: {  	_ =	shalt  }
tec
execute0_lowered:
.L_overlay_start_1:
0x0: {  	(tag) =	ssettag $0x1  }
0x1: {  	s10 =	rddreg [dreg:$0x0]  }
0x2: {  	s0 =	rddreg [dreg:$0x1]  }
0x3: {  	s1 =	rddreg [dreg:$0x2];
	s2 =	srdreg.scid  }
0x4: {  	s3 =	simm.s32 $0x0;
	s4 =	stileid.u32;
	s8 =	simm.s32 $0x1  }
0x5: {  	s17 =	simm.s32 $0x5;
	s18 =	simm.s32 $0x1D000;
	s22 =	simm.s32 $0x1000  }
0x6: {  	s28 =	simm.s32 $0x1E080;
	s29 =	simm.s32 $0x1E880;
	s30 =	simm.s32 $0x4  }
0x7: {  	s2 =	sand.u32 $0x1, s2;
	[smem:$0x7FF] =	sst s3;
	s4 =	sshll.u32 s4, $0x1  }
0x8: {  	s26 =	sadd.s32 $0x600, s0;
	s5 =	ssub.s32 $0x2, s2;
	_ =	strace $0x80000047  }
0x9: {  	s2 =	sor.u32 s2, s4;
	s4 =	sadd.s32 $0x400, s1;
	[dreg:$0xa] =	wrdreg s26  }
0xa: {  	s26 =	simm.s32 $0x1D880;
	s1 =	simm.s32 $0x0;
	s6 =	sshrl.u32 s5, $0x1  }
0xb: {  	s7 =	smul.u32 $0x3D, s2;
	p0 =	sne.s32 s2, $0x0;
	p1 =	seq.s32 s2, $0x1F  }
0xc: {  	s21 =	sor.u32 $0x8000, s2;
	s19 =	ssub.s32 s5, s6;
	s8 =	simm.s32 @!p0 $0x0  }
0xd: {  	p0 =	seq.s32 s2, $0x0;
	s5 =	simm.s32 $0x3E;
	s9 =	sadd.s32 s8, s7  }
0xe: {  	s7 =	simm.s32 $0x3E;
	s5 =	simm.s32 @!p1 $0x3D;
	s31 =	smax.u32 s19, $0x1  }
0xf: {  	s19 =	simm.s32 $0x1B000;
	s7 =	simm.s32 @!p0 $0x3D;
	s20 =	sshll.u32 s9, $0x9  }
0x10: {  	s5 =	simm.s32 @p0 $0x3E;
	[dreg:$0xc] =	wrdreg s31;
	s6 =	sadd.s32 s0, s20  }
0x11: {  	p0 =	sne.s32 s2, $0x1F;
	s23 =	sadd.s32 $0xFFFFFFFD, s7;
	[dreg:$0x4] =	wrdreg s6  }
0x12: {  	s14 =	smov.u32 s9;
	s24 =	sadd.s32 $0xFFFFFFFC, s7;
	[dreg:$0x7] =	wrdreg s23  }
.Ltmp0:
0x13: {  	s25 =	sadd.s32 $0xFFFFFFFB, s7;
	[dreg:$0x8] =	wrdreg s24;
	(pc) =	sbr.rel .LBB2_1-.Ltmp0, $4  }
0x14: {  	s2 =	simm.s32 $0x19000;
	s0 =	sadd.s32 $0xF4200, s0;
	[dreg:$0x9] =	wrdreg s25  }
0x15: {  	v3 =	vimm.s32 $0x0;
	v4 =	vlaneseq.u32;
	v5 =	vimm.s32 $0x1;
	s20 =	simm.s32 $0x1C000;
	s11 =	sadd.s32 $0x200, s6;
	[dreg:$0xb] =	wrdreg s0  }
0x16: {  	vm0 =	vmmov $0xffff;
	v7 =	vimm.s32 $0x3D;
	v6 =	vmul.u32 $0x80, v4;
	s6 =	sadd.s32 $0x400, s6;
	s23 =	simm.s32 $0x9000;
	[dreg:$0x5] =	wrdreg s11  }
0x17: {  	v0 =	vmov s21;
	v2 =	vmov s9;
	v1 =	vmov s5;
	s24 =	simm.s32 $0x11000;
	s25 =	simm.s32 $0x1D080;
	[dreg:$0x6] =	wrdreg s6  }
.LBB2_74:
0x18: {  	_ =	sdelay $0x3  }
0x19: {  	[hbm4b:s4+s3] =	stream.indirect_vreg.scatter [tilespmem:s26], [sflag:$0x4], $0x80, v8, vm0, $0xb8;
	[tilespmem:$0x1F080] =	vst v63  }
.LBB2_68:
0x1a: {  	_ =	swait.ge [sflag:s30], $0x800  }
0x1b: {  	[sflag:s30] =	ssyncset.done $0x0  }
0x1c: {  	[sflag:s30] =	ssyncadd.s32 $0xFFFFF800  }
0x1d: {  	_ =	swait.ge [sflag:s30], $0x800  }
0x1e: {  	[sflag:s30] =	ssyncset.done $0x0  }
0x1f: {  	s1 =	rddreg [dreg:$0xd];
	[sflag:s30] =	ssyncadd.s32 $0xFFFFF800  }
.LBB2_69:
0x20: {  	s1 =	sadd.s32 $0x1, s1;
	s0 =	rddreg [dreg:$0xc]  }
0x21: {  	p1 =	sne.s32 s1, s0  }
.Ltmp1:
0x22: {  	_ = 	snop;
	(pc) =	sbr.rel @!p1 .LBB2_70-.Ltmp1, $2  }
0x23: {  	_ =	sdelay $0x2  }
0x24: {  	s10 =	rddreg [dreg:$0x0]  }
.LBB2_1:
0x25: {  	[tilespmem:$0x1D000] =	vst v3  }
0x26: {  	[tilespmem:$0x1D010] =	vst v3  }
0x27: {  	[tilespmem:$0x1D020] =	vst v3  }
0x28: {  	[dreg:$0xd] =	wrdreg s1;
	[tilespmem:$0x1D030] =	vst v3;
	s0 =	simm.s32 $0x40;
	s1 =	simm.s32 $0x0  }
.LBB2_2:
0x29: {  	p1 =	sne.s32 s0, $0x3EC0;
	[tilespmem:s1+$0x1C000] =	vst v0;
	s1 =	smov.u32 s0;
	s0 =	sadd.s32 $0x40, s0  }
.Ltmp2:
0x2a: {  	(pc) =	sbr.rel @p1 .LBB2_2-.Ltmp2, $2  }
0x2b: {  	_ =	sdelay $0x2  }
0x2c: {  	s1 =	sshra.s32 s1, $0x2  }
0x2d: {  	[tilespmem:s1+$0x1C000] =	vst v0;
	s1 =	simm.s32 $0x0;
	s8 =	simm.s32 $0x0;
	s9 =	simm.s32 $0x0  }
.LBB2_4:
0x2e: {  	s0 =	sshll.u32 s9, $0x9  }
0x2f: {  	s0 =	sadd.s32 s10, s0  }
0x30: {  	[tilespmem:s1], [sflag:$0x5] =	stream.linear.gather [hbm4b:s0+s1], $0x1000, $0x38;
	[tilespmem:$0x1F080] =	vst v63  }
0x31: {  	_ =	swait.ge [sflag:s17], $0x1000  }
0x32: {  	[sflag:s17] =	ssyncset.done $0x0  }
0x33: {  	s21 =	simm.s32 $0x0;
	[sflag:s17] =	ssyncadd.s32 $0xFFFFF000  }
0x34: {  	v8 =	vld [tilespmem:s21+$0x0];
	_ =	sdelay $0x4  }
0x35: {  	v9 =	vshra.s32 v8, $0x9  }
0x36: {  	v9 =	vsub.s32 v9, v2  }
0x37: {  	vm1 =	vgt.s32 v9, $0x0  }
0x38: {  	vm2 =	vgt.s32 v9, $0xFFFFFFFF;
	vm3 =	vlt.s32 v9, v1;
	v9 =	vnsel vm1, $0x0, v9  }
0x39: {  	vm1 =	vmand vm2, vm3;
	v9 =	vmin.u32 v9, $0x3E  }
0x3a: {  	(xrf1) =	vunique.msk.u32 vm1, v9;
	_ =	sdelay $0x9  }
0x3b: {  	v10 =	vld.idx.msk [tilespmem:v9+s18+$0x0], vm1;
	_ =	sdelay $0x3  }
0x3c: {  	_, v11, _ =	vpop (xrf1)  }
0x3d: {  	v10 =	vadd.s32 v11, v10  }
0x3e: {  	v10 =	vadd.s32 $0xFFFFFFFF, v10  }
0x3f: {  	vm2 =	vgt.s32 v10, $0x0  }
0x40: {  	v10 =	vnsel vm2, $0x0, v10  }
0x41: {  	v11 =	vshll.u32 v9, $0x6;
	v10 =	vmin.u32 v10, $0x3F  }
0x42: {  	v10 =	vor.u32 v11, v10;
	_ =	sdelay $0x4  }
0x43: {  	[tilespmem:v10+s19+$0x0] =	vst.idx.msk vm1, v8;
	v8 =	vor.u32 s8, v4  }
0x44: {  	[tilespmem:v10+s20+$0x0] =	vst.idx.msk vm1, v8  }
0x45: {  	s31 =	simm.s32 $0x10;
	[tilespmem:v9+s18+$0x0] =	vst.idx.add.s32.msk vm1, v5  }
0x46: {  	v8 =	vld [tilespmem:s31+$0x0]  }
0x47: {  	s5 =	simm.s32 $0x80;
	s0 =	smov.u32 s8  }
.LBB2_5:
0x48: {  	p1 =	sne.s32 s5, $0x3FC0;
	_ =	sdelay $0x2  }
0x49: {  	v9 =	vshra.s32 v8, $0x9  }
0x4a: {  	v9 =	vsub.s32 v9, v2  }
0x4b: {  	vm1 =	vgt.s32 v9, $0x0  }
0x4c: {  	vm2 =	vgt.s32 v9, $0xFFFFFFFF;
	vm3 =	vlt.s32 v9, v1;
	v9 =	vnsel vm1, $0x0, v9  }
0x4d: {  	vm1 =	vmand vm2, vm3;
	v9 =	vmin.u32 v9, $0x3E  }
0x4e: {  	(xrf1) =	vunique.msk.u32 vm1, v9;
	_ =	sdelay $0x8  }
0x4f: {  	v10 =	vld.idx.msk [tilespmem:v9+s18+$0x0], vm1;
	_ =	sdelay $0x4  }
0x50: {  	_, v11, _ =	vpop (xrf1)  }
0x51: {  	v10 =	vadd.s32 v11, v10  }
0x52: {  	v10 =	vadd.s32 $0xFFFFFFFF, v10  }
0x53: {  	vm2 =	vgt.s32 v10, $0x0  }
0x54: {  	v10 =	vnsel vm2, $0x0, v10  }
0x55: {  	v11 =	vshll.u32 v9, $0x6;
	v10 =	vmin.u32 v10, $0x3F  }
0x56: {  	v10 =	vor.u32 v11, v10;
	_ =	sdelay $0x3  }
0x57: {  	s0 =	sadd.s32 $0x10, s0  }
.Ltmp3:
0x58: {  	[tilespmem:v10+s19+$0x0] =	vst.idx.msk vm1, v8;
	v8 =	vor.u32 s0, v4;
	(pc) =	sbr.rel @p1 .LBB2_5-.Ltmp3, $4  }
0x59: {  	[tilespmem:v10+s20+$0x0] =	vst.idx.msk vm1, v8  }
0x5a: {  	s6 =	sshra.s32 s5, $0x2;
	[tilespmem:v9+s18+$0x0] =	vst.idx.add.s32.msk vm1, v5  }
0x5b: {  	v8 =	vld [tilespmem:s6+$0x0]  }
0x5c: {  	s5 =	sadd.s32 $0x40, s5  }
0x5d: {  	_ =	sdelay $0x2  }
0x5e: {  	v9 =	vshra.s32 v8, $0x9  }
0x5f: {  	v9 =	vsub.s32 v9, v2  }
0x60: {  	vm1 =	vgt.s32 v9, $0x0  }
0x61: {  	vm2 =	vgt.s32 v9, $0xFFFFFFFF;
	vm3 =	vlt.s32 v9, v1;
	v9 =	vnsel vm1, $0x0, v9  }
0x62: {  	vm1 =	vmand vm2, vm3;
	v9 =	vmin.u32 v9, $0x3E  }
0x63: {  	(xrf1) =	vunique.msk.u32 vm1, v9;
	_ =	sdelay $0x9  }
0x64: {  	v10 =	vld.idx.msk [tilespmem:v9+s18+$0x0], vm1;
	_ =	sdelay $0x3  }
0x65: {  	_, v11, _ =	vpop (xrf1)  }
0x66: {  	v10 =	vadd.s32 v11, v10  }
0x67: {  	v10 =	vadd.s32 $0xFFFFFFFF, v10  }
0x68: {  	vm2 =	vgt.s32 v10, $0x0  }
0x69: {  	v10 =	vnsel vm2, $0x0, v10  }
0x6a: {  	v63 =	vshll.u32 v9, $0x6;
	v10 =	vmin.u32 v10, $0x3F  }
0x6b: {  	v10 =	vor.u32 v63, v10  }
0x6c: {  	s9 =	sadd.s32 $0x1, s9  }
0x6d: {  	p1 =	sne.s32 s9, $0x8  }
.Ltmp4:
0x6e: {  	_ = 	snop;
	(pc) =	sbr.rel @p1 .LBB2_4-.Ltmp4, $4  }
0x6f: {  	s0 =	sadd.s32 $0x10, s0  }
0x70: {  	[tilespmem:v10+s19+$0x0] =	vst.idx.msk vm1, v8;
	v8 =	vor.u32 s0, v4  }
0x71: {  	[tilespmem:v10+s20+$0x0] =	vst.idx.msk vm1, v8  }
0x72: {  	s8 =	sadd.s32 $0x1000, s8;
	[tilespmem:v9+s18+$0x0] =	vst.idx.add.s32.msk vm1, v5  }
0x73: {  	s0 =	rddreg [dreg:$0x4];
	s1 =	simm.s32 $0x7A1400  }
0x74: {  	[tilespmem:s22], [sflag:$0x1] =	stream.strided.gather [hbm4b:s0+s22], $0x8000, s1, s22, $0x38;
	[tilespmem:$0x1F080] =	vst v63  }
.Ltmp5:
0x75: {  	_ = 	snop;
	(pc) =	sbr.rel .LBB2_8-.Ltmp5, $4  }
0x76: {  	s21 =	rddreg [dreg:$0x5]  }
0x77: {  	[tilespmem:s23], [sflag:$0x2] =	stream.strided.gather [hbm4b:s21+s22], $0x8000, s1, s22, $0x38;
	[tilespmem:$0x1F080] =	vst v63  }
0x78: {  	s31 =	rddreg [dreg:$0x6];
	s9 =	simm.s32 $0x0  }
0x79: {  	[tilespmem:s24], [sflag:$0x3] =	stream.strided.gather [hbm4b:s31+s22], $0x8000, s1, s22, $0x38;
	[tilespmem:$0x1F080] =	vst v63  }
.LBB2_73:
0x7a: {  	_ =	sdelay $0x3  }
0x7b: {  	[hbm4b:s4+s3] =	stream.indirect_vreg.scatter [tilespmem:s26], [sflag:$0x4], $0x80, v9, vm0, $0xb8;
	[tilespmem:$0x1F080] =	vst v63  }
.LBB2_52:
0x7c: {  	_ =	swait.ge [sflag:s30], $0x800  }
0x7d: {  	[sflag:s30] =	ssyncset.done $0x0  }
0x7e: {  	[sflag:s30] =	ssyncadd.s32 $0xFFFFF800  }
0x7f: {  	_ =	swait.ge [sflag:s30], $0x800  }
0x80: {  	s0 =	rddreg [dreg:$0x9]  }
0x81: {  	[sflag:s30] =	ssyncset.done $0x0;
	p1 =	sge.u32 s10, s0;
	s0 =	rddreg [dreg:$0xa]  }
0x82: {  	[sflag:s30] =	ssyncadd.s32 $0xFFFFF800;
	s0 =	sadd.s32 @!p1 s16, s0  }
0x83: {  	s1 =	simm.s32 @!p1 $0x1000;
	s5 =	simm.s32 @!p1 $0x7A1400;
	s6 =	simm.s32 @!p1 $0x11000  }
0x84: {  	[tilespmem:s6], [sflag:$0x3] =	stream.strided.gather @!p1 [hbm4b:s0+s1], $0x8000, s5, s1, $0x38;
	[tilespmem:$0x1F080] =	vst v63  }
.LBB2_53:
0x85: {  	s9 =	sadd.s32 $0x1, s9  }
0x86: {  	p1 =	sne.s32 s9, $0x15  }
.Ltmp6:
0x87: {  	_ = 	snop;
	(pc) =	sbr.rel @!p1 .LBB2_54-.Ltmp6, $1  }
0x88: {  	_ =	sdelay $0x3  }
.LBB2_8:
0x89: {  	s10 =	smul.u32 $0x3, s9;
	_ =	sdelay $0x1  }
0x8a: {  	p1 =	sge.u32 s10, s7  }
.Ltmp7:
0x8b: {  	_ = 	snop;
	(pc) =	sbr.rel @p1 .LBB2_23-.Ltmp7, $1  }
0x8c: {  	_ =	sdelay $0x3  }
0x8d: {  	s0 =	simm.s32 $0x1  }
0x8e: {  	_ =	swait.ge [sflag:s0], $0x8000  }
0x8f: {  	s8 =	smul.u32 $0xC0, s9;
	[sflag:s0] =	ssyncset.done $0x0  }
0x90: {  	[sflag:s0] =	ssyncadd.s32 $0xFFFF8000  }
0x91: {  	v9 =	vld [tilespmem:s8+$0x1B000]  }
0x92: {  	v17 =	vmov s10;
	s11 =	simm.s32 $0x0;
	s1 =	simm.s32 $0x8  }
0x93: {  	s6 =	sadd.s32 s14, s10;
	s12 =	simm.s32 $0xF;
	s5 =	simm.s32 $0xE;
	v18 =	vmov s11;
	v36 =	vor.u32 s11, v6;
	v19 =	vmov s1  }
0x94: {  	s21 =	simm.s32 $0xB;
	s31 =	simm.s32 $0x3;
	s16 =	sshll.u32 s6, $0x9;
	v20 =	vmov s12;
	v21 =	vmov s5;
	v22 =	vor.u32 s12, v6  }
0x95: {  	v24 =	vmov s21;
	v63 =	vmov s31;
	v8 =	vmov s16  }
0x96: {  	s6 =	simm.s32 $0xA;
	v18 =	vshll.u32 v18, $0x9;
	v20 =	vshll.u32 v20, $0x9;
	v9 =	vsub.s32 v9, v8  }
0x97: {  	s12 =	simm.s32 $0x5;
	v24 =	vshll.u32 v24, $0x9;
	v25 =	vmov s6;
	vm1 =	vgt.s32 v9, $0x0  }
0x98: {  	v39 =	vmov s12;
	v20 =	vand.u32 $0x7000, v20;
	v9 =	vnsel vm1, $0x0, v9  }
0x99: {  	v24 =	vand.u32 $0x7000, v24;
	v31 =	vshll.u32 v25, $0x9;
	v11 =	vmin.u32 v9, $0x1FF  }
0x9a: {  	v25 =	vor.u32 s6, v6;
	v39 =	vshll.u32 v39, $0x9;
	v9 =	vshll.u32 v11, $0x3  }
0x9b: {  	v31 =	vand.u32 $0x7000, v31;
	v10 =	vand.u32 $0x7F, v11;
	v13 =	vand.u32 $0xC00, v9  }
0x9c: {  	v39 =	vand.u32 $0x6000, v39;
	v12 =	vor.u32 v10, v13;
	v16 =	vor.u32 v11, v13  }
0x9d: {  	v9 =	vor.u32 $0x80, v12;
	v10 =	vor.u32 $0x100, v12;
	v11 =	vor.u32 $0x180, v16  }
0x9e: {  	v13 =	vor.u32 $0x200, v12;
	v14 =	vor.u32 $0x280, v12;
	v15 =	vor.u32 $0x300, v12  }
0x9f: {  	v16 =	vor.u32 $0x380, v16;
	v26 =	vor.u32 v12, v18;
	v18 =	vshll.u32 v19, $0x9  }
0xa0: {  	s13 =	simm.s32 $0xD;
	v19 =	vor.u32 s1, v6;
	v27 =	vor.u32 v12, v18;
	v18 =	vshll.u32 v21, $0x9  }
0xa1: {  	s15 =	simm.s32 $0xC;
	v29 =	vor.u32 v20, v16;
	v20 =	vmov s13;
	v18 =	vand.u32 $0x7000, v18  }
0xa2: {  	s1 =	simm.s32 $0x9;
	v37 =	vor.u32 v24, v11;
	v30 =	vor.u32 v18, v15;
	v18 =	vmov s15  }
0xa3: {  	v28 =	vmov s1;
	v23 =	vshll.u32 v20, $0x9;
	v18 =	vshll.u32 v18, $0x9  }
0xa4: {  	v28 =	vshll.u32 v28, $0x9;
	v23 =	vand.u32 $0x7000, v23;
	v18 =	vand.u32 $0x7000, v18;
	v38 =	vld.idx.msk [tilespmem:v26+s22+$0x0], $0xffff  }
0xa5: {  	v32 =	vor.u32 v23, v14;
	v23 =	vor.u32 s15, v6;
	s15 =	simm.s32 $0x7;
	v33 =	vor.u32 v18, v13;
	v18 =	vld.idx.msk [tilespmem:v17+s18+$0x0], $0xffff  }
0xa6: {  	v21 =	vor.u32 s5, v6;
	v28 =	vand.u32 $0x7000, v28;
	v34 =	vmov s15;
	v17 =	vld [tilespmem:s8+$0x1C000]  }
0xa7: {  	s11 =	simm.s32 $0x6;
	v20 =	vor.u32 s13, v6;
	v28 =	vor.u32 v28, v9;
	v34 =	vshll.u32 v34, $0x9;
	v37 =	vld.idx.msk [tilespmem:v37+s22+$0x0], $0xffff  }
0xa8: {  	s13 =	simm.s32 $0x4;
	v26 =	vor.u32 v31, v10;
	v31 =	vmov s11;
	v35 =	vand.u32 $0x6000, v34;
	v34 =	vld.idx.msk [tilespmem:v27+s22+$0x0], $0xffff  }
0xa9: {  	v31 =	vshll.u32 v31, $0x9;
	v27 =	vor.u32 v35, v16;
	v35 =	vld.idx.msk [tilespmem:v29+s22+$0x0], $0xffff;
	v29 =	vmov s13  }
0xaa: {  	v24 =	vor.u32 s21, v6;
	v40 =	vand.u32 $0x6000, v31;
	v31 =	vld.idx.msk [tilespmem:v30+s22+$0x0], $0xffff;
	v30 =	vshll.u32 v29, $0x9  }
0xab: {  	s0 =	simm.s32 $0x2;
	v29 =	vor.u32 v40, v15;
	v32 =	vld.idx.msk [tilespmem:v32+s22+$0x0], $0xffff;
	v41 =	vand.u32 $0x6000, v30;
	v30 =	vor.u32 v39, v14  }
0xac: {  	s5 =	simm.s32 $0x1;
	s21 =	simm.s32 $0x10;
	[tilespmem:v36+s25+$0x0] =	vst.idx.msk $0xffff, v38;
	v38 =	vmov s0;
	v39 =	vshll.u32 v63, $0x9;
	v33 =	vld.idx.msk [tilespmem:v33+s22+$0x0], $0xffff;
	v36 =	vor.u32 v41, v13  }
.LBB2_10:
0xad: {  	p1 =	slt.u32 s21, $0x30;
	v40 =	vmov s5;
	v38 =	vshll.u32 v38, $0x9;
	v39 =	vand.u32 $0x6000, v39;
	[tilespmem:v19+s25+$0x0] =	vst.idx.msk $0xffff, v34;
	v26 =	vld.idx.msk [tilespmem:v26+s22+$0x0], $0xffff  }
0xae: {  	v19 =	vshll.u32 v40, $0x9;
	v34 =	vand.u32 $0x6000, v38;
	v38 =	vor.u32 v39, v11;
	v28 =	vld.idx.msk [tilespmem:v28+s22+$0x0], $0xffff;
	[tilespmem:v22+s25+$0x0] =	vst.idx.msk $0xffff, v35  }
0xaf: {  	v19 =	vand.u32 $0x6000, v19;
	v22 =	vor.u32 v34, v10;
	v27 =	vld.idx.msk [tilespmem:v27+s22+$0x0], $0xffff;
	v34 =	vor.u32 s1, v6;
	[tilespmem:v21+s25+$0x0] =	vst.idx.msk $0xffff, v31  }
0xb0: {  	v35 =	vor.u32 s15, v6;
	v21 =	vmov s21;
	v31 =	vor.u32 v19, v9;
	v29 =	vld.idx.msk [tilespmem:v29+s22+$0x0], $0xffff;
	[tilespmem:v20+s25+$0x0] =	vst.idx.msk $0xffff, v32  }
0xb1: {  	v39 =	vor.u32 s21, v6;
	s1 =	sadd.s32 $0x8, s21;
	v19 =	vshll.u32 v21, $0x9;
	v21 =	vor.u32 s11, v6;
	v20 =	vld.idx.msk [tilespmem:v30+s22+$0x0], $0xffff;
	[tilespmem:v23+s25+$0x0] =	vst.idx.msk $0xffff, v33  }
0xb2: {  	v32 =	vor.u32 s12, v6;
	v30 =	vor.u32 v12, v19;
	v19 =	vmov s1;
	v23 =	vld.idx.msk [tilespmem:v36+s22+$0x0], $0xffff;
	[tilespmem:v24+s25+$0x0] =	vst.idx.msk $0xffff, v37  }
0xb3: {  	v24 =	vshll.u32 v19, $0x9;
	v19 =	vor.u32 s1, v6;
	s1 =	sadd.s32 $0xF, s21;
	v36 =	vor.u32 s13, v6;
	v33 =	vld.idx.msk [tilespmem:v38+s22+$0x0], $0xffff;
	[tilespmem:v25+s25+$0x0] =	vst.idx.msk $0xffff, v26  }
0xb4: {  	s6 =	sadd.s32 $0xE, s21;
	v37 =	vor.u32 v12, v24;
	v24 =	vmov s1;
	v26 =	vor.u32 s31, v6;
	v25 =	vld.idx.msk [tilespmem:v22+s22+$0x0], $0xffff;
	[tilespmem:v34+s25+$0x0] =	vst.idx.msk $0xffff, v28  }
0xb5: {  	v22 =	vmov s6;
	v24 =	vshll.u32 v24, $0x9;
	v28 =	vld.idx.msk [tilespmem:v31+s22+$0x0], $0xffff;
	v31 =	vor.u32 s0, v6;
	[tilespmem:v35+s25+$0x0] =	vst.idx.msk $0xffff, v27  }
0xb6: {  	v22 =	vshll.u32 v22, $0x9;
	v24 =	vand.u32 $0x7000, v24;
	v27 =	vor.u32 s5, v6;
	[tilespmem:v21+s25+$0x0] =	vst.idx.msk $0xffff, v29  }
0xb7: {  	s0 =	sadd.s32 $0xD, s21;
	v21 =	vand.u32 $0x7000, v22;
	v29 =	vor.u32 v24, v16;
	v22 =	vor.u32 s1, v6;
	[tilespmem:v32+s25+$0x0] =	vst.idx.msk $0xffff, v20  }
0xb8: {  	s1 =	sadd.s32 $0xC, s21;
	v20 =	vmov s0;
	v32 =	vor.u32 v21, v15;
	v21 =	vor.u32 s6, v6;
	[tilespmem:v36+s25+$0x0] =	vst.idx.msk $0xffff, v23  }
0xb9: {  	s5 =	sadd.s32 $0xB, s21;
	v23 =	vmov s1;
	v24 =	vshll.u32 v20, $0x9;
	v20 =	vor.u32 s0, v6;
	[tilespmem:v26+s25+$0x0] =	vst.idx.msk $0xffff, v33  }
0xba: {  	v26 =	vmov s5;
	v23 =	vshll.u32 v23, $0x9;
	v24 =	vand.u32 $0x7000, v24;
	[tilespmem:v31+s25+$0x0] =	vst.idx.msk $0xffff, v25  }
0xbb: {  	v25 =	vshll.u32 v26, $0x9;
	v23 =	vand.u32 $0x7000, v23;
	v33 =	vor.u32 v24, v14;
	[tilespmem:v27+s25+$0x0] =	vst.idx.msk $0xffff, v28  }
0xbc: {  	s0 =	sadd.s32 $0xA, s21;
	v24 =	vand.u32 $0x7000, v25;
	v36 =	vor.u32 v23, v13;
	v23 =	vor.u32 s1, v6  }
0xbd: {  	s1 =	sadd.s32 $0x9, s21;
	v25 =	vmov s0;
	v40 =	vor.u32 v24, v11;
	v24 =	vor.u32 s5, v6  }
0xbe: {  	s15 =	sadd.s32 $0x7, s21;
	v26 =	vmov s1;
	v27 =	vshll.u32 v25, $0x9;
	v25 =	vor.u32 s0, v6  }
0xbf: {  	v28 =	vmov s15;
	v26 =	vshll.u32 v26, $0x9;
	v27 =	vand.u32 $0x7000, v27  }
0xc0: {  	s11 =	sadd.s32 $0x6, s21;
	v28 =	vshll.u32 v28, $0x9;
	v38 =	vld.idx.msk [tilespmem:v30+s22+$0x0], $0xffff;
	v30 =	vand.u32 $0x7000, v26;
	v26 =	vor.u32 v27, v10  }
0xc1: {  	s12 =	sadd.s32 $0x5, s21;
	v31 =	vand.u32 $0x6000, v28;
	v27 =	vmov s11;
	v34 =	vld.idx.msk [tilespmem:v37+s22+$0x0], $0xffff;
	v28 =	vor.u32 v30, v9  }
.Ltmp8:
0xc2: {  	s13 =	sadd.s32 $0x4, s21;
	v30 =	vmov s12;
	v37 =	vshll.u32 v27, $0x9;
	v27 =	vor.u32 v31, v16;
	v35 =	vld.idx.msk [tilespmem:v29+s22+$0x0], $0xffff;
	(pc) =	sbr.rel @p1 .LBB2_10-.Ltmp8, $4  }
0xc3: {  	v29 =	vmov s13;
	v30 =	vshll.u32 v30, $0x9;
	v37 =	vand.u32 $0x6000, v37;
	v31 =	vld.idx.msk [tilespmem:v32+s22+$0x0], $0xffff  }
0xc4: {  	s31 =	sadd.s32 $0x3, s21;
	v41 =	vshll.u32 v29, $0x9;
	v30 =	vand.u32 $0x6000, v30;
	v29 =	vor.u32 v37, v15;
	v32 =	vld.idx.msk [tilespmem:v33+s22+$0x0], $0xffff  }
0xc5: {  	s0 =	sadd.s32 $0x2, s21;
	v37 =	vmov s31;
	v41 =	vand.u32 $0x6000, v41;
	v30 =	vor.u32 v30, v14;
	v33 =	vld.idx.msk [tilespmem:v36+s22+$0x0], $0xffff  }
0xc6: {  	s5 =	sadd.s32 $0x1, s21;
	s21 =	sadd.s32 $0x10, s21;
	v36 =	vor.u32 v41, v13;
	[tilespmem:v39+s25+$0x0] =	vst.idx.msk $0xffff, v38;
	v38 =	vmov s0;
	v39 =	vshll.u32 v37, $0x9;
	v37 =	vld.idx.msk [tilespmem:v40+s22+$0x0], $0xffff  }
0xc7: {  	(v2sf) =	vpush v18, $0x0;
	_ =	sdelay $0x4  }
0xc8: {  	v12 =	vmov s5;
	[tilespmem:v19+s25+$0x0] =	vst.idx.msk $0xffff, v34  }
0xc9: {  	v13 =	vshll.u32 v38, $0x9;
	v14 =	vand.u32 $0x6000, v39;
	v15 =	vld.idx.msk [tilespmem:v26+s22+$0x0], $0xffff;
	[tilespmem:v22+s25+$0x0] =	vst.idx.msk $0xffff, v35;
	v16 =	vor.u32 s1, v6  }
0xca: {  	v52 =	vld.idx.msk [tilespmem:v28+s22+$0x0], $0xffff;
	v12 =	vshll.u32 v12, $0x9;
	v13 =	vand.u32 $0x6000, v13;
	v11 =	vor.u32 v14, v11;
	[tilespmem:v21+s25+$0x0] =	vst.idx.msk $0xffff, v31  }
0xcb: {  	v53 =	vld.idx.msk [tilespmem:v27+s22+$0x0], $0xffff;
	v54 =	vor.u32 s15, v6;
	v12 =	vand.u32 $0x6000, v12;
	v10 =	vor.u32 v13, v10;
	[tilespmem:v20+s25+$0x0] =	vst.idx.msk $0xffff, v32  }
0xcc: {  	v55 =	vld.idx.msk [tilespmem:v29+s22+$0x0], $0xffff;
	v56 =	vor.u32 s11, v6;
	v9 =	vor.u32 v12, v9;
	[tilespmem:v23+s25+$0x0] =	vst.idx.msk $0xffff, v33  }
0xcd: {  	v57 =	vld.idx.msk [tilespmem:v30+s22+$0x0], $0xffff;
	v58 =	vor.u32 s12, v6;
	[tilespmem:v24+s25+$0x0] =	vst.idx.msk $0xffff, v37  }
0xce: {  	v59 =	vld.idx.msk [tilespmem:v36+s22+$0x0], $0xffff;
	v60 =	vor.u32 s13, v6;
	[tilespmem:v25+s25+$0x0] =	vst.idx.msk $0xffff, v15  }
0xcf: {  	v61 =	vor.u32 s31, v6;
	[tilespmem:v16+s25+$0x0] =	vst.idx.msk $0xffff, v52;
	v11 =	vld.idx.msk [tilespmem:v11+s22+$0x0], $0xffff  }
0xd0: {  	v62 =	vor.u32 s0, v6;
	[tilespmem:v54+s25+$0x0] =	vst.idx.msk $0xffff, v53;
	v10 =	vld.idx.msk [tilespmem:v10+s22+$0x0], $0xffff  }
0xd1: {  	v63 =	vor.u32 s5, v6;
	[tilespmem:v56+s25+$0x0] =	vst.idx.msk $0xffff, v55;
	v9 =	vld.idx.msk [tilespmem:v9+s22+$0x0], $0xffff  }
0xd2: {  	[tilespmem:v58+s25+$0x0] =	vst.idx.msk $0xffff, v57;
	s21 =	spop (v2sf)  }
0xd3: {  	[tilespmem:v60+s25+$0x0] =	vst.idx.msk $0xffff, v59;
	p1 =	slt.s32 s21, $0x11  }
.Ltmp9:
0xd4: {  	[tilespmem:v61+s25+$0x0] =	vst.idx.msk $0xffff, v11;
	(pc) =	sbr.rel @p1 .LBB2_71-.Ltmp9, $4  }
0xd5: {  	[tilespmem:v62+s25+$0x0] =	vst.idx.msk $0xffff, v10  }
0xd6: {  	[tilespmem:v63+s25+$0x0] =	vst.idx.msk $0xffff, v9  }
0xd7: {  	[hbm4b:s4+s3] =	stream.indirect_vreg.scatter [tilespmem:s25], [sflag:$0x4], $0x80, v17, vm0, $0xb8;
	[tilespmem:$0x1F080] =	vst v63  }
0xd8: {  	v9 =	vld [tilespmem:s8+$0x1C010]  }
0xd9: {  	s0 =	sor.u32 $0x10, s8  }
0xda: {  	v10 =	vld [tilespmem:s0+$0x1B000]  }
0xdb: {  	s6 =	simm.s32 $0x0  }
0xdc: {  	s1 =	simm.s32 $0x8;
	s11 =	simm.s32 $0xF;
	s5 =	simm.s32 $0xE;
	v18 =	vmov s6;
	v35 =	vor.u32 s6, v6  }
0xdd: {  	s12 =	simm.s32 $0xD;
	s13 =	simm.s32 $0xC;
	s15 =	simm.s32 $0xB;
	v19 =	vmov s1;
	v20 =	vmov s11;
	v21 =	vmov s5  }
0xde: {  	v22 =	vmov s12;
	v23 =	vmov s13;
	v24 =	vmov s15  }
0xdf: {  	v18 =	vshll.u32 v18, $0x9;
	v19 =	vshll.u32 v19, $0x9;
	v10 =	vsub.s32 v10, v8  }
0xe0: {  	v20 =	vshll.u32 v20, $0x9;
	v22 =	vshll.u32 v22, $0x9;
	vm1 =	vgt.s32 v10, $0x0  }
0xe1: {  	s6 =	simm.s32 $0xA;
	s0 =	simm.s32 $0x3;
	v23 =	vshll.u32 v23, $0x9;
	v24 =	vshll.u32 v24, $0x9;
	v10 =	vnsel vm1, $0x0, v10  }
0xe2: {  	v27 =	vmov s6;
	v63 =	vmov s0;
	v11 =	vmin.u32 v10, $0x1FF  }
0xe3: {  	v20 =	vand.u32 $0x7000, v20;
	v22 =	vand.u32 $0x7000, v22;
	v10 =	vshll.u32 v11, $0x3  }
0xe4: {  	v27 =	vshll.u32 v27, $0x9;
	v12 =	vand.u32 $0x7F, v11;
	v14 =	vand.u32 $0xC00, v10  }
0xe5: {  	v23 =	vand.u32 $0x7000, v23;
	v27 =	vand.u32 $0x7000, v27;
	v13 =	vor.u32 v12, v14  }
0xe6: {  	v17 =	vor.u32 v11, v14;
	v10 =	vor.u32 $0x80, v13;
	v11 =	vor.u32 $0x100, v13  }
0xe7: {  	v12 =	vor.u32 $0x180, v17;
	v14 =	vor.u32 $0x200, v13;
	v15 =	vor.u32 $0x280, v13  }
0xe8: {  	v16 =	vor.u32 $0x300, v13;
	v17 =	vor.u32 $0x380, v17;
	v25 =	vor.u32 v13, v18  }
0xe9: {  	v18 =	vor.u32 s1, v6;
	v26 =	vor.u32 v13, v19;
	v19 =	vshll.u32 v21, $0x9  }
0xea: {  	v21 =	vor.u32 s11, v6;
	v19 =	vand.u32 $0x7000, v19;
	v28 =	vor.u32 v20, v17  }
0xeb: {  	v20 =	vor.u32 s5, v6;
	v31 =	vor.u32 v22, v15;
	v22 =	vand.u32 $0x7000, v24  }
0xec: {  	s11 =	simm.s32 $0x9;
	s1 =	simm.s32 $0x7;
	v32 =	vor.u32 v23, v14;
	v23 =	vor.u32 s13, v6;
	v24 =	vor.u32 s15, v6  }
0xed: {  	v30 =	vmov s11;
	v33 =	vmov s1;
	v29 =	vor.u32 v19, v16  }
0xee: {  	v19 =	vor.u32 s12, v6;
	v36 =	vor.u32 v22, v12;
	v22 =	vor.u32 s6, v6;
	s12 =	simm.s32 $0x6  }
0xef: {  	v30 =	vshll.u32 v30, $0x9;
	v33 =	vshll.u32 v33, $0x9;
	v34 =	vmov s12;
	v37 =	vld.idx.msk [tilespmem:v25+s22+$0x0], $0xffff  }
0xf0: {  	s13 =	simm.s32 $0x5;
	v30 =	vand.u32 $0x7000, v30;
	v38 =	vand.u32 $0x6000, v33;
	v39 =	vshll.u32 v34, $0x9;
	v33 =	vld.idx.msk [tilespmem:v26+s22+$0x0], $0xffff  }
0xf1: {  	s31 =	simm.s32 $0x4;
	v25 =	vor.u32 v27, v11;
	v27 =	vor.u32 v30, v10;
	v30 =	vmov s13;
	v34 =	vld.idx.msk [tilespmem:v28+s22+$0x0], $0xffff  }
0xf2: {  	v26 =	vor.u32 v38, v17;
	v28 =	vmov s31;
	v62 =	vshll.u32 v30, $0x9;
	v31 =	vld.idx.msk [tilespmem:v31+s22+$0x0], $0xffff  }
0xf3: {  	v39 =	vand.u32 $0x6000, v39;
	v30 =	vld.idx.msk [tilespmem:v29+s22+$0x0], $0xffff;
	v29 =	vshll.u32 v28, $0x9;
	v38 =	vand.u32 $0x6000, v62  }
0xf4: {  	s5 =	simm.s32 $0x2;
	v32 =	vld.idx.msk [tilespmem:v32+s22+$0x0], $0xffff;
	v28 =	vor.u32 v39, v16;
	v40 =	vand.u32 $0x6000, v29;
	v29 =	vor.u32 v38, v15  }
0xf5: {  	s15 =	simm.s32 $0x10;
	s6 =	simm.s32 $0x1;
	v36 =	vld.idx.msk [tilespmem:v36+s22+$0x0], $0xffff;
	v38 =	vshll.u32 v63, $0x9;
	[tilespmem:v35+s26+$0x0] =	vst.idx.msk $0xffff, v37;
	v37 =	vmov s5;
	v35 =	vor.u32 v40, v14  }
.LBB2_13:
0xf6: {  	p1 =	slt.u32 s15, $0x30;
	v39 =	vmov s6;
	v37 =	vshll.u32 v37, $0x9;
	v38 =	vand.u32 $0x6000, v38;
	[tilespmem:v18+s26+$0x0] =	vst.idx.msk $0xffff, v33;
	v25 =	vld.idx.msk [tilespmem:v25+s22+$0x0], $0xffff  }
0xf7: {  	v18 =	vshll.u32 v39, $0x9;
	v33 =	vand.u32 $0x6000, v37;
	v37 =	vor.u32 v38, v12;
	v27 =	vld.idx.msk [tilespmem:v27+s22+$0x0], $0xffff;
	[tilespmem:v21+s26+$0x0] =	vst.idx.msk $0xffff, v34  }
0xf8: {  	v18 =	vand.u32 $0x6000, v18;
	v21 =	vor.u32 v33, v11;
	v26 =	vld.idx.msk [tilespmem:v26+s22+$0x0], $0xffff;
	v33 =	vor.u32 s11, v6;
	[tilespmem:v20+s26+$0x0] =	vst.idx.msk $0xffff, v30  }
0xf9: {  	v34 =	vor.u32 s1, v6;
	v20 =	vmov s15;
	v30 =	vor.u32 v18, v10;
	v28 =	vld.idx.msk [tilespmem:v28+s22+$0x0], $0xffff;
	[tilespmem:v19+s26+$0x0] =	vst.idx.msk $0xffff, v31  }
0xfa: {  	v38 =	vor.u32 s15, v6;
	s1 =	sadd.s32 $0x8, s15;
	v18 =	vshll.u32 v20, $0x9;
	v20 =	vor.u32 s12, v6;
	v19 =	vld.idx.msk [tilespmem:v29+s22+$0x0], $0xffff;
	[tilespmem:v23+s26+$0x0] =	vst.idx.msk $0xffff, v32  }
0xfb: {  	v31 =	vor.u32 s13, v6;
	v29 =	vor.u32 v13, v18;
	v18 =	vmov s1;
	v23 =	vld.idx.msk [tilespmem:v35+s22+$0x0], $0xffff;
	[tilespmem:v24+s26+$0x0] =	vst.idx.msk $0xffff, v36  }
0xfc: {  	v24 =	vshll.u32 v18, $0x9;
	v18 =	vor.u32 s1, v6;
	s1 =	sadd.s32 $0xF, s15;
	v35 =	vor.u32 s31, v6;
	v32 =	vld.idx.msk [tilespmem:v37+s22+$0x0], $0xffff;
	[tilespmem:v22+s26+$0x0] =	vst.idx.msk $0xffff, v25  }
0xfd: {  	s11 =	sadd.s32 $0xE, s15;
	v36 =	vor.u32 v13, v24;
	v22 =	vmov s1;
	v25 =	vor.u32 s0, v6;
	v24 =	vld.idx.msk [tilespmem:v21+s22+$0x0], $0xffff;
	[tilespmem:v33+s26+$0x0] =	vst.idx.msk $0xffff, v27  }
0xfe: {  	v21 =	vmov s11;
	v22 =	vshll.u32 v22, $0x9;
	v27 =	vld.idx.msk [tilespmem:v30+s22+$0x0], $0xffff;
	v30 =	vor.u32 s5, v6;
	[tilespmem:v34+s26+$0x0] =	vst.idx.msk $0xffff, v26  }
0xff: {  	v21 =	vshll.u32 v21, $0x9;
	v22 =	vand.u32 $0x7000, v22;
	v26 =	vor.u32 s6, v6;
	[tilespmem:v20+s26+$0x0] =	vst.idx.msk $0xffff, v28  }
0x100: {  	s0 =	sadd.s32 $0xD, s15;
	v20 =	vand.u32 $0x7000, v21;
	v28 =	vor.u32 v22, v17;
	v21 =	vor.u32 s1, v6;
	[tilespmem:v31+s26+$0x0] =	vst.idx.msk $0xffff, v19  }
0x101: {  	s1 =	sadd.s32 $0xC, s15;
	v19 =	vmov s0;
	v31 =	vor.u32 v20, v16;
	v20 =	vor.u32 s11, v6;
	[tilespmem:v35+s26+$0x0] =	vst.idx.msk $0xffff, v23  }
0x102: {  	s5 =	sadd.s32 $0xB, s15;
	v22 =	vmov s1;
	v23 =	vshll.u32 v19, $0x9;
	v19 =	vor.u32 s0, v6;
	[tilespmem:v25+s26+$0x0] =	vst.idx.msk $0xffff, v32  }
0x103: {  	v22 =	vshll.u32 v22, $0x9;
	v25 =	vmov s5;
	v23 =	vand.u32 $0x7000, v23;
	[tilespmem:v30+s26+$0x0] =	vst.idx.msk $0xffff, v24  }
0x104: {  	v22 =	vand.u32 $0x7000, v22;
	v24 =	vshll.u32 v25, $0x9;
	v32 =	vor.u32 v23, v15;
	[tilespmem:v26+s26+$0x0] =	vst.idx.msk $0xffff, v27  }
0x105: {  	s0 =	sadd.s32 $0xA, s15;
	v35 =	vor.u32 v22, v14;
	v23 =	vor.u32 s1, v6;
	v24 =	vand.u32 $0x7000, v24  }
0x106: {  	s11 =	sadd.s32 $0x9, s15;
	v22 =	vmov s0;
	v39 =	vor.u32 v24, v12;
	v24 =	vor.u32 s5, v6  }
0x107: {  	s1 =	sadd.s32 $0x7, s15;
	v25 =	vmov s11;
	v26 =	vshll.u32 v22, $0x9;
	v22 =	vor.u32 s0, v6  }
0x108: {  	v27 =	vmov s1;
	v25 =	vshll.u32 v25, $0x9;
	v26 =	vand.u32 $0x7000, v26  }
0x109: {  	s12 =	sadd.s32 $0x6, s15;
	v27 =	vshll.u32 v27, $0x9;
	v37 =	vld.idx.msk [tilespmem:v29+s22+$0x0], $0xffff;
	v29 =	vand.u32 $0x7000, v25;
	v25 =	vor.u32 v26, v11  }
0x10a: {  	s13 =	sadd.s32 $0x5, s15;
	v30 =	vand.u32 $0x6000, v27;
	v26 =	vmov s12;
	v33 =	vld.idx.msk [tilespmem:v36+s22+$0x0], $0xffff;
	v27 =	vor.u32 v29, v10  }
.Ltmp10:
0x10b: {  	s31 =	sadd.s32 $0x4, s15;
	v29 =	vmov s13;
	v36 =	vshll.u32 v26, $0x9;
	v26 =	vor.u32 v30, v17;
	v34 =	vld.idx.msk [tilespmem:v28+s22+$0x0], $0xffff;
	(pc) =	sbr.rel @p1 .LBB2_13-.Ltmp10, $4  }
0x10c: {  	v28 =	vmov s31;
	v29 =	vshll.u32 v29, $0x9;
	v36 =	vand.u32 $0x6000, v36;
	v30 =	vld.idx.msk [tilespmem:v31+s22+$0x0], $0xffff  }
0x10d: {  	s0 =	sadd.s32 $0x3, s15;
	v40 =	vshll.u32 v28, $0x9;
	v29 =	vand.u32 $0x6000, v29;
	v28 =	vor.u32 v36, v16;
	v31 =	vld.idx.msk [tilespmem:v32+s22+$0x0], $0xffff  }
0x10e: {  	s5 =	sadd.s32 $0x2, s15;
	v36 =	vmov s0;
	v40 =	vand.u32 $0x6000, v40;
	v29 =	vor.u32 v29, v15;
	v32 =	vld.idx.msk [tilespmem:v35+s22+$0x0], $0xffff  }
0x10f: {  	s6 =	sadd.s32 $0x1, s15;
	s15 =	sadd.s32 $0x10, s15;
	v35 =	vor.u32 v40, v14;
	[tilespmem:v38+s26+$0x0] =	vst.idx.msk $0xffff, v37;
	v37 =	vmov s5;
	v38 =	vshll.u32 v36, $0x9;
	v36 =	vld.idx.msk [tilespmem:v39+s22+$0x0], $0xffff  }
0x110: {  	_ =	sdelay $0x3  }
0x111: {  	v13 =	vmov s6;
	[tilespmem:v18+s26+$0x0] =	vst.idx.msk $0xffff, v33  }
0x112: {  	v14 =	vshll.u32 v37, $0x9;
	v15 =	vand.u32 $0x6000, v38;
	v16 =	vld.idx.msk [tilespmem:v25+s22+$0x0], $0xffff;
	[tilespmem:v21+s26+$0x0] =	vst.idx.msk $0xffff, v34;
	v17 =	vor.u32 s11, v6  }
0x113: {  	v52 =	vld.idx.msk [tilespmem:v27+s22+$0x0], $0xffff;
	v13 =	vshll.u32 v13, $0x9;
	v14 =	vand.u32 $0x6000, v14;
	v12 =	vor.u32 v15, v12;
	[tilespmem:v20+s26+$0x0] =	vst.idx.msk $0xffff, v30  }
0x114: {  	v53 =	vld.idx.msk [tilespmem:v26+s22+$0x0], $0xffff;
	v54 =	vor.u32 s1, v6;
	v13 =	vand.u32 $0x6000, v13;
	v11 =	vor.u32 v14, v11;
	[tilespmem:v19+s26+$0x0] =	vst.idx.msk $0xffff, v31  }
0x115: {  	v55 =	vld.idx.msk [tilespmem:v28+s22+$0x0], $0xffff;
	v56 =	vor.u32 s12, v6;
	v10 =	vor.u32 v13, v10;
	[tilespmem:v23+s26+$0x0] =	vst.idx.msk $0xffff, v32  }
0x116: {  	v57 =	vld.idx.msk [tilespmem:v29+s22+$0x0], $0xffff;
	v58 =	vor.u32 s13, v6;
	[tilespmem:v24+s26+$0x0] =	vst.idx.msk $0xffff, v36  }
0x117: {  	v59 =	vld.idx.msk [tilespmem:v35+s22+$0x0], $0xffff;
	v60 =	vor.u32 s31, v6;
	[tilespmem:v22+s26+$0x0] =	vst.idx.msk $0xffff, v16  }
0x118: {  	v61 =	vor.u32 s0, v6;
	[tilespmem:v17+s26+$0x0] =	vst.idx.msk $0xffff, v52;
	v12 =	vld.idx.msk [tilespmem:v12+s22+$0x0], $0xffff  }
0x119: {  	v62 =	vor.u32 s5, v6;
	[tilespmem:v54+s26+$0x0] =	vst.idx.msk $0xffff, v53;
	v11 =	vld.idx.msk [tilespmem:v11+s22+$0x0], $0xffff  }
0x11a: {  	v63 =	vor.u32 s6, v6;
	[tilespmem:v56+s26+$0x0] =	vst.idx.msk $0xffff, v55;
	v10 =	vld.idx.msk [tilespmem:v10+s22+$0x0], $0xffff  }
0x11b: {  	p1 =	slt.u32 s21, $0x21;
	[tilespmem:v58+s26+$0x0] =	vst.idx.msk $0xffff, v57  }
.Ltmp11:
0x11c: {  	[tilespmem:v60+s26+$0x0] =	vst.idx.msk $0xffff, v59;
	(pc) =	sbr.rel @p1 .LBB2_22-.Ltmp11, $4  }
0x11d: {  	[tilespmem:v61+s26+$0x0] =	vst.idx.msk $0xffff, v12  }
0x11e: {  	[tilespmem:v62+s26+$0x0] =	vst.idx.msk $0xffff, v11  }
0x11f: {  	[tilespmem:v63+s26+$0x0] =	vst.idx.msk $0xffff, v10  }
0x120: {  	[hbm4b:s4+s3] =	stream.indirect_vreg.scatter [tilespmem:s26], [sflag:$0x4], $0x80, v9, vm0, $0xb8;
	[tilespmem:$0x1F080] =	vst v63  }
0x121: {  	v9 =	vld [tilespmem:s8+$0x1B020];
	_ =	sdelay $0x2  }
0x122: {  	s0 =	simm.s32 $0x0  }
0x123: {  	s1 =	simm.s32 $0x8;
	s11 =	simm.s32 $0xF;
	v17 =	vmov s0;
	v35 =	vor.u32 s0, v6  }
0x124: {  	s5 =	simm.s32 $0xE;
	v18 =	vmov s1;
	v19 =	vmov s11;
	v9 =	vsub.s32 v9, v8  }
0x125: {  	s15 =	simm.s32 $0xB;
	v20 =	vmov s5;
	v21 =	vor.u32 s11, v6;
	vm1 =	vgt.s32 v9, $0x0  }
0x126: {  	v23 =	vmov s15;
	v24 =	vor.u32 s15, v6;
	v9 =	vnsel vm1, $0x0, v9  }
0x127: {  	s11 =	simm.s32 $0x9;
	v17 =	vshll.u32 v17, $0x9;
	v19 =	vshll.u32 v19, $0x9;
	v11 =	vmin.u32 v9, $0x1FF  }
0x128: {  	s0 =	simm.s32 $0x3;
	v23 =	vshll.u32 v23, $0x9;
	v27 =	vmov s11;
	v9 =	vshll.u32 v11, $0x3  }
0x129: {  	v63 =	vmov s0;
	v10 =	vand.u32 $0x7F, v11;
	v13 =	vand.u32 $0xC00, v9  }
0x12a: {  	v19 =	vand.u32 $0x7000, v19;
	v27 =	vshll.u32 v27, $0x9;
	v12 =	vor.u32 v10, v13  }
0x12b: {  	v27 =	vand.u32 $0x7000, v27;
	v16 =	vor.u32 v11, v13;
	v9 =	vor.u32 $0x80, v12  }
0x12c: {  	v10 =	vor.u32 $0x100, v12;
	v11 =	vor.u32 $0x180, v16;
	v13 =	vor.u32 $0x200, v12  }
0x12d: {  	v14 =	vor.u32 $0x280, v12;
	v15 =	vor.u32 $0x300, v12;
	v16 =	vor.u32 $0x380, v16  }
0x12e: {  	v25 =	vor.u32 v12, v17;
	v17 =	vshll.u32 v18, $0x9;
	v18 =	vor.u32 s1, v6  }
0x12f: {  	s12 =	simm.s32 $0xD;
	s1 =	simm.s32 $0x7;
	v26 =	vor.u32 v12, v17;
	v17 =	vshll.u32 v20, $0x9;
	v28 =	vor.u32 v19, v16  }
0x130: {  	v19 =	vmov s12;
	v20 =	vor.u32 s5, v6;
	v33 =	vmov s1  }
0x131: {  	s13 =	simm.s32 $0xC;
	v27 =	vor.u32 v27, v9;
	v17 =	vand.u32 $0x7000, v17;
	v22 =	vshll.u32 v19, $0x9  }
0x132: {  	v19 =	vor.u32 s12, v6;
	v29 =	vor.u32 v17, v15;
	v17 =	vmov s13  }
0x133: {  	v33 =	vshll.u32 v33, $0x9;
	v22 =	vand.u32 $0x7000, v22;
	v17 =	vshll.u32 v17, $0x9  }
0x134: {  	s6 =	simm.s32 $0xA;
	v34 =	vand.u32 $0x6000, v33;
	v31 =	vor.u32 v22, v14;
	v17 =	vand.u32 $0x7000, v17  }
0x135: {  	v22 =	vand.u32 $0x7000, v23;
	v37 =	vld.idx.msk [tilespmem:v25+s22+$0x0], $0xffff;
	v32 =	vor.u32 v17, v13;
	v17 =	vmov s6  }
0x136: {  	v23 =	vor.u32 s13, v6;
	v36 =	vor.u32 v22, v11;
	v33 =	vld.idx.msk [tilespmem:v26+s22+$0x0], $0xffff;
	v30 =	vshll.u32 v17, $0x9  }
0x137: {  	s12 =	simm.s32 $0x6;
	s13 =	simm.s32 $0x5;
	v22 =	vor.u32 s6, v6;
	v26 =	vor.u32 v34, v16;
	v34 =	vld.idx.msk [tilespmem:v28+s22+$0x0], $0xffff;
	v30 =	vand.u32 $0x7000, v30  }
0x138: {  	s31 =	simm.s32 $0x4;
	v38 =	vmov s13;
	v17 =	vld [tilespmem:s8+$0x1C020];
	v25 =	vor.u32 v30, v10;
	v30 =	vmov s12  }
0x139: {  	v28 =	vmov s31;
	v38 =	vshll.u32 v38, $0x9;
	v31 =	vld.idx.msk [tilespmem:v31+s22+$0x0], $0xffff;
	v30 =	vshll.u32 v30, $0x9  }
0x13a: {  	s5 =	simm.s32 $0x2;
	v38 =	vand.u32 $0x6000, v38;
	v39 =	vand.u32 $0x6000, v30;
	v30 =	vld.idx.msk [tilespmem:v29+s22+$0x0], $0xffff;
	v29 =	vshll.u32 v28, $0x9  }
0x13b: {  	[tilespmem:v35+s28+$0x0] =	vst.idx.msk $0xffff, v37;
	v37 =	vmov s5;
	v36 =	vld.idx.msk [tilespmem:v36+s22+$0x0], $0xffff;
	v28 =	vor.u32 v39, v15;
	v40 =	vand.u32 $0x6000, v29  }
0x13c: {  	s15 =	simm.s32 $0x10;
	s6 =	simm.s32 $0x1;
	v32 =	vld.idx.msk [tilespmem:v32+s22+$0x0], $0xffff;
	v29 =	vor.u32 v38, v14;
	v38 =	vshll.u32 v63, $0x9;
	v35 =	vor.u32 v40, v13  }
.LBB2_16:
0x13d: {  	p1 =	slt.u32 s15, $0x30;
	v39 =	vmov s6;
	v37 =	vshll.u32 v37, $0x9;
	v38 =	vand.u32 $0x6000, v38;
	[tilespmem:v18+s28+$0x0] =	vst.idx.msk $0xffff, v33;
	v25 =	vld.idx.msk [tilespmem:v25+s22+$0x0], $0xffff  }
0x13e: {  	v18 =	vshll.u32 v39, $0x9;
	v33 =	vand.u32 $0x6000, v37;
	v37 =	vor.u32 v38, v11;
	v27 =	vld.idx.msk [tilespmem:v27+s22+$0x0], $0xffff;
	[tilespmem:v21+s28+$0x0] =	vst.idx.msk $0xffff, v34  }
0x13f: {  	v18 =	vand.u32 $0x6000, v18;
	v21 =	vor.u32 v33, v10;
	v26 =	vld.idx.msk [tilespmem:v26+s22+$0x0], $0xffff;
	v33 =	vor.u32 s11, v6;
	[tilespmem:v20+s28+$0x0] =	vst.idx.msk $0xffff, v30  }
0x140: {  	v34 =	vor.u32 s1, v6;
	v20 =	vmov s15;
	v30 =	vor.u32 v18, v9;
	v28 =	vld.idx.msk [tilespmem:v28+s22+$0x0], $0xffff;
	[tilespmem:v19+s28+$0x0] =	vst.idx.msk $0xffff, v31  }
0x141: {  	v38 =	vor.u32 s15, v6;
	s1 =	sadd.s32 $0x8, s15;
	v18 =	vshll.u32 v20, $0x9;
	v20 =	vor.u32 s12, v6;
	v19 =	vld.idx.msk [tilespmem:v29+s22+$0x0], $0xffff;
	[tilespmem:v23+s28+$0x0] =	vst.idx.msk $0xffff, v32  }
0x142: {  	v31 =	vor.u32 s13, v6;
	v29 =	vor.u32 v12, v18;
	v18 =	vmov s1;
	v23 =	vld.idx.msk [tilespmem:v35+s22+$0x0], $0xffff;
	[tilespmem:v24+s28+$0x0] =	vst.idx.msk $0xffff, v36  }
0x143: {  	v24 =	vshll.u32 v18, $0x9;
	v18 =	vor.u32 s1, v6;
	s1 =	sadd.s32 $0xF, s15;
	v35 =	vor.u32 s31, v6;
	v32 =	vld.idx.msk [tilespmem:v37+s22+$0x0], $0xffff;
	[tilespmem:v22+s28+$0x0] =	vst.idx.msk $0xffff, v25  }
0x144: {  	s11 =	sadd.s32 $0xE, s15;
	v36 =	vor.u32 v12, v24;
	v22 =	vmov s1;
	v25 =	vor.u32 s0, v6;
	v24 =	vld.idx.msk [tilespmem:v21+s22+$0x0], $0xffff;
	[tilespmem:v33+s28+$0x0] =	vst.idx.msk $0xffff, v27  }
0x145: {  	v21 =	vmov s11;
	v22 =	vshll.u32 v22, $0x9;
	v27 =	vld.idx.msk [tilespmem:v30+s22+$0x0], $0xffff;
	v30 =	vor.u32 s5, v6;
	[tilespmem:v34+s28+$0x0] =	vst.idx.msk $0xffff, v26  }
0x146: {  	v21 =	vshll.u32 v21, $0x9;
	v22 =	vand.u32 $0x7000, v22;
	v26 =	vor.u32 s6, v6;
	[tilespmem:v20+s28+$0x0] =	vst.idx.msk $0xffff, v28  }
0x147: {  	s0 =	sadd.s32 $0xD, s15;
	v20 =	vand.u32 $0x7000, v21;
	v28 =	vor.u32 v22, v16;
	v21 =	vor.u32 s1, v6;
	[tilespmem:v31+s28+$0x0] =	vst.idx.msk $0xffff, v19  }
0x148: {  	s1 =	sadd.s32 $0xC, s15;
	v19 =	vmov s0;
	v31 =	vor.u32 v20, v15;
	v20 =	vor.u32 s11, v6;
	[tilespmem:v35+s28+$0x0] =	vst.idx.msk $0xffff, v23  }
0x149: {  	s5 =	sadd.s32 $0xB, s15;
	v22 =	vmov s1;
	v23 =	vshll.u32 v19, $0x9;
	v19 =	vor.u32 s0, v6;
	[tilespmem:v25+s28+$0x0] =	vst.idx.msk $0xffff, v32  }
0x14a: {  	v22 =	vshll.u32 v22, $0x9;
	v25 =	vmov s5;
	v23 =	vand.u32 $0x7000, v23;
	[tilespmem:v30+s28+$0x0] =	vst.idx.msk $0xffff, v24  }
0x14b: {  	v22 =	vand.u32 $0x7000, v22;
	v24 =	vshll.u32 v25, $0x9;
	v32 =	vor.u32 v23, v14;
	[tilespmem:v26+s28+$0x0] =	vst.idx.msk $0xffff, v27  }
0x14c: {  	s0 =	sadd.s32 $0xA, s15;
	v35 =	vor.u32 v22, v13;
	v23 =	vor.u32 s1, v6;
	v24 =	vand.u32 $0x7000, v24  }
0x14d: {  	s11 =	sadd.s32 $0x9, s15;
	v22 =	vmov s0;
	v39 =	vor.u32 v24, v11;
	v24 =	vor.u32 s5, v6  }
0x14e: {  	s1 =	sadd.s32 $0x7, s15;
	v25 =	vmov s11;
	v26 =	vshll.u32 v22, $0x9;
	v22 =	vor.u32 s0, v6  }
0x14f: {  	v27 =	vmov s1;
	v25 =	vshll.u32 v25, $0x9;
	v26 =	vand.u32 $0x7000, v26  }
0x150: {  	s12 =	sadd.s32 $0x6, s15;
	v27 =	vshll.u32 v27, $0x9;
	v37 =	vld.idx.msk [tilespmem:v29+s22+$0x0], $0xffff;
	v29 =	vand.u32 $0x7000, v25;
	v25 =	vor.u32 v26, v10  }
0x151: {  	s13 =	sadd.s32 $0x5, s15;
	v30 =	vand.u32 $0x6000, v27;
	v26 =	vmov s12;
	v33 =	vld.idx.msk [tilespmem:v36+s22+$0x0], $0xffff;
	v27 =	vor.u32 v29, v9  }
.Ltmp12:
0x152: {  	s31 =	sadd.s32 $0x4, s15;
	v29 =	vmov s13;
	v36 =	vshll.u32 v26, $0x9;
	v26 =	vor.u32 v30, v16;
	v34 =	vld.idx.msk [tilespmem:v28+s22+$0x0], $0xffff;
	(pc) =	sbr.rel @p1 .LBB2_16-.Ltmp12, $4  }
0x153: {  	v28 =	vmov s31;
	v29 =	vshll.u32 v29, $0x9;
	v36 =	vand.u32 $0x6000, v36;
	v30 =	vld.idx.msk [tilespmem:v31+s22+$0x0], $0xffff  }
0x154: {  	s0 =	sadd.s32 $0x3, s15;
	v40 =	vshll.u32 v28, $0x9;
	v29 =	vand.u32 $0x6000, v29;
	v28 =	vor.u32 v36, v15;
	v31 =	vld.idx.msk [tilespmem:v32+s22+$0x0], $0xffff  }
0x155: {  	s5 =	sadd.s32 $0x2, s15;
	v36 =	vmov s0;
	v40 =	vand.u32 $0x6000, v40;
	v29 =	vor.u32 v29, v14;
	v32 =	vld.idx.msk [tilespmem:v35+s22+$0x0], $0xffff  }
0x156: {  	s6 =	sadd.s32 $0x1, s15;
	s15 =	sadd.s32 $0x10, s15;
	v35 =	vor.u32 v40, v13;
	[tilespmem:v38+s28+$0x0] =	vst.idx.msk $0xffff, v37;
	v37 =	vmov s5;
	v38 =	vshll.u32 v36, $0x9;
	v36 =	vld.idx.msk [tilespmem:v39+s22+$0x0], $0xffff  }
0x157: {  	_ =	sdelay $0x3  }
0x158: {  	v12 =	vmov s6;
	[tilespmem:v18+s28+$0x0] =	vst.idx.msk $0xffff, v33  }
0x159: {  	v13 =	vshll.u32 v37, $0x9;
	v14 =	vand.u32 $0x6000, v38;
	v15 =	vld.idx.msk [tilespmem:v25+s22+$0x0], $0xffff;
	[tilespmem:v21+s28+$0x0] =	vst.idx.msk $0xffff, v34;
	v16 =	vor.u32 s11, v6  }
0x15a: {  	v52 =	vld.idx.msk [tilespmem:v27+s22+$0x0], $0xffff;
	v12 =	vshll.u32 v12, $0x9;
	v13 =	vand.u32 $0x6000, v13;
	v11 =	vor.u32 v14, v11;
	[tilespmem:v20+s28+$0x0] =	vst.idx.msk $0xffff, v30  }
0x15b: {  	v53 =	vld.idx.msk [tilespmem:v26+s22+$0x0], $0xffff;
	v54 =	vor.u32 s1, v6;
	v12 =	vand.u32 $0x6000, v12;
	v10 =	vor.u32 v13, v10;
	[tilespmem:v19+s28+$0x0] =	vst.idx.msk $0xffff, v31  }
0x15c: {  	v55 =	vld.idx.msk [tilespmem:v28+s22+$0x0], $0xffff;
	v56 =	vor.u32 s12, v6;
	v9 =	vor.u32 v12, v9;
	[tilespmem:v23+s28+$0x0] =	vst.idx.msk $0xffff, v32  }
0x15d: {  	v57 =	vld.idx.msk [tilespmem:v29+s22+$0x0], $0xffff;
	v58 =	vor.u32 s13, v6;
	[tilespmem:v24+s28+$0x0] =	vst.idx.msk $0xffff, v36  }
0x15e: {  	v59 =	vld.idx.msk [tilespmem:v35+s22+$0x0], $0xffff;
	v60 =	vor.u32 s31, v6;
	[tilespmem:v22+s28+$0x0] =	vst.idx.msk $0xffff, v15  }
0x15f: {  	v61 =	vor.u32 s0, v6;
	[tilespmem:v16+s28+$0x0] =	vst.idx.msk $0xffff, v52;
	v11 =	vld.idx.msk [tilespmem:v11+s22+$0x0], $0xffff  }
0x160: {  	v62 =	vor.u32 s5, v6;
	[tilespmem:v54+s28+$0x0] =	vst.idx.msk $0xffff, v53;
	v10 =	vld.idx.msk [tilespmem:v10+s22+$0x0], $0xffff  }
0x161: {  	v63 =	vor.u32 s6, v6;
	[tilespmem:v56+s28+$0x0] =	vst.idx.msk $0xffff, v55;
	v9 =	vld.idx.msk [tilespmem:v9+s22+$0x0], $0xffff  }
0x162: {  	p1 =	slt.u32 s21, $0x31;
	[tilespmem:v58+s28+$0x0] =	vst.idx.msk $0xffff, v57  }
.Ltmp13:
0x163: {  	[tilespmem:v60+s28+$0x0] =	vst.idx.msk $0xffff, v59;
	(pc) =	sbr.rel @p1 .LBB2_21-.Ltmp13, $4  }
0x164: {  	[tilespmem:v61+s28+$0x0] =	vst.idx.msk $0xffff, v11  }
0x165: {  	[tilespmem:v62+s28+$0x0] =	vst.idx.msk $0xffff, v10  }
0x166: {  	[tilespmem:v63+s28+$0x0] =	vst.idx.msk $0xffff, v9  }
0x167: {  	[hbm4b:s4+s3] =	stream.indirect_vreg.scatter [tilespmem:s28], [sflag:$0x4], $0x80, v17, vm0, $0xb8;
	[tilespmem:$0x1F080] =	vst v63  }
0x168: {  	v9 =	vld [tilespmem:s8+$0x1B030];
	_ =	sdelay $0x1  }
0x169: {  	s0 =	simm.s32 $0x0  }
0x16a: {  	s1 =	simm.s32 $0x8;
	s13 =	simm.s32 $0xF;
	s5 =	simm.s32 $0xE;
	v16 =	vmov s0;
	v34 =	vor.u32 s0, v6  }
0x16b: {  	s31 =	simm.s32 $0xB;
	v17 =	vmov s1;
	v18 =	vmov s13;
	v19 =	vmov s5  }
0x16c: {  	s11 =	simm.s32 $0x9;
	v20 =	vor.u32 s13, v6;
	v22 =	vmov s31;
	v8 =	vsub.s32 v9, v8  }
0x16d: {  	v23 =	vor.u32 s31, v6;
	v26 =	vmov s11;
	vm1 =	vgt.s32 v8, $0x0  }
0x16e: {  	v16 =	vshll.u32 v16, $0x9;
	v18 =	vshll.u32 v18, $0x9;
	v8 =	vnsel vm1, $0x0, v8  }
0x16f: {  	s13 =	simm.s32 $0x5;
	s0 =	simm.s32 $0x3;
	v22 =	vshll.u32 v22, $0x9;
	v26 =	vshll.u32 v26, $0x9;
	v10 =	vmin.u32 v8, $0x1FF  }
0x170: {  	v37 =	vmov s13;
	v63 =	vmov s0;
	v8 =	vshll.u32 v10, $0x3  }
0x171: {  	v18 =	vand.u32 $0x7000, v18;
	v9 =	vand.u32 $0x7F, v10;
	v12 =	vand.u32 $0xC00, v8  }
0x172: {  	v26 =	vand.u32 $0x7000, v26;
	v37 =	vshll.u32 v37, $0x9;
	v11 =	vor.u32 v9, v12  }
0x173: {  	v37 =	vand.u32 $0x6000, v37;
	v15 =	vor.u32 v10, v12;
	v8 =	vor.u32 $0x80, v11  }
0x174: {  	v9 =	vor.u32 $0x100, v11;
	v10 =	vor.u32 $0x180, v15;
	v12 =	vor.u32 $0x200, v11  }
0x175: {  	v13 =	vor.u32 $0x280, v11;
	v14 =	vor.u32 $0x300, v11;
	v15 =	vor.u32 $0x380, v15  }
0x176: {  	v24 =	vor.u32 v11, v16;
	v16 =	vshll.u32 v17, $0x9;
	v17 =	vor.u32 s1, v6  }
0x177: {  	s15 =	simm.s32 $0xD;
	v25 =	vor.u32 v11, v16;
	v16 =	vshll.u32 v19, $0x9;
	v27 =	vor.u32 v18, v15  }
0x178: {  	s21 =	simm.s32 $0xC;
	v18 =	vmov s15;
	v19 =	vor.u32 s5, v6;
	v16 =	vand.u32 $0x7000, v16  }
0x179: {  	s1 =	simm.s32 $0x7;
	v21 =	vshll.u32 v18, $0x9;
	v28 =	vor.u32 v16, v14;
	v16 =	vmov s21  }
0x17a: {  	v32 =	vmov s1;
	v21 =	vand.u32 $0x7000, v21;
	v16 =	vshll.u32 v16, $0x9  }
0x17b: {  	s6 =	simm.s32 $0xA;
	v32 =	vshll.u32 v32, $0x9;
	v30 =	vor.u32 v21, v13;
	v16 =	vand.u32 $0x7000, v16  }
0x17c: {  	v21 =	vand.u32 $0x7000, v22;
	v36 =	vld.idx.msk [tilespmem:v24+s22+$0x0], $0xffff;
	v31 =	vor.u32 v16, v12;
	v16 =	vmov s6  }
0x17d: {  	v33 =	vand.u32 $0x6000, v32;
	v35 =	vor.u32 v21, v10;
	v32 =	vld.idx.msk [tilespmem:v25+s22+$0x0], $0xffff;
	v29 =	vshll.u32 v16, $0x9  }
0x17e: {  	s12 =	simm.s32 $0x6;
	v26 =	vor.u32 v26, v8;
	v25 =	vor.u32 v33, v15;
	v33 =	vld.idx.msk [tilespmem:v27+s22+$0x0], $0xffff;
	v29 =	vand.u32 $0x7000, v29  }
0x17f: {  	v18 =	vor.u32 s15, v6;
	s15 =	simm.s32 $0x4;
	v16 =	vld [tilespmem:s8+$0x1C030];
	v24 =	vor.u32 v29, v9;
	v29 =	vmov s12  }
0x180: {  	v22 =	vor.u32 s21, v6;
	v27 =	vmov s15;
	v30 =	vld.idx.msk [tilespmem:v30+s22+$0x0], $0xffff;
	v29 =	vshll.u32 v29, $0x9  }
0x181: {  	s5 =	simm.s32 $0x2;
	v21 =	vor.u32 s6, v6;
	v38 =	vand.u32 $0x6000, v29;
	v29 =	vld.idx.msk [tilespmem:v28+s22+$0x0], $0xffff;
	v28 =	vshll.u32 v27, $0x9  }
0x182: {  	[tilespmem:v34+s29+$0x0] =	vst.idx.msk $0xffff, v36;
	v36 =	vmov s5;
	v35 =	vld.idx.msk [tilespmem:v35+s22+$0x0], $0xffff;
	v27 =	vor.u32 v38, v14;
	v39 =	vand.u32 $0x6000, v28  }
0x183: {  	s6 =	simm.s32 $0x1;
	s8 =	simm.s32 $0x10;
	v31 =	vld.idx.msk [tilespmem:v31+s22+$0x0], $0xffff;
	v28 =	vor.u32 v37, v13;
	v37 =	vshll.u32 v63, $0x9;
	v34 =	vor.u32 v39, v12  }
.LBB2_19:
0x184: {  	p1 =	slt.u32 s8, $0x30;
	v38 =	vmov s6;
	v36 =	vshll.u32 v36, $0x9;
	v37 =	vand.u32 $0x6000, v37;
	[tilespmem:v17+s29+$0x0] =	vst.idx.msk $0xffff, v32;
	v24 =	vld.idx.msk [tilespmem:v24+s22+$0x0], $0xffff  }
0x185: {  	v17 =	vshll.u32 v38, $0x9;
	v32 =	vand.u32 $0x6000, v36;
	v36 =	vor.u32 v37, v10;
	v26 =	vld.idx.msk [tilespmem:v26+s22+$0x0], $0xffff;
	[tilespmem:v20+s29+$0x0] =	vst.idx.msk $0xffff, v33  }
0x186: {  	v17 =	vand.u32 $0x6000, v17;
	v20 =	vor.u32 v32, v9;
	v25 =	vld.idx.msk [tilespmem:v25+s22+$0x0], $0xffff;
	v32 =	vor.u32 s11, v6;
	[tilespmem:v19+s29+$0x0] =	vst.idx.msk $0xffff, v29  }
0x187: {  	v33 =	vor.u32 s1, v6;
	v19 =	vmov s8;
	v29 =	vor.u32 v17, v8;
	v27 =	vld.idx.msk [tilespmem:v27+s22+$0x0], $0xffff;
	[tilespmem:v18+s29+$0x0] =	vst.idx.msk $0xffff, v30  }
0x188: {  	v37 =	vor.u32 s8, v6;
	s1 =	sadd.s32 $0x8, s8;
	v17 =	vshll.u32 v19, $0x9;
	v19 =	vor.u32 s12, v6;
	v18 =	vld.idx.msk [tilespmem:v28+s22+$0x0], $0xffff;
	[tilespmem:v22+s29+$0x0] =	vst.idx.msk $0xffff, v31  }
0x189: {  	v30 =	vor.u32 s13, v6;
	v28 =	vor.u32 v11, v17;
	v17 =	vmov s1;
	v22 =	vld.idx.msk [tilespmem:v34+s22+$0x0], $0xffff;
	[tilespmem:v23+s29+$0x0] =	vst.idx.msk $0xffff, v35  }
0x18a: {  	v23 =	vshll.u32 v17, $0x9;
	v17 =	vor.u32 s1, v6;
	s1 =	sadd.s32 $0xF, s8;
	v34 =	vor.u32 s15, v6;
	v31 =	vld.idx.msk [tilespmem:v36+s22+$0x0], $0xffff;
	[tilespmem:v21+s29+$0x0] =	vst.idx.msk $0xffff, v24  }
0x18b: {  	s11 =	sadd.s32 $0xE, s8;
	v35 =	vor.u32 v11, v23;
	v21 =	vmov s1;
	v24 =	vor.u32 s0, v6;
	v23 =	vld.idx.msk [tilespmem:v20+s22+$0x0], $0xffff;
	[tilespmem:v32+s29+$0x0] =	vst.idx.msk $0xffff, v26  }
0x18c: {  	v20 =	vmov s11;
	v21 =	vshll.u32 v21, $0x9;
	v26 =	vld.idx.msk [tilespmem:v29+s22+$0x0], $0xffff;
	v29 =	vor.u32 s5, v6;
	[tilespmem:v33+s29+$0x0] =	vst.idx.msk $0xffff, v25  }
0x18d: {  	v20 =	vshll.u32 v20, $0x9;
	v21 =	vand.u32 $0x7000, v21;
	v25 =	vor.u32 s6, v6;
	[tilespmem:v19+s29+$0x0] =	vst.idx.msk $0xffff, v27  }
0x18e: {  	s0 =	sadd.s32 $0xD, s8;
	v19 =	vand.u32 $0x7000, v20;
	v27 =	vor.u32 v21, v15;
	v20 =	vor.u32 s1, v6;
	[tilespmem:v30+s29+$0x0] =	vst.idx.msk $0xffff, v18  }
0x18f: {  	s1 =	sadd.s32 $0xC, s8;
	v18 =	vmov s0;
	v30 =	vor.u32 v19, v14;
	v19 =	vor.u32 s11, v6;
	[tilespmem:v34+s29+$0x0] =	vst.idx.msk $0xffff, v22  }
0x190: {  	s5 =	sadd.s32 $0xB, s8;
	v21 =	vmov s1;
	v22 =	vshll.u32 v18, $0x9;
	v18 =	vor.u32 s0, v6;
	[tilespmem:v24+s29+$0x0] =	vst.idx.msk $0xffff, v31  }
0x191: {  	v21 =	vshll.u32 v21, $0x9;
	v24 =	vmov s5;
	v22 =	vand.u32 $0x7000, v22;
	[tilespmem:v29+s29+$0x0] =	vst.idx.msk $0xffff, v23  }
0x192: {  	v21 =	vand.u32 $0x7000, v21;
	v23 =	vshll.u32 v24, $0x9;
	v31 =	vor.u32 v22, v13;
	[tilespmem:v25+s29+$0x0] =	vst.idx.msk $0xffff, v26  }
0x193: {  	s0 =	sadd.s32 $0xA, s8;
	v34 =	vor.u32 v21, v12;
	v22 =	vor.u32 s1, v6;
	v23 =	vand.u32 $0x7000, v23  }
0x194: {  	s11 =	sadd.s32 $0x9, s8;
	v21 =	vmov s0;
	v38 =	vor.u32 v23, v10;
	v23 =	vor.u32 s5, v6  }
0x195: {  	s1 =	sadd.s32 $0x7, s8;
	v24 =	vmov s11;
	v25 =	vshll.u32 v21, $0x9;
	v21 =	vor.u32 s0, v6  }
0x196: {  	v26 =	vmov s1;
	v24 =	vshll.u32 v24, $0x9;
	v25 =	vand.u32 $0x7000, v25  }
0x197: {  	s12 =	sadd.s32 $0x6, s8;
	v26 =	vshll.u32 v26, $0x9;
	v36 =	vld.idx.msk [tilespmem:v28+s22+$0x0], $0xffff;
	v28 =	vand.u32 $0x7000, v24;
	v24 =	vor.u32 v25, v9  }
0x198: {  	s13 =	sadd.s32 $0x5, s8;
	v29 =	vand.u32 $0x6000, v26;
	v25 =	vmov s12;
	v32 =	vld.idx.msk [tilespmem:v35+s22+$0x0], $0xffff;
	v26 =	vor.u32 v28, v8  }
.Ltmp14:
0x199: {  	s15 =	sadd.s32 $0x4, s8;
	v28 =	vmov s13;
	v35 =	vshll.u32 v25, $0x9;
	v25 =	vor.u32 v29, v15;
	v33 =	vld.idx.msk [tilespmem:v27+s22+$0x0], $0xffff;
	(pc) =	sbr.rel @p1 .LBB2_19-.Ltmp14, $4  }
0x19a: {  	v27 =	vmov s15;
	v28 =	vshll.u32 v28, $0x9;
	v35 =	vand.u32 $0x6000, v35;
	v29 =	vld.idx.msk [tilespmem:v30+s22+$0x0], $0xffff  }
0x19b: {  	s0 =	sadd.s32 $0x3, s8;
	v39 =	vshll.u32 v27, $0x9;
	v28 =	vand.u32 $0x6000, v28;
	v27 =	vor.u32 v35, v14;
	v30 =	vld.idx.msk [tilespmem:v31+s22+$0x0], $0xffff  }
0x19c: {  	s5 =	sadd.s32 $0x2, s8;
	v35 =	vmov s0;
	v39 =	vand.u32 $0x6000, v39;
	v28 =	vor.u32 v28, v13;
	v31 =	vld.idx.msk [tilespmem:v34+s22+$0x0], $0xffff  }
0x19d: {  	s6 =	sadd.s32 $0x1, s8;
	s8 =	sadd.s32 $0x10, s8;
	v34 =	vor.u32 v39, v12;
	[tilespmem:v37+s29+$0x0] =	vst.idx.msk $0xffff, v36;
	v36 =	vmov s5;
	v37 =	vshll.u32 v35, $0x9;
	v35 =	vld.idx.msk [tilespmem:v38+s22+$0x0], $0xffff  }
0x19e: {  	_ =	sdelay $0x3  }
0x19f: {  	v11 =	vmov s6;
	[tilespmem:v17+s29+$0x0] =	vst.idx.msk $0xffff, v32  }
0x1a0: {  	v12 =	vshll.u32 v36, $0x9;
	v13 =	vand.u32 $0x6000, v37;
	v14 =	vld.idx.msk [tilespmem:v24+s22+$0x0], $0xffff;
	[tilespmem:v20+s29+$0x0] =	vst.idx.msk $0xffff, v33;
	v15 =	vor.u32 s11, v6  }
0x1a1: {  	v52 =	vld.idx.msk [tilespmem:v26+s22+$0x0], $0xffff;
	v11 =	vshll.u32 v11, $0x9;
	v12 =	vand.u32 $0x6000, v12;
	v10 =	vor.u32 v13, v10;
	[tilespmem:v19+s29+$0x0] =	vst.idx.msk $0xffff, v29  }
0x1a2: {  	v53 =	vld.idx.msk [tilespmem:v25+s22+$0x0], $0xffff;
	v54 =	vor.u32 s1, v6;
	v11 =	vand.u32 $0x6000, v11;
	v9 =	vor.u32 v12, v9;
	[tilespmem:v18+s29+$0x0] =	vst.idx.msk $0xffff, v30  }
0x1a3: {  	v55 =	vld.idx.msk [tilespmem:v27+s22+$0x0], $0xffff;
	v56 =	vor.u32 s12, v6;
	v8 =	vor.u32 v11, v8;
	[tilespmem:v22+s29+$0x0] =	vst.idx.msk $0xffff, v31  }
0x1a4: {  	v57 =	vld.idx.msk [tilespmem:v28+s22+$0x0], $0xffff;
	v58 =	vor.u32 s13, v6;
	[tilespmem:v23+s29+$0x0] =	vst.idx.msk $0xffff, v35  }
0x1a5: {  	v59 =	vld.idx.msk [tilespmem:v34+s22+$0x0], $0xffff;
	v60 =	vor.u32 s15, v6;
	[tilespmem:v21+s29+$0x0] =	vst.idx.msk $0xffff, v14  }
0x1a6: {  	v61 =	vor.u32 s0, v6;
	[tilespmem:v15+s29+$0x0] =	vst.idx.msk $0xffff, v52;
	v10 =	vld.idx.msk [tilespmem:v10+s22+$0x0], $0xffff  }
0x1a7: {  	v62 =	vor.u32 s5, v6;
	[tilespmem:v54+s29+$0x0] =	vst.idx.msk $0xffff, v53;
	v9 =	vld.idx.msk [tilespmem:v9+s22+$0x0], $0xffff  }
0x1a8: {  	v63 =	vor.u32 s6, v6;
	[tilespmem:v56+s29+$0x0] =	vst.idx.msk $0xffff, v55;
	v8 =	vld.idx.msk [tilespmem:v8+s22+$0x0], $0xffff  }
0x1a9: {  	[tilespmem:v58+s29+$0x0] =	vst.idx.msk $0xffff, v57  }
0x1aa: {  	[tilespmem:v60+s29+$0x0] =	vst.idx.msk $0xffff, v59  }
0x1ab: {  	[tilespmem:v61+s29+$0x0] =	vst.idx.msk $0xffff, v10  }
0x1ac: {  	[tilespmem:v62+s29+$0x0] =	vst.idx.msk $0xffff, v9  }
0x1ad: {  	[tilespmem:v63+s29+$0x0] =	vst.idx.msk $0xffff, v8  }
0x1ae: {  	[hbm4b:s4+s3] =	stream.indirect_vreg.scatter [tilespmem:s29], [sflag:$0x4], $0x80, v16, vm0, $0xb8;
	[tilespmem:$0x1F080] =	vst v63  }
0x1af: {  	_ =	swait.ge [sflag:s30], $0x800  }
0x1b0: {  	[sflag:s30] =	ssyncset.done $0x0  }
0x1b1: {  	[sflag:s30] =	ssyncadd.s32 $0xFFFFF800  }
.LBB2_21:
.Ltmp15:
0x1b2: {  	(pc) =	sbr.rel .LBB2_22-.Ltmp15, $4  }
0x1b3: {  	_ = 	snop  }
0x1b4: {  	_ =	swait.ge [sflag:s30], $0x800  }
0x1b5: {  	[sflag:s30] =	ssyncset.done $0x0  }
0x1b6: {  	[sflag:s30] =	ssyncadd.s32 $0xFFFFF800  }
.LBB2_71:
0x1b7: {  	_ =	sdelay $0x7  }
0x1b8: {  	[hbm4b:s4+s3] =	stream.indirect_vreg.scatter [tilespmem:s26], [sflag:$0x4], $0x80, v9, vm0, $0xb8;
	[tilespmem:$0x1F080] =	vst v63  }
.LBB2_22:
0x1b9: {  	_ =	swait.ge [sflag:s30], $0x800  }
0x1ba: {  	[sflag:s30] =	ssyncset.done $0x0  }
0x1bb: {  	[sflag:s30] =	ssyncadd.s32 $0xFFFFF800  }
0x1bc: {  	_ =	swait.ge [sflag:s30], $0x800  }
0x1bd: {  	[sflag:s30] =	ssyncset.done $0x0;
	s0 =	rddreg [dreg:$0x7]  }
0x1be: {  	[sflag:s30] =	ssyncadd.s32 $0xFFFFF800;
	p1 =	sge.u32 s10, s0;
	s0 =	rddreg [dreg:$0xa]  }
0x1bf: {  	s0 =	sadd.s32 @!p1 s16, s0;
	s1 =	simm.s32 @!p1 $0x7A1400;
	s5 =	simm.s32 @!p1 $0x1000  }
0x1c0: {  	[tilespmem:s5], [sflag:$0x1] =	stream.strided.gather @!p1 [hbm4b:s0+s5], $0x8000, s1, s5, $0x38;
	[tilespmem:$0x1F080] =	vst v63  }
.LBB2_23:
0x1c1: {  	s0 =	sadd.s32 $0x1, s10  }
0x1c2: {  	p1 =	sge.u32 s0, s7  }
.Ltmp16:
0x1c3: {  	_ = 	snop;
	(pc) =	sbr.rel @p1 .LBB2_38-.Ltmp16, $1  }
0x1c4: {  	_ =	sdelay $0x3  }
0x1c5: {  	s1 =	simm.s32 $0x2  }
0x1c6: {  	_ =	swait.ge [sflag:s1], $0x8000  }
0x1c7: {  	[sflag:s1] =	ssyncset.done $0x0  }
0x1c8: {  	s8 =	sshll.u32 s0, $0x6;
	[sflag:s1] =	ssyncadd.s32 $0xFFFF8000  }
0x1c9: {  	v17 =	vmov s0;
	s6 =	simm.s32 $0x0;
	s11 =	simm.s32 $0x8;
	v9 =	vld [tilespmem:s8+$0x1B000]  }
0x1ca: {  	s5 =	sadd.s32 s14, s0;
	s12 =	simm.s32 $0xF;
	s21 =	simm.s32 $0xB;
	v18 =	vmov s6;
	v36 =	vor.u32 s6, v6;
	v19 =	vmov s11  }
0x1cb: {  	s31 =	simm.s32 $0x3;
	s16 =	sshll.u32 s5, $0x9;
	v20 =	vmov s12;
	v22 =	vor.u32 s12, v6;
	v24 =	vmov s21  }
0x1cc: {  	s5 =	simm.s32 $0xE;
	v63 =	vmov s31;
	v8 =	vmov s16;
	v18 =	vshll.u32 v18, $0x9  }
0x1cd: {  	s6 =	simm.s32 $0xA;
	s12 =	simm.s32 $0x5;
	v21 =	vmov s5;
	v20 =	vshll.u32 v20, $0x9;
	v24 =	vshll.u32 v24, $0x9  }
0x1ce: {  	v25 =	vmov s6;
	v39 =	vmov s12;
	v9 =	vsub.s32 v9, v8  }
0x1cf: {  	v20 =	vand.u32 $0x7000, v20;
	v24 =	vand.u32 $0x7000, v24;
	vm1 =	vgt.s32 v9, $0x0  }
0x1d0: {  	s1 =	simm.s32 $0x9;
	v31 =	vshll.u32 v25, $0x9;
	v25 =	vor.u32 s6, v6;
	v9 =	vnsel vm1, $0x0, v9  }
0x1d1: {  	v39 =	vshll.u32 v39, $0x9;
	v28 =	vmov s1;
	v11 =	vmin.u32 v9, $0x1FF  }
0x1d2: {  	v31 =	vand.u32 $0x7000, v31;
	v39 =	vand.u32 $0x6000, v39;
	v9 =	vshll.u32 v11, $0x3  }
0x1d3: {  	v28 =	vshll.u32 v28, $0x9;
	v10 =	vand.u32 $0x7F, v11;
	v13 =	vand.u32 $0xC00, v9  }
0x1d4: {  	v28 =	vand.u32 $0x7000, v28;
	v12 =	vor.u32 v10, v13;
	v16 =	vor.u32 v11, v13  }
0x1d5: {  	v9 =	vor.u32 $0x80, v12;
	v10 =	vor.u32 $0x100, v12;
	v11 =	vor.u32 $0x180, v16  }
0x1d6: {  	v13 =	vor.u32 $0x200, v12;
	v26 =	vor.u32 v12, v18;
	v18 =	vshll.u32 v19, $0x9  }
0x1d7: {  	v14 =	vor.u32 $0x280, v12;
	v27 =	vor.u32 v12, v18;
	v18 =	vshll.u32 v21, $0x9  }
0x1d8: {  	s15 =	simm.s32 $0xC;
	v15 =	vor.u32 $0x300, v12;
	v16 =	vor.u32 $0x380, v16;
	v18 =	vand.u32 $0x7000, v18  }
0x1d9: {  	s13 =	simm.s32 $0xD;
	v29 =	vor.u32 v20, v16;
	v30 =	vor.u32 v18, v15;
	v18 =	vmov s15  }
0x1da: {  	v20 =	vmov s13;
	v37 =	vor.u32 v24, v11;
	v18 =	vshll.u32 v18, $0x9  }
0x1db: {  	v24 =	vor.u32 s21, v6;
	s21 =	simm.s32 $0x7;
	v23 =	vshll.u32 v20, $0x9;
	v18 =	vand.u32 $0x7000, v18;
	v38 =	vld.idx.msk [tilespmem:v26+s23+$0x0], $0xffff  }
0x1dc: {  	v34 =	vmov s21;
	v23 =	vand.u32 $0x7000, v23;
	v33 =	vor.u32 v18, v13;
	v18 =	vld.idx.msk [tilespmem:v17+s18+$0x0], $0xffff  }
0x1dd: {  	v19 =	vor.u32 s11, v6;
	v34 =	vshll.u32 v34, $0x9;
	v32 =	vor.u32 v23, v14;
	v17 =	vld [tilespmem:s8+$0x1C000]  }
0x1de: {  	s11 =	simm.s32 $0x6;
	v21 =	vor.u32 s5, v6;
	v20 =	vor.u32 s13, v6;
	v35 =	vand.u32 $0x6000, v34;
	v34 =	vld.idx.msk [tilespmem:v27+s23+$0x0], $0xffff  }
0x1df: {  	s13 =	simm.s32 $0x4;
	v26 =	vor.u32 v31, v10;
	v31 =	vmov s11;
	v27 =	vor.u32 v35, v16;
	v35 =	vld.idx.msk [tilespmem:v29+s23+$0x0], $0xffff  }
0x1e0: {  	v28 =	vor.u32 v28, v9;
	v31 =	vshll.u32 v31, $0x9;
	v29 =	vmov s13;
	v37 =	vld.idx.msk [tilespmem:v37+s23+$0x0], $0xffff  }
0x1e1: {  	v23 =	vor.u32 s15, v6;
	v40 =	vand.u32 $0x6000, v31;
	v31 =	vld.idx.msk [tilespmem:v30+s23+$0x0], $0xffff;
	v30 =	vshll.u32 v29, $0x9  }
0x1e2: {  	s0 =	simm.s32 $0x2;
	v29 =	vor.u32 v40, v15;
	v32 =	vld.idx.msk [tilespmem:v32+s23+$0x0], $0xffff;
	v41 =	vand.u32 $0x6000, v30;
	v30 =	vor.u32 v39, v14  }
0x1e3: {  	s5 =	simm.s32 $0x1;
	s15 =	simm.s32 $0x10;
	v39 =	vshll.u32 v63, $0x9;
	[tilespmem:v36+s25+$0x0] =	vst.idx.msk $0xffff, v38;
	v38 =	vmov s0;
	v36 =	vor.u32 v41, v13;
	v33 =	vld.idx.msk [tilespmem:v33+s23+$0x0], $0xffff  }
.LBB2_25:
0x1e4: {  	p1 =	slt.u32 s15, $0x30;
	v40 =	vmov s5;
	v38 =	vshll.u32 v38, $0x9;
	v39 =	vand.u32 $0x6000, v39;
	[tilespmem:v19+s25+$0x0] =	vst.idx.msk $0xffff, v34;
	v26 =	vld.idx.msk [tilespmem:v26+s23+$0x0], $0xffff  }
0x1e5: {  	v19 =	vshll.u32 v40, $0x9;
	v34 =	vand.u32 $0x6000, v38;
	v38 =	vor.u32 v39, v11;
	v28 =	vld.idx.msk [tilespmem:v28+s23+$0x0], $0xffff;
	[tilespmem:v22+s25+$0x0] =	vst.idx.msk $0xffff, v35  }
0x1e6: {  	v19 =	vand.u32 $0x6000, v19;
	v22 =	vor.u32 v34, v10;
	v27 =	vld.idx.msk [tilespmem:v27+s23+$0x0], $0xffff;
	v34 =	vor.u32 s1, v6;
	[tilespmem:v21+s25+$0x0] =	vst.idx.msk $0xffff, v31  }
0x1e7: {  	v35 =	vor.u32 s21, v6;
	v21 =	vmov s15;
	v31 =	vor.u32 v19, v9;
	v29 =	vld.idx.msk [tilespmem:v29+s23+$0x0], $0xffff;
	[tilespmem:v20+s25+$0x0] =	vst.idx.msk $0xffff, v32  }
0x1e8: {  	v39 =	vor.u32 s15, v6;
	s1 =	sadd.s32 $0x8, s15;
	v19 =	vshll.u32 v21, $0x9;
	v21 =	vor.u32 s11, v6;
	v20 =	vld.idx.msk [tilespmem:v30+s23+$0x0], $0xffff;
	[tilespmem:v23+s25+$0x0] =	vst.idx.msk $0xffff, v33  }
0x1e9: {  	v32 =	vor.u32 s12, v6;
	v30 =	vor.u32 v12, v19;
	v19 =	vmov s1;
	v23 =	vld.idx.msk [tilespmem:v36+s23+$0x0], $0xffff;
	[tilespmem:v24+s25+$0x0] =	vst.idx.msk $0xffff, v37  }
0x1ea: {  	v24 =	vshll.u32 v19, $0x9;
	v19 =	vor.u32 s1, v6;
	s1 =	sadd.s32 $0xF, s15;
	v36 =	vor.u32 s13, v6;
	v33 =	vld.idx.msk [tilespmem:v38+s23+$0x0], $0xffff;
	[tilespmem:v25+s25+$0x0] =	vst.idx.msk $0xffff, v26  }
0x1eb: {  	s6 =	sadd.s32 $0xE, s15;
	v37 =	vor.u32 v12, v24;
	v24 =	vmov s1;
	v26 =	vor.u32 s31, v6;
	v25 =	vld.idx.msk [tilespmem:v22+s23+$0x0], $0xffff;
	[tilespmem:v34+s25+$0x0] =	vst.idx.msk $0xffff, v28  }
0x1ec: {  	v22 =	vmov s6;
	v24 =	vshll.u32 v24, $0x9;
	v28 =	vld.idx.msk [tilespmem:v31+s23+$0x0], $0xffff;
	v31 =	vor.u32 s0, v6;
	[tilespmem:v35+s25+$0x0] =	vst.idx.msk $0xffff, v27  }
0x1ed: {  	v22 =	vshll.u32 v22, $0x9;
	v24 =	vand.u32 $0x7000, v24;
	v27 =	vor.u32 s5, v6;
	[tilespmem:v21+s25+$0x0] =	vst.idx.msk $0xffff, v29  }
0x1ee: {  	s0 =	sadd.s32 $0xD, s15;
	v21 =	vand.u32 $0x7000, v22;
	v29 =	vor.u32 v24, v16;
	v22 =	vor.u32 s1, v6;
	[tilespmem:v32+s25+$0x0] =	vst.idx.msk $0xffff, v20  }
0x1ef: {  	s1 =	sadd.s32 $0xC, s15;
	v20 =	vmov s0;
	v32 =	vor.u32 v21, v15;
	v21 =	vor.u32 s6, v6;
	[tilespmem:v36+s25+$0x0] =	vst.idx.msk $0xffff, v23  }
0x1f0: {  	s5 =	sadd.s32 $0xB, s15;
	v23 =	vmov s1;
	v24 =	vshll.u32 v20, $0x9;
	v20 =	vor.u32 s0, v6;
	[tilespmem:v26+s25+$0x0] =	vst.idx.msk $0xffff, v33  }
0x1f1: {  	v26 =	vmov s5;
	v23 =	vshll.u32 v23, $0x9;
	v24 =	vand.u32 $0x7000, v24;
	[tilespmem:v31+s25+$0x0] =	vst.idx.msk $0xffff, v25  }
0x1f2: {  	v25 =	vshll.u32 v26, $0x9;
	v23 =	vand.u32 $0x7000, v23;
	v33 =	vor.u32 v24, v14;
	[tilespmem:v27+s25+$0x0] =	vst.idx.msk $0xffff, v28  }
0x1f3: {  	s0 =	sadd.s32 $0xA, s15;
	v24 =	vand.u32 $0x7000, v25;
	v36 =	vor.u32 v23, v13;
	v23 =	vor.u32 s1, v6  }
0x1f4: {  	s1 =	sadd.s32 $0x9, s15;
	v25 =	vmov s0;
	v40 =	vor.u32 v24, v11;
	v24 =	vor.u32 s5, v6  }
0x1f5: {  	s21 =	sadd.s32 $0x7, s15;
	v26 =	vmov s1;
	v27 =	vshll.u32 v25, $0x9;
	v25 =	vor.u32 s0, v6  }
0x1f6: {  	v28 =	vmov s21;
	v26 =	vshll.u32 v26, $0x9;
	v27 =	vand.u32 $0x7000, v27  }
0x1f7: {  	s11 =	sadd.s32 $0x6, s15;
	v28 =	vshll.u32 v28, $0x9;
	v38 =	vld.idx.msk [tilespmem:v30+s23+$0x0], $0xffff;
	v30 =	vand.u32 $0x7000, v26;
	v26 =	vor.u32 v27, v10  }
0x1f8: {  	s12 =	sadd.s32 $0x5, s15;
	v31 =	vand.u32 $0x6000, v28;
	v27 =	vmov s11;
	v34 =	vld.idx.msk [tilespmem:v37+s23+$0x0], $0xffff;
	v28 =	vor.u32 v30, v9  }
.Ltmp17:
0x1f9: {  	s13 =	sadd.s32 $0x4, s15;
	v30 =	vmov s12;
	v37 =	vshll.u32 v27, $0x9;
	v27 =	vor.u32 v31, v16;
	v35 =	vld.idx.msk [tilespmem:v29+s23+$0x0], $0xffff;
	(pc) =	sbr.rel @p1 .LBB2_25-.Ltmp17, $4  }
0x1fa: {  	v29 =	vmov s13;
	v30 =	vshll.u32 v30, $0x9;
	v37 =	vand.u32 $0x6000, v37;
	v31 =	vld.idx.msk [tilespmem:v32+s23+$0x0], $0xffff  }
0x1fb: {  	s31 =	sadd.s32 $0x3, s15;
	v41 =	vshll.u32 v29, $0x9;
	v30 =	vand.u32 $0x6000, v30;
	v29 =	vor.u32 v37, v15;
	v32 =	vld.idx.msk [tilespmem:v33+s23+$0x0], $0xffff  }
0x1fc: {  	s0 =	sadd.s32 $0x2, s15;
	v37 =	vmov s31;
	v41 =	vand.u32 $0x6000, v41;
	v30 =	vor.u32 v30, v14;
	v33 =	vld.idx.msk [tilespmem:v36+s23+$0x0], $0xffff  }
0x1fd: {  	s5 =	sadd.s32 $0x1, s15;
	s15 =	sadd.s32 $0x10, s15;
	v36 =	vor.u32 v41, v13;
	[tilespmem:v39+s25+$0x0] =	vst.idx.msk $0xffff, v38;
	v38 =	vmov s0;
	v39 =	vshll.u32 v37, $0x9;
	v37 =	vld.idx.msk [tilespmem:v40+s23+$0x0], $0xffff  }
0x1fe: {  	(v2sf) =	vpush v18, $0x0;
	_ =	sdelay $0x4  }
0x1ff: {  	v12 =	vmov s5;
	[tilespmem:v19+s25+$0x0] =	vst.idx.msk $0xffff, v34  }
0x200: {  	v13 =	vshll.u32 v38, $0x9;
	v14 =	vand.u32 $0x6000, v39;
	v15 =	vld.idx.msk [tilespmem:v26+s23+$0x0], $0xffff;
	[tilespmem:v22+s25+$0x0] =	vst.idx.msk $0xffff, v35;
	v16 =	vor.u32 s1, v6  }
0x201: {  	v52 =	vld.idx.msk [tilespmem:v28+s23+$0x0], $0xffff;
	v12 =	vshll.u32 v12, $0x9;
	v13 =	vand.u32 $0x6000, v13;
	v11 =	vor.u32 v14, v11;
	[tilespmem:v21+s25+$0x0] =	vst.idx.msk $0xffff, v31  }
0x202: {  	v53 =	vld.idx.msk [tilespmem:v27+s23+$0x0], $0xffff;
	v54 =	vor.u32 s21, v6;
	v12 =	vand.u32 $0x6000, v12;
	v10 =	vor.u32 v13, v10;
	[tilespmem:v20+s25+$0x0] =	vst.idx.msk $0xffff, v32  }
0x203: {  	v55 =	vld.idx.msk [tilespmem:v29+s23+$0x0], $0xffff;
	v56 =	vor.u32 s11, v6;
	v9 =	vor.u32 v12, v9;
	[tilespmem:v23+s25+$0x0] =	vst.idx.msk $0xffff, v33  }
0x204: {  	v57 =	vld.idx.msk [tilespmem:v30+s23+$0x0], $0xffff;
	v58 =	vor.u32 s12, v6;
	[tilespmem:v24+s25+$0x0] =	vst.idx.msk $0xffff, v37  }
0x205: {  	v59 =	vld.idx.msk [tilespmem:v36+s23+$0x0], $0xffff;
	v60 =	vor.u32 s13, v6;
	[tilespmem:v25+s25+$0x0] =	vst.idx.msk $0xffff, v15  }
0x206: {  	v61 =	vor.u32 s31, v6;
	[tilespmem:v16+s25+$0x0] =	vst.idx.msk $0xffff, v52;
	v11 =	vld.idx.msk [tilespmem:v11+s23+$0x0], $0xffff  }
0x207: {  	v62 =	vor.u32 s0, v6;
	[tilespmem:v54+s25+$0x0] =	vst.idx.msk $0xffff, v53;
	v10 =	vld.idx.msk [tilespmem:v10+s23+$0x0], $0xffff  }
0x208: {  	v63 =	vor.u32 s5, v6;
	[tilespmem:v56+s25+$0x0] =	vst.idx.msk $0xffff, v55;
	v9 =	vld.idx.msk [tilespmem:v9+s23+$0x0], $0xffff  }
0x209: {  	[tilespmem:v58+s25+$0x0] =	vst.idx.msk $0xffff, v57;
	s21 =	spop (v2sf)  }
0x20a: {  	[tilespmem:v60+s25+$0x0] =	vst.idx.msk $0xffff, v59;
	p1 =	slt.s32 s21, $0x11  }
.Ltmp18:
0x20b: {  	[tilespmem:v61+s25+$0x0] =	vst.idx.msk $0xffff, v11;
	(pc) =	sbr.rel @p1 .LBB2_72-.Ltmp18, $4  }
0x20c: {  	[tilespmem:v62+s25+$0x0] =	vst.idx.msk $0xffff, v10  }
0x20d: {  	[tilespmem:v63+s25+$0x0] =	vst.idx.msk $0xffff, v9  }
0x20e: {  	[hbm4b:s4+s3] =	stream.indirect_vreg.scatter [tilespmem:s25], [sflag:$0x4], $0x80, v17, vm0, $0xb8;
	[tilespmem:$0x1F080] =	vst v63  }
0x20f: {  	v9 =	vld [tilespmem:s8+$0x1C010]  }
0x210: {  	s0 =	sor.u32 $0x10, s8  }
0x211: {  	v10 =	vld [tilespmem:s0+$0x1B000]  }
0x212: {  	s6 =	simm.s32 $0x0  }
0x213: {  	s1 =	simm.s32 $0x8;
	s11 =	simm.s32 $0xF;
	s5 =	simm.s32 $0xE;
	v18 =	vmov s6;
	v35 =	vor.u32 s6, v6  }
0x214: {  	s12 =	simm.s32 $0xD;
	s13 =	simm.s32 $0xC;
	s15 =	simm.s32 $0xB;
	v19 =	vmov s1;
	v20 =	vmov s11;
	v21 =	vmov s5  }
0x215: {  	v22 =	vmov s12;
	v23 =	vmov s13;
	v24 =	vmov s15  }
0x216: {  	v18 =	vshll.u32 v18, $0x9;
	v19 =	vshll.u32 v19, $0x9;
	v10 =	vsub.s32 v10, v8  }
0x217: {  	v20 =	vshll.u32 v20, $0x9;
	v22 =	vshll.u32 v22, $0x9;
	vm1 =	vgt.s32 v10, $0x0  }
0x218: {  	s6 =	simm.s32 $0xA;
	s0 =	simm.s32 $0x3;
	v23 =	vshll.u32 v23, $0x9;
	v24 =	vshll.u32 v24, $0x9;
	v10 =	vnsel vm1, $0x0, v10  }
0x219: {  	v27 =	vmov s6;
	v63 =	vmov s0;
	v11 =	vmin.u32 v10, $0x1FF  }
0x21a: {  	v20 =	vand.u32 $0x7000, v20;
	v22 =	vand.u32 $0x7000, v22;
	v10 =	vshll.u32 v11, $0x3  }
0x21b: {  	v27 =	vshll.u32 v27, $0x9;
	v12 =	vand.u32 $0x7F, v11;
	v14 =	vand.u32 $0xC00, v10  }
0x21c: {  	v23 =	vand.u32 $0x7000, v23;
	v27 =	vand.u32 $0x7000, v27;
	v13 =	vor.u32 v12, v14  }
0x21d: {  	v17 =	vor.u32 v11, v14;
	v10 =	vor.u32 $0x80, v13;
	v11 =	vor.u32 $0x100, v13  }
0x21e: {  	v12 =	vor.u32 $0x180, v17;
	v14 =	vor.u32 $0x200, v13;
	v15 =	vor.u32 $0x280, v13  }
0x21f: {  	v16 =	vor.u32 $0x300, v13;
	v17 =	vor.u32 $0x380, v17;
	v25 =	vor.u32 v13, v18  }
0x220: {  	v18 =	vor.u32 s1, v6;
	v26 =	vor.u32 v13, v19;
	v19 =	vshll.u32 v21, $0x9  }
0x221: {  	v21 =	vor.u32 s11, v6;
	v19 =	vand.u32 $0x7000, v19;
	v28 =	vor.u32 v20, v17  }
0x222: {  	v20 =	vor.u32 s5, v6;
	v31 =	vor.u32 v22, v15;
	v22 =	vand.u32 $0x7000, v24  }
0x223: {  	s11 =	simm.s32 $0x9;
	s1 =	simm.s32 $0x7;
	v32 =	vor.u32 v23, v14;
	v23 =	vor.u32 s13, v6;
	v24 =	vor.u32 s15, v6  }
0x224: {  	v30 =	vmov s11;
	v33 =	vmov s1;
	v29 =	vor.u32 v19, v16  }
0x225: {  	v19 =	vor.u32 s12, v6;
	v36 =	vor.u32 v22, v12;
	v22 =	vor.u32 s6, v6;
	s12 =	simm.s32 $0x6  }
0x226: {  	v30 =	vshll.u32 v30, $0x9;
	v33 =	vshll.u32 v33, $0x9;
	v34 =	vmov s12;
	v37 =	vld.idx.msk [tilespmem:v25+s23+$0x0], $0xffff  }
0x227: {  	s13 =	simm.s32 $0x5;
	v30 =	vand.u32 $0x7000, v30;
	v38 =	vand.u32 $0x6000, v33;
	v39 =	vshll.u32 v34, $0x9;
	v33 =	vld.idx.msk [tilespmem:v26+s23+$0x0], $0xffff  }
0x228: {  	s31 =	simm.s32 $0x4;
	v25 =	vor.u32 v27, v11;
	v27 =	vor.u32 v30, v10;
	v30 =	vmov s13;
	v34 =	vld.idx.msk [tilespmem:v28+s23+$0x0], $0xffff  }
0x229: {  	v26 =	vor.u32 v38, v17;
	v28 =	vmov s31;
	v62 =	vshll.u32 v30, $0x9;
	v31 =	vld.idx.msk [tilespmem:v31+s23+$0x0], $0xffff  }
0x22a: {  	v39 =	vand.u32 $0x6000, v39;
	v30 =	vld.idx.msk [tilespmem:v29+s23+$0x0], $0xffff;
	v29 =	vshll.u32 v28, $0x9;
	v38 =	vand.u32 $0x6000, v62  }
0x22b: {  	s5 =	simm.s32 $0x2;
	v32 =	vld.idx.msk [tilespmem:v32+s23+$0x0], $0xffff;
	v28 =	vor.u32 v39, v16;
	v40 =	vand.u32 $0x6000, v29;
	v29 =	vor.u32 v38, v15  }
0x22c: {  	s15 =	simm.s32 $0x10;
	s6 =	simm.s32 $0x1;
	v36 =	vld.idx.msk [tilespmem:v36+s23+$0x0], $0xffff;
	v38 =	vshll.u32 v63, $0x9;
	[tilespmem:v35+s26+$0x0] =	vst.idx.msk $0xffff, v37;
	v37 =	vmov s5;
	v35 =	vor.u32 v40, v14  }
.LBB2_28:
0x22d: {  	p1 =	slt.u32 s15, $0x30;
	v39 =	vmov s6;
	v37 =	vshll.u32 v37, $0x9;
	v38 =	vand.u32 $0x6000, v38;
	[tilespmem:v18+s26+$0x0] =	vst.idx.msk $0xffff, v33;
	v25 =	vld.idx.msk [tilespmem:v25+s23+$0x0], $0xffff  }
0x22e: {  	v18 =	vshll.u32 v39, $0x9;
	v33 =	vand.u32 $0x6000, v37;
	v37 =	vor.u32 v38, v12;
	v27 =	vld.idx.msk [tilespmem:v27+s23+$0x0], $0xffff;
	[tilespmem:v21+s26+$0x0] =	vst.idx.msk $0xffff, v34  }
0x22f: {  	v18 =	vand.u32 $0x6000, v18;
	v21 =	vor.u32 v33, v11;
	v26 =	vld.idx.msk [tilespmem:v26+s23+$0x0], $0xffff;
	v33 =	vor.u32 s11, v6;
	[tilespmem:v20+s26+$0x0] =	vst.idx.msk $0xffff, v30  }
0x230: {  	v34 =	vor.u32 s1, v6;
	v20 =	vmov s15;
	v30 =	vor.u32 v18, v10;
	v28 =	vld.idx.msk [tilespmem:v28+s23+$0x0], $0xffff;
	[tilespmem:v19+s26+$0x0] =	vst.idx.msk $0xffff, v31  }
0x231: {  	v38 =	vor.u32 s15, v6;
	s1 =	sadd.s32 $0x8, s15;
	v18 =	vshll.u32 v20, $0x9;
	v20 =	vor.u32 s12, v6;
	v19 =	vld.idx.msk [tilespmem:v29+s23+$0x0], $0xffff;
	[tilespmem:v23+s26+$0x0] =	vst.idx.msk $0xffff, v32  }
0x232: {  	v31 =	vor.u32 s13, v6;
	v29 =	vor.u32 v13, v18;
	v18 =	vmov s1;
	v23 =	vld.idx.msk [tilespmem:v35+s23+$0x0], $0xffff;
	[tilespmem:v24+s26+$0x0] =	vst.idx.msk $0xffff, v36  }
0x233: {  	v24 =	vshll.u32 v18, $0x9;
	v18 =	vor.u32 s1, v6;
	s1 =	sadd.s32 $0xF, s15;
	v35 =	vor.u32 s31, v6;
	v32 =	vld.idx.msk [tilespmem:v37+s23+$0x0], $0xffff;
	[tilespmem:v22+s26+$0x0] =	vst.idx.msk $0xffff, v25  }
0x234: {  	s11 =	sadd.s32 $0xE, s15;
	v36 =	vor.u32 v13, v24;
	v22 =	vmov s1;
	v25 =	vor.u32 s0, v6;
	v24 =	vld.idx.msk [tilespmem:v21+s23+$0x0], $0xffff;
	[tilespmem:v33+s26+$0x0] =	vst.idx.msk $0xffff, v27  }
0x235: {  	v21 =	vmov s11;
	v22 =	vshll.u32 v22, $0x9;
	v27 =	vld.idx.msk [tilespmem:v30+s23+$0x0], $0xffff;
	v30 =	vor.u32 s5, v6;
	[tilespmem:v34+s26+$0x0] =	vst.idx.msk $0xffff, v26  }
0x236: {  	v21 =	vshll.u32 v21, $0x9;
	v22 =	vand.u32 $0x7000, v22;
	v26 =	vor.u32 s6, v6;
	[tilespmem:v20+s26+$0x0] =	vst.idx.msk $0xffff, v28  }
0x237: {  	s0 =	sadd.s32 $0xD, s15;
	v20 =	vand.u32 $0x7000, v21;
	v28 =	vor.u32 v22, v17;
	v21 =	vor.u32 s1, v6;
	[tilespmem:v31+s26+$0x0] =	vst.idx.msk $0xffff, v19  }
0x238: {  	s1 =	sadd.s32 $0xC, s15;
	v19 =	vmov s0;
	v31 =	vor.u32 v20, v16;
	v20 =	vor.u32 s11, v6;
	[tilespmem:v35+s26+$0x0] =	vst.idx.msk $0xffff, v23  }
0x239: {  	s5 =	sadd.s32 $0xB, s15;
	v22 =	vmov s1;
	v23 =	vshll.u32 v19, $0x9;
	v19 =	vor.u32 s0, v6;
	[tilespmem:v25+s26+$0x0] =	vst.idx.msk $0xffff, v32  }
0x23a: {  	v22 =	vshll.u32 v22, $0x9;
	v25 =	vmov s5;
	v23 =	vand.u32 $0x7000, v23;
	[tilespmem:v30+s26+$0x0] =	vst.idx.msk $0xffff, v24  }
0x23b: {  	v22 =	vand.u32 $0x7000, v22;
	v24 =	vshll.u32 v25, $0x9;
	v32 =	vor.u32 v23, v15;
	[tilespmem:v26+s26+$0x0] =	vst.idx.msk $0xffff, v27  }
0x23c: {  	s0 =	sadd.s32 $0xA, s15;
	v35 =	vor.u32 v22, v14;
	v23 =	vor.u32 s1, v6;
	v24 =	vand.u32 $0x7000, v24  }
0x23d: {  	s11 =	sadd.s32 $0x9, s15;
	v22 =	vmov s0;
	v39 =	vor.u32 v24, v12;
	v24 =	vor.u32 s5, v6  }
0x23e: {  	s1 =	sadd.s32 $0x7, s15;
	v25 =	vmov s11;
	v26 =	vshll.u32 v22, $0x9;
	v22 =	vor.u32 s0, v6  }
0x23f: {  	v27 =	vmov s1;
	v25 =	vshll.u32 v25, $0x9;
	v26 =	vand.u32 $0x7000, v26  }
0x240: {  	s12 =	sadd.s32 $0x6, s15;
	v27 =	vshll.u32 v27, $0x9;
	v37 =	vld.idx.msk [tilespmem:v29+s23+$0x0], $0xffff;
	v29 =	vand.u32 $0x7000, v25;
	v25 =	vor.u32 v26, v11  }
0x241: {  	s13 =	sadd.s32 $0x5, s15;
	v30 =	vand.u32 $0x6000, v27;
	v26 =	vmov s12;
	v33 =	vld.idx.msk [tilespmem:v36+s23+$0x0], $0xffff;
	v27 =	vor.u32 v29, v10  }
.Ltmp19:
0x242: {  	s31 =	sadd.s32 $0x4, s15;
	v29 =	vmov s13;
	v36 =	vshll.u32 v26, $0x9;
	v26 =	vor.u32 v30, v17;
	v34 =	vld.idx.msk [tilespmem:v28+s23+$0x0], $0xffff;
	(pc) =	sbr.rel @p1 .LBB2_28-.Ltmp19, $4  }
0x243: {  	v28 =	vmov s31;
	v29 =	vshll.u32 v29, $0x9;
	v36 =	vand.u32 $0x6000, v36;
	v30 =	vld.idx.msk [tilespmem:v31+s23+$0x0], $0xffff  }
0x244: {  	s0 =	sadd.s32 $0x3, s15;
	v40 =	vshll.u32 v28, $0x9;
	v29 =	vand.u32 $0x6000, v29;
	v28 =	vor.u32 v36, v16;
	v31 =	vld.idx.msk [tilespmem:v32+s23+$0x0], $0xffff  }
0x245: {  	s5 =	sadd.s32 $0x2, s15;
	v36 =	vmov s0;
	v40 =	vand.u32 $0x6000, v40;
	v29 =	vor.u32 v29, v15;
	v32 =	vld.idx.msk [tilespmem:v35+s23+$0x0], $0xffff  }
0x246: {  	s6 =	sadd.s32 $0x1, s15;
	s15 =	sadd.s32 $0x10, s15;
	v35 =	vor.u32 v40, v14;
	[tilespmem:v38+s26+$0x0] =	vst.idx.msk $0xffff, v37;
	v37 =	vmov s5;
	v38 =	vshll.u32 v36, $0x9;
	v36 =	vld.idx.msk [tilespmem:v39+s23+$0x0], $0xffff  }
0x247: {  	_ =	sdelay $0x3  }
0x248: {  	v13 =	vmov s6;
	[tilespmem:v18+s26+$0x0] =	vst.idx.msk $0xffff, v33  }
0x249: {  	v14 =	vshll.u32 v37, $0x9;
	v15 =	vand.u32 $0x6000, v38;
	v16 =	vld.idx.msk [tilespmem:v25+s23+$0x0], $0xffff;
	[tilespmem:v21+s26+$0x0] =	vst.idx.msk $0xffff, v34;
	v17 =	vor.u32 s11, v6  }
0x24a: {  	v52 =	vld.idx.msk [tilespmem:v27+s23+$0x0], $0xffff;
	v13 =	vshll.u32 v13, $0x9;
	v14 =	vand.u32 $0x6000, v14;
	v12 =	vor.u32 v15, v12;
	[tilespmem:v20+s26+$0x0] =	vst.idx.msk $0xffff, v30  }
0x24b: {  	v53 =	vld.idx.msk [tilespmem:v26+s23+$0x0], $0xffff;
	v54 =	vor.u32 s1, v6;
	v13 =	vand.u32 $0x6000, v13;
	v11 =	vor.u32 v14, v11;
	[tilespmem:v19+s26+$0x0] =	vst.idx.msk $0xffff, v31  }
0x24c: {  	v55 =	vld.idx.msk [tilespmem:v28+s23+$0x0], $0xffff;
	v56 =	vor.u32 s12, v6;
	v10 =	vor.u32 v13, v10;
	[tilespmem:v23+s26+$0x0] =	vst.idx.msk $0xffff, v32  }
0x24d: {  	v57 =	vld.idx.msk [tilespmem:v29+s23+$0x0], $0xffff;
	v58 =	vor.u32 s13, v6;
	[tilespmem:v24+s26+$0x0] =	vst.idx.msk $0xffff, v36  }
0x24e: {  	v59 =	vld.idx.msk [tilespmem:v35+s23+$0x0], $0xffff;
	v60 =	vor.u32 s31, v6;
	[tilespmem:v22+s26+$0x0] =	vst.idx.msk $0xffff, v16  }
0x24f: {  	v61 =	vor.u32 s0, v6;
	[tilespmem:v17+s26+$0x0] =	vst.idx.msk $0xffff, v52;
	v12 =	vld.idx.msk [tilespmem:v12+s23+$0x0], $0xffff  }
0x250: {  	v62 =	vor.u32 s5, v6;
	[tilespmem:v54+s26+$0x0] =	vst.idx.msk $0xffff, v53;
	v11 =	vld.idx.msk [tilespmem:v11+s23+$0x0], $0xffff  }
0x251: {  	v63 =	vor.u32 s6, v6;
	[tilespmem:v56+s26+$0x0] =	vst.idx.msk $0xffff, v55;
	v10 =	vld.idx.msk [tilespmem:v10+s23+$0x0], $0xffff  }
0x252: {  	p1 =	slt.u32 s21, $0x21;
	[tilespmem:v58+s26+$0x0] =	vst.idx.msk $0xffff, v57  }
.Ltmp20:
0x253: {  	[tilespmem:v60+s26+$0x0] =	vst.idx.msk $0xffff, v59;
	(pc) =	sbr.rel @p1 .LBB2_37-.Ltmp20, $4  }
0x254: {  	[tilespmem:v61+s26+$0x0] =	vst.idx.msk $0xffff, v12  }
0x255: {  	[tilespmem:v62+s26+$0x0] =	vst.idx.msk $0xffff, v11  }
0x256: {  	[tilespmem:v63+s26+$0x0] =	vst.idx.msk $0xffff, v10  }
0x257: {  	[hbm4b:s4+s3] =	stream.indirect_vreg.scatter [tilespmem:s26], [sflag:$0x4], $0x80, v9, vm0, $0xb8;
	[tilespmem:$0x1F080] =	vst v63  }
0x258: {  	v9 =	vld [tilespmem:s8+$0x1B020];
	_ =	sdelay $0x2  }
0x259: {  	s0 =	simm.s32 $0x0  }
0x25a: {  	s1 =	simm.s32 $0x8;
	s11 =	simm.s32 $0xF;
	v17 =	vmov s0;
	v35 =	vor.u32 s0, v6  }
0x25b: {  	s5 =	simm.s32 $0xE;
	v18 =	vmov s1;
	v19 =	vmov s11;
	v9 =	vsub.s32 v9, v8  }
0x25c: {  	s15 =	simm.s32 $0xB;
	v20 =	vmov s5;
	v21 =	vor.u32 s11, v6;
	vm1 =	vgt.s32 v9, $0x0  }
0x25d: {  	v23 =	vmov s15;
	v24 =	vor.u32 s15, v6;
	v9 =	vnsel vm1, $0x0, v9  }
0x25e: {  	s11 =	simm.s32 $0x9;
	v17 =	vshll.u32 v17, $0x9;
	v19 =	vshll.u32 v19, $0x9;
	v11 =	vmin.u32 v9, $0x1FF  }
0x25f: {  	s0 =	simm.s32 $0x3;
	v23 =	vshll.u32 v23, $0x9;
	v27 =	vmov s11;
	v9 =	vshll.u32 v11, $0x3  }
0x260: {  	v63 =	vmov s0;
	v10 =	vand.u32 $0x7F, v11;
	v13 =	vand.u32 $0xC00, v9  }
0x261: {  	v19 =	vand.u32 $0x7000, v19;
	v27 =	vshll.u32 v27, $0x9;
	v12 =	vor.u32 v10, v13  }
0x262: {  	v27 =	vand.u32 $0x7000, v27;
	v16 =	vor.u32 v11, v13;
	v9 =	vor.u32 $0x80, v12  }
0x263: {  	v10 =	vor.u32 $0x100, v12;
	v11 =	vor.u32 $0x180, v16;
	v13 =	vor.u32 $0x200, v12  }
0x264: {  	v14 =	vor.u32 $0x280, v12;
	v15 =	vor.u32 $0x300, v12;
	v16 =	vor.u32 $0x380, v16  }
0x265: {  	v25 =	vor.u32 v12, v17;
	v17 =	vshll.u32 v18, $0x9;
	v18 =	vor.u32 s1, v6  }
0x266: {  	s12 =	simm.s32 $0xD;
	s1 =	simm.s32 $0x7;
	v26 =	vor.u32 v12, v17;
	v17 =	vshll.u32 v20, $0x9;
	v28 =	vor.u32 v19, v16  }
0x267: {  	v19 =	vmov s12;
	v20 =	vor.u32 s5, v6;
	v33 =	vmov s1  }
0x268: {  	s13 =	simm.s32 $0xC;
	v27 =	vor.u32 v27, v9;
	v17 =	vand.u32 $0x7000, v17;
	v22 =	vshll.u32 v19, $0x9  }
0x269: {  	v19 =	vor.u32 s12, v6;
	v29 =	vor.u32 v17, v15;
	v17 =	vmov s13  }
0x26a: {  	v33 =	vshll.u32 v33, $0x9;
	v22 =	vand.u32 $0x7000, v22;
	v17 =	vshll.u32 v17, $0x9  }
0x26b: {  	s6 =	simm.s32 $0xA;
	v34 =	vand.u32 $0x6000, v33;
	v31 =	vor.u32 v22, v14;
	v17 =	vand.u32 $0x7000, v17  }
0x26c: {  	v22 =	vand.u32 $0x7000, v23;
	v37 =	vld.idx.msk [tilespmem:v25+s23+$0x0], $0xffff;
	v32 =	vor.u32 v17, v13;
	v17 =	vmov s6  }
0x26d: {  	v23 =	vor.u32 s13, v6;
	v36 =	vor.u32 v22, v11;
	v33 =	vld.idx.msk [tilespmem:v26+s23+$0x0], $0xffff;
	v30 =	vshll.u32 v17, $0x9  }
0x26e: {  	s12 =	simm.s32 $0x6;
	s13 =	simm.s32 $0x5;
	v22 =	vor.u32 s6, v6;
	v26 =	vor.u32 v34, v16;
	v34 =	vld.idx.msk [tilespmem:v28+s23+$0x0], $0xffff;
	v30 =	vand.u32 $0x7000, v30  }
0x26f: {  	s31 =	simm.s32 $0x4;
	v38 =	vmov s13;
	v17 =	vld [tilespmem:s8+$0x1C020];
	v25 =	vor.u32 v30, v10;
	v30 =	vmov s12  }
0x270: {  	v28 =	vmov s31;
	v38 =	vshll.u32 v38, $0x9;
	v31 =	vld.idx.msk [tilespmem:v31+s23+$0x0], $0xffff;
	v30 =	vshll.u32 v30, $0x9  }
0x271: {  	s5 =	simm.s32 $0x2;
	v38 =	vand.u32 $0x6000, v38;
	v39 =	vand.u32 $0x6000, v30;
	v30 =	vld.idx.msk [tilespmem:v29+s23+$0x0], $0xffff;
	v29 =	vshll.u32 v28, $0x9  }
0x272: {  	[tilespmem:v35+s28+$0x0] =	vst.idx.msk $0xffff, v37;
	v37 =	vmov s5;
	v36 =	vld.idx.msk [tilespmem:v36+s23+$0x0], $0xffff;
	v28 =	vor.u32 v39, v15;
	v40 =	vand.u32 $0x6000, v29  }
0x273: {  	s15 =	simm.s32 $0x10;
	s6 =	simm.s32 $0x1;
	v32 =	vld.idx.msk [tilespmem:v32+s23+$0x0], $0xffff;
	v29 =	vor.u32 v38, v14;
	v38 =	vshll.u32 v63, $0x9;
	v35 =	vor.u32 v40, v13  }
.LBB2_31:
0x274: {  	p1 =	slt.u32 s15, $0x30;
	v39 =	vmov s6;
	v37 =	vshll.u32 v37, $0x9;
	v38 =	vand.u32 $0x6000, v38;
	[tilespmem:v18+s28+$0x0] =	vst.idx.msk $0xffff, v33;
	v25 =	vld.idx.msk [tilespmem:v25+s23+$0x0], $0xffff  }
0x275: {  	v18 =	vshll.u32 v39, $0x9;
	v33 =	vand.u32 $0x6000, v37;
	v37 =	vor.u32 v38, v11;
	v27 =	vld.idx.msk [tilespmem:v27+s23+$0x0], $0xffff;
	[tilespmem:v21+s28+$0x0] =	vst.idx.msk $0xffff, v34  }
0x276: {  	v18 =	vand.u32 $0x6000, v18;
	v21 =	vor.u32 v33, v10;
	v26 =	vld.idx.msk [tilespmem:v26+s23+$0x0], $0xffff;
	v33 =	vor.u32 s11, v6;
	[tilespmem:v20+s28+$0x0] =	vst.idx.msk $0xffff, v30  }
0x277: {  	v34 =	vor.u32 s1, v6;
	v20 =	vmov s15;
	v30 =	vor.u32 v18, v9;
	v28 =	vld.idx.msk [tilespmem:v28+s23+$0x0], $0xffff;
	[tilespmem:v19+s28+$0x0] =	vst.idx.msk $0xffff, v31  }
0x278: {  	v38 =	vor.u32 s15, v6;
	s1 =	sadd.s32 $0x8, s15;
	v18 =	vshll.u32 v20, $0x9;
	v20 =	vor.u32 s12, v6;
	v19 =	vld.idx.msk [tilespmem:v29+s23+$0x0], $0xffff;
	[tilespmem:v23+s28+$0x0] =	vst.idx.msk $0xffff, v32  }
0x279: {  	v31 =	vor.u32 s13, v6;
	v29 =	vor.u32 v12, v18;
	v18 =	vmov s1;
	v23 =	vld.idx.msk [tilespmem:v35+s23+$0x0], $0xffff;
	[tilespmem:v24+s28+$0x0] =	vst.idx.msk $0xffff, v36  }
0x27a: {  	v24 =	vshll.u32 v18, $0x9;
	v18 =	vor.u32 s1, v6;
	s1 =	sadd.s32 $0xF, s15;
	v35 =	vor.u32 s31, v6;
	v32 =	vld.idx.msk [tilespmem:v37+s23+$0x0], $0xffff;
	[tilespmem:v22+s28+$0x0] =	vst.idx.msk $0xffff, v25  }
0x27b: {  	s11 =	sadd.s32 $0xE, s15;
	v36 =	vor.u32 v12, v24;
	v22 =	vmov s1;
	v25 =	vor.u32 s0, v6;
	v24 =	vld.idx.msk [tilespmem:v21+s23+$0x0], $0xffff;
	[tilespmem:v33+s28+$0x0] =	vst.idx.msk $0xffff, v27  }
0x27c: {  	v21 =	vmov s11;
	v22 =	vshll.u32 v22, $0x9;
	v27 =	vld.idx.msk [tilespmem:v30+s23+$0x0], $0xffff;
	v30 =	vor.u32 s5, v6;
	[tilespmem:v34+s28+$0x0] =	vst.idx.msk $0xffff, v26  }
0x27d: {  	v21 =	vshll.u32 v21, $0x9;
	v22 =	vand.u32 $0x7000, v22;
	v26 =	vor.u32 s6, v6;
	[tilespmem:v20+s28+$0x0] =	vst.idx.msk $0xffff, v28  }
0x27e: {  	s0 =	sadd.s32 $0xD, s15;
	v20 =	vand.u32 $0x7000, v21;
	v28 =	vor.u32 v22, v16;
	v21 =	vor.u32 s1, v6;
	[tilespmem:v31+s28+$0x0] =	vst.idx.msk $0xffff, v19  }
0x27f: {  	s1 =	sadd.s32 $0xC, s15;
	v19 =	vmov s0;
	v31 =	vor.u32 v20, v15;
	v20 =	vor.u32 s11, v6;
	[tilespmem:v35+s28+$0x0] =	vst.idx.msk $0xffff, v23  }
0x280: {  	s5 =	sadd.s32 $0xB, s15;
	v22 =	vmov s1;
	v23 =	vshll.u32 v19, $0x9;
	v19 =	vor.u32 s0, v6;
	[tilespmem:v25+s28+$0x0] =	vst.idx.msk $0xffff, v32  }
0x281: {  	v22 =	vshll.u32 v22, $0x9;
	v25 =	vmov s5;
	v23 =	vand.u32 $0x7000, v23;
	[tilespmem:v30+s28+$0x0] =	vst.idx.msk $0xffff, v24  }
0x282: {  	v22 =	vand.u32 $0x7000, v22;
	v24 =	vshll.u32 v25, $0x9;
	v32 =	vor.u32 v23, v14;
	[tilespmem:v26+s28+$0x0] =	vst.idx.msk $0xffff, v27  }
0x283: {  	s0 =	sadd.s32 $0xA, s15;
	v35 =	vor.u32 v22, v13;
	v23 =	vor.u32 s1, v6;
	v24 =	vand.u32 $0x7000, v24  }
0x284: {  	s11 =	sadd.s32 $0x9, s15;
	v22 =	vmov s0;
	v39 =	vor.u32 v24, v11;
	v24 =	vor.u32 s5, v6  }
0x285: {  	s1 =	sadd.s32 $0x7, s15;
	v25 =	vmov s11;
	v26 =	vshll.u32 v22, $0x9;
	v22 =	vor.u32 s0, v6  }
0x286: {  	v27 =	vmov s1;
	v25 =	vshll.u32 v25, $0x9;
	v26 =	vand.u32 $0x7000, v26  }
0x287: {  	s12 =	sadd.s32 $0x6, s15;
	v27 =	vshll.u32 v27, $0x9;
	v37 =	vld.idx.msk [tilespmem:v29+s23+$0x0], $0xffff;
	v29 =	vand.u32 $0x7000, v25;
	v25 =	vor.u32 v26, v10  }
0x288: {  	s13 =	sadd.s32 $0x5, s15;
	v30 =	vand.u32 $0x6000, v27;
	v26 =	vmov s12;
	v33 =	vld.idx.msk [tilespmem:v36+s23+$0x0], $0xffff;
	v27 =	vor.u32 v29, v9  }
.Ltmp21:
0x289: {  	s31 =	sadd.s32 $0x4, s15;
	v29 =	vmov s13;
	v36 =	vshll.u32 v26, $0x9;
	v26 =	vor.u32 v30, v16;
	v34 =	vld.idx.msk [tilespmem:v28+s23+$0x0], $0xffff;
	(pc) =	sbr.rel @p1 .LBB2_31-.Ltmp21, $4  }
0x28a: {  	v28 =	vmov s31;
	v29 =	vshll.u32 v29, $0x9;
	v36 =	vand.u32 $0x6000, v36;
	v30 =	vld.idx.msk [tilespmem:v31+s23+$0x0], $0xffff  }
0x28b: {  	s0 =	sadd.s32 $0x3, s15;
	v40 =	vshll.u32 v28, $0x9;
	v29 =	vand.u32 $0x6000, v29;
	v28 =	vor.u32 v36, v15;
	v31 =	vld.idx.msk [tilespmem:v32+s23+$0x0], $0xffff  }
0x28c: {  	s5 =	sadd.s32 $0x2, s15;
	v36 =	vmov s0;
	v40 =	vand.u32 $0x6000, v40;
	v29 =	vor.u32 v29, v14;
	v32 =	vld.idx.msk [tilespmem:v35+s23+$0x0], $0xffff  }
0x28d: {  	s6 =	sadd.s32 $0x1, s15;
	s15 =	sadd.s32 $0x10, s15;
	v35 =	vor.u32 v40, v13;
	[tilespmem:v38+s28+$0x0] =	vst.idx.msk $0xffff, v37;
	v37 =	vmov s5;
	v38 =	vshll.u32 v36, $0x9;
	v36 =	vld.idx.msk [tilespmem:v39+s23+$0x0], $0xffff  }
0x28e: {  	_ =	sdelay $0x3  }
0x28f: {  	v12 =	vmov s6;
	[tilespmem:v18+s28+$0x0] =	vst.idx.msk $0xffff, v33  }
0x290: {  	v13 =	vshll.u32 v37, $0x9;
	v14 =	vand.u32 $0x6000, v38;
	v15 =	vld.idx.msk [tilespmem:v25+s23+$0x0], $0xffff;
	[tilespmem:v21+s28+$0x0] =	vst.idx.msk $0xffff, v34;
	v16 =	vor.u32 s11, v6  }
0x291: {  	v52 =	vld.idx.msk [tilespmem:v27+s23+$0x0], $0xffff;
	v12 =	vshll.u32 v12, $0x9;
	v13 =	vand.u32 $0x6000, v13;
	v11 =	vor.u32 v14, v11;
	[tilespmem:v20+s28+$0x0] =	vst.idx.msk $0xffff, v30  }
0x292: {  	v53 =	vld.idx.msk [tilespmem:v26+s23+$0x0], $0xffff;
	v54 =	vor.u32 s1, v6;
	v12 =	vand.u32 $0x6000, v12;
	v10 =	vor.u32 v13, v10;
	[tilespmem:v19+s28+$0x0] =	vst.idx.msk $0xffff, v31  }
0x293: {  	v55 =	vld.idx.msk [tilespmem:v28+s23+$0x0], $0xffff;
	v56 =	vor.u32 s12, v6;
	v9 =	vor.u32 v12, v9;
	[tilespmem:v23+s28+$0x0] =	vst.idx.msk $0xffff, v32  }
0x294: {  	v57 =	vld.idx.msk [tilespmem:v29+s23+$0x0], $0xffff;
	v58 =	vor.u32 s13, v6;
	[tilespmem:v24+s28+$0x0] =	vst.idx.msk $0xffff, v36  }
0x295: {  	v59 =	vld.idx.msk [tilespmem:v35+s23+$0x0], $0xffff;
	v60 =	vor.u32 s31, v6;
	[tilespmem:v22+s28+$0x0] =	vst.idx.msk $0xffff, v15  }
0x296: {  	v61 =	vor.u32 s0, v6;
	[tilespmem:v16+s28+$0x0] =	vst.idx.msk $0xffff, v52;
	v11 =	vld.idx.msk [tilespmem:v11+s23+$0x0], $0xffff  }
0x297: {  	v62 =	vor.u32 s5, v6;
	[tilespmem:v54+s28+$0x0] =	vst.idx.msk $0xffff, v53;
	v10 =	vld.idx.msk [tilespmem:v10+s23+$0x0], $0xffff  }
0x298: {  	v63 =	vor.u32 s6, v6;
	[tilespmem:v56+s28+$0x0] =	vst.idx.msk $0xffff, v55;
	v9 =	vld.idx.msk [tilespmem:v9+s23+$0x0], $0xffff  }
0x299: {  	p1 =	slt.u32 s21, $0x31;
	[tilespmem:v58+s28+$0x0] =	vst.idx.msk $0xffff, v57  }
.Ltmp22:
0x29a: {  	[tilespmem:v60+s28+$0x0] =	vst.idx.msk $0xffff, v59;
	(pc) =	sbr.rel @p1 .LBB2_36-.Ltmp22, $4  }
0x29b: {  	[tilespmem:v61+s28+$0x0] =	vst.idx.msk $0xffff, v11  }
0x29c: {  	[tilespmem:v62+s28+$0x0] =	vst.idx.msk $0xffff, v10  }
0x29d: {  	[tilespmem:v63+s28+$0x0] =	vst.idx.msk $0xffff, v9  }
0x29e: {  	[hbm4b:s4+s3] =	stream.indirect_vreg.scatter [tilespmem:s28], [sflag:$0x4], $0x80, v17, vm0, $0xb8;
	[tilespmem:$0x1F080] =	vst v63  }
0x29f: {  	v9 =	vld [tilespmem:s8+$0x1B030];
	_ =	sdelay $0x1  }
0x2a0: {  	s0 =	simm.s32 $0x0  }
0x2a1: {  	s1 =	simm.s32 $0x8;
	s13 =	simm.s32 $0xF;
	s5 =	simm.s32 $0xE;
	v16 =	vmov s0;
	v34 =	vor.u32 s0, v6  }
0x2a2: {  	s31 =	simm.s32 $0xB;
	v17 =	vmov s1;
	v18 =	vmov s13;
	v19 =	vmov s5  }
0x2a3: {  	s11 =	simm.s32 $0x9;
	v20 =	vor.u32 s13, v6;
	v22 =	vmov s31;
	v8 =	vsub.s32 v9, v8  }
0x2a4: {  	v23 =	vor.u32 s31, v6;
	v26 =	vmov s11;
	vm1 =	vgt.s32 v8, $0x0  }
0x2a5: {  	v16 =	vshll.u32 v16, $0x9;
	v18 =	vshll.u32 v18, $0x9;
	v8 =	vnsel vm1, $0x0, v8  }
0x2a6: {  	s13 =	simm.s32 $0x5;
	s0 =	simm.s32 $0x3;
	v22 =	vshll.u32 v22, $0x9;
	v26 =	vshll.u32 v26, $0x9;
	v10 =	vmin.u32 v8, $0x1FF  }
0x2a7: {  	v37 =	vmov s13;
	v63 =	vmov s0;
	v8 =	vshll.u32 v10, $0x3  }
0x2a8: {  	v18 =	vand.u32 $0x7000, v18;
	v9 =	vand.u32 $0x7F, v10;
	v12 =	vand.u32 $0xC00, v8  }
0x2a9: {  	v26 =	vand.u32 $0x7000, v26;
	v37 =	vshll.u32 v37, $0x9;
	v11 =	vor.u32 v9, v12  }
0x2aa: {  	v37 =	vand.u32 $0x6000, v37;
	v15 =	vor.u32 v10, v12;
	v8 =	vor.u32 $0x80, v11  }
0x2ab: {  	v9 =	vor.u32 $0x100, v11;
	v10 =	vor.u32 $0x180, v15;
	v12 =	vor.u32 $0x200, v11  }
0x2ac: {  	v13 =	vor.u32 $0x280, v11;
	v14 =	vor.u32 $0x300, v11;
	v15 =	vor.u32 $0x380, v15  }
0x2ad: {  	v24 =	vor.u32 v11, v16;
	v16 =	vshll.u32 v17, $0x9;
	v17 =	vor.u32 s1, v6  }
0x2ae: {  	s15 =	simm.s32 $0xD;
	v25 =	vor.u32 v11, v16;
	v16 =	vshll.u32 v19, $0x9;
	v27 =	vor.u32 v18, v15  }
0x2af: {  	s21 =	simm.s32 $0xC;
	v18 =	vmov s15;
	v19 =	vor.u32 s5, v6;
	v16 =	vand.u32 $0x7000, v16  }
0x2b0: {  	s1 =	simm.s32 $0x7;
	v21 =	vshll.u32 v18, $0x9;
	v28 =	vor.u32 v16, v14;
	v16 =	vmov s21  }
0x2b1: {  	v32 =	vmov s1;
	v21 =	vand.u32 $0x7000, v21;
	v16 =	vshll.u32 v16, $0x9  }
0x2b2: {  	s6 =	simm.s32 $0xA;
	v32 =	vshll.u32 v32, $0x9;
	v30 =	vor.u32 v21, v13;
	v16 =	vand.u32 $0x7000, v16  }
0x2b3: {  	v21 =	vand.u32 $0x7000, v22;
	v36 =	vld.idx.msk [tilespmem:v24+s23+$0x0], $0xffff;
	v31 =	vor.u32 v16, v12;
	v16 =	vmov s6  }
0x2b4: {  	v33 =	vand.u32 $0x6000, v32;
	v35 =	vor.u32 v21, v10;
	v32 =	vld.idx.msk [tilespmem:v25+s23+$0x0], $0xffff;
	v29 =	vshll.u32 v16, $0x9  }
0x2b5: {  	s12 =	simm.s32 $0x6;
	v26 =	vor.u32 v26, v8;
	v25 =	vor.u32 v33, v15;
	v33 =	vld.idx.msk [tilespmem:v27+s23+$0x0], $0xffff;
	v29 =	vand.u32 $0x7000, v29  }
0x2b6: {  	v18 =	vor.u32 s15, v6;
	s15 =	simm.s32 $0x4;
	v16 =	vld [tilespmem:s8+$0x1C030];
	v24 =	vor.u32 v29, v9;
	v29 =	vmov s12  }
0x2b7: {  	v22 =	vor.u32 s21, v6;
	v27 =	vmov s15;
	v30 =	vld.idx.msk [tilespmem:v30+s23+$0x0], $0xffff;
	v29 =	vshll.u32 v29, $0x9  }
0x2b8: {  	s5 =	simm.s32 $0x2;
	v21 =	vor.u32 s6, v6;
	v38 =	vand.u32 $0x6000, v29;
	v29 =	vld.idx.msk [tilespmem:v28+s23+$0x0], $0xffff;
	v28 =	vshll.u32 v27, $0x9  }
0x2b9: {  	[tilespmem:v34+s29+$0x0] =	vst.idx.msk $0xffff, v36;
	v36 =	vmov s5;
	v35 =	vld.idx.msk [tilespmem:v35+s23+$0x0], $0xffff;
	v27 =	vor.u32 v38, v14;
	v39 =	vand.u32 $0x6000, v28  }
0x2ba: {  	s6 =	simm.s32 $0x1;
	s8 =	simm.s32 $0x10;
	v31 =	vld.idx.msk [tilespmem:v31+s23+$0x0], $0xffff;
	v28 =	vor.u32 v37, v13;
	v37 =	vshll.u32 v63, $0x9;
	v34 =	vor.u32 v39, v12  }
.LBB2_34:
0x2bb: {  	p1 =	slt.u32 s8, $0x30;
	v38 =	vmov s6;
	v36 =	vshll.u32 v36, $0x9;
	v37 =	vand.u32 $0x6000, v37;
	[tilespmem:v17+s29+$0x0] =	vst.idx.msk $0xffff, v32;
	v24 =	vld.idx.msk [tilespmem:v24+s23+$0x0], $0xffff  }
0x2bc: {  	v17 =	vshll.u32 v38, $0x9;
	v32 =	vand.u32 $0x6000, v36;
	v36 =	vor.u32 v37, v10;
	v26 =	vld.idx.msk [tilespmem:v26+s23+$0x0], $0xffff;
	[tilespmem:v20+s29+$0x0] =	vst.idx.msk $0xffff, v33  }
0x2bd: {  	v17 =	vand.u32 $0x6000, v17;
	v20 =	vor.u32 v32, v9;
	v25 =	vld.idx.msk [tilespmem:v25+s23+$0x0], $0xffff;
	v32 =	vor.u32 s11, v6;
	[tilespmem:v19+s29+$0x0] =	vst.idx.msk $0xffff, v29  }
0x2be: {  	v33 =	vor.u32 s1, v6;
	v19 =	vmov s8;
	v29 =	vor.u32 v17, v8;
	v27 =	vld.idx.msk [tilespmem:v27+s23+$0x0], $0xffff;
	[tilespmem:v18+s29+$0x0] =	vst.idx.msk $0xffff, v30  }
0x2bf: {  	v37 =	vor.u32 s8, v6;
	s1 =	sadd.s32 $0x8, s8;
	v17 =	vshll.u32 v19, $0x9;
	v19 =	vor.u32 s12, v6;
	v18 =	vld.idx.msk [tilespmem:v28+s23+$0x0], $0xffff;
	[tilespmem:v22+s29+$0x0] =	vst.idx.msk $0xffff, v31  }
0x2c0: {  	v30 =	vor.u32 s13, v6;
	v28 =	vor.u32 v11, v17;
	v17 =	vmov s1;
	v22 =	vld.idx.msk [tilespmem:v34+s23+$0x0], $0xffff;
	[tilespmem:v23+s29+$0x0] =	vst.idx.msk $0xffff, v35  }
0x2c1: {  	v23 =	vshll.u32 v17, $0x9;
	v17 =	vor.u32 s1, v6;
	s1 =	sadd.s32 $0xF, s8;
	v34 =	vor.u32 s15, v6;
	v31 =	vld.idx.msk [tilespmem:v36+s23+$0x0], $0xffff;
	[tilespmem:v21+s29+$0x0] =	vst.idx.msk $0xffff, v24  }
0x2c2: {  	s11 =	sadd.s32 $0xE, s8;
	v35 =	vor.u32 v11, v23;
	v21 =	vmov s1;
	v24 =	vor.u32 s0, v6;
	v23 =	vld.idx.msk [tilespmem:v20+s23+$0x0], $0xffff;
	[tilespmem:v32+s29+$0x0] =	vst.idx.msk $0xffff, v26  }
0x2c3: {  	v20 =	vmov s11;
	v21 =	vshll.u32 v21, $0x9;
	v26 =	vld.idx.msk [tilespmem:v29+s23+$0x0], $0xffff;
	v29 =	vor.u32 s5, v6;
	[tilespmem:v33+s29+$0x0] =	vst.idx.msk $0xffff, v25  }
0x2c4: {  	v20 =	vshll.u32 v20, $0x9;
	v21 =	vand.u32 $0x7000, v21;
	v25 =	vor.u32 s6, v6;
	[tilespmem:v19+s29+$0x0] =	vst.idx.msk $0xffff, v27  }
0x2c5: {  	s0 =	sadd.s32 $0xD, s8;
	v19 =	vand.u32 $0x7000, v20;
	v27 =	vor.u32 v21, v15;
	v20 =	vor.u32 s1, v6;
	[tilespmem:v30+s29+$0x0] =	vst.idx.msk $0xffff, v18  }
0x2c6: {  	s1 =	sadd.s32 $0xC, s8;
	v18 =	vmov s0;
	v30 =	vor.u32 v19, v14;
	v19 =	vor.u32 s11, v6;
	[tilespmem:v34+s29+$0x0] =	vst.idx.msk $0xffff, v22  }
0x2c7: {  	s5 =	sadd.s32 $0xB, s8;
	v21 =	vmov s1;
	v22 =	vshll.u32 v18, $0x9;
	v18 =	vor.u32 s0, v6;
	[tilespmem:v24+s29+$0x0] =	vst.idx.msk $0xffff, v31  }
0x2c8: {  	v21 =	vshll.u32 v21, $0x9;
	v24 =	vmov s5;
	v22 =	vand.u32 $0x7000, v22;
	[tilespmem:v29+s29+$0x0] =	vst.idx.msk $0xffff, v23  }
0x2c9: {  	v21 =	vand.u32 $0x7000, v21;
	v23 =	vshll.u32 v24, $0x9;
	v31 =	vor.u32 v22, v13;
	[tilespmem:v25+s29+$0x0] =	vst.idx.msk $0xffff, v26  }
0x2ca: {  	s0 =	sadd.s32 $0xA, s8;
	v34 =	vor.u32 v21, v12;
	v22 =	vor.u32 s1, v6;
	v23 =	vand.u32 $0x7000, v23  }
0x2cb: {  	s11 =	sadd.s32 $0x9, s8;
	v21 =	vmov s0;
	v38 =	vor.u32 v23, v10;
	v23 =	vor.u32 s5, v6  }
0x2cc: {  	s1 =	sadd.s32 $0x7, s8;
	v24 =	vmov s11;
	v25 =	vshll.u32 v21, $0x9;
	v21 =	vor.u32 s0, v6  }
0x2cd: {  	v26 =	vmov s1;
	v24 =	vshll.u32 v24, $0x9;
	v25 =	vand.u32 $0x7000, v25  }
0x2ce: {  	s12 =	sadd.s32 $0x6, s8;
	v26 =	vshll.u32 v26, $0x9;
	v36 =	vld.idx.msk [tilespmem:v28+s23+$0x0], $0xffff;
	v28 =	vand.u32 $0x7000, v24;
	v24 =	vor.u32 v25, v9  }
0x2cf: {  	s13 =	sadd.s32 $0x5, s8;
	v29 =	vand.u32 $0x6000, v26;
	v25 =	vmov s12;
	v32 =	vld.idx.msk [tilespmem:v35+s23+$0x0], $0xffff;
	v26 =	vor.u32 v28, v8  }
.Ltmp23:
0x2d0: {  	s15 =	sadd.s32 $0x4, s8;
	v28 =	vmov s13;
	v35 =	vshll.u32 v25, $0x9;
	v25 =	vor.u32 v29, v15;
	v33 =	vld.idx.msk [tilespmem:v27+s23+$0x0], $0xffff;
	(pc) =	sbr.rel @p1 .LBB2_34-.Ltmp23, $4  }
0x2d1: {  	v27 =	vmov s15;
	v28 =	vshll.u32 v28, $0x9;
	v35 =	vand.u32 $0x6000, v35;
	v29 =	vld.idx.msk [tilespmem:v30+s23+$0x0], $0xffff  }
0x2d2: {  	s0 =	sadd.s32 $0x3, s8;
	v39 =	vshll.u32 v27, $0x9;
	v28 =	vand.u32 $0x6000, v28;
	v27 =	vor.u32 v35, v14;
	v30 =	vld.idx.msk [tilespmem:v31+s23+$0x0], $0xffff  }
0x2d3: {  	s5 =	sadd.s32 $0x2, s8;
	v35 =	vmov s0;
	v39 =	vand.u32 $0x6000, v39;
	v28 =	vor.u32 v28, v13;
	v31 =	vld.idx.msk [tilespmem:v34+s23+$0x0], $0xffff  }
0x2d4: {  	s6 =	sadd.s32 $0x1, s8;
	s8 =	sadd.s32 $0x10, s8;
	v34 =	vor.u32 v39, v12;
	[tilespmem:v37+s29+$0x0] =	vst.idx.msk $0xffff, v36;
	v36 =	vmov s5;
	v37 =	vshll.u32 v35, $0x9;
	v35 =	vld.idx.msk [tilespmem:v38+s23+$0x0], $0xffff  }
0x2d5: {  	_ =	sdelay $0x3  }
0x2d6: {  	v11 =	vmov s6;
	[tilespmem:v17+s29+$0x0] =	vst.idx.msk $0xffff, v32  }
0x2d7: {  	v12 =	vshll.u32 v36, $0x9;
	v13 =	vand.u32 $0x6000, v37;
	v14 =	vld.idx.msk [tilespmem:v24+s23+$0x0], $0xffff;
	[tilespmem:v20+s29+$0x0] =	vst.idx.msk $0xffff, v33;
	v15 =	vor.u32 s11, v6  }
0x2d8: {  	v52 =	vld.idx.msk [tilespmem:v26+s23+$0x0], $0xffff;
	v11 =	vshll.u32 v11, $0x9;
	v12 =	vand.u32 $0x6000, v12;
	v10 =	vor.u32 v13, v10;
	[tilespmem:v19+s29+$0x0] =	vst.idx.msk $0xffff, v29  }
0x2d9: {  	v53 =	vld.idx.msk [tilespmem:v25+s23+$0x0], $0xffff;
	v54 =	vor.u32 s1, v6;
	v11 =	vand.u32 $0x6000, v11;
	v9 =	vor.u32 v12, v9;
	[tilespmem:v18+s29+$0x0] =	vst.idx.msk $0xffff, v30  }
0x2da: {  	v55 =	vld.idx.msk [tilespmem:v27+s23+$0x0], $0xffff;
	v56 =	vor.u32 s12, v6;
	v8 =	vor.u32 v11, v8;
	[tilespmem:v22+s29+$0x0] =	vst.idx.msk $0xffff, v31  }
0x2db: {  	v57 =	vld.idx.msk [tilespmem:v28+s23+$0x0], $0xffff;
	v58 =	vor.u32 s13, v6;
	[tilespmem:v23+s29+$0x0] =	vst.idx.msk $0xffff, v35  }
0x2dc: {  	v59 =	vld.idx.msk [tilespmem:v34+s23+$0x0], $0xffff;
	v60 =	vor.u32 s15, v6;
	[tilespmem:v21+s29+$0x0] =	vst.idx.msk $0xffff, v14  }
0x2dd: {  	v61 =	vor.u32 s0, v6;
	[tilespmem:v15+s29+$0x0] =	vst.idx.msk $0xffff, v52;
	v10 =	vld.idx.msk [tilespmem:v10+s23+$0x0], $0xffff  }
0x2de: {  	v62 =	vor.u32 s5, v6;
	[tilespmem:v54+s29+$0x0] =	vst.idx.msk $0xffff, v53;
	v9 =	vld.idx.msk [tilespmem:v9+s23+$0x0], $0xffff  }
0x2df: {  	v63 =	vor.u32 s6, v6;
	[tilespmem:v56+s29+$0x0] =	vst.idx.msk $0xffff, v55;
	v8 =	vld.idx.msk [tilespmem:v8+s23+$0x0], $0xffff  }
0x2e0: {  	[tilespmem:v58+s29+$0x0] =	vst.idx.msk $0xffff, v57  }
0x2e1: {  	[tilespmem:v60+s29+$0x0] =	vst.idx.msk $0xffff, v59  }
0x2e2: {  	[tilespmem:v61+s29+$0x0] =	vst.idx.msk $0xffff, v10  }
0x2e3: {  	[tilespmem:v62+s29+$0x0] =	vst.idx.msk $0xffff, v9  }
0x2e4: {  	[tilespmem:v63+s29+$0x0] =	vst.idx.msk $0xffff, v8  }
0x2e5: {  	[hbm4b:s4+s3] =	stream.indirect_vreg.scatter [tilespmem:s29], [sflag:$0x4], $0x80, v16, vm0, $0xb8;
	[tilespmem:$0x1F080] =	vst v63  }
0x2e6: {  	_ =	swait.ge [sflag:s30], $0x800  }
0x2e7: {  	[sflag:s30] =	ssyncset.done $0x0  }
0x2e8: {  	[sflag:s30] =	ssyncadd.s32 $0xFFFFF800  }
.LBB2_36:
.Ltmp24:
0x2e9: {  	(pc) =	sbr.rel .LBB2_37-.Ltmp24, $4  }
0x2ea: {  	_ = 	snop  }
0x2eb: {  	_ =	swait.ge [sflag:s30], $0x800  }
0x2ec: {  	[sflag:s30] =	ssyncset.done $0x0  }
0x2ed: {  	[sflag:s30] =	ssyncadd.s32 $0xFFFFF800  }
.LBB2_72:
0x2ee: {  	_ =	sdelay $0x7  }
0x2ef: {  	[hbm4b:s4+s3] =	stream.indirect_vreg.scatter [tilespmem:s26], [sflag:$0x4], $0x80, v9, vm0, $0xb8;
	[tilespmem:$0x1F080] =	vst v63  }
.LBB2_37:
0x2f0: {  	_ =	swait.ge [sflag:s30], $0x800  }
0x2f1: {  	[sflag:s30] =	ssyncset.done $0x0  }
0x2f2: {  	[sflag:s30] =	ssyncadd.s32 $0xFFFFF800  }
0x2f3: {  	_ =	swait.ge [sflag:s30], $0x800  }
0x2f4: {  	s0 =	rddreg [dreg:$0x8]  }
0x2f5: {  	[sflag:s30] =	ssyncset.done $0x0;
	p1 =	sge.u32 s10, s0;
	s0 =	rddreg [dreg:$0xa]  }
0x2f6: {  	[sflag:s30] =	ssyncadd.s32 $0xFFFFF800;
	s0 =	sadd.s32 @!p1 s16, s0  }
0x2f7: {  	s1 =	simm.s32 @!p1 $0x1000;
	s5 =	simm.s32 @!p1 $0x7A1400;
	s6 =	simm.s32 @!p1 $0x9000  }
0x2f8: {  	[tilespmem:s6], [sflag:$0x2] =	stream.strided.gather @!p1 [hbm4b:s0+s1], $0x8000, s5, s1, $0x38;
	[tilespmem:$0x1F080] =	vst v63  }
.LBB2_38:
0x2f9: {  	s0 =	sadd.s32 $0x2, s10  }
0x2fa: {  	p1 =	sge.u32 s0, s7  }
.Ltmp25:
0x2fb: {  	_ = 	snop;
	(pc) =	sbr.rel @p1 .LBB2_53-.Ltmp25, $1  }
0x2fc: {  	_ =	sdelay $0x3  }
0x2fd: {  	s1 =	simm.s32 $0x3  }
0x2fe: {  	_ =	swait.ge [sflag:s1], $0x8000  }
0x2ff: {  	[sflag:s1] =	ssyncset.done $0x0  }
0x300: {  	s8 =	sshll.u32 s0, $0x6;
	[sflag:s1] =	ssyncadd.s32 $0xFFFF8000  }
0x301: {  	v17 =	vmov s0;
	s6 =	simm.s32 $0x0;
	s11 =	simm.s32 $0x8;
	v9 =	vld [tilespmem:s8+$0x1B000]  }
0x302: {  	s5 =	sadd.s32 s14, s0;
	s12 =	simm.s32 $0xF;
	s21 =	simm.s32 $0xB;
	v18 =	vmov s6;
	v36 =	vor.u32 s6, v6;
	v19 =	vmov s11  }
0x303: {  	s31 =	simm.s32 $0x3;
	s16 =	sshll.u32 s5, $0x9;
	v20 =	vmov s12;
	v22 =	vor.u32 s12, v6;
	v24 =	vmov s21  }
0x304: {  	s5 =	simm.s32 $0xE;
	v63 =	vmov s31;
	v8 =	vmov s16;
	v18 =	vshll.u32 v18, $0x9  }
0x305: {  	s6 =	simm.s32 $0xA;
	s12 =	simm.s32 $0x5;
	v21 =	vmov s5;
	v20 =	vshll.u32 v20, $0x9;
	v24 =	vshll.u32 v24, $0x9  }
0x306: {  	v25 =	vmov s6;
	v39 =	vmov s12;
	v9 =	vsub.s32 v9, v8  }
0x307: {  	v20 =	vand.u32 $0x7000, v20;
	v24 =	vand.u32 $0x7000, v24;
	vm1 =	vgt.s32 v9, $0x0  }
0x308: {  	s1 =	simm.s32 $0x9;
	v31 =	vshll.u32 v25, $0x9;
	v25 =	vor.u32 s6, v6;
	v9 =	vnsel vm1, $0x0, v9  }
0x309: {  	v39 =	vshll.u32 v39, $0x9;
	v28 =	vmov s1;
	v11 =	vmin.u32 v9, $0x1FF  }
0x30a: {  	v31 =	vand.u32 $0x7000, v31;
	v39 =	vand.u32 $0x6000, v39;
	v9 =	vshll.u32 v11, $0x3  }
0x30b: {  	v28 =	vshll.u32 v28, $0x9;
	v10 =	vand.u32 $0x7F, v11;
	v13 =	vand.u32 $0xC00, v9  }
0x30c: {  	v28 =	vand.u32 $0x7000, v28;
	v12 =	vor.u32 v10, v13;
	v16 =	vor.u32 v11, v13  }
0x30d: {  	v9 =	vor.u32 $0x80, v12;
	v10 =	vor.u32 $0x100, v12;
	v11 =	vor.u32 $0x180, v16  }
0x30e: {  	v13 =	vor.u32 $0x200, v12;
	v26 =	vor.u32 v12, v18;
	v18 =	vshll.u32 v19, $0x9  }
0x30f: {  	v14 =	vor.u32 $0x280, v12;
	v27 =	vor.u32 v12, v18;
	v18 =	vshll.u32 v21, $0x9  }
0x310: {  	s15 =	simm.s32 $0xC;
	v15 =	vor.u32 $0x300, v12;
	v16 =	vor.u32 $0x380, v16;
	v18 =	vand.u32 $0x7000, v18  }
0x311: {  	s13 =	simm.s32 $0xD;
	v29 =	vor.u32 v20, v16;
	v30 =	vor.u32 v18, v15;
	v18 =	vmov s15  }
0x312: {  	v20 =	vmov s13;
	v37 =	vor.u32 v24, v11;
	v18 =	vshll.u32 v18, $0x9  }
0x313: {  	v24 =	vor.u32 s21, v6;
	s21 =	simm.s32 $0x7;
	v23 =	vshll.u32 v20, $0x9;
	v18 =	vand.u32 $0x7000, v18;
	v38 =	vld.idx.msk [tilespmem:v26+s24+$0x0], $0xffff  }
0x314: {  	v34 =	vmov s21;
	v23 =	vand.u32 $0x7000, v23;
	v33 =	vor.u32 v18, v13;
	v18 =	vld.idx.msk [tilespmem:v17+s18+$0x0], $0xffff  }
0x315: {  	v19 =	vor.u32 s11, v6;
	v34 =	vshll.u32 v34, $0x9;
	v32 =	vor.u32 v23, v14;
	v17 =	vld [tilespmem:s8+$0x1C000]  }
0x316: {  	s11 =	simm.s32 $0x6;
	v21 =	vor.u32 s5, v6;
	v20 =	vor.u32 s13, v6;
	v35 =	vand.u32 $0x6000, v34;
	v34 =	vld.idx.msk [tilespmem:v27+s24+$0x0], $0xffff  }
0x317: {  	s13 =	simm.s32 $0x4;
	v26 =	vor.u32 v31, v10;
	v31 =	vmov s11;
	v27 =	vor.u32 v35, v16;
	v35 =	vld.idx.msk [tilespmem:v29+s24+$0x0], $0xffff  }
0x318: {  	v28 =	vor.u32 v28, v9;
	v31 =	vshll.u32 v31, $0x9;
	v29 =	vmov s13;
	v37 =	vld.idx.msk [tilespmem:v37+s24+$0x0], $0xffff  }
0x319: {  	v23 =	vor.u32 s15, v6;
	v40 =	vand.u32 $0x6000, v31;
	v31 =	vld.idx.msk [tilespmem:v30+s24+$0x0], $0xffff;
	v30 =	vshll.u32 v29, $0x9  }
0x31a: {  	s0 =	simm.s32 $0x2;
	v29 =	vor.u32 v40, v15;
	v32 =	vld.idx.msk [tilespmem:v32+s24+$0x0], $0xffff;
	v41 =	vand.u32 $0x6000, v30;
	v30 =	vor.u32 v39, v14  }
0x31b: {  	s5 =	simm.s32 $0x1;
	s15 =	simm.s32 $0x10;
	v39 =	vshll.u32 v63, $0x9;
	[tilespmem:v36+s25+$0x0] =	vst.idx.msk $0xffff, v38;
	v38 =	vmov s0;
	v36 =	vor.u32 v41, v13;
	v33 =	vld.idx.msk [tilespmem:v33+s24+$0x0], $0xffff  }
.LBB2_40:
0x31c: {  	p1 =	slt.u32 s15, $0x30;
	v40 =	vmov s5;
	v38 =	vshll.u32 v38, $0x9;
	v39 =	vand.u32 $0x6000, v39;
	[tilespmem:v19+s25+$0x0] =	vst.idx.msk $0xffff, v34;
	v26 =	vld.idx.msk [tilespmem:v26+s24+$0x0], $0xffff  }
0x31d: {  	v19 =	vshll.u32 v40, $0x9;
	v34 =	vand.u32 $0x6000, v38;
	v38 =	vor.u32 v39, v11;
	v28 =	vld.idx.msk [tilespmem:v28+s24+$0x0], $0xffff;
	[tilespmem:v22+s25+$0x0] =	vst.idx.msk $0xffff, v35  }
0x31e: {  	v19 =	vand.u32 $0x6000, v19;
	v22 =	vor.u32 v34, v10;
	v27 =	vld.idx.msk [tilespmem:v27+s24+$0x0], $0xffff;
	v34 =	vor.u32 s1, v6;
	[tilespmem:v21+s25+$0x0] =	vst.idx.msk $0xffff, v31  }
0x31f: {  	v35 =	vor.u32 s21, v6;
	v21 =	vmov s15;
	v31 =	vor.u32 v19, v9;
	v29 =	vld.idx.msk [tilespmem:v29+s24+$0x0], $0xffff;
	[tilespmem:v20+s25+$0x0] =	vst.idx.msk $0xffff, v32  }
0x320: {  	v39 =	vor.u32 s15, v6;
	s1 =	sadd.s32 $0x8, s15;
	v19 =	vshll.u32 v21, $0x9;
	v21 =	vor.u32 s11, v6;
	v20 =	vld.idx.msk [tilespmem:v30+s24+$0x0], $0xffff;
	[tilespmem:v23+s25+$0x0] =	vst.idx.msk $0xffff, v33  }
0x321: {  	v32 =	vor.u32 s12, v6;
	v30 =	vor.u32 v12, v19;
	v19 =	vmov s1;
	v23 =	vld.idx.msk [tilespmem:v36+s24+$0x0], $0xffff;
	[tilespmem:v24+s25+$0x0] =	vst.idx.msk $0xffff, v37  }
0x322: {  	v24 =	vshll.u32 v19, $0x9;
	v19 =	vor.u32 s1, v6;
	s1 =	sadd.s32 $0xF, s15;
	v36 =	vor.u32 s13, v6;
	v33 =	vld.idx.msk [tilespmem:v38+s24+$0x0], $0xffff;
	[tilespmem:v25+s25+$0x0] =	vst.idx.msk $0xffff, v26  }
0x323: {  	s6 =	sadd.s32 $0xE, s15;
	v37 =	vor.u32 v12, v24;
	v24 =	vmov s1;
	v26 =	vor.u32 s31, v6;
	v25 =	vld.idx.msk [tilespmem:v22+s24+$0x0], $0xffff;
	[tilespmem:v34+s25+$0x0] =	vst.idx.msk $0xffff, v28  }
0x324: {  	v22 =	vmov s6;
	v24 =	vshll.u32 v24, $0x9;
	v28 =	vld.idx.msk [tilespmem:v31+s24+$0x0], $0xffff;
	v31 =	vor.u32 s0, v6;
	[tilespmem:v35+s25+$0x0] =	vst.idx.msk $0xffff, v27  }
0x325: {  	v22 =	vshll.u32 v22, $0x9;
	v24 =	vand.u32 $0x7000, v24;
	v27 =	vor.u32 s5, v6;
	[tilespmem:v21+s25+$0x0] =	vst.idx.msk $0xffff, v29  }
0x326: {  	s0 =	sadd.s32 $0xD, s15;
	v21 =	vand.u32 $0x7000, v22;
	v29 =	vor.u32 v24, v16;
	v22 =	vor.u32 s1, v6;
	[tilespmem:v32+s25+$0x0] =	vst.idx.msk $0xffff, v20  }
0x327: {  	s1 =	sadd.s32 $0xC, s15;
	v20 =	vmov s0;
	v32 =	vor.u32 v21, v15;
	v21 =	vor.u32 s6, v6;
	[tilespmem:v36+s25+$0x0] =	vst.idx.msk $0xffff, v23  }
0x328: {  	s5 =	sadd.s32 $0xB, s15;
	v23 =	vmov s1;
	v24 =	vshll.u32 v20, $0x9;
	v20 =	vor.u32 s0, v6;
	[tilespmem:v26+s25+$0x0] =	vst.idx.msk $0xffff, v33  }
0x329: {  	v26 =	vmov s5;
	v23 =	vshll.u32 v23, $0x9;
	v24 =	vand.u32 $0x7000, v24;
	[tilespmem:v31+s25+$0x0] =	vst.idx.msk $0xffff, v25  }
0x32a: {  	v25 =	vshll.u32 v26, $0x9;
	v23 =	vand.u32 $0x7000, v23;
	v33 =	vor.u32 v24, v14;
	[tilespmem:v27+s25+$0x0] =	vst.idx.msk $0xffff, v28  }
0x32b: {  	s0 =	sadd.s32 $0xA, s15;
	v24 =	vand.u32 $0x7000, v25;
	v36 =	vor.u32 v23, v13;
	v23 =	vor.u32 s1, v6  }
0x32c: {  	s1 =	sadd.s32 $0x9, s15;
	v25 =	vmov s0;
	v40 =	vor.u32 v24, v11;
	v24 =	vor.u32 s5, v6  }
0x32d: {  	s21 =	sadd.s32 $0x7, s15;
	v26 =	vmov s1;
	v27 =	vshll.u32 v25, $0x9;
	v25 =	vor.u32 s0, v6  }
0x32e: {  	v28 =	vmov s21;
	v26 =	vshll.u32 v26, $0x9;
	v27 =	vand.u32 $0x7000, v27  }
0x32f: {  	s11 =	sadd.s32 $0x6, s15;
	v28 =	vshll.u32 v28, $0x9;
	v38 =	vld.idx.msk [tilespmem:v30+s24+$0x0], $0xffff;
	v30 =	vand.u32 $0x7000, v26;
	v26 =	vor.u32 v27, v10  }
0x330: {  	s12 =	sadd.s32 $0x5, s15;
	v31 =	vand.u32 $0x6000, v28;
	v27 =	vmov s11;
	v34 =	vld.idx.msk [tilespmem:v37+s24+$0x0], $0xffff;
	v28 =	vor.u32 v30, v9  }
.Ltmp26:
0x331: {  	s13 =	sadd.s32 $0x4, s15;
	v30 =	vmov s12;
	v37 =	vshll.u32 v27, $0x9;
	v27 =	vor.u32 v31, v16;
	v35 =	vld.idx.msk [tilespmem:v29+s24+$0x0], $0xffff;
	(pc) =	sbr.rel @p1 .LBB2_40-.Ltmp26, $4  }
0x332: {  	v29 =	vmov s13;
	v30 =	vshll.u32 v30, $0x9;
	v37 =	vand.u32 $0x6000, v37;
	v31 =	vld.idx.msk [tilespmem:v32+s24+$0x0], $0xffff  }
0x333: {  	s31 =	sadd.s32 $0x3, s15;
	v41 =	vshll.u32 v29, $0x9;
	v30 =	vand.u32 $0x6000, v30;
	v29 =	vor.u32 v37, v15;
	v32 =	vld.idx.msk [tilespmem:v33+s24+$0x0], $0xffff  }
0x334: {  	s0 =	sadd.s32 $0x2, s15;
	v37 =	vmov s31;
	v41 =	vand.u32 $0x6000, v41;
	v30 =	vor.u32 v30, v14;
	v33 =	vld.idx.msk [tilespmem:v36+s24+$0x0], $0xffff  }
0x335: {  	s5 =	sadd.s32 $0x1, s15;
	s15 =	sadd.s32 $0x10, s15;
	v36 =	vor.u32 v41, v13;
	[tilespmem:v39+s25+$0x0] =	vst.idx.msk $0xffff, v38;
	v38 =	vmov s0;
	v39 =	vshll.u32 v37, $0x9;
	v37 =	vld.idx.msk [tilespmem:v40+s24+$0x0], $0xffff  }
0x336: {  	_ =	sdelay $0x3  }
0x337: {  	(v2sf) =	vpush v18, $0x0;
	v12 =	vmov s5;
	[tilespmem:v19+s25+$0x0] =	vst.idx.msk $0xffff, v34  }
0x338: {  	v13 =	vshll.u32 v38, $0x9;
	v14 =	vand.u32 $0x6000, v39;
	v15 =	vld.idx.msk [tilespmem:v26+s24+$0x0], $0xffff;
	[tilespmem:v22+s25+$0x0] =	vst.idx.msk $0xffff, v35;
	v16 =	vor.u32 s1, v6  }
0x339: {  	v52 =	vld.idx.msk [tilespmem:v28+s24+$0x0], $0xffff;
	v12 =	vshll.u32 v12, $0x9;
	v13 =	vand.u32 $0x6000, v13;
	v11 =	vor.u32 v14, v11;
	[tilespmem:v21+s25+$0x0] =	vst.idx.msk $0xffff, v31  }
0x33a: {  	v53 =	vld.idx.msk [tilespmem:v27+s24+$0x0], $0xffff;
	v54 =	vor.u32 s21, v6;
	v12 =	vand.u32 $0x6000, v12;
	v10 =	vor.u32 v13, v10;
	[tilespmem:v20+s25+$0x0] =	vst.idx.msk $0xffff, v32  }
0x33b: {  	v55 =	vld.idx.msk [tilespmem:v29+s24+$0x0], $0xffff;
	v56 =	vor.u32 s11, v6;
	v9 =	vor.u32 v12, v9;
	[tilespmem:v23+s25+$0x0] =	vst.idx.msk $0xffff, v33  }
0x33c: {  	v57 =	vld.idx.msk [tilespmem:v30+s24+$0x0], $0xffff;
	v58 =	vor.u32 s12, v6;
	[tilespmem:v24+s25+$0x0] =	vst.idx.msk $0xffff, v37  }
0x33d: {  	v59 =	vld.idx.msk [tilespmem:v36+s24+$0x0], $0xffff;
	v60 =	vor.u32 s13, v6;
	[tilespmem:v25+s25+$0x0] =	vst.idx.msk $0xffff, v15  }
0x33e: {  	v61 =	vor.u32 s31, v6;
	[tilespmem:v16+s25+$0x0] =	vst.idx.msk $0xffff, v52;
	v11 =	vld.idx.msk [tilespmem:v11+s24+$0x0], $0xffff  }
0x33f: {  	v62 =	vor.u32 s0, v6;
	[tilespmem:v54+s25+$0x0] =	vst.idx.msk $0xffff, v53;
	v10 =	vld.idx.msk [tilespmem:v10+s24+$0x0], $0xffff  }
0x340: {  	v63 =	vor.u32 s5, v6;
	[tilespmem:v56+s25+$0x0] =	vst.idx.msk $0xffff, v55;
	v9 =	vld.idx.msk [tilespmem:v9+s24+$0x0], $0xffff  }
0x341: {  	[tilespmem:v58+s25+$0x0] =	vst.idx.msk $0xffff, v57  }
0x342: {  	[tilespmem:v60+s25+$0x0] =	vst.idx.msk $0xffff, v59  }
0x343: {  	[tilespmem:v61+s25+$0x0] =	vst.idx.msk $0xffff, v11  }
0x344: {  	[tilespmem:v62+s25+$0x0] =	vst.idx.msk $0xffff, v10  }
0x345: {  	[tilespmem:v63+s25+$0x0] =	vst.idx.msk $0xffff, v9  }
0x346: {  	[hbm4b:s4+s3] =	stream.indirect_vreg.scatter [tilespmem:s25], [sflag:$0x4], $0x80, v17, vm0, $0xb8;
	[tilespmem:$0x1F080] =	vst v63  }
0x347: {  	s21 =	spop (v2sf)  }
0x348: {  	p1 =	slt.s32 s21, $0x11  }
.Ltmp27:
0x349: {  	_ = 	snop;
	(pc) =	sbr.rel @p1 .LBB2_73-.Ltmp27, $1  }
0x34a: {  	v9 =	vld [tilespmem:s8+$0x1C010];
	_ =	sdelay $0x3  }
0x34b: {  	s0 =	sor.u32 $0x10, s8  }
0x34c: {  	v10 =	vld [tilespmem:s0+$0x1B000]  }
0x34d: {  	s6 =	simm.s32 $0x0  }
0x34e: {  	s1 =	simm.s32 $0x8;
	s11 =	simm.s32 $0xF;
	s5 =	simm.s32 $0xE;
	v18 =	vmov s6;
	v35 =	vor.u32 s6, v6  }
0x34f: {  	s12 =	simm.s32 $0xD;
	s13 =	simm.s32 $0xC;
	s15 =	simm.s32 $0xB;
	v19 =	vmov s1;
	v20 =	vmov s11;
	v21 =	vmov s5  }
0x350: {  	v22 =	vmov s12;
	v23 =	vmov s13;
	v24 =	vmov s15  }
0x351: {  	v18 =	vshll.u32 v18, $0x9;
	v19 =	vshll.u32 v19, $0x9;
	v10 =	vsub.s32 v10, v8  }
0x352: {  	v20 =	vshll.u32 v20, $0x9;
	v22 =	vshll.u32 v22, $0x9;
	vm1 =	vgt.s32 v10, $0x0  }
0x353: {  	s6 =	simm.s32 $0xA;
	s0 =	simm.s32 $0x3;
	v23 =	vshll.u32 v23, $0x9;
	v24 =	vshll.u32 v24, $0x9;
	v10 =	vnsel vm1, $0x0, v10  }
0x354: {  	v27 =	vmov s6;
	v63 =	vmov s0;
	v11 =	vmin.u32 v10, $0x1FF  }
0x355: {  	v20 =	vand.u32 $0x7000, v20;
	v22 =	vand.u32 $0x7000, v22;
	v10 =	vshll.u32 v11, $0x3  }
0x356: {  	v27 =	vshll.u32 v27, $0x9;
	v12 =	vand.u32 $0x7F, v11;
	v14 =	vand.u32 $0xC00, v10  }
0x357: {  	v23 =	vand.u32 $0x7000, v23;
	v27 =	vand.u32 $0x7000, v27;
	v13 =	vor.u32 v12, v14  }
0x358: {  	v17 =	vor.u32 v11, v14;
	v10 =	vor.u32 $0x80, v13;
	v11 =	vor.u32 $0x100, v13  }
0x359: {  	v12 =	vor.u32 $0x180, v17;
	v14 =	vor.u32 $0x200, v13;
	v15 =	vor.u32 $0x280, v13  }
0x35a: {  	v16 =	vor.u32 $0x300, v13;
	v17 =	vor.u32 $0x380, v17;
	v25 =	vor.u32 v13, v18  }
0x35b: {  	v18 =	vor.u32 s1, v6;
	v26 =	vor.u32 v13, v19;
	v19 =	vshll.u32 v21, $0x9  }
0x35c: {  	v21 =	vor.u32 s11, v6;
	v19 =	vand.u32 $0x7000, v19;
	v28 =	vor.u32 v20, v17  }
0x35d: {  	v20 =	vor.u32 s5, v6;
	v31 =	vor.u32 v22, v15;
	v22 =	vand.u32 $0x7000, v24  }
0x35e: {  	s11 =	simm.s32 $0x9;
	s1 =	simm.s32 $0x7;
	v32 =	vor.u32 v23, v14;
	v23 =	vor.u32 s13, v6;
	v24 =	vor.u32 s15, v6  }
0x35f: {  	v30 =	vmov s11;
	v33 =	vmov s1;
	v29 =	vor.u32 v19, v16  }
0x360: {  	v19 =	vor.u32 s12, v6;
	v36 =	vor.u32 v22, v12;
	v22 =	vor.u32 s6, v6;
	s12 =	simm.s32 $0x6  }
0x361: {  	v30 =	vshll.u32 v30, $0x9;
	v33 =	vshll.u32 v33, $0x9;
	v34 =	vmov s12;
	v37 =	vld.idx.msk [tilespmem:v25+s24+$0x0], $0xffff  }
0x362: {  	s13 =	simm.s32 $0x5;
	v30 =	vand.u32 $0x7000, v30;
	v38 =	vand.u32 $0x6000, v33;
	v39 =	vshll.u32 v34, $0x9;
	v33 =	vld.idx.msk [tilespmem:v26+s24+$0x0], $0xffff  }
0x363: {  	s31 =	simm.s32 $0x4;
	v25 =	vor.u32 v27, v11;
	v27 =	vor.u32 v30, v10;
	v30 =	vmov s13;
	v34 =	vld.idx.msk [tilespmem:v28+s24+$0x0], $0xffff  }
0x364: {  	v26 =	vor.u32 v38, v17;
	v28 =	vmov s31;
	v62 =	vshll.u32 v30, $0x9;
	v31 =	vld.idx.msk [tilespmem:v31+s24+$0x0], $0xffff  }
0x365: {  	v39 =	vand.u32 $0x6000, v39;
	v30 =	vld.idx.msk [tilespmem:v29+s24+$0x0], $0xffff;
	v29 =	vshll.u32 v28, $0x9;
	v38 =	vand.u32 $0x6000, v62  }
0x366: {  	s5 =	simm.s32 $0x2;
	v32 =	vld.idx.msk [tilespmem:v32+s24+$0x0], $0xffff;
	v28 =	vor.u32 v39, v16;
	v40 =	vand.u32 $0x6000, v29;
	v29 =	vor.u32 v38, v15  }
0x367: {  	s15 =	simm.s32 $0x10;
	s6 =	simm.s32 $0x1;
	v36 =	vld.idx.msk [tilespmem:v36+s24+$0x0], $0xffff;
	v38 =	vshll.u32 v63, $0x9;
	[tilespmem:v35+s26+$0x0] =	vst.idx.msk $0xffff, v37;
	v37 =	vmov s5;
	v35 =	vor.u32 v40, v14  }
.LBB2_43:
0x368: {  	p1 =	slt.u32 s15, $0x30;
	v39 =	vmov s6;
	v37 =	vshll.u32 v37, $0x9;
	v38 =	vand.u32 $0x6000, v38;
	[tilespmem:v18+s26+$0x0] =	vst.idx.msk $0xffff, v33;
	v25 =	vld.idx.msk [tilespmem:v25+s24+$0x0], $0xffff  }
0x369: {  	v18 =	vshll.u32 v39, $0x9;
	v33 =	vand.u32 $0x6000, v37;
	v37 =	vor.u32 v38, v12;
	v27 =	vld.idx.msk [tilespmem:v27+s24+$0x0], $0xffff;
	[tilespmem:v21+s26+$0x0] =	vst.idx.msk $0xffff, v34  }
0x36a: {  	v18 =	vand.u32 $0x6000, v18;
	v21 =	vor.u32 v33, v11;
	v26 =	vld.idx.msk [tilespmem:v26+s24+$0x0], $0xffff;
	v33 =	vor.u32 s11, v6;
	[tilespmem:v20+s26+$0x0] =	vst.idx.msk $0xffff, v30  }
0x36b: {  	v34 =	vor.u32 s1, v6;
	v20 =	vmov s15;
	v30 =	vor.u32 v18, v10;
	v28 =	vld.idx.msk [tilespmem:v28+s24+$0x0], $0xffff;
	[tilespmem:v19+s26+$0x0] =	vst.idx.msk $0xffff, v31  }
0x36c: {  	v38 =	vor.u32 s15, v6;
	s1 =	sadd.s32 $0x8, s15;
	v18 =	vshll.u32 v20, $0x9;
	v20 =	vor.u32 s12, v6;
	v19 =	vld.idx.msk [tilespmem:v29+s24+$0x0], $0xffff;
	[tilespmem:v23+s26+$0x0] =	vst.idx.msk $0xffff, v32  }
0x36d: {  	v31 =	vor.u32 s13, v6;
	v29 =	vor.u32 v13, v18;
	v18 =	vmov s1;
	v23 =	vld.idx.msk [tilespmem:v35+s24+$0x0], $0xffff;
	[tilespmem:v24+s26+$0x0] =	vst.idx.msk $0xffff, v36  }
0x36e: {  	v24 =	vshll.u32 v18, $0x9;
	v18 =	vor.u32 s1, v6;
	s1 =	sadd.s32 $0xF, s15;
	v35 =	vor.u32 s31, v6;
	v32 =	vld.idx.msk [tilespmem:v37+s24+$0x0], $0xffff;
	[tilespmem:v22+s26+$0x0] =	vst.idx.msk $0xffff, v25  }
0x36f: {  	s11 =	sadd.s32 $0xE, s15;
	v36 =	vor.u32 v13, v24;
	v22 =	vmov s1;
	v25 =	vor.u32 s0, v6;
	v24 =	vld.idx.msk [tilespmem:v21+s24+$0x0], $0xffff;
	[tilespmem:v33+s26+$0x0] =	vst.idx.msk $0xffff, v27  }
0x370: {  	v21 =	vmov s11;
	v22 =	vshll.u32 v22, $0x9;
	v27 =	vld.idx.msk [tilespmem:v30+s24+$0x0], $0xffff;
	v30 =	vor.u32 s5, v6;
	[tilespmem:v34+s26+$0x0] =	vst.idx.msk $0xffff, v26  }
0x371: {  	v21 =	vshll.u32 v21, $0x9;
	v22 =	vand.u32 $0x7000, v22;
	v26 =	vor.u32 s6, v6;
	[tilespmem:v20+s26+$0x0] =	vst.idx.msk $0xffff, v28  }
0x372: {  	s0 =	sadd.s32 $0xD, s15;
	v20 =	vand.u32 $0x7000, v21;
	v28 =	vor.u32 v22, v17;
	v21 =	vor.u32 s1, v6;
	[tilespmem:v31+s26+$0x0] =	vst.idx.msk $0xffff, v19  }
0x373: {  	s1 =	sadd.s32 $0xC, s15;
	v19 =	vmov s0;
	v31 =	vor.u32 v20, v16;
	v20 =	vor.u32 s11, v6;
	[tilespmem:v35+s26+$0x0] =	vst.idx.msk $0xffff, v23  }
0x374: {  	s5 =	sadd.s32 $0xB, s15;
	v22 =	vmov s1;
	v23 =	vshll.u32 v19, $0x9;
	v19 =	vor.u32 s0, v6;
	[tilespmem:v25+s26+$0x0] =	vst.idx.msk $0xffff, v32  }
0x375: {  	v22 =	vshll.u32 v22, $0x9;
	v25 =	vmov s5;
	v23 =	vand.u32 $0x7000, v23;
	[tilespmem:v30+s26+$0x0] =	vst.idx.msk $0xffff, v24  }
0x376: {  	v22 =	vand.u32 $0x7000, v22;
	v24 =	vshll.u32 v25, $0x9;
	v32 =	vor.u32 v23, v15;
	[tilespmem:v26+s26+$0x0] =	vst.idx.msk $0xffff, v27  }
0x377: {  	s0 =	sadd.s32 $0xA, s15;
	v35 =	vor.u32 v22, v14;
	v23 =	vor.u32 s1, v6;
	v24 =	vand.u32 $0x7000, v24  }
0x378: {  	s11 =	sadd.s32 $0x9, s15;
	v22 =	vmov s0;
	v39 =	vor.u32 v24, v12;
	v24 =	vor.u32 s5, v6  }
0x379: {  	s1 =	sadd.s32 $0x7, s15;
	v25 =	vmov s11;
	v26 =	vshll.u32 v22, $0x9;
	v22 =	vor.u32 s0, v6  }
0x37a: {  	v27 =	vmov s1;
	v25 =	vshll.u32 v25, $0x9;
	v26 =	vand.u32 $0x7000, v26  }
0x37b: {  	s12 =	sadd.s32 $0x6, s15;
	v27 =	vshll.u32 v27, $0x9;
	v37 =	vld.idx.msk [tilespmem:v29+s24+$0x0], $0xffff;
	v29 =	vand.u32 $0x7000, v25;
	v25 =	vor.u32 v26, v11  }
0x37c: {  	s13 =	sadd.s32 $0x5, s15;
	v30 =	vand.u32 $0x6000, v27;
	v26 =	vmov s12;
	v33 =	vld.idx.msk [tilespmem:v36+s24+$0x0], $0xffff;
	v27 =	vor.u32 v29, v10  }
.Ltmp28:
0x37d: {  	s31 =	sadd.s32 $0x4, s15;
	v29 =	vmov s13;
	v36 =	vshll.u32 v26, $0x9;
	v26 =	vor.u32 v30, v17;
	v34 =	vld.idx.msk [tilespmem:v28+s24+$0x0], $0xffff;
	(pc) =	sbr.rel @p1 .LBB2_43-.Ltmp28, $4  }
0x37e: {  	v28 =	vmov s31;
	v29 =	vshll.u32 v29, $0x9;
	v36 =	vand.u32 $0x6000, v36;
	v30 =	vld.idx.msk [tilespmem:v31+s24+$0x0], $0xffff  }
0x37f: {  	s0 =	sadd.s32 $0x3, s15;
	v40 =	vshll.u32 v28, $0x9;
	v29 =	vand.u32 $0x6000, v29;
	v28 =	vor.u32 v36, v16;
	v31 =	vld.idx.msk [tilespmem:v32+s24+$0x0], $0xffff  }
0x380: {  	s5 =	sadd.s32 $0x2, s15;
	v36 =	vmov s0;
	v40 =	vand.u32 $0x6000, v40;
	v29 =	vor.u32 v29, v15;
	v32 =	vld.idx.msk [tilespmem:v35+s24+$0x0], $0xffff  }
0x381: {  	s6 =	sadd.s32 $0x1, s15;
	s15 =	sadd.s32 $0x10, s15;
	v35 =	vor.u32 v40, v14;
	[tilespmem:v38+s26+$0x0] =	vst.idx.msk $0xffff, v37;
	v37 =	vmov s5;
	v38 =	vshll.u32 v36, $0x9;
	v36 =	vld.idx.msk [tilespmem:v39+s24+$0x0], $0xffff  }
0x382: {  	_ =	sdelay $0x3  }
0x383: {  	v13 =	vmov s6;
	[tilespmem:v18+s26+$0x0] =	vst.idx.msk $0xffff, v33  }
0x384: {  	v14 =	vshll.u32 v37, $0x9;
	v15 =	vand.u32 $0x6000, v38;
	v16 =	vld.idx.msk [tilespmem:v25+s24+$0x0], $0xffff;
	[tilespmem:v21+s26+$0x0] =	vst.idx.msk $0xffff, v34;
	v17 =	vor.u32 s11, v6  }
0x385: {  	v52 =	vld.idx.msk [tilespmem:v27+s24+$0x0], $0xffff;
	v13 =	vshll.u32 v13, $0x9;
	v14 =	vand.u32 $0x6000, v14;
	v12 =	vor.u32 v15, v12;
	[tilespmem:v20+s26+$0x0] =	vst.idx.msk $0xffff, v30  }
0x386: {  	v53 =	vld.idx.msk [tilespmem:v26+s24+$0x0], $0xffff;
	v54 =	vor.u32 s1, v6;
	v13 =	vand.u32 $0x6000, v13;
	v11 =	vor.u32 v14, v11;
	[tilespmem:v19+s26+$0x0] =	vst.idx.msk $0xffff, v31  }
0x387: {  	v55 =	vld.idx.msk [tilespmem:v28+s24+$0x0], $0xffff;
	v56 =	vor.u32 s12, v6;
	v10 =	vor.u32 v13, v10;
	[tilespmem:v23+s26+$0x0] =	vst.idx.msk $0xffff, v32  }
0x388: {  	v57 =	vld.idx.msk [tilespmem:v29+s24+$0x0], $0xffff;
	v58 =	vor.u32 s13, v6;
	[tilespmem:v24+s26+$0x0] =	vst.idx.msk $0xffff, v36  }
0x389: {  	v59 =	vld.idx.msk [tilespmem:v35+s24+$0x0], $0xffff;
	v60 =	vor.u32 s31, v6;
	[tilespmem:v22+s26+$0x0] =	vst.idx.msk $0xffff, v16  }
0x38a: {  	v61 =	vor.u32 s0, v6;
	[tilespmem:v17+s26+$0x0] =	vst.idx.msk $0xffff, v52;
	v12 =	vld.idx.msk [tilespmem:v12+s24+$0x0], $0xffff  }
0x38b: {  	v62 =	vor.u32 s5, v6;
	[tilespmem:v54+s26+$0x0] =	vst.idx.msk $0xffff, v53;
	v11 =	vld.idx.msk [tilespmem:v11+s24+$0x0], $0xffff  }
0x38c: {  	v63 =	vor.u32 s6, v6;
	[tilespmem:v56+s26+$0x0] =	vst.idx.msk $0xffff, v55;
	v10 =	vld.idx.msk [tilespmem:v10+s24+$0x0], $0xffff  }
0x38d: {  	p1 =	slt.u32 s21, $0x21;
	[tilespmem:v58+s26+$0x0] =	vst.idx.msk $0xffff, v57  }
.Ltmp29:
0x38e: {  	[tilespmem:v60+s26+$0x0] =	vst.idx.msk $0xffff, v59;
	(pc) =	sbr.rel @p1 .LBB2_52-.Ltmp29, $4  }
0x38f: {  	[tilespmem:v61+s26+$0x0] =	vst.idx.msk $0xffff, v12  }
0x390: {  	[tilespmem:v62+s26+$0x0] =	vst.idx.msk $0xffff, v11  }
0x391: {  	[tilespmem:v63+s26+$0x0] =	vst.idx.msk $0xffff, v10  }
0x392: {  	[hbm4b:s4+s3] =	stream.indirect_vreg.scatter [tilespmem:s26], [sflag:$0x4], $0x80, v9, vm0, $0xb8;
	[tilespmem:$0x1F080] =	vst v63  }
0x393: {  	v9 =	vld [tilespmem:s8+$0x1B020];
	_ =	sdelay $0x2  }
0x394: {  	s0 =	simm.s32 $0x0  }
0x395: {  	s1 =	simm.s32 $0x8;
	s11 =	simm.s32 $0xF;
	v17 =	vmov s0;
	v35 =	vor.u32 s0, v6  }
0x396: {  	s5 =	simm.s32 $0xE;
	v18 =	vmov s1;
	v19 =	vmov s11;
	v9 =	vsub.s32 v9, v8  }
0x397: {  	s15 =	simm.s32 $0xB;
	v20 =	vmov s5;
	v21 =	vor.u32 s11, v6;
	vm1 =	vgt.s32 v9, $0x0  }
0x398: {  	v23 =	vmov s15;
	v24 =	vor.u32 s15, v6;
	v9 =	vnsel vm1, $0x0, v9  }
0x399: {  	s11 =	simm.s32 $0x9;
	v17 =	vshll.u32 v17, $0x9;
	v19 =	vshll.u32 v19, $0x9;
	v11 =	vmin.u32 v9, $0x1FF  }
0x39a: {  	s0 =	simm.s32 $0x3;
	v23 =	vshll.u32 v23, $0x9;
	v27 =	vmov s11;
	v9 =	vshll.u32 v11, $0x3  }
0x39b: {  	v63 =	vmov s0;
	v10 =	vand.u32 $0x7F, v11;
	v13 =	vand.u32 $0xC00, v9  }
0x39c: {  	v19 =	vand.u32 $0x7000, v19;
	v27 =	vshll.u32 v27, $0x9;
	v12 =	vor.u32 v10, v13  }
0x39d: {  	v27 =	vand.u32 $0x7000, v27;
	v16 =	vor.u32 v11, v13;
	v9 =	vor.u32 $0x80, v12  }
0x39e: {  	v10 =	vor.u32 $0x100, v12;
	v11 =	vor.u32 $0x180, v16;
	v13 =	vor.u32 $0x200, v12  }
0x39f: {  	v14 =	vor.u32 $0x280, v12;
	v15 =	vor.u32 $0x300, v12;
	v16 =	vor.u32 $0x380, v16  }
0x3a0: {  	v25 =	vor.u32 v12, v17;
	v17 =	vshll.u32 v18, $0x9;
	v18 =	vor.u32 s1, v6  }
0x3a1: {  	s12 =	simm.s32 $0xD;
	s1 =	simm.s32 $0x7;
	v26 =	vor.u32 v12, v17;
	v17 =	vshll.u32 v20, $0x9;
	v28 =	vor.u32 v19, v16  }
0x3a2: {  	v19 =	vmov s12;
	v20 =	vor.u32 s5, v6;
	v33 =	vmov s1  }
0x3a3: {  	s13 =	simm.s32 $0xC;
	v27 =	vor.u32 v27, v9;
	v17 =	vand.u32 $0x7000, v17;
	v22 =	vshll.u32 v19, $0x9  }
0x3a4: {  	v19 =	vor.u32 s12, v6;
	v29 =	vor.u32 v17, v15;
	v17 =	vmov s13  }
0x3a5: {  	v33 =	vshll.u32 v33, $0x9;
	v22 =	vand.u32 $0x7000, v22;
	v17 =	vshll.u32 v17, $0x9  }
0x3a6: {  	s6 =	simm.s32 $0xA;
	v34 =	vand.u32 $0x6000, v33;
	v31 =	vor.u32 v22, v14;
	v17 =	vand.u32 $0x7000, v17  }
0x3a7: {  	v22 =	vand.u32 $0x7000, v23;
	v37 =	vld.idx.msk [tilespmem:v25+s24+$0x0], $0xffff;
	v32 =	vor.u32 v17, v13;
	v17 =	vmov s6  }
0x3a8: {  	v23 =	vor.u32 s13, v6;
	v36 =	vor.u32 v22, v11;
	v33 =	vld.idx.msk [tilespmem:v26+s24+$0x0], $0xffff;
	v30 =	vshll.u32 v17, $0x9  }
0x3a9: {  	s12 =	simm.s32 $0x6;
	s13 =	simm.s32 $0x5;
	v22 =	vor.u32 s6, v6;
	v26 =	vor.u32 v34, v16;
	v34 =	vld.idx.msk [tilespmem:v28+s24+$0x0], $0xffff;
	v30 =	vand.u32 $0x7000, v30  }
0x3aa: {  	s31 =	simm.s32 $0x4;
	v38 =	vmov s13;
	v17 =	vld [tilespmem:s8+$0x1C020];
	v25 =	vor.u32 v30, v10;
	v30 =	vmov s12  }
0x3ab: {  	v28 =	vmov s31;
	v38 =	vshll.u32 v38, $0x9;
	v31 =	vld.idx.msk [tilespmem:v31+s24+$0x0], $0xffff;
	v30 =	vshll.u32 v30, $0x9  }
0x3ac: {  	s5 =	simm.s32 $0x2;
	v38 =	vand.u32 $0x6000, v38;
	v39 =	vand.u32 $0x6000, v30;
	v30 =	vld.idx.msk [tilespmem:v29+s24+$0x0], $0xffff;
	v29 =	vshll.u32 v28, $0x9  }
0x3ad: {  	[tilespmem:v35+s28+$0x0] =	vst.idx.msk $0xffff, v37;
	v37 =	vmov s5;
	v36 =	vld.idx.msk [tilespmem:v36+s24+$0x0], $0xffff;
	v28 =	vor.u32 v39, v15;
	v40 =	vand.u32 $0x6000, v29  }
0x3ae: {  	s15 =	simm.s32 $0x10;
	s6 =	simm.s32 $0x1;
	v32 =	vld.idx.msk [tilespmem:v32+s24+$0x0], $0xffff;
	v29 =	vor.u32 v38, v14;
	v38 =	vshll.u32 v63, $0x9;
	v35 =	vor.u32 v40, v13  }
.LBB2_46:
0x3af: {  	p1 =	slt.u32 s15, $0x30;
	v39 =	vmov s6;
	v37 =	vshll.u32 v37, $0x9;
	v38 =	vand.u32 $0x6000, v38;
	[tilespmem:v18+s28+$0x0] =	vst.idx.msk $0xffff, v33;
	v25 =	vld.idx.msk [tilespmem:v25+s24+$0x0], $0xffff  }
0x3b0: {  	v18 =	vshll.u32 v39, $0x9;
	v33 =	vand.u32 $0x6000, v37;
	v37 =	vor.u32 v38, v11;
	v27 =	vld.idx.msk [tilespmem:v27+s24+$0x0], $0xffff;
	[tilespmem:v21+s28+$0x0] =	vst.idx.msk $0xffff, v34  }
0x3b1: {  	v18 =	vand.u32 $0x6000, v18;
	v21 =	vor.u32 v33, v10;
	v26 =	vld.idx.msk [tilespmem:v26+s24+$0x0], $0xffff;
	v33 =	vor.u32 s11, v6;
	[tilespmem:v20+s28+$0x0] =	vst.idx.msk $0xffff, v30  }
0x3b2: {  	v34 =	vor.u32 s1, v6;
	v20 =	vmov s15;
	v30 =	vor.u32 v18, v9;
	v28 =	vld.idx.msk [tilespmem:v28+s24+$0x0], $0xffff;
	[tilespmem:v19+s28+$0x0] =	vst.idx.msk $0xffff, v31  }
0x3b3: {  	v38 =	vor.u32 s15, v6;
	s1 =	sadd.s32 $0x8, s15;
	v18 =	vshll.u32 v20, $0x9;
	v20 =	vor.u32 s12, v6;
	v19 =	vld.idx.msk [tilespmem:v29+s24+$0x0], $0xffff;
	[tilespmem:v23+s28+$0x0] =	vst.idx.msk $0xffff, v32  }
0x3b4: {  	v31 =	vor.u32 s13, v6;
	v29 =	vor.u32 v12, v18;
	v18 =	vmov s1;
	v23 =	vld.idx.msk [tilespmem:v35+s24+$0x0], $0xffff;
	[tilespmem:v24+s28+$0x0] =	vst.idx.msk $0xffff, v36  }
0x3b5: {  	v24 =	vshll.u32 v18, $0x9;
	v18 =	vor.u32 s1, v6;
	s1 =	sadd.s32 $0xF, s15;
	v35 =	vor.u32 s31, v6;
	v32 =	vld.idx.msk [tilespmem:v37+s24+$0x0], $0xffff;
	[tilespmem:v22+s28+$0x0] =	vst.idx.msk $0xffff, v25  }
0x3b6: {  	s11 =	sadd.s32 $0xE, s15;
	v36 =	vor.u32 v12, v24;
	v22 =	vmov s1;
	v25 =	vor.u32 s0, v6;
	v24 =	vld.idx.msk [tilespmem:v21+s24+$0x0], $0xffff;
	[tilespmem:v33+s28+$0x0] =	vst.idx.msk $0xffff, v27  }
0x3b7: {  	v21 =	vmov s11;
	v22 =	vshll.u32 v22, $0x9;
	v27 =	vld.idx.msk [tilespmem:v30+s24+$0x0], $0xffff;
	v30 =	vor.u32 s5, v6;
	[tilespmem:v34+s28+$0x0] =	vst.idx.msk $0xffff, v26  }
0x3b8: {  	v21 =	vshll.u32 v21, $0x9;
	v22 =	vand.u32 $0x7000, v22;
	v26 =	vor.u32 s6, v6;
	[tilespmem:v20+s28+$0x0] =	vst.idx.msk $0xffff, v28  }
0x3b9: {  	s0 =	sadd.s32 $0xD, s15;
	v20 =	vand.u32 $0x7000, v21;
	v28 =	vor.u32 v22, v16;
	v21 =	vor.u32 s1, v6;
	[tilespmem:v31+s28+$0x0] =	vst.idx.msk $0xffff, v19  }
0x3ba: {  	s1 =	sadd.s32 $0xC, s15;
	v19 =	vmov s0;
	v31 =	vor.u32 v20, v15;
	v20 =	vor.u32 s11, v6;
	[tilespmem:v35+s28+$0x0] =	vst.idx.msk $0xffff, v23  }
0x3bb: {  	s5 =	sadd.s32 $0xB, s15;
	v22 =	vmov s1;
	v23 =	vshll.u32 v19, $0x9;
	v19 =	vor.u32 s0, v6;
	[tilespmem:v25+s28+$0x0] =	vst.idx.msk $0xffff, v32  }
0x3bc: {  	v22 =	vshll.u32 v22, $0x9;
	v25 =	vmov s5;
	v23 =	vand.u32 $0x7000, v23;
	[tilespmem:v30+s28+$0x0] =	vst.idx.msk $0xffff, v24  }
0x3bd: {  	v22 =	vand.u32 $0x7000, v22;
	v24 =	vshll.u32 v25, $0x9;
	v32 =	vor.u32 v23, v14;
	[tilespmem:v26+s28+$0x0] =	vst.idx.msk $0xffff, v27  }
0x3be: {  	s0 =	sadd.s32 $0xA, s15;
	v35 =	vor.u32 v22, v13;
	v23 =	vor.u32 s1, v6;
	v24 =	vand.u32 $0x7000, v24  }
0x3bf: {  	s11 =	sadd.s32 $0x9, s15;
	v22 =	vmov s0;
	v39 =	vor.u32 v24, v11;
	v24 =	vor.u32 s5, v6  }
0x3c0: {  	s1 =	sadd.s32 $0x7, s15;
	v25 =	vmov s11;
	v26 =	vshll.u32 v22, $0x9;
	v22 =	vor.u32 s0, v6  }
0x3c1: {  	v27 =	vmov s1;
	v25 =	vshll.u32 v25, $0x9;
	v26 =	vand.u32 $0x7000, v26  }
0x3c2: {  	s12 =	sadd.s32 $0x6, s15;
	v27 =	vshll.u32 v27, $0x9;
	v37 =	vld.idx.msk [tilespmem:v29+s24+$0x0], $0xffff;
	v29 =	vand.u32 $0x7000, v25;
	v25 =	vor.u32 v26, v10  }
0x3c3: {  	s13 =	sadd.s32 $0x5, s15;
	v30 =	vand.u32 $0x6000, v27;
	v26 =	vmov s12;
	v33 =	vld.idx.msk [tilespmem:v36+s24+$0x0], $0xffff;
	v27 =	vor.u32 v29, v9  }
.Ltmp30:
0x3c4: {  	s31 =	sadd.s32 $0x4, s15;
	v29 =	vmov s13;
	v36 =	vshll.u32 v26, $0x9;
	v26 =	vor.u32 v30, v16;
	v34 =	vld.idx.msk [tilespmem:v28+s24+$0x0], $0xffff;
	(pc) =	sbr.rel @p1 .LBB2_46-.Ltmp30, $4  }
0x3c5: {  	v28 =	vmov s31;
	v29 =	vshll.u32 v29, $0x9;
	v36 =	vand.u32 $0x6000, v36;
	v30 =	vld.idx.msk [tilespmem:v31+s24+$0x0], $0xffff  }
0x3c6: {  	s0 =	sadd.s32 $0x3, s15;
	v40 =	vshll.u32 v28, $0x9;
	v29 =	vand.u32 $0x6000, v29;
	v28 =	vor.u32 v36, v15;
	v31 =	vld.idx.msk [tilespmem:v32+s24+$0x0], $0xffff  }
0x3c7: {  	s5 =	sadd.s32 $0x2, s15;
	v36 =	vmov s0;
	v40 =	vand.u32 $0x6000, v40;
	v29 =	vor.u32 v29, v14;
	v32 =	vld.idx.msk [tilespmem:v35+s24+$0x0], $0xffff  }
0x3c8: {  	s6 =	sadd.s32 $0x1, s15;
	s15 =	sadd.s32 $0x10, s15;
	v35 =	vor.u32 v40, v13;
	[tilespmem:v38+s28+$0x0] =	vst.idx.msk $0xffff, v37;
	v37 =	vmov s5;
	v38 =	vshll.u32 v36, $0x9;
	v36 =	vld.idx.msk [tilespmem:v39+s24+$0x0], $0xffff  }
0x3c9: {  	_ =	sdelay $0x3  }
0x3ca: {  	v12 =	vmov s6;
	[tilespmem:v18+s28+$0x0] =	vst.idx.msk $0xffff, v33  }
0x3cb: {  	v13 =	vshll.u32 v37, $0x9;
	v14 =	vand.u32 $0x6000, v38;
	v15 =	vld.idx.msk [tilespmem:v25+s24+$0x0], $0xffff;
	[tilespmem:v21+s28+$0x0] =	vst.idx.msk $0xffff, v34;
	v16 =	vor.u32 s11, v6  }
0x3cc: {  	v52 =	vld.idx.msk [tilespmem:v27+s24+$0x0], $0xffff;
	v12 =	vshll.u32 v12, $0x9;
	v13 =	vand.u32 $0x6000, v13;
	v11 =	vor.u32 v14, v11;
	[tilespmem:v20+s28+$0x0] =	vst.idx.msk $0xffff, v30  }
0x3cd: {  	v53 =	vld.idx.msk [tilespmem:v26+s24+$0x0], $0xffff;
	v54 =	vor.u32 s1, v6;
	v12 =	vand.u32 $0x6000, v12;
	v10 =	vor.u32 v13, v10;
	[tilespmem:v19+s28+$0x0] =	vst.idx.msk $0xffff, v31  }
0x3ce: {  	v55 =	vld.idx.msk [tilespmem:v28+s24+$0x0], $0xffff;
	v56 =	vor.u32 s12, v6;
	v9 =	vor.u32 v12, v9;
	[tilespmem:v23+s28+$0x0] =	vst.idx.msk $0xffff, v32  }
0x3cf: {  	v57 =	vld.idx.msk [tilespmem:v29+s24+$0x0], $0xffff;
	v58 =	vor.u32 s13, v6;
	[tilespmem:v24+s28+$0x0] =	vst.idx.msk $0xffff, v36  }
0x3d0: {  	v59 =	vld.idx.msk [tilespmem:v35+s24+$0x0], $0xffff;
	v60 =	vor.u32 s31, v6;
	[tilespmem:v22+s28+$0x0] =	vst.idx.msk $0xffff, v15  }
0x3d1: {  	v61 =	vor.u32 s0, v6;
	[tilespmem:v16+s28+$0x0] =	vst.idx.msk $0xffff, v52;
	v11 =	vld.idx.msk [tilespmem:v11+s24+$0x0], $0xffff  }
0x3d2: {  	v62 =	vor.u32 s5, v6;
	[tilespmem:v54+s28+$0x0] =	vst.idx.msk $0xffff, v53;
	v10 =	vld.idx.msk [tilespmem:v10+s24+$0x0], $0xffff  }
0x3d3: {  	v63 =	vor.u32 s6, v6;
	[tilespmem:v56+s28+$0x0] =	vst.idx.msk $0xffff, v55;
	v9 =	vld.idx.msk [tilespmem:v9+s24+$0x0], $0xffff  }
0x3d4: {  	p1 =	slt.u32 s21, $0x31;
	[tilespmem:v58+s28+$0x0] =	vst.idx.msk $0xffff, v57  }
.Ltmp31:
0x3d5: {  	[tilespmem:v60+s28+$0x0] =	vst.idx.msk $0xffff, v59;
	(pc) =	sbr.rel @p1 .LBB2_51-.Ltmp31, $4  }
0x3d6: {  	[tilespmem:v61+s28+$0x0] =	vst.idx.msk $0xffff, v11  }
0x3d7: {  	[tilespmem:v62+s28+$0x0] =	vst.idx.msk $0xffff, v10  }
0x3d8: {  	[tilespmem:v63+s28+$0x0] =	vst.idx.msk $0xffff, v9  }
0x3d9: {  	[hbm4b:s4+s3] =	stream.indirect_vreg.scatter [tilespmem:s28], [sflag:$0x4], $0x80, v17, vm0, $0xb8;
	[tilespmem:$0x1F080] =	vst v63  }
0x3da: {  	v9 =	vld [tilespmem:s8+$0x1B030];
	_ =	sdelay $0x1  }
0x3db: {  	s0 =	simm.s32 $0x0  }
0x3dc: {  	s1 =	simm.s32 $0x8;
	s13 =	simm.s32 $0xF;
	s5 =	simm.s32 $0xE;
	v16 =	vmov s0;
	v34 =	vor.u32 s0, v6  }
0x3dd: {  	s31 =	simm.s32 $0xB;
	v17 =	vmov s1;
	v18 =	vmov s13;
	v19 =	vmov s5  }
0x3de: {  	s11 =	simm.s32 $0x9;
	v20 =	vor.u32 s13, v6;
	v22 =	vmov s31;
	v8 =	vsub.s32 v9, v8  }
0x3df: {  	v23 =	vor.u32 s31, v6;
	v26 =	vmov s11;
	vm1 =	vgt.s32 v8, $0x0  }
0x3e0: {  	v16 =	vshll.u32 v16, $0x9;
	v18 =	vshll.u32 v18, $0x9;
	v8 =	vnsel vm1, $0x0, v8  }
0x3e1: {  	s13 =	simm.s32 $0x5;
	s0 =	simm.s32 $0x3;
	v22 =	vshll.u32 v22, $0x9;
	v26 =	vshll.u32 v26, $0x9;
	v10 =	vmin.u32 v8, $0x1FF  }
0x3e2: {  	v37 =	vmov s13;
	v63 =	vmov s0;
	v8 =	vshll.u32 v10, $0x3  }
0x3e3: {  	v18 =	vand.u32 $0x7000, v18;
	v9 =	vand.u32 $0x7F, v10;
	v12 =	vand.u32 $0xC00, v8  }
0x3e4: {  	v26 =	vand.u32 $0x7000, v26;
	v37 =	vshll.u32 v37, $0x9;
	v11 =	vor.u32 v9, v12  }
0x3e5: {  	v37 =	vand.u32 $0x6000, v37;
	v15 =	vor.u32 v10, v12;
	v8 =	vor.u32 $0x80, v11  }
0x3e6: {  	v9 =	vor.u32 $0x100, v11;
	v10 =	vor.u32 $0x180, v15;
	v12 =	vor.u32 $0x200, v11  }
0x3e7: {  	v13 =	vor.u32 $0x280, v11;
	v14 =	vor.u32 $0x300, v11;
	v15 =	vor.u32 $0x380, v15  }
0x3e8: {  	v24 =	vor.u32 v11, v16;
	v16 =	vshll.u32 v17, $0x9;
	v17 =	vor.u32 s1, v6  }
0x3e9: {  	s15 =	simm.s32 $0xD;
	v25 =	vor.u32 v11, v16;
	v16 =	vshll.u32 v19, $0x9;
	v27 =	vor.u32 v18, v15  }
0x3ea: {  	s21 =	simm.s32 $0xC;
	v18 =	vmov s15;
	v19 =	vor.u32 s5, v6;
	v16 =	vand.u32 $0x7000, v16  }
0x3eb: {  	s1 =	simm.s32 $0x7;
	v21 =	vshll.u32 v18, $0x9;
	v28 =	vor.u32 v16, v14;
	v16 =	vmov s21  }
0x3ec: {  	v32 =	vmov s1;
	v21 =	vand.u32 $0x7000, v21;
	v16 =	vshll.u32 v16, $0x9  }
0x3ed: {  	s6 =	simm.s32 $0xA;
	v32 =	vshll.u32 v32, $0x9;
	v30 =	vor.u32 v21, v13;
	v16 =	vand.u32 $0x7000, v16  }
0x3ee: {  	v21 =	vand.u32 $0x7000, v22;
	v36 =	vld.idx.msk [tilespmem:v24+s24+$0x0], $0xffff;
	v31 =	vor.u32 v16, v12;
	v16 =	vmov s6  }
0x3ef: {  	v33 =	vand.u32 $0x6000, v32;
	v35 =	vor.u32 v21, v10;
	v32 =	vld.idx.msk [tilespmem:v25+s24+$0x0], $0xffff;
	v29 =	vshll.u32 v16, $0x9  }
0x3f0: {  	s12 =	simm.s32 $0x6;
	v26 =	vor.u32 v26, v8;
	v25 =	vor.u32 v33, v15;
	v33 =	vld.idx.msk [tilespmem:v27+s24+$0x0], $0xffff;
	v29 =	vand.u32 $0x7000, v29  }
0x3f1: {  	v18 =	vor.u32 s15, v6;
	s15 =	simm.s32 $0x4;
	v16 =	vld [tilespmem:s8+$0x1C030];
	v24 =	vor.u32 v29, v9;
	v29 =	vmov s12  }
0x3f2: {  	v22 =	vor.u32 s21, v6;
	v27 =	vmov s15;
	v30 =	vld.idx.msk [tilespmem:v30+s24+$0x0], $0xffff;
	v29 =	vshll.u32 v29, $0x9  }
0x3f3: {  	s5 =	simm.s32 $0x2;
	v21 =	vor.u32 s6, v6;
	v38 =	vand.u32 $0x6000, v29;
	v29 =	vld.idx.msk [tilespmem:v28+s24+$0x0], $0xffff;
	v28 =	vshll.u32 v27, $0x9  }
0x3f4: {  	[tilespmem:v34+s29+$0x0] =	vst.idx.msk $0xffff, v36;
	v36 =	vmov s5;
	v35 =	vld.idx.msk [tilespmem:v35+s24+$0x0], $0xffff;
	v27 =	vor.u32 v38, v14;
	v39 =	vand.u32 $0x6000, v28  }
0x3f5: {  	s6 =	simm.s32 $0x1;
	s8 =	simm.s32 $0x10;
	v31 =	vld.idx.msk [tilespmem:v31+s24+$0x0], $0xffff;
	v28 =	vor.u32 v37, v13;
	v37 =	vshll.u32 v63, $0x9;
	v34 =	vor.u32 v39, v12  }
.LBB2_49:
0x3f6: {  	p1 =	slt.u32 s8, $0x30;
	v38 =	vmov s6;
	v36 =	vshll.u32 v36, $0x9;
	v37 =	vand.u32 $0x6000, v37;
	[tilespmem:v17+s29+$0x0] =	vst.idx.msk $0xffff, v32;
	v24 =	vld.idx.msk [tilespmem:v24+s24+$0x0], $0xffff  }
0x3f7: {  	v17 =	vshll.u32 v38, $0x9;
	v32 =	vand.u32 $0x6000, v36;
	v36 =	vor.u32 v37, v10;
	v26 =	vld.idx.msk [tilespmem:v26+s24+$0x0], $0xffff;
	[tilespmem:v20+s29+$0x0] =	vst.idx.msk $0xffff, v33  }
0x3f8: {  	v17 =	vand.u32 $0x6000, v17;
	v20 =	vor.u32 v32, v9;
	v25 =	vld.idx.msk [tilespmem:v25+s24+$0x0], $0xffff;
	v32 =	vor.u32 s11, v6;
	[tilespmem:v19+s29+$0x0] =	vst.idx.msk $0xffff, v29  }
0x3f9: {  	v33 =	vor.u32 s1, v6;
	v19 =	vmov s8;
	v29 =	vor.u32 v17, v8;
	v27 =	vld.idx.msk [tilespmem:v27+s24+$0x0], $0xffff;
	[tilespmem:v18+s29+$0x0] =	vst.idx.msk $0xffff, v30  }
0x3fa: {  	v37 =	vor.u32 s8, v6;
	s1 =	sadd.s32 $0x8, s8;
	v17 =	vshll.u32 v19, $0x9;
	v19 =	vor.u32 s12, v6;
	v18 =	vld.idx.msk [tilespmem:v28+s24+$0x0], $0xffff;
	[tilespmem:v22+s29+$0x0] =	vst.idx.msk $0xffff, v31  }
0x3fb: {  	v30 =	vor.u32 s13, v6;
	v28 =	vor.u32 v11, v17;
	v17 =	vmov s1;
	v22 =	vld.idx.msk [tilespmem:v34+s24+$0x0], $0xffff;
	[tilespmem:v23+s29+$0x0] =	vst.idx.msk $0xffff, v35  }
0x3fc: {  	v23 =	vshll.u32 v17, $0x9;
	v17 =	vor.u32 s1, v6;
	s1 =	sadd.s32 $0xF, s8;
	v34 =	vor.u32 s15, v6;
	v31 =	vld.idx.msk [tilespmem:v36+s24+$0x0], $0xffff;
	[tilespmem:v21+s29+$0x0] =	vst.idx.msk $0xffff, v24  }
0x3fd: {  	s11 =	sadd.s32 $0xE, s8;
	v35 =	vor.u32 v11, v23;
	v21 =	vmov s1;
	v24 =	vor.u32 s0, v6;
	v23 =	vld.idx.msk [tilespmem:v20+s24+$0x0], $0xffff;
	[tilespmem:v32+s29+$0x0] =	vst.idx.msk $0xffff, v26  }
0x3fe: {  	v20 =	vmov s11;
	v21 =	vshll.u32 v21, $0x9;
	v26 =	vld.idx.msk [tilespmem:v29+s24+$0x0], $0xffff;
	v29 =	vor.u32 s5, v6;
	[tilespmem:v33+s29+$0x0] =	vst.idx.msk $0xffff, v25  }
0x3ff: {  	v20 =	vshll.u32 v20, $0x9;
	v21 =	vand.u32 $0x7000, v21;
	v25 =	vor.u32 s6, v6;
	[tilespmem:v19+s29+$0x0] =	vst.idx.msk $0xffff, v27  }
0x400: {  	s0 =	sadd.s32 $0xD, s8;
	v19 =	vand.u32 $0x7000, v20;
	v27 =	vor.u32 v21, v15;
	v20 =	vor.u32 s1, v6;
	[tilespmem:v30+s29+$0x0] =	vst.idx.msk $0xffff, v18  }
0x401: {  	s1 =	sadd.s32 $0xC, s8;
	v18 =	vmov s0;
	v30 =	vor.u32 v19, v14;
	v19 =	vor.u32 s11, v6;
	[tilespmem:v34+s29+$0x0] =	vst.idx.msk $0xffff, v22  }
0x402: {  	s5 =	sadd.s32 $0xB, s8;
	v21 =	vmov s1;
	v22 =	vshll.u32 v18, $0x9;
	v18 =	vor.u32 s0, v6;
	[tilespmem:v24+s29+$0x0] =	vst.idx.msk $0xffff, v31  }
0x403: {  	v21 =	vshll.u32 v21, $0x9;
	v24 =	vmov s5;
	v22 =	vand.u32 $0x7000, v22;
	[tilespmem:v29+s29+$0x0] =	vst.idx.msk $0xffff, v23  }
0x404: {  	v21 =	vand.u32 $0x7000, v21;
	v23 =	vshll.u32 v24, $0x9;
	v31 =	vor.u32 v22, v13;
	[tilespmem:v25+s29+$0x0] =	vst.idx.msk $0xffff, v26  }
0x405: {  	s0 =	sadd.s32 $0xA, s8;
	v34 =	vor.u32 v21, v12;
	v22 =	vor.u32 s1, v6;
	v23 =	vand.u32 $0x7000, v23  }
0x406: {  	s11 =	sadd.s32 $0x9, s8;
	v21 =	vmov s0;
	v38 =	vor.u32 v23, v10;
	v23 =	vor.u32 s5, v6  }
0x407: {  	s1 =	sadd.s32 $0x7, s8;
	v24 =	vmov s11;
	v25 =	vshll.u32 v21, $0x9;
	v21 =	vor.u32 s0, v6  }
0x408: {  	v26 =	vmov s1;
	v24 =	vshll.u32 v24, $0x9;
	v25 =	vand.u32 $0x7000, v25  }
0x409: {  	s12 =	sadd.s32 $0x6, s8;
	v26 =	vshll.u32 v26, $0x9;
	v36 =	vld.idx.msk [tilespmem:v28+s24+$0x0], $0xffff;
	v28 =	vand.u32 $0x7000, v24;
	v24 =	vor.u32 v25, v9  }
0x40a: {  	s13 =	sadd.s32 $0x5, s8;
	v29 =	vand.u32 $0x6000, v26;
	v25 =	vmov s12;
	v32 =	vld.idx.msk [tilespmem:v35+s24+$0x0], $0xffff;
	v26 =	vor.u32 v28, v8  }
.Ltmp32:
0x40b: {  	s15 =	sadd.s32 $0x4, s8;
	v28 =	vmov s13;
	v35 =	vshll.u32 v25, $0x9;
	v25 =	vor.u32 v29, v15;
	v33 =	vld.idx.msk [tilespmem:v27+s24+$0x0], $0xffff;
	(pc) =	sbr.rel @p1 .LBB2_49-.Ltmp32, $4  }
0x40c: {  	v27 =	vmov s15;
	v28 =	vshll.u32 v28, $0x9;
	v35 =	vand.u32 $0x6000, v35;
	v29 =	vld.idx.msk [tilespmem:v30+s24+$0x0], $0xffff  }
0x40d: {  	s0 =	sadd.s32 $0x3, s8;
	v39 =	vshll.u32 v27, $0x9;
	v28 =	vand.u32 $0x6000, v28;
	v27 =	vor.u32 v35, v14;
	v30 =	vld.idx.msk [tilespmem:v31+s24+$0x0], $0xffff  }
0x40e: {  	s5 =	sadd.s32 $0x2, s8;
	v35 =	vmov s0;
	v39 =	vand.u32 $0x6000, v39;
	v28 =	vor.u32 v28, v13;
	v31 =	vld.idx.msk [tilespmem:v34+s24+$0x0], $0xffff  }
0x40f: {  	s6 =	sadd.s32 $0x1, s8;
	s8 =	sadd.s32 $0x10, s8;
	v34 =	vor.u32 v39, v12;
	[tilespmem:v37+s29+$0x0] =	vst.idx.msk $0xffff, v36;
	v36 =	vmov s5;
	v37 =	vshll.u32 v35, $0x9;
	v35 =	vld.idx.msk [tilespmem:v38+s24+$0x0], $0xffff  }
0x410: {  	_ =	sdelay $0x3  }
0x411: {  	v11 =	vmov s6;
	[tilespmem:v17+s29+$0x0] =	vst.idx.msk $0xffff, v32  }
0x412: {  	v12 =	vshll.u32 v36, $0x9;
	v13 =	vand.u32 $0x6000, v37;
	v14 =	vld.idx.msk [tilespmem:v24+s24+$0x0], $0xffff;
	[tilespmem:v20+s29+$0x0] =	vst.idx.msk $0xffff, v33;
	v15 =	vor.u32 s11, v6  }
0x413: {  	v52 =	vld.idx.msk [tilespmem:v26+s24+$0x0], $0xffff;
	v11 =	vshll.u32 v11, $0x9;
	v12 =	vand.u32 $0x6000, v12;
	v10 =	vor.u32 v13, v10;
	[tilespmem:v19+s29+$0x0] =	vst.idx.msk $0xffff, v29  }
0x414: {  	v53 =	vld.idx.msk [tilespmem:v25+s24+$0x0], $0xffff;
	v54 =	vor.u32 s1, v6;
	v11 =	vand.u32 $0x6000, v11;
	v9 =	vor.u32 v12, v9;
	[tilespmem:v18+s29+$0x0] =	vst.idx.msk $0xffff, v30  }
0x415: {  	v55 =	vld.idx.msk [tilespmem:v27+s24+$0x0], $0xffff;
	v56 =	vor.u32 s12, v6;
	v8 =	vor.u32 v11, v8;
	[tilespmem:v22+s29+$0x0] =	vst.idx.msk $0xffff, v31  }
0x416: {  	v57 =	vld.idx.msk [tilespmem:v28+s24+$0x0], $0xffff;
	v58 =	vor.u32 s13, v6;
	[tilespmem:v23+s29+$0x0] =	vst.idx.msk $0xffff, v35  }
0x417: {  	v59 =	vld.idx.msk [tilespmem:v34+s24+$0x0], $0xffff;
	v60 =	vor.u32 s15, v6;
	[tilespmem:v21+s29+$0x0] =	vst.idx.msk $0xffff, v14  }
0x418: {  	v61 =	vor.u32 s0, v6;
	[tilespmem:v15+s29+$0x0] =	vst.idx.msk $0xffff, v52;
	v10 =	vld.idx.msk [tilespmem:v10+s24+$0x0], $0xffff  }
0x419: {  	v62 =	vor.u32 s5, v6;
	[tilespmem:v54+s29+$0x0] =	vst.idx.msk $0xffff, v53;
	v9 =	vld.idx.msk [tilespmem:v9+s24+$0x0], $0xffff  }
0x41a: {  	v63 =	vor.u32 s6, v6;
	[tilespmem:v56+s29+$0x0] =	vst.idx.msk $0xffff, v55;
	v8 =	vld.idx.msk [tilespmem:v8+s24+$0x0], $0xffff  }
0x41b: {  	[tilespmem:v58+s29+$0x0] =	vst.idx.msk $0xffff, v57  }
0x41c: {  	[tilespmem:v60+s29+$0x0] =	vst.idx.msk $0xffff, v59  }
0x41d: {  	[tilespmem:v61+s29+$0x0] =	vst.idx.msk $0xffff, v10  }
0x41e: {  	[tilespmem:v62+s29+$0x0] =	vst.idx.msk $0xffff, v9  }
0x41f: {  	[tilespmem:v63+s29+$0x0] =	vst.idx.msk $0xffff, v8  }
0x420: {  	[hbm4b:s4+s3] =	stream.indirect_vreg.scatter [tilespmem:s29], [sflag:$0x4], $0x80, v16, vm0, $0xb8;
	[tilespmem:$0x1F080] =	vst v63  }
0x421: {  	_ =	swait.ge [sflag:s30], $0x800  }
0x422: {  	[sflag:s30] =	ssyncset.done $0x0  }
0x423: {  	[sflag:s30] =	ssyncadd.s32 $0xFFFFF800  }
.LBB2_51:
.Ltmp33:
0x424: {  	(pc) =	sbr.rel .LBB2_52-.Ltmp33, $4  }
0x425: {  	_ = 	snop  }
0x426: {  	_ =	swait.ge [sflag:s30], $0x800  }
0x427: {  	[sflag:s30] =	ssyncset.done $0x0  }
0x428: {  	[sflag:s30] =	ssyncadd.s32 $0xFFFFF800  }
.LBB2_54:
.Ltmp34:
0x429: {  	(pc) =	sbr.rel @p0 .LBB2_69-.Ltmp34, $2  }
0x42a: {  	_ =	sdelay $0x2  }
0x42b: {  	s1 =	rddreg [dreg:$0xd]  }
0x42c: {  	s0 =	rddreg [dreg:$0xb]  }
0x42d: {  	s1 =	simm.s32 $0x7A1400;
	s5 =	simm.s32 $0x400;
	s10 =	simm.s32 $0x1  }
0x42e: {  	[tilespmem:s2], [sflag:$0x1] =	stream.strided.gather [hbm4b:s0+s5], $0x2000, s1, s5, $0x38;
	[tilespmem:$0x1F080] =	vst v63  }
0x42f: {  	_ =	swait.ge [sflag:s10], $0x2000  }
0x430: {  	[sflag:s10] =	ssyncset.done $0x0  }
0x431: {  	[sflag:s10] =	ssyncadd.s32 $0xFFFFE000  }
0x432: {  	v8 =	vld [tilespmem:$0x1BF40];
	_ =	sdelay $0x3  }
0x433: {  	s11 =	simm.s32 $0x0  }
0x434: {  	s12 =	simm.s32 $0xF;
	s13 =	simm.s32 $0xE;
	v9 =	vmov s11;
	v21 =	vor.u32 s11, v6;
	v8 =	vadd.s32 $0xFFF0BE00, v8  }
0x435: {  	s15 =	simm.s32 $0xD;
	v30 =	vor.u32 s12, v6;
	v10 =	vmov s13;
	vm1 =	vgt.s32 v8, $0x0  }
0x436: {  	s16 =	simm.s32 $0xC;
	v13 =	vor.u32 s13, v6;
	v11 =	vor.u32 s15, v6;
	v8 =	vnsel vm1, $0x0, v8  }
0x437: {  	s6 =	simm.s32 $0xA;
	v12 =	vor.u32 s16, v6;
	v9 =	vshll.u32 v9, $0x7;
	v8 =	vmin.u32 v8, $0x3F  }
0x438: {  	s31 =	simm.s32 $0x9;
	v16 =	vmov s6;
	v15 =	vor.u32 v8, v9;
	v9 =	vmov s12  }
0x439: {  	v22 =	vmov s31;
	v10 =	vshll.u32 v10, $0x7;
	v9 =	vshll.u32 v9, $0x7  }
0x43a: {  	v16 =	vshll.u32 v16, $0x7;
	v17 =	vor.u32 v8, v9;
	v9 =	vmov s15  }
0x43b: {  	s21 =	simm.s32 $0xB;
	v18 =	vor.u32 v8, v10;
	v10 =	vmov s16;
	v9 =	vshll.u32 v9, $0x7  }
0x43c: {  	s1 =	simm.s32 $0x8;
	v14 =	vshll.u32 v10, $0x7;
	v10 =	vld.idx.msk [tilespmem:v7+s18+$0x0], $0xffff;
	v19 =	vor.u32 v8, v9;
	v9 =	vmov s21  }
0x43d: {  	s0 =	simm.s32 $0x7;
	v23 =	vmov s1;
	v24 =	vor.u32 v8, v14;
	v20 =	vshll.u32 v9, $0x7;
	v9 =	vld [tilespmem:$0x1CF40]  }
0x43e: {  	s5 =	simm.s32 $0x6;
	v22 =	vshll.u32 v22, $0x7;
	v25 =	vmov s0;
	v27 =	vor.u32 v8, v16;
	v26 =	vld.idx.msk [tilespmem:v15+s2+$0x0], $0xffff  }
0x43f: {  	v28 =	vmov s5;
	v23 =	vshll.u32 v23, $0x7;
	v20 =	vor.u32 v8, v20;
	v31 =	vld.idx.msk [tilespmem:v17+s2+$0x0], $0xffff  }
0x440: {  	v25 =	vshll.u32 v25, $0x7;
	v28 =	vshll.u32 v28, $0x7;
	s10 =	simm.s32 $0x3;
	v32 =	vor.u32 v8, v22;
	v17 =	vld.idx.msk [tilespmem:v18+s2+$0x0], $0xffff  }
0x441: {  	v33 =	vmov s10;
	v22 =	vor.u32 v8, v23;
	v15 =	vor.u32 s6, v6;
	s6 =	simm.s32 $0x5;
	v18 =	vld.idx.msk [tilespmem:v19+s2+$0x0], $0xffff  }
0x442: {  	s9 =	simm.s32 $0x4;
	v16 =	vor.u32 s31, v6;
	v23 =	vor.u32 v8, v25;
	v29 =	vmov s6;
	v19 =	vld.idx.msk [tilespmem:v24+s2+$0x0], $0xffff  }
0x443: {  	v25 =	vor.u32 v8, v28;
	v29 =	vshll.u32 v29, $0x7;
	v24 =	vmov s9;
	[tilespmem:v21+s25+$0x0] =	vst.idx.msk $0xffff, v26;
	v21 =	vld.idx.msk [tilespmem:v27+s2+$0x0], $0xffff  }
0x444: {  	s11 =	simm.s32 $0x2;
	v14 =	vor.u32 s21, v6;
	v24 =	vshll.u32 v24, $0x7;
	v26 =	vor.u32 v8, v29;
	v20 =	vld.idx.msk [tilespmem:v20+s2+$0x0], $0xffff  }
0x445: {  	s8 =	simm.s32 $0x10;
	s12 =	simm.s32 $0x1;
	v28 =	vmov s11;
	v29 =	vshll.u32 v33, $0x7;
	v27 =	vor.u32 v8, v24;
	v24 =	vld.idx.msk [tilespmem:v32+s2+$0x0], $0xffff;
	[tilespmem:v30+s25+$0x0] =	vst.idx.msk $0xffff, v31  }
.LBB2_56:
0x446: {  	p1 =	slt.u32 s8, $0x30;
	v30 =	vmov s12;
	v28 =	vshll.u32 v28, $0x7;
	v29 =	vor.u32 v8, v29;
	v22 =	vld.idx.msk [tilespmem:v22+s2+$0x0], $0xffff;
	[tilespmem:v13+s25+$0x0] =	vst.idx.msk $0xffff, v17  }
0x447: {  	v13 =	vshll.u32 v30, $0x7;
	v17 =	vor.u32 v8, v28;
	v23 =	vld.idx.msk [tilespmem:v23+s2+$0x0], $0xffff;
	v28 =	vor.u32 s1, v6;
	[tilespmem:v11+s25+$0x0] =	vst.idx.msk $0xffff, v18  }
0x448: {  	v18 =	vor.u32 s0, v6;
	v11 =	vor.u32 v8, v13;
	v13 =	vld.idx.msk [tilespmem:v25+s2+$0x0], $0xffff;
	[tilespmem:v12+s25+$0x0] =	vst.idx.msk $0xffff, v19  }
0x449: {  	v12 =	vmov s8;
	v25 =	vor.u32 s5, v6;
	v19 =	vld.idx.msk [tilespmem:v26+s2+$0x0], $0xffff;
	[tilespmem:v14+s25+$0x0] =	vst.idx.msk $0xffff, v20  }
0x44a: {  	s0 =	sadd.s32 $0xF, s8;
	v12 =	vshll.u32 v12, $0x7;
	v26 =	vor.u32 s8, v6;
	v20 =	vor.u32 s6, v6;
	v14 =	vld.idx.msk [tilespmem:v27+s2+$0x0], $0xffff;
	[tilespmem:v15+s25+$0x0] =	vst.idx.msk $0xffff, v21  }
0x44b: {  	v15 =	vor.u32 v8, v12;
	v12 =	vmov s0;
	v27 =	vor.u32 s9, v6;
	v21 =	vld.idx.msk [tilespmem:v29+s2+$0x0], $0xffff;
	[tilespmem:v16+s25+$0x0] =	vst.idx.msk $0xffff, v24  }
0x44c: {  	s1 =	sadd.s32 $0xE, s8;
	v30 =	vor.u32 s0, v6;
	v12 =	vshll.u32 v12, $0x7;
	v16 =	vld.idx.msk [tilespmem:v17+s2+$0x0], $0xffff;
	v17 =	vor.u32 s10, v6;
	[tilespmem:v28+s25+$0x0] =	vst.idx.msk $0xffff, v22  }
0x44d: {  	s0 =	sadd.s32 $0xD, s8;
	v29 =	vor.u32 s11, v6;
	v22 =	vmov s1;
	v24 =	vor.u32 v8, v12;
	v28 =	vld.idx.msk [tilespmem:v11+s2+$0x0], $0xffff;
	[tilespmem:v18+s25+$0x0] =	vst.idx.msk $0xffff, v23  }
0x44e: {  	v11 =	vmov s0;
	v12 =	vshll.u32 v22, $0x7;
	v18 =	vor.u32 s12, v6;
	[tilespmem:v25+s25+$0x0] =	vst.idx.msk $0xffff, v13  }
0x44f: {  	s5 =	sadd.s32 $0xC, s8;
	v11 =	vshll.u32 v11, $0x7;
	v22 =	vor.u32 v8, v12;
	v13 =	vor.u32 s1, v6;
	[tilespmem:v20+s25+$0x0] =	vst.idx.msk $0xffff, v19  }
0x450: {  	s1 =	sadd.s32 $0xB, s8;
	v12 =	vmov s5;
	v19 =	vor.u32 v8, v11;
	v11 =	vor.u32 s0, v6;
	[tilespmem:v27+s25+$0x0] =	vst.idx.msk $0xffff, v14  }
0x451: {  	s0 =	sadd.s32 $0xA, s8;
	v20 =	vshll.u32 v12, $0x7;
	v12 =	vor.u32 s5, v6;
	v14 =	vmov s1;
	[tilespmem:v17+s25+$0x0] =	vst.idx.msk $0xffff, v21  }
0x452: {  	v20 =	vor.u32 v8, v20;
	v17 =	vmov s0;
	v14 =	vshll.u32 v14, $0x7;
	[tilespmem:v29+s25+$0x0] =	vst.idx.msk $0xffff, v16  }
0x453: {  	s5 =	sadd.s32 $0x9, s8;
	v16 =	vshll.u32 v17, $0x7;
	v21 =	vor.u32 v8, v14;
	v14 =	vor.u32 s1, v6;
	[tilespmem:v18+s25+$0x0] =	vst.idx.msk $0xffff, v28  }
0x454: {  	s1 =	sadd.s32 $0x8, s8;
	v17 =	vmov s5;
	v28 =	vor.u32 v8, v16;
	v27 =	vld.idx.msk [tilespmem:v15+s2+$0x0], $0xffff;
	v15 =	vor.u32 s0, v6  }
0x455: {  	v18 =	vmov s1;
	v17 =	vshll.u32 v17, $0x7;
	v16 =	vor.u32 s5, v6;
	s0 =	sadd.s32 $0x7, s8;
	v31 =	vld.idx.msk [tilespmem:v24+s2+$0x0], $0xffff  }
0x456: {  	s5 =	sadd.s32 $0x6, s8;
	v18 =	vshll.u32 v18, $0x7;
	v23 =	vmov s0;
	v24 =	vor.u32 v8, v17;
	v17 =	vld.idx.msk [tilespmem:v22+s2+$0x0], $0xffff  }
.Ltmp35:
0x457: {  	s6 =	sadd.s32 $0x5, s8;
	v25 =	vmov s5;
	v23 =	vshll.u32 v23, $0x7;
	v22 =	vor.u32 v8, v18;
	v18 =	vld.idx.msk [tilespmem:v19+s2+$0x0], $0xffff;
	(pc) =	sbr.rel @p1 .LBB2_56-.Ltmp35, $4  }
0x458: {  	s9 =	sadd.s32 $0x4, s8;
	v29 =	vmov s6;
	v25 =	vshll.u32 v25, $0x7;
	v23 =	vor.u32 v8, v23;
	v19 =	vld.idx.msk [tilespmem:v20+s2+$0x0], $0xffff  }
0x459: {  	v32 =	vmov s9;
	s10 =	sadd.s32 $0x3, s8;
	v29 =	vshll.u32 v29, $0x7;
	v25 =	vor.u32 v8, v25;
	v20 =	vld.idx.msk [tilespmem:v21+s2+$0x0], $0xffff  }
0x45a: {  	s11 =	sadd.s32 $0x2, s8;
	v32 =	vshll.u32 v32, $0x7;
	[tilespmem:v26+s25+$0x0] =	vst.idx.msk $0xffff, v27;
	v27 =	vmov s10;
	v26 =	vor.u32 v8, v29;
	v21 =	vld.idx.msk [tilespmem:v28+s2+$0x0], $0xffff  }
0x45b: {  	s12 =	sadd.s32 $0x1, s8;
	s8 =	sadd.s32 $0x10, s8;
	v28 =	vmov s11;
	v29 =	vshll.u32 v27, $0x7;
	v27 =	vor.u32 v8, v32;
	v24 =	vld.idx.msk [tilespmem:v24+s2+$0x0], $0xffff;
	[tilespmem:v30+s25+$0x0] =	vst.idx.msk $0xffff, v31  }
0x45c: {  	_ =	sdelay $0x3  }
0x45d: {  	(v2sf) =	vpush v10, $0x0;
	v10 =	vmov s12;
	[tilespmem:v13+s25+$0x0] =	vst.idx.msk $0xffff, v17  }
0x45e: {  	v50 =	vshll.u32 v28, $0x7;
	v51 =	vor.u32 v8, v29;
	v22 =	vld.idx.msk [tilespmem:v22+s2+$0x0], $0xffff;
	v52 =	vor.u32 s1, v6;
	[tilespmem:v11+s25+$0x0] =	vst.idx.msk $0xffff, v18  }
0x45f: {  	v53 =	vld.idx.msk [tilespmem:v23+s2+$0x0], $0xffff;
	v54 =	vor.u32 s0, v6;
	v10 =	vshll.u32 v10, $0x7;
	v11 =	vor.u32 v8, v50;
	[tilespmem:v12+s25+$0x0] =	vst.idx.msk $0xffff, v19  }
0x460: {  	v56 =	vld.idx.msk [tilespmem:v26+s2+$0x0], $0xffff;
	v57 =	vor.u32 s6, v6;
	v8 =	vor.u32 v8, v10;
	[tilespmem:v14+s25+$0x0] =	vst.idx.msk $0xffff, v20  }
0x461: {  	v58 =	vld.idx.msk [tilespmem:v27+s2+$0x0], $0xffff;
	v59 =	vor.u32 s9, v6;
	[tilespmem:v15+s25+$0x0] =	vst.idx.msk $0xffff, v21  }
0x462: {  	v55 =	vor.u32 s5, v6;
	v10 =	vld.idx.msk [tilespmem:v25+s2+$0x0], $0xffff;
	[tilespmem:v16+s25+$0x0] =	vst.idx.msk $0xffff, v24  }
0x463: {  	v61 =	vor.u32 s10, v6;
	v60 =	vld.idx.msk [tilespmem:v51+s2+$0x0], $0xffff;
	[tilespmem:v52+s25+$0x0] =	vst.idx.msk $0xffff, v22  }
0x464: {  	v62 =	vor.u32 s11, v6;
	[tilespmem:v54+s25+$0x0] =	vst.idx.msk $0xffff, v53;
	v11 =	vld.idx.msk [tilespmem:v11+s2+$0x0], $0xffff  }
0x465: {  	v63 =	vor.u32 s12, v6;
	[tilespmem:v57+s25+$0x0] =	vst.idx.msk $0xffff, v56;
	v8 =	vld.idx.msk [tilespmem:v8+s2+$0x0], $0xffff  }
0x466: {  	[tilespmem:v59+s25+$0x0] =	vst.idx.msk $0xffff, v58  }
0x467: {  	[tilespmem:v55+s25+$0x0] =	vst.idx.msk $0xffff, v10  }
0x468: {  	[tilespmem:v61+s25+$0x0] =	vst.idx.msk $0xffff, v60  }
0x469: {  	[tilespmem:v62+s25+$0x0] =	vst.idx.msk $0xffff, v11  }
0x46a: {  	s0 =	simm.s32 $0x0;
	[tilespmem:v63+s25+$0x0] =	vst.idx.msk $0xffff, v8  }
0x46b: {  	[hbm4b:s4+s0] =	stream.indirect_vreg.scatter [tilespmem:s25], [sflag:$0x4], $0x80, v9, vm0, $0xb8;
	[tilespmem:$0x1F080] =	vst v63  }
0x46c: {  	s8 =	spop (v2sf)  }
0x46d: {  	p1 =	sgt.s32 s8, $0x10  }
.Ltmp36:
0x46e: {  	_ = 	snop;
	(pc) =	sbr.rel @!p1 .LBB2_74-.Ltmp36, $1  }
0x46f: {  	v8 =	vld [tilespmem:$0x1CF50];
	_ =	sdelay $0x3  }
0x470: {  	v9 =	vld [tilespmem:$0x1BF50];
	_ =	sdelay $0x4  }
0x471: {  	v10 =	vmov s0;
	s1 =	simm.s32 $0xF;
	v20 =	vor.u32 s0, v6;
	v9 =	vadd.s32 $0xFFF0BE00, v9  }
0x472: {  	s15 =	simm.s32 $0xE;
	v10 =	vshll.u32 v10, $0x7;
	v29 =	vor.u32 s1, v6;
	vm1 =	vgt.s32 v9, $0x0  }
0x473: {  	s21 =	simm.s32 $0xB;
	s6 =	simm.s32 $0xA;
	v11 =	vmov s15;
	v12 =	vor.u32 s15, v6;
	v9 =	vnsel vm1, $0x0, v9  }
0x474: {  	v13 =	vmov s21;
	v19 =	vmov s6;
	v9 =	vmin.u32 v9, $0x3F  }
0x475: {  	s5 =	simm.s32 $0xC;
	v11 =	vshll.u32 v11, $0x7;
	v14 =	vor.u32 v9, v10;
	v10 =	vmov s1  }
0x476: {  	s31 =	simm.s32 $0x9;
	v17 =	vor.u32 v9, v11;
	v11 =	vmov s5;
	v10 =	vshll.u32 v10, $0x7  }
0x477: {  	s16 =	simm.s32 $0xD;
	v21 =	vmov s31;
	v15 =	vshll.u32 v11, $0x7;
	v16 =	vor.u32 v9, v10  }
0x478: {  	v13 =	vshll.u32 v13, $0x7;
	v10 =	vmov s16;
	v23 =	vor.u32 v9, v15  }
0x479: {  	s0 =	simm.s32 $0x7;
	v15 =	vshll.u32 v19, $0x7;
	v19 =	vor.u32 v9, v13;
	v10 =	vshll.u32 v10, $0x7  }
0x47a: {  	s11 =	simm.s32 $0x3;
	v24 =	vmov s0;
	v21 =	vshll.u32 v21, $0x7;
	v18 =	vor.u32 v9, v10  }
0x47b: {  	v32 =	vmov s11;
	v24 =	vshll.u32 v24, $0x7;
	s1 =	simm.s32 $0x8;
	v31 =	vor.u32 v9, v21;
	v25 =	vld.idx.msk [tilespmem:v14+s2+$0x0], $0xffff  }
0x47c: {  	v11 =	vor.u32 s5, v6;
	v22 =	vmov s1;
	s5 =	simm.s32 $0x6;
	v26 =	vor.u32 v9, v15;
	v30 =	vld.idx.msk [tilespmem:v16+s2+$0x0], $0xffff  }
0x47d: {  	v13 =	vor.u32 s21, v6;
	v22 =	vshll.u32 v22, $0x7;
	v27 =	vmov s5;
	v16 =	vld.idx.msk [tilespmem:v17+s2+$0x0], $0xffff  }
0x47e: {  	v21 =	vor.u32 v9, v22;
	v27 =	vshll.u32 v27, $0x7;
	v14 =	vor.u32 s6, v6;
	s6 =	simm.s32 $0x5;
	v19 =	vld.idx.msk [tilespmem:v19+s2+$0x0], $0xffff  }
0x47f: {  	s10 =	simm.s32 $0x4;
	v22 =	vor.u32 v9, v24;
	v10 =	vor.u32 s16, v6;
	v28 =	vmov s6;
	v17 =	vld.idx.msk [tilespmem:v18+s2+$0x0], $0xffff  }
0x480: {  	v24 =	vor.u32 v9, v27;
	v28 =	vshll.u32 v28, $0x7;
	v18 =	vld.idx.msk [tilespmem:v23+s2+$0x0], $0xffff;
	v23 =	vmov s10  }
0x481: {  	s12 =	simm.s32 $0x2;
	v15 =	vor.u32 s31, v6;
	[tilespmem:v20+s26+$0x0] =	vst.idx.msk $0xffff, v25;
	v23 =	vshll.u32 v23, $0x7;
	v25 =	vor.u32 v9, v28;
	v20 =	vld.idx.msk [tilespmem:v26+s2+$0x0], $0xffff  }
0x482: {  	s13 =	simm.s32 $0x1;
	s9 =	simm.s32 $0x10;
	v27 =	vmov s12;
	v28 =	vshll.u32 v32, $0x7;
	v26 =	vor.u32 v9, v23;
	v23 =	vld.idx.msk [tilespmem:v31+s2+$0x0], $0xffff;
	[tilespmem:v29+s26+$0x0] =	vst.idx.msk $0xffff, v30  }
.LBB2_59:
0x483: {  	p1 =	slt.u32 s9, $0x30;
	v29 =	vmov s13;
	v27 =	vshll.u32 v27, $0x7;
	v28 =	vor.u32 v9, v28;
	v21 =	vld.idx.msk [tilespmem:v21+s2+$0x0], $0xffff;
	[tilespmem:v12+s26+$0x0] =	vst.idx.msk $0xffff, v16  }
0x484: {  	v12 =	vshll.u32 v29, $0x7;
	v16 =	vor.u32 v9, v27;
	v22 =	vld.idx.msk [tilespmem:v22+s2+$0x0], $0xffff;
	v27 =	vor.u32 s1, v6;
	[tilespmem:v10+s26+$0x0] =	vst.idx.msk $0xffff, v17  }
0x485: {  	v17 =	vor.u32 s0, v6;
	v10 =	vor.u32 v9, v12;
	v12 =	vld.idx.msk [tilespmem:v24+s2+$0x0], $0xffff;
	[tilespmem:v11+s26+$0x0] =	vst.idx.msk $0xffff, v18  }
0x486: {  	v11 =	vmov s9;
	v24 =	vor.u32 s5, v6;
	v18 =	vld.idx.msk [tilespmem:v25+s2+$0x0], $0xffff;
	[tilespmem:v13+s26+$0x0] =	vst.idx.msk $0xffff, v19  }
0x487: {  	s0 =	sadd.s32 $0xF, s9;
	v11 =	vshll.u32 v11, $0x7;
	v25 =	vor.u32 s9, v6;
	v19 =	vor.u32 s6, v6;
	v13 =	vld.idx.msk [tilespmem:v26+s2+$0x0], $0xffff;
	[tilespmem:v14+s26+$0x0] =	vst.idx.msk $0xffff, v20  }
0x488: {  	v14 =	vor.u32 v9, v11;
	v11 =	vmov s0;
	v26 =	vor.u32 s10, v6;
	v20 =	vld.idx.msk [tilespmem:v28+s2+$0x0], $0xffff;
	[tilespmem:v15+s26+$0x0] =	vst.idx.msk $0xffff, v23  }
0x489: {  	s1 =	sadd.s32 $0xE, s9;
	v29 =	vor.u32 s0, v6;
	v11 =	vshll.u32 v11, $0x7;
	v15 =	vld.idx.msk [tilespmem:v16+s2+$0x0], $0xffff;
	v16 =	vor.u32 s11, v6;
	[tilespmem:v27+s26+$0x0] =	vst.idx.msk $0xffff, v21  }
0x48a: {  	s0 =	sadd.s32 $0xD, s9;
	v28 =	vor.u32 s12, v6;
	v21 =	vmov s1;
	v23 =	vor.u32 v9, v11;
	v27 =	vld.idx.msk [tilespmem:v10+s2+$0x0], $0xffff;
	[tilespmem:v17+s26+$0x0] =	vst.idx.msk $0xffff, v22  }
0x48b: {  	v10 =	vmov s0;
	v11 =	vshll.u32 v21, $0x7;
	v17 =	vor.u32 s13, v6;
	[tilespmem:v24+s26+$0x0] =	vst.idx.msk $0xffff, v12  }
0x48c: {  	s5 =	sadd.s32 $0xC, s9;
	v10 =	vshll.u32 v10, $0x7;
	v21 =	vor.u32 v9, v11;
	v12 =	vor.u32 s1, v6;
	[tilespmem:v19+s26+$0x0] =	vst.idx.msk $0xffff, v18  }
0x48d: {  	s1 =	sadd.s32 $0xB, s9;
	v11 =	vmov s5;
	v18 =	vor.u32 v9, v10;
	v10 =	vor.u32 s0, v6;
	[tilespmem:v26+s26+$0x0] =	vst.idx.msk $0xffff, v13  }
0x48e: {  	s0 =	sadd.s32 $0xA, s9;
	v19 =	vshll.u32 v11, $0x7;
	v11 =	vor.u32 s5, v6;
	v13 =	vmov s1;
	[tilespmem:v16+s26+$0x0] =	vst.idx.msk $0xffff, v20  }
0x48f: {  	v19 =	vor.u32 v9, v19;
	v16 =	vmov s0;
	v13 =	vshll.u32 v13, $0x7;
	[tilespmem:v28+s26+$0x0] =	vst.idx.msk $0xffff, v15  }
0x490: {  	s5 =	sadd.s32 $0x9, s9;
	v15 =	vshll.u32 v16, $0x7;
	v20 =	vor.u32 v9, v13;
	v13 =	vor.u32 s1, v6;
	[tilespmem:v17+s26+$0x0] =	vst.idx.msk $0xffff, v27  }
0x491: {  	s1 =	sadd.s32 $0x8, s9;
	v16 =	vmov s5;
	v27 =	vor.u32 v9, v15;
	v26 =	vld.idx.msk [tilespmem:v14+s2+$0x0], $0xffff;
	v14 =	vor.u32 s0, v6  }
0x492: {  	v17 =	vmov s1;
	v16 =	vshll.u32 v16, $0x7;
	v15 =	vor.u32 s5, v6;
	s0 =	sadd.s32 $0x7, s9;
	v30 =	vld.idx.msk [tilespmem:v23+s2+$0x0], $0xffff  }
0x493: {  	s5 =	sadd.s32 $0x6, s9;
	v17 =	vshll.u32 v17, $0x7;
	v22 =	vmov s0;
	v23 =	vor.u32 v9, v16;
	v16 =	vld.idx.msk [tilespmem:v21+s2+$0x0], $0xffff  }
.Ltmp37:
0x494: {  	s6 =	sadd.s32 $0x5, s9;
	v24 =	vmov s5;
	v22 =	vshll.u32 v22, $0x7;
	v21 =	vor.u32 v9, v17;
	v17 =	vld.idx.msk [tilespmem:v18+s2+$0x0], $0xffff;
	(pc) =	sbr.rel @p1 .LBB2_59-.Ltmp37, $4  }
0x495: {  	s10 =	sadd.s32 $0x4, s9;
	v28 =	vmov s6;
	v24 =	vshll.u32 v24, $0x7;
	v22 =	vor.u32 v9, v22;
	v18 =	vld.idx.msk [tilespmem:v19+s2+$0x0], $0xffff  }
0x496: {  	v31 =	vmov s10;
	s11 =	sadd.s32 $0x3, s9;
	v28 =	vshll.u32 v28, $0x7;
	v24 =	vor.u32 v9, v24;
	v19 =	vld.idx.msk [tilespmem:v20+s2+$0x0], $0xffff  }
0x497: {  	s12 =	sadd.s32 $0x2, s9;
	v31 =	vshll.u32 v31, $0x7;
	[tilespmem:v25+s26+$0x0] =	vst.idx.msk $0xffff, v26;
	v26 =	vmov s11;
	v25 =	vor.u32 v9, v28;
	v20 =	vld.idx.msk [tilespmem:v27+s2+$0x0], $0xffff  }
0x498: {  	s13 =	sadd.s32 $0x1, s9;
	s9 =	sadd.s32 $0x10, s9;
	v27 =	vmov s12;
	v28 =	vshll.u32 v26, $0x7;
	v26 =	vor.u32 v9, v31;
	v23 =	vld.idx.msk [tilespmem:v23+s2+$0x0], $0xffff;
	[tilespmem:v29+s26+$0x0] =	vst.idx.msk $0xffff, v30  }
0x499: {  	_ =	sdelay $0x3  }
0x49a: {  	v29 =	vmov s13;
	[tilespmem:v12+s26+$0x0] =	vst.idx.msk $0xffff, v16  }
0x49b: {  	v47 =	vshll.u32 v27, $0x7;
	v48 =	vor.u32 v9, v28;
	v21 =	vld.idx.msk [tilespmem:v21+s2+$0x0], $0xffff;
	v49 =	vor.u32 s1, v6;
	[tilespmem:v10+s26+$0x0] =	vst.idx.msk $0xffff, v17  }
0x49c: {  	v51 =	vld.idx.msk [tilespmem:v22+s2+$0x0], $0xffff;
	v52 =	vor.u32 s0, v6;
	v50 =	vshll.u32 v29, $0x7;
	v12 =	vor.u32 v9, v47;
	[tilespmem:v11+s26+$0x0] =	vst.idx.msk $0xffff, v18  }
0x49d: {  	v54 =	vld.idx.msk [tilespmem:v24+s2+$0x0], $0xffff;
	v55 =	vor.u32 s5, v6;
	v53 =	vor.u32 v9, v50;
	[tilespmem:v13+s26+$0x0] =	vst.idx.msk $0xffff, v19  }
0x49e: {  	v56 =	vld.idx.msk [tilespmem:v25+s2+$0x0], $0xffff;
	v57 =	vor.u32 s6, v6;
	[tilespmem:v14+s26+$0x0] =	vst.idx.msk $0xffff, v20  }
0x49f: {  	v58 =	vld.idx.msk [tilespmem:v26+s2+$0x0], $0xffff;
	v59 =	vor.u32 s10, v6;
	[tilespmem:v15+s26+$0x0] =	vst.idx.msk $0xffff, v23  }
0x4a0: {  	v61 =	vor.u32 s11, v6;
	v60 =	vld.idx.msk [tilespmem:v48+s2+$0x0], $0xffff;
	[tilespmem:v49+s26+$0x0] =	vst.idx.msk $0xffff, v21  }
0x4a1: {  	v62 =	vor.u32 s12, v6;
	[tilespmem:v52+s26+$0x0] =	vst.idx.msk $0xffff, v51;
	v12 =	vld.idx.msk [tilespmem:v12+s2+$0x0], $0xffff  }
0x4a2: {  	v63 =	vor.u32 s13, v6;
	[tilespmem:v55+s26+$0x0] =	vst.idx.msk $0xffff, v54;
	v9 =	vld.idx.msk [tilespmem:v53+s2+$0x0], $0xffff  }
0x4a3: {  	p1 =	slt.u32 s8, $0x21;
	[tilespmem:v57+s26+$0x0] =	vst.idx.msk $0xffff, v56  }
.Ltmp38:
0x4a4: {  	[tilespmem:v59+s26+$0x0] =	vst.idx.msk $0xffff, v58;
	(pc) =	sbr.rel @p1 .LBB2_68-.Ltmp38, $4  }
0x4a5: {  	[tilespmem:v61+s26+$0x0] =	vst.idx.msk $0xffff, v60  }
0x4a6: {  	[tilespmem:v62+s26+$0x0] =	vst.idx.msk $0xffff, v12  }
0x4a7: {  	[tilespmem:v63+s26+$0x0] =	vst.idx.msk $0xffff, v9  }
0x4a8: {  	[hbm4b:s4+s3] =	stream.indirect_vreg.scatter [tilespmem:s26], [sflag:$0x4], $0x80, v8, vm0, $0xb8;
	[tilespmem:$0x1F080] =	vst v63  }
0x4a9: {  	v8 =	vld [tilespmem:$0x1BF60];
	_ =	sdelay $0x3  }
0x4aa: {  	s0 =	simm.s32 $0x0  }
0x4ab: {  	s1 =	simm.s32 $0xF;
	s15 =	simm.s32 $0xE;
	v9 =	vmov s0;
	v20 =	vor.u32 s0, v6;
	v8 =	vadd.s32 $0xFFF0BE00, v8  }
0x4ac: {  	s5 =	simm.s32 $0xC;
	v29 =	vor.u32 s1, v6;
	v10 =	vmov s15;
	vm1 =	vgt.s32 v8, $0x0  }
0x4ad: {  	s6 =	simm.s32 $0xA;
	v12 =	vor.u32 s15, v6;
	v11 =	vmov s5;
	v8 =	vnsel vm1, $0x0, v8  }
0x4ae: {  	s31 =	simm.s32 $0x9;
	v15 =	vmov s6;
	v9 =	vshll.u32 v9, $0x7;
	v8 =	vmin.u32 v8, $0x3F  }
0x4af: {  	s11 =	simm.s32 $0x3;
	v21 =	vmov s31;
	v14 =	vor.u32 v8, v9;
	v9 =	vmov s1  }
0x4b0: {  	s16 =	simm.s32 $0xD;
	v32 =	vmov s11;
	v10 =	vshll.u32 v10, $0x7;
	v9 =	vshll.u32 v9, $0x7  }
0x4b1: {  	v13 =	vshll.u32 v11, $0x7;
	v16 =	vor.u32 v8, v9;
	v9 =	vmov s16  }
0x4b2: {  	s21 =	simm.s32 $0xB;
	v11 =	vor.u32 s5, v6;
	v17 =	vor.u32 v8, v10;
	v9 =	vshll.u32 v9, $0x7  }
0x4b3: {  	v15 =	vshll.u32 v15, $0x7;
	v18 =	vor.u32 v8, v9;
	v9 =	vmov s21  }
0x4b4: {  	s0 =	simm.s32 $0x7;
	v21 =	vshll.u32 v21, $0x7;
	s5 =	simm.s32 $0x6;
	v23 =	vor.u32 v8, v13;
	v19 =	vshll.u32 v9, $0x7;
	v9 =	vld [tilespmem:$0x1CF60]  }
0x4b5: {  	v24 =	vmov s0;
	v27 =	vmov s5;
	s1 =	simm.s32 $0x8;
	v26 =	vor.u32 v8, v15;
	v25 =	vld.idx.msk [tilespmem:v14+s2+$0x0], $0xffff  }
0x4b6: {  	v24 =	vshll.u32 v24, $0x7;
	v22 =	vmov s1;
	v19 =	vor.u32 v8, v19;
	v30 =	vld.idx.msk [tilespmem:v16+s2+$0x0], $0xffff  }
0x4b7: {  	v27 =	vshll.u32 v27, $0x7;
	v31 =	vor.u32 v8, v21;
	v22 =	vshll.u32 v22, $0x7;
	v16 =	vld.idx.msk [tilespmem:v17+s2+$0x0], $0xffff  }
0x4b8: {  	v10 =	vor.u32 s16, v6;
	v21 =	vor.u32 v8, v22;
	v14 =	vor.u32 s6, v6;
	s6 =	simm.s32 $0x5;
	v17 =	vld.idx.msk [tilespmem:v18+s2+$0x0], $0xffff  }
0x4b9: {  	s10 =	simm.s32 $0x4;
	v13 =	vor.u32 s21, v6;
	v22 =	vor.u32 v8, v24;
	v28 =	vmov s6;
	v18 =	vld.idx.msk [tilespmem:v23+s2+$0x0], $0xffff  }
0x4ba: {  	v24 =	vor.u32 v8, v27;
	v28 =	vshll.u32 v28, $0x7;
	v23 =	vmov s10;
	[tilespmem:v20+s28+$0x0] =	vst.idx.msk $0xffff, v25;
	v20 =	vld.idx.msk [tilespmem:v26+s2+$0x0], $0xffff  }
0x4bb: {  	s12 =	simm.s32 $0x2;
	v15 =	vor.u32 s31, v6;
	v23 =	vshll.u32 v23, $0x7;
	v25 =	vor.u32 v8, v28;
	v19 =	vld.idx.msk [tilespmem:v19+s2+$0x0], $0xffff  }
0x4bc: {  	s13 =	simm.s32 $0x1;
	s9 =	simm.s32 $0x10;
	v27 =	vmov s12;
	v28 =	vshll.u32 v32, $0x7;
	v26 =	vor.u32 v8, v23;
	v23 =	vld.idx.msk [tilespmem:v31+s2+$0x0], $0xffff;
	[tilespmem:v29+s28+$0x0] =	vst.idx.msk $0xffff, v30  }
.LBB2_62:
0x4bd: {  	p1 =	slt.u32 s9, $0x30;
	v29 =	vmov s13;
	v27 =	vshll.u32 v27, $0x7;
	v28 =	vor.u32 v8, v28;
	v21 =	vld.idx.msk [tilespmem:v21+s2+$0x0], $0xffff;
	[tilespmem:v12+s28+$0x0] =	vst.idx.msk $0xffff, v16  }
0x4be: {  	v12 =	vshll.u32 v29, $0x7;
	v16 =	vor.u32 v8, v27;
	v22 =	vld.idx.msk [tilespmem:v22+s2+$0x0], $0xffff;
	v27 =	vor.u32 s1, v6;
	[tilespmem:v10+s28+$0x0] =	vst.idx.msk $0xffff, v17  }
0x4bf: {  	v17 =	vor.u32 s0, v6;
	v10 =	vor.u32 v8, v12;
	v12 =	vld.idx.msk [tilespmem:v24+s2+$0x0], $0xffff;
	[tilespmem:v11+s28+$0x0] =	vst.idx.msk $0xffff, v18  }
0x4c0: {  	v11 =	vmov s9;
	v24 =	vor.u32 s5, v6;
	v18 =	vld.idx.msk [tilespmem:v25+s2+$0x0], $0xffff;
	[tilespmem:v13+s28+$0x0] =	vst.idx.msk $0xffff, v19  }
0x4c1: {  	s0 =	sadd.s32 $0xF, s9;
	v11 =	vshll.u32 v11, $0x7;
	v25 =	vor.u32 s9, v6;
	v19 =	vor.u32 s6, v6;
	v13 =	vld.idx.msk [tilespmem:v26+s2+$0x0], $0xffff;
	[tilespmem:v14+s28+$0x0] =	vst.idx.msk $0xffff, v20  }
0x4c2: {  	v14 =	vor.u32 v8, v11;
	v11 =	vmov s0;
	v26 =	vor.u32 s10, v6;
	v20 =	vld.idx.msk [tilespmem:v28+s2+$0x0], $0xffff;
	[tilespmem:v15+s28+$0x0] =	vst.idx.msk $0xffff, v23  }
0x4c3: {  	s1 =	sadd.s32 $0xE, s9;
	v29 =	vor.u32 s0, v6;
	v11 =	vshll.u32 v11, $0x7;
	v15 =	vld.idx.msk [tilespmem:v16+s2+$0x0], $0xffff;
	v16 =	vor.u32 s11, v6;
	[tilespmem:v27+s28+$0x0] =	vst.idx.msk $0xffff, v21  }
0x4c4: {  	s0 =	sadd.s32 $0xD, s9;
	v28 =	vor.u32 s12, v6;
	v21 =	vmov s1;
	v23 =	vor.u32 v8, v11;
	v27 =	vld.idx.msk [tilespmem:v10+s2+$0x0], $0xffff;
	[tilespmem:v17+s28+$0x0] =	vst.idx.msk $0xffff, v22  }
0x4c5: {  	v10 =	vmov s0;
	v11 =	vshll.u32 v21, $0x7;
	v17 =	vor.u32 s13, v6;
	[tilespmem:v24+s28+$0x0] =	vst.idx.msk $0xffff, v12  }
0x4c6: {  	s5 =	sadd.s32 $0xC, s9;
	v10 =	vshll.u32 v10, $0x7;
	v21 =	vor.u32 v8, v11;
	v12 =	vor.u32 s1, v6;
	[tilespmem:v19+s28+$0x0] =	vst.idx.msk $0xffff, v18  }
0x4c7: {  	s1 =	sadd.s32 $0xB, s9;
	v11 =	vmov s5;
	v18 =	vor.u32 v8, v10;
	v10 =	vor.u32 s0, v6;
	[tilespmem:v26+s28+$0x0] =	vst.idx.msk $0xffff, v13  }
0x4c8: {  	s0 =	sadd.s32 $0xA, s9;
	v19 =	vshll.u32 v11, $0x7;
	v11 =	vor.u32 s5, v6;
	v13 =	vmov s1;
	[tilespmem:v16+s28+$0x0] =	vst.idx.msk $0xffff, v20  }
0x4c9: {  	v19 =	vor.u32 v8, v19;
	v16 =	vmov s0;
	v13 =	vshll.u32 v13, $0x7;
	[tilespmem:v28+s28+$0x0] =	vst.idx.msk $0xffff, v15  }
0x4ca: {  	s5 =	sadd.s32 $0x9, s9;
	v15 =	vshll.u32 v16, $0x7;
	v20 =	vor.u32 v8, v13;
	v13 =	vor.u32 s1, v6;
	[tilespmem:v17+s28+$0x0] =	vst.idx.msk $0xffff, v27  }
0x4cb: {  	s1 =	sadd.s32 $0x8, s9;
	v16 =	vmov s5;
	v27 =	vor.u32 v8, v15;
	v26 =	vld.idx.msk [tilespmem:v14+s2+$0x0], $0xffff;
	v14 =	vor.u32 s0, v6  }
0x4cc: {  	v17 =	vmov s1;
	v16 =	vshll.u32 v16, $0x7;
	v15 =	vor.u32 s5, v6;
	s0 =	sadd.s32 $0x7, s9;
	v30 =	vld.idx.msk [tilespmem:v23+s2+$0x0], $0xffff  }
0x4cd: {  	s5 =	sadd.s32 $0x6, s9;
	v17 =	vshll.u32 v17, $0x7;
	v22 =	vmov s0;
	v23 =	vor.u32 v8, v16;
	v16 =	vld.idx.msk [tilespmem:v21+s2+$0x0], $0xffff  }
.Ltmp39:
0x4ce: {  	s6 =	sadd.s32 $0x5, s9;
	v24 =	vmov s5;
	v22 =	vshll.u32 v22, $0x7;
	v21 =	vor.u32 v8, v17;
	v17 =	vld.idx.msk [tilespmem:v18+s2+$0x0], $0xffff;
	(pc) =	sbr.rel @p1 .LBB2_62-.Ltmp39, $4  }
0x4cf: {  	s10 =	sadd.s32 $0x4, s9;
	v28 =	vmov s6;
	v24 =	vshll.u32 v24, $0x7;
	v22 =	vor.u32 v8, v22;
	v18 =	vld.idx.msk [tilespmem:v19+s2+$0x0], $0xffff  }
0x4d0: {  	v31 =	vmov s10;
	s11 =	sadd.s32 $0x3, s9;
	v28 =	vshll.u32 v28, $0x7;
	v24 =	vor.u32 v8, v24;
	v19 =	vld.idx.msk [tilespmem:v20+s2+$0x0], $0xffff  }
0x4d1: {  	s12 =	sadd.s32 $0x2, s9;
	v31 =	vshll.u32 v31, $0x7;
	[tilespmem:v25+s28+$0x0] =	vst.idx.msk $0xffff, v26;
	v26 =	vmov s11;
	v25 =	vor.u32 v8, v28;
	v20 =	vld.idx.msk [tilespmem:v27+s2+$0x0], $0xffff  }
0x4d2: {  	s13 =	sadd.s32 $0x1, s9;
	s9 =	sadd.s32 $0x10, s9;
	v27 =	vmov s12;
	v28 =	vshll.u32 v26, $0x7;
	v26 =	vor.u32 v8, v31;
	v23 =	vld.idx.msk [tilespmem:v23+s2+$0x0], $0xffff;
	[tilespmem:v29+s28+$0x0] =	vst.idx.msk $0xffff, v30  }
0x4d3: {  	_ =	sdelay $0x3  }
0x4d4: {  	v29 =	vmov s13;
	[tilespmem:v12+s28+$0x0] =	vst.idx.msk $0xffff, v16  }
0x4d5: {  	v48 =	vshll.u32 v27, $0x7;
	v49 =	vor.u32 v8, v28;
	v21 =	vld.idx.msk [tilespmem:v21+s2+$0x0], $0xffff;
	v50 =	vor.u32 s1, v6;
	[tilespmem:v10+s28+$0x0] =	vst.idx.msk $0xffff, v17  }
0x4d6: {  	v52 =	vld.idx.msk [tilespmem:v22+s2+$0x0], $0xffff;
	v53 =	vor.u32 s0, v6;
	v51 =	vshll.u32 v29, $0x7;
	v12 =	vor.u32 v8, v48;
	[tilespmem:v11+s28+$0x0] =	vst.idx.msk $0xffff, v18  }
0x4d7: {  	v54 =	vld.idx.msk [tilespmem:v24+s2+$0x0], $0xffff;
	v55 =	vor.u32 s5, v6;
	v8 =	vor.u32 v8, v51;
	[tilespmem:v13+s28+$0x0] =	vst.idx.msk $0xffff, v19  }
0x4d8: {  	v56 =	vld.idx.msk [tilespmem:v25+s2+$0x0], $0xffff;
	v57 =	vor.u32 s6, v6;
	[tilespmem:v14+s28+$0x0] =	vst.idx.msk $0xffff, v20  }
0x4d9: {  	v58 =	vld.idx.msk [tilespmem:v26+s2+$0x0], $0xffff;
	v59 =	vor.u32 s10, v6;
	[tilespmem:v15+s28+$0x0] =	vst.idx.msk $0xffff, v23  }
0x4da: {  	v61 =	vor.u32 s11, v6;
	v60 =	vld.idx.msk [tilespmem:v49+s2+$0x0], $0xffff;
	[tilespmem:v50+s28+$0x0] =	vst.idx.msk $0xffff, v21  }
0x4db: {  	v62 =	vor.u32 s12, v6;
	[tilespmem:v53+s28+$0x0] =	vst.idx.msk $0xffff, v52;
	v12 =	vld.idx.msk [tilespmem:v12+s2+$0x0], $0xffff  }
0x4dc: {  	v63 =	vor.u32 s13, v6;
	[tilespmem:v55+s28+$0x0] =	vst.idx.msk $0xffff, v54;
	v8 =	vld.idx.msk [tilespmem:v8+s2+$0x0], $0xffff  }
0x4dd: {  	p1 =	slt.u32 s8, $0x31;
	[tilespmem:v57+s28+$0x0] =	vst.idx.msk $0xffff, v56  }
.Ltmp40:
0x4de: {  	[tilespmem:v59+s28+$0x0] =	vst.idx.msk $0xffff, v58;
	(pc) =	sbr.rel @p1 .LBB2_67-.Ltmp40, $4  }
0x4df: {  	[tilespmem:v61+s28+$0x0] =	vst.idx.msk $0xffff, v60  }
0x4e0: {  	[tilespmem:v62+s28+$0x0] =	vst.idx.msk $0xffff, v12  }
0x4e1: {  	[tilespmem:v63+s28+$0x0] =	vst.idx.msk $0xffff, v8  }
0x4e2: {  	[hbm4b:s4+s3] =	stream.indirect_vreg.scatter [tilespmem:s28], [sflag:$0x4], $0x80, v9, vm0, $0xb8;
	[tilespmem:$0x1F080] =	vst v63  }
0x4e3: {  	v8 =	vld [tilespmem:$0x1BF70];
	_ =	sdelay $0x3  }
0x4e4: {  	s0 =	simm.s32 $0x0  }
0x4e5: {  	s1 =	simm.s32 $0xF;
	s15 =	simm.s32 $0xE;
	v9 =	vmov s0;
	v20 =	vor.u32 s0, v6;
	v8 =	vadd.s32 $0xFFF0BE00, v8  }
0x4e6: {  	s5 =	simm.s32 $0xC;
	v29 =	vor.u32 s1, v6;
	v10 =	vmov s15;
	vm1 =	vgt.s32 v8, $0x0  }
0x4e7: {  	s6 =	simm.s32 $0xA;
	v12 =	vor.u32 s15, v6;
	v11 =	vmov s5;
	v8 =	vnsel vm1, $0x0, v8  }
0x4e8: {  	s31 =	simm.s32 $0x9;
	v15 =	vmov s6;
	v9 =	vshll.u32 v9, $0x7;
	v8 =	vmin.u32 v8, $0x3F  }
0x4e9: {  	s10 =	simm.s32 $0x3;
	v21 =	vmov s31;
	v14 =	vor.u32 v8, v9;
	v9 =	vmov s1  }
0x4ea: {  	s16 =	simm.s32 $0xD;
	v32 =	vmov s10;
	v10 =	vshll.u32 v10, $0x7;
	v9 =	vshll.u32 v9, $0x7  }
0x4eb: {  	v13 =	vshll.u32 v11, $0x7;
	v16 =	vor.u32 v8, v9;
	v9 =	vmov s16  }
0x4ec: {  	s21 =	simm.s32 $0xB;
	v11 =	vor.u32 s5, v6;
	v17 =	vor.u32 v8, v10;
	v9 =	vshll.u32 v9, $0x7  }
0x4ed: {  	v15 =	vshll.u32 v15, $0x7;
	v18 =	vor.u32 v8, v9;
	v9 =	vmov s21  }
0x4ee: {  	s0 =	simm.s32 $0x7;
	v21 =	vshll.u32 v21, $0x7;
	s5 =	simm.s32 $0x6;
	v23 =	vor.u32 v8, v13;
	v19 =	vshll.u32 v9, $0x7;
	v9 =	vld [tilespmem:$0x1CF70]  }
0x4ef: {  	v24 =	vmov s0;
	v27 =	vmov s5;
	s1 =	simm.s32 $0x8;
	v26 =	vor.u32 v8, v15;
	v25 =	vld.idx.msk [tilespmem:v14+s2+$0x0], $0xffff  }
0x4f0: {  	v24 =	vshll.u32 v24, $0x7;
	v22 =	vmov s1;
	v19 =	vor.u32 v8, v19;
	v30 =	vld.idx.msk [tilespmem:v16+s2+$0x0], $0xffff  }
0x4f1: {  	v27 =	vshll.u32 v27, $0x7;
	v31 =	vor.u32 v8, v21;
	v22 =	vshll.u32 v22, $0x7;
	v16 =	vld.idx.msk [tilespmem:v17+s2+$0x0], $0xffff  }
0x4f2: {  	v10 =	vor.u32 s16, v6;
	v21 =	vor.u32 v8, v22;
	v14 =	vor.u32 s6, v6;
	s6 =	simm.s32 $0x5;
	v17 =	vld.idx.msk [tilespmem:v18+s2+$0x0], $0xffff  }
0x4f3: {  	s9 =	simm.s32 $0x4;
	v13 =	vor.u32 s21, v6;
	v22 =	vor.u32 v8, v24;
	v28 =	vmov s6;
	v18 =	vld.idx.msk [tilespmem:v23+s2+$0x0], $0xffff  }
0x4f4: {  	v24 =	vor.u32 v8, v27;
	v28 =	vshll.u32 v28, $0x7;
	v23 =	vmov s9;
	[tilespmem:v20+s29+$0x0] =	vst.idx.msk $0xffff, v25;
	v20 =	vld.idx.msk [tilespmem:v26+s2+$0x0], $0xffff  }
0x4f5: {  	s11 =	simm.s32 $0x2;
	v15 =	vor.u32 s31, v6;
	v23 =	vshll.u32 v23, $0x7;
	v25 =	vor.u32 v8, v28;
	v19 =	vld.idx.msk [tilespmem:v19+s2+$0x0], $0xffff  }
0x4f6: {  	s12 =	simm.s32 $0x1;
	s8 =	simm.s32 $0x10;
	v27 =	vmov s11;
	v28 =	vshll.u32 v32, $0x7;
	v26 =	vor.u32 v8, v23;
	v23 =	vld.idx.msk [tilespmem:v31+s2+$0x0], $0xffff;
	[tilespmem:v29+s29+$0x0] =	vst.idx.msk $0xffff, v30  }
.LBB2_65:
0x4f7: {  	p1 =	slt.u32 s8, $0x30;
	v29 =	vmov s12;
	v27 =	vshll.u32 v27, $0x7;
	v28 =	vor.u32 v8, v28;
	v21 =	vld.idx.msk [tilespmem:v21+s2+$0x0], $0xffff;
	[tilespmem:v12+s29+$0x0] =	vst.idx.msk $0xffff, v16  }
0x4f8: {  	v12 =	vshll.u32 v29, $0x7;
	v16 =	vor.u32 v8, v27;
	v22 =	vld.idx.msk [tilespmem:v22+s2+$0x0], $0xffff;
	v27 =	vor.u32 s1, v6;
	[tilespmem:v10+s29+$0x0] =	vst.idx.msk $0xffff, v17  }
0x4f9: {  	v17 =	vor.u32 s0, v6;
	v10 =	vor.u32 v8, v12;
	v12 =	vld.idx.msk [tilespmem:v24+s2+$0x0], $0xffff;
	[tilespmem:v11+s29+$0x0] =	vst.idx.msk $0xffff, v18  }
0x4fa: {  	v11 =	vmov s8;
	v24 =	vor.u32 s5, v6;
	v18 =	vld.idx.msk [tilespmem:v25+s2+$0x0], $0xffff;
	[tilespmem:v13+s29+$0x0] =	vst.idx.msk $0xffff, v19  }
0x4fb: {  	s0 =	sadd.s32 $0xF, s8;
	v11 =	vshll.u32 v11, $0x7;
	v25 =	vor.u32 s8, v6;
	v19 =	vor.u32 s6, v6;
	v13 =	vld.idx.msk [tilespmem:v26+s2+$0x0], $0xffff;
	[tilespmem:v14+s29+$0x0] =	vst.idx.msk $0xffff, v20  }
0x4fc: {  	v14 =	vor.u32 v8, v11;
	v11 =	vmov s0;
	v26 =	vor.u32 s9, v6;
	v20 =	vld.idx.msk [tilespmem:v28+s2+$0x0], $0xffff;
	[tilespmem:v15+s29+$0x0] =	vst.idx.msk $0xffff, v23  }
0x4fd: {  	s1 =	sadd.s32 $0xE, s8;
	v29 =	vor.u32 s0, v6;
	v11 =	vshll.u32 v11, $0x7;
	v15 =	vld.idx.msk [tilespmem:v16+s2+$0x0], $0xffff;
	v16 =	vor.u32 s10, v6;
	[tilespmem:v27+s29+$0x0] =	vst.idx.msk $0xffff, v21  }
0x4fe: {  	s0 =	sadd.s32 $0xD, s8;
	v28 =	vor.u32 s11, v6;
	v21 =	vmov s1;
	v23 =	vor.u32 v8, v11;
	v27 =	vld.idx.msk [tilespmem:v10+s2+$0x0], $0xffff;
	[tilespmem:v17+s29+$0x0] =	vst.idx.msk $0xffff, v22  }
0x4ff: {  	v10 =	vmov s0;
	v11 =	vshll.u32 v21, $0x7;
	v17 =	vor.u32 s12, v6;
	[tilespmem:v24+s29+$0x0] =	vst.idx.msk $0xffff, v12  }
0x500: {  	s5 =	sadd.s32 $0xC, s8;
	v10 =	vshll.u32 v10, $0x7;
	v21 =	vor.u32 v8, v11;
	v12 =	vor.u32 s1, v6;
	[tilespmem:v19+s29+$0x0] =	vst.idx.msk $0xffff, v18  }
0x501: {  	s1 =	sadd.s32 $0xB, s8;
	v11 =	vmov s5;
	v18 =	vor.u32 v8, v10;
	v10 =	vor.u32 s0, v6;
	[tilespmem:v26+s29+$0x0] =	vst.idx.msk $0xffff, v13  }
0x502: {  	s0 =	sadd.s32 $0xA, s8;
	v19 =	vshll.u32 v11, $0x7;
	v11 =	vor.u32 s5, v6;
	v13 =	vmov s1;
	[tilespmem:v16+s29+$0x0] =	vst.idx.msk $0xffff, v20  }
0x503: {  	v19 =	vor.u32 v8, v19;
	v16 =	vmov s0;
	v13 =	vshll.u32 v13, $0x7;
	[tilespmem:v28+s29+$0x0] =	vst.idx.msk $0xffff, v15  }
0x504: {  	s5 =	sadd.s32 $0x9, s8;
	v15 =	vshll.u32 v16, $0x7;
	v20 =	vor.u32 v8, v13;
	v13 =	vor.u32 s1, v6;
	[tilespmem:v17+s29+$0x0] =	vst.idx.msk $0xffff, v27  }
0x505: {  	s1 =	sadd.s32 $0x8, s8;
	v16 =	vmov s5;
	v27 =	vor.u32 v8, v15;
	v26 =	vld.idx.msk [tilespmem:v14+s2+$0x0], $0xffff;
	v14 =	vor.u32 s0, v6  }
0x506: {  	v17 =	vmov s1;
	v16 =	vshll.u32 v16, $0x7;
	v15 =	vor.u32 s5, v6;
	s0 =	sadd.s32 $0x7, s8;
	v30 =	vld.idx.msk [tilespmem:v23+s2+$0x0], $0xffff  }
0x507: {  	s5 =	sadd.s32 $0x6, s8;
	v17 =	vshll.u32 v17, $0x7;
	v22 =	vmov s0;
	v23 =	vor.u32 v8, v16;
	v16 =	vld.idx.msk [tilespmem:v21+s2+$0x0], $0xffff  }
.Ltmp41:
0x508: {  	s6 =	sadd.s32 $0x5, s8;
	v24 =	vmov s5;
	v22 =	vshll.u32 v22, $0x7;
	v21 =	vor.u32 v8, v17;
	v17 =	vld.idx.msk [tilespmem:v18+s2+$0x0], $0xffff;
	(pc) =	sbr.rel @p1 .LBB2_65-.Ltmp41, $4  }
0x509: {  	s9 =	sadd.s32 $0x4, s8;
	v28 =	vmov s6;
	v24 =	vshll.u32 v24, $0x7;
	v22 =	vor.u32 v8, v22;
	v18 =	vld.idx.msk [tilespmem:v19+s2+$0x0], $0xffff  }
0x50a: {  	v31 =	vmov s9;
	s10 =	sadd.s32 $0x3, s8;
	v28 =	vshll.u32 v28, $0x7;
	v24 =	vor.u32 v8, v24;
	v19 =	vld.idx.msk [tilespmem:v20+s2+$0x0], $0xffff  }
0x50b: {  	s11 =	sadd.s32 $0x2, s8;
	v31 =	vshll.u32 v31, $0x7;
	[tilespmem:v25+s29+$0x0] =	vst.idx.msk $0xffff, v26;
	v26 =	vmov s10;
	v25 =	vor.u32 v8, v28;
	v20 =	vld.idx.msk [tilespmem:v27+s2+$0x0], $0xffff  }
0x50c: {  	s12 =	sadd.s32 $0x1, s8;
	s8 =	sadd.s32 $0x10, s8;
	v27 =	vmov s11;
	v28 =	vshll.u32 v26, $0x7;
	v26 =	vor.u32 v8, v31;
	v23 =	vld.idx.msk [tilespmem:v23+s2+$0x0], $0xffff;
	[tilespmem:v29+s29+$0x0] =	vst.idx.msk $0xffff, v30  }
0x50d: {  	_ =	sdelay $0x3  }
0x50e: {  	v29 =	vmov s12;
	[tilespmem:v12+s29+$0x0] =	vst.idx.msk $0xffff, v16  }
0x50f: {  	v48 =	vshll.u32 v27, $0x7;
	v49 =	vor.u32 v8, v28;
	v21 =	vld.idx.msk [tilespmem:v21+s2+$0x0], $0xffff;
	v50 =	vor.u32 s1, v6;
	[tilespmem:v10+s29+$0x0] =	vst.idx.msk $0xffff, v17  }
0x510: {  	v52 =	vld.idx.msk [tilespmem:v22+s2+$0x0], $0xffff;
	v53 =	vor.u32 s0, v6;
	v51 =	vshll.u32 v29, $0x7;
	v12 =	vor.u32 v8, v48;
	[tilespmem:v11+s29+$0x0] =	vst.idx.msk $0xffff, v18  }
0x511: {  	v54 =	vld.idx.msk [tilespmem:v24+s2+$0x0], $0xffff;
	v55 =	vor.u32 s5, v6;
	v8 =	vor.u32 v8, v51;
	[tilespmem:v13+s29+$0x0] =	vst.idx.msk $0xffff, v19  }
0x512: {  	v56 =	vld.idx.msk [tilespmem:v25+s2+$0x0], $0xffff;
	v57 =	vor.u32 s6, v6;
	[tilespmem:v14+s29+$0x0] =	vst.idx.msk $0xffff, v20  }
0x513: {  	v58 =	vld.idx.msk [tilespmem:v26+s2+$0x0], $0xffff;
	v59 =	vor.u32 s9, v6;
	[tilespmem:v15+s29+$0x0] =	vst.idx.msk $0xffff, v23  }
0x514: {  	v61 =	vor.u32 s10, v6;
	v60 =	vld.idx.msk [tilespmem:v49+s2+$0x0], $0xffff;
	[tilespmem:v50+s29+$0x0] =	vst.idx.msk $0xffff, v21  }
0x515: {  	v62 =	vor.u32 s11, v6;
	[tilespmem:v53+s29+$0x0] =	vst.idx.msk $0xffff, v52;
	v12 =	vld.idx.msk [tilespmem:v12+s2+$0x0], $0xffff  }
0x516: {  	v63 =	vor.u32 s12, v6;
	[tilespmem:v55+s29+$0x0] =	vst.idx.msk $0xffff, v54;
	v8 =	vld.idx.msk [tilespmem:v8+s2+$0x0], $0xffff  }
0x517: {  	[tilespmem:v57+s29+$0x0] =	vst.idx.msk $0xffff, v56  }
0x518: {  	[tilespmem:v59+s29+$0x0] =	vst.idx.msk $0xffff, v58  }
0x519: {  	[tilespmem:v61+s29+$0x0] =	vst.idx.msk $0xffff, v60  }
0x51a: {  	[tilespmem:v62+s29+$0x0] =	vst.idx.msk $0xffff, v12  }
0x51b: {  	[tilespmem:v63+s29+$0x0] =	vst.idx.msk $0xffff, v8  }
0x51c: {  	[hbm4b:s4+s3] =	stream.indirect_vreg.scatter [tilespmem:s29], [sflag:$0x4], $0x80, v9, vm0, $0xb8;
	[tilespmem:$0x1F080] =	vst v63  }
0x51d: {  	_ =	swait.ge [sflag:s30], $0x800  }
0x51e: {  	[sflag:s30] =	ssyncset.done $0x0  }
0x51f: {  	[sflag:s30] =	ssyncadd.s32 $0xFFFFF800  }
.LBB2_67:
.Ltmp42:
0x520: {  	(pc) =	sbr.rel .LBB2_68-.Ltmp42, $4  }
0x521: {  	_ = 	snop  }
0x522: {  	_ =	swait.ge [sflag:s30], $0x800  }
0x523: {  	[sflag:s30] =	ssyncset.done $0x0  }
0x524: {  	[sflag:s30] =	ssyncadd.s32 $0xFFFFF800  }
.LBB2_70:
0x525: {  	_ =	sfence.sel $0x180000  }
0x526: {  	[bflag:$0x0] =	sbarrier.arrive $0xFFFF  }
0x527: {  	_ =	strace $0x90000047  }
0x528: {  	s0 =	stileid.u32;
	[bflag:$0x2] =	sbarrier.arrive $0xFFFF  }
0x529: {  	p0 =	sne.s32 s0, $0x0;
	s0 =	rddreg [dreg:$0x3]  }
0x52a: {  	s0 =	sadd.s32 @!p0 $0x100000, s0  }
0x52b: {  	[sflag:s0] =	ssyncadd.tile.s32 @!p0 $0x1;
	_ =	shalt  }
.Lfunc_end2:
_tile_overlayer_lowered:
.L_overlay_start_2:
0x52c: {  	(tag) =	ssettag $0x2  }
0x52d: {  	s0 =	rddreg [dreg:$0x0];
	s2 =	stileid.u32  }
0x52e: {  	s1 =	rddreg [dreg:$0x1];
	p0 =	sne.s32 s2, $0x0  }
0x52f: {  	s3 =	rddreg [dreg:$0x2];
	[bflag:$0x3] =	sbarrier.arrive $0xFFFF;
	s2 =	simm.s32 @!p0 $0x1C05  }
0x530: {  	[timem:s3], [sflag:s2] =	dma.local @!p0 [hbm:s0], s1  }
0x531: {  	s0 =	simm.s32 @!p0 $0x5  }
0x532: {  	_ =	swait.ge @!p0 [sflag:s0], s1  }
0x533: {  	s1 =	ssub.s32 @!p0 $0x0, s1;
	[sflag:s0] =	ssyncset.done @!p0 $0x0  }
0x534: {  	[sflag:s0] =	ssyncadd.s32 @!p0 s1  }
0x535: {  	[bflag:$0x3] =	sbarrier.arrive $0xFFFF  }
0x536: {  	_ =	shalt  }

</sc_bundles>
